<compile_context>
chip_gen: v7x
topology: tpu7x:2x2x1
jax: 0.10.2.dev20260603
libtpu: 0.0.44.dev20260713+nightly
codegen_flags: <defaults>
</compile_context>

<pallas_src>
import jax
import jax.numpy as jnp
from jax import lax
from jax.experimental import pallas as pl
from jax.experimental.pallas import tpu as pltpu
from jax.experimental.pallas import tpu_sc as plsc

N = 10000
E = 320000
F = 128
H = 128
O = 64

NC = 2
NS = 16
NW = NC * NS
EPT = E // NW
K = 80
CHUNKS = EPT // K
NPAD = 10240
RPT = 632
NR = NS * RPT
DPT = NPAD // NS

_mesh = plsc.VectorSubcoreMesh(core_axis_name="c", subcore_axis_name="s")
_sc_params = pltpu.CompilerParams(use_tc_tiling_on_sc=False)


DEG_U = 5


def _deg_body(src2_hbm, dst2_hbm, out_hbm,
              srcall, dstall, ones_v, zv, dsrc_sh, ddst_sh, sem):
    c = lax.axis_index("c")
    s = lax.axis_index("s")
    wid = s * NC + c
    pltpu.async_copy(src2_hbm.at[wid], srcall, sem)
    pltpu.async_copy(dst2_hbm.at[wid], dstall, sem)
    for i in range(K // 16):
        ones_v[pl.ds(i * 16, 16)] = jnp.ones((16,), jnp.float32)

    def zfill(i, carry):
        zv[pl.ds(i * 16, 16)] = jnp.zeros((16,), jnp.float32)
        return carry

    lax.fori_loop(0, DPT // 16, zfill, 0)
    pltpu.sync_copy(zv, dsrc_sh.at[pl.ds(s * DPT, DPT)])
    pltpu.sync_copy(zv, ddst_sh.at[pl.ds(s * DPT, DPT)])
    pltpu.make_async_copy(src2_hbm.at[wid], srcall, sem).wait()
    pltpu.make_async_copy(dst2_hbm.at[wid], dstall, sem).wait()
    plsc.subcore_barrier()

    def body(t, carry):
        for u in range(DEG_U):
            j = t * DEG_U + u
            pltpu.async_copy(ones_v, dsrc_sh.at[srcall.at[j]], sem, add=True)
            pltpu.async_copy(ones_v, ddst_sh.at[dstall.at[j]], sem, add=True)
        for u in range(DEG_U):
            pltpu.make_async_copy(ones_v, dsrc_sh.at[srcall.at[0]], sem).wait()
            pltpu.make_async_copy(ones_v, ddst_sh.at[dstall.at[0]], sem).wait()
        return carry

    lax.fori_loop(0, CHUNKS // DEG_U, body, 0)
    plsc.subcore_barrier()
    pltpu.sync_copy(dsrc_sh.at[pl.ds(s * DPT, DPT)], out_hbm.at[c, 0, pl.ds(s * DPT, DPT)])
    pltpu.sync_copy(ddst_sh.at[pl.ds(s * DPT, DPT)], out_hbm.at[c, 1, pl.ds(s * DPT, DPT)])


_deg = pl.kernel(
    _deg_body,
    out_type=jax.ShapeDtypeStruct((NC, 2, NPAD), jnp.float32),
    mesh=_mesh,
    scratch_types=[
        pltpu.VMEM((CHUNKS, K), jnp.int32),
        pltpu.VMEM((CHUNKS, K), jnp.int32),
        pltpu.VMEM((K,), jnp.float32),
        pltpu.VMEM((DPT,), jnp.float32),
        pltpu.VMEM_SHARED((NPAD,), jnp.float32),
        pltpu.VMEM_SHARED((NPAD,), jnp.float32),
        pltpu.SemaphoreType.DMA,
    ],
    compiler_params=_sc_params,
)


NBUF = 5


def _make_agg_ring(C):
    ZR = RPT // 8

    def body(h_hbm, src2_hbm, dst2_hbm, out_hbm, srcall, dstall,
             r0, r1, r2, r3, r4, g0, g1, g2, g3, g4,
             s0, s1, s2, s3, s4, isem, acc_sh):
        rows = [r0, r1, r2, r3, r4]
        gsems = [g0, g1, g2, g3, g4]
        ssems = [s0, s1, s2, s3, s4]
        c = lax.axis_index("c")
        s = lax.axis_index("s")
        wid = s * NC + c
        pltpu.async_copy(src2_hbm.at[wid], srcall, isem)
        pltpu.async_copy(dst2_hbm.at[wid], dstall, isem)

        def zfill(i, carry):
            r = i // (C // 16)
            k = i % (C // 16)
            r0[r, pl.ds(k * 16, 16)] = jnp.zeros((16,), jnp.float32)
            return carry

        lax.fori_loop(0, K * C // 16, zfill, 0)
        for t in range(8):
            pltpu.sync_copy(r0.at[pl.ds(0, ZR)],
                            acc_sh.at[pl.ds(s * RPT + t * ZR, ZR)])
        pltpu.make_async_copy(src2_hbm.at[wid], srcall, isem).wait()
        pltpu.make_async_copy(dst2_hbm.at[wid], dstall, isem).wait()
        plsc.subcore_barrier()
        for u in range(NBUF):
            pltpu.async_copy(h_hbm.at[srcall.at[u]], rows[u], gsems[u])

        def ring(t, carry):
            for u in range(NBUF):
                j = t * NBUF + u
                pltpu.make_async_copy(h_hbm.at[srcall.at[j]], rows[u], gsems[u]).wait()
                pltpu.async_copy(rows[u], acc_sh.at[dstall.at[j]], ssems[u], add=True)

                @pl.when(j + NBUF < CHUNKS)
                def _():
                    pltpu.make_async_copy(rows[u], acc_sh.at[dstall.at[0]], ssems[u]).wait()
                    pltpu.async_copy(h_hbm.at[srcall.at[j + NBUF]], rows[u], gsems[u])

            return carry

        lax.fori_loop(0, CHUNKS // NBUF, ring, 0)
        for u in range(NBUF):
            pltpu.make_async_copy(rows[u], acc_sh.at[dstall.at[0]], ssems[u]).wait()
        plsc.subcore_barrier()
        pltpu.sync_copy(acc_sh.at[pl.ds(s * RPT, RPT)], out_hbm.at[c, pl.ds(s * RPT, RPT)])

    return pl.kernel(
        body,
        out_type=jax.ShapeDtypeStruct((NC, NR, C), jnp.float32),
        mesh=_mesh,
        scratch_types=(
            [pltpu.VMEM((CHUNKS, K), jnp.int32)] * 2
            + [pltpu.VMEM((K, C), jnp.float32)] * NBUF
            + [pltpu.SemaphoreType.DMA] * (2 * NBUF + 1)
            + [pltpu.VMEM_SHARED((NR, C), jnp.float32)]
        ),
        compiler_params=_sc_params,
    )


NB_H = 3
RPT_H = N // NS


def _make_agg_ring_h(C):
    RING_T = (CHUNKS - 2) // NB_H

    def body(h_hbm, src2_hbm, dst2_hbm, out_hbm, srcall, dstall,
             r0, r1, r2, g0, g1, g2, s0, s1, s2, isem, acc_sh):
        rows = [r0, r1, r2]
        gsems = [g0, g1, g2]
        ssems = [s0, s1, s2]
        c = lax.axis_index("c")
        s = lax.axis_index("s")
        wid = s * NC + c
        pltpu.async_copy(src2_hbm.at[wid], srcall, isem)
        pltpu.async_copy(dst2_hbm.at[wid], dstall, isem)

        def zfill(i, carry):
            r = i // (C // 16)
            k = i % (C // 16)
            r0[r, pl.ds(k * 16, 16)] = jnp.zeros((16,), jnp.float32)
            return carry

        lax.fori_loop(0, K * C // 16, zfill, 0)
        for t in range(25):
            pltpu.sync_copy(r0.at[pl.ds(0, 25)],
                            acc_sh.at[pl.ds(s * RPT_H + t * 25, 25)])
        pltpu.make_async_copy(src2_hbm.at[wid], srcall, isem).wait()
        pltpu.make_async_copy(dst2_hbm.at[wid], dstall, isem).wait()
        plsc.subcore_barrier()
        for u in range(NB_H):
            pltpu.async_copy(h_hbm.at[srcall.at[u]], rows[u], gsems[u])

        def ring(t, carry):
            for u in range(NB_H):
                j = t * NB_H + u
                pltpu.make_async_copy(h_hbm.at[srcall.at[j]], rows[u], gsems[u]).wait()
                pltpu.async_copy(rows[u], acc_sh.at[dstall.at[j]], ssems[u], add=True)

                @pl.when(j + NB_H < CHUNKS)
                def _():
                    pltpu.make_async_copy(rows[u], acc_sh.at[dstall.at[0]], ssems[u]).wait()
                    pltpu.async_copy(h_hbm.at[srcall.at[j + NB_H]], rows[u], gsems[u])

            return carry

        lax.fori_loop(0, RING_T, ring, 0)
        for j, u in ((CHUNKS - 2, 0), (CHUNKS - 1, 1)):
            pltpu.make_async_copy(h_hbm.at[srcall.at[j]], rows[u], gsems[u]).wait()
            pltpu.async_copy(rows[u], acc_sh.at[dstall.at[j]], ssems[u], add=True)
        for u in range(NB_H):
            pltpu.make_async_copy(rows[u], acc_sh.at[dstall.at[0]], ssems[u]).wait()
        plsc.subcore_barrier()
        pltpu.sync_copy(acc_sh.at[pl.ds(s * RPT_H, RPT_H)],
                        out_hbm.at[c, pl.ds(s * RPT_H, RPT_H)])

    return pl.kernel(
        body,
        out_type=jax.ShapeDtypeStruct((NC, N, C), jnp.float32),
        mesh=_mesh,
        scratch_types=(
            [pltpu.VMEM((CHUNKS, K), jnp.int32)] * 2
            + [pltpu.VMEM((K, C), jnp.float32)] * NB_H
            + [pltpu.SemaphoreType.DMA] * (2 * NB_H + 1)
            + [pltpu.VMEM_SHARED((N, C), jnp.float32)]
        ),
        compiler_params=_sc_params,
    )


_agg_h = _make_agg_ring_h(H)
_agg_o = _make_agg_ring(O)

BN = 1000


def _tcb_body(x_ref, w_ref, degp_ref, h1_ref, ns_ref, nd_ref):
    degs = degp_ref[0, 0] + degp_ref[1, 0]
    degd = degp_ref[0, 1] + degp_ref[1, 1]
    ns = lax.rsqrt(jnp.maximum(degs, 1.0))
    nd = lax.rsqrt(jnp.maximum(degd, 1.0))
    ns_ref[...] = ns
    nd_ref[...] = nd
    h1_ref[...] = jnp.dot(x_ref[...], w_ref[...],
                          preferred_element_type=jnp.float32) * ns


_tcb = pl.pallas_call(
    _tcb_body,
    grid=(N // BN,),
    in_specs=[
        pl.BlockSpec((BN, F), lambda i: (i, 0)),
        pl.BlockSpec((F, H), lambda i: (0, 0)),
        pl.BlockSpec((NC, 2, BN, 1), lambda i: (0, 0, i, 0)),
    ],
    out_specs=[
        pl.BlockSpec((BN, H), lambda i: (i, 0)),
        pl.BlockSpec((BN, 1), lambda i: (i, 0)),
        pl.BlockSpec((BN, 1), lambda i: (i, 0)),
    ],
    out_shape=[
        jax.ShapeDtypeStruct((N, H), jnp.float32),
        jax.ShapeDtypeStruct((N, 1), jnp.float32),
        jax.ShapeDtypeStruct((N, 1), jnp.float32),
    ],
)


def _tc2_body(aggp_ref, nd_ref, b1_ref, w2_ref, ns_ref, h2_ref):
    h = (aggp_ref[0] + aggp_ref[1]) * nd_ref[...] + b1_ref[...]
    h = jnp.maximum(h, 0.0)
    h2_ref[...] = jnp.dot(h, w2_ref[...],
                          preferred_element_type=jnp.float32) * ns_ref[...]


_tc2 = pl.pallas_call(
    _tc2_body,
    grid=(N // BN,),
    in_specs=[
        pl.BlockSpec((NC, BN, H), lambda i: (0, i, 0)),
        pl.BlockSpec((BN, 1), lambda i: (i, 0)),
        pl.BlockSpec((1, H), lambda i: (0, 0)),
        pl.BlockSpec((H, O), lambda i: (0, 0)),
        pl.BlockSpec((BN, 1), lambda i: (i, 0)),
    ],
    out_specs=pl.BlockSpec((BN, O), lambda i: (i, 0)),
    out_shape=jax.ShapeDtypeStruct((N, O), jnp.float32),
)


def _tc3_body(aggp_ref, nd_ref, b2_ref, o_ref):
    o_ref[...] = jnp.maximum(
        (aggp_ref[0] + aggp_ref[1]) * nd_ref[...] + b2_ref[...], 0.0)


_tc3 = pl.pallas_call(
    _tc3_body,
    grid=(N // BN,),
    in_specs=[
        pl.BlockSpec((NC, BN, O), lambda i: (0, i, 0)),
        pl.BlockSpec((BN, 1), lambda i: (i, 0)),
        pl.BlockSpec((1, O), lambda i: (0, 0)),
    ],
    out_specs=pl.BlockSpec((BN, O), lambda i: (i, 0)),
    out_shape=jax.ShapeDtypeStruct((N, O), jnp.float32),
)


def kernel(graph, node_input, W1, b1, W2, b2):
    src2 = graph[0].reshape(NW, CHUNKS, K)
    dst2 = graph[1].reshape(NW, CHUNKS, K)

    degp = _deg(src2, dst2)
    degp4 = degp.reshape(NC, 2, NPAD, 1)
    h1, ns, nd = _tcb(node_input, W1, degp4)
    aggp1 = _agg_h(h1, src2, dst2)
    h2 = _tc2(aggp1, nd, b1.reshape(1, H), W2, ns)
    aggp2 = _agg_o(h2, src2, dst2)
    return _tc3(aggp2, nd, b2.reshape(1, O))

# --- scband reference (transcript-rebuilt; emitter-appended) ---
"""Pipeline reference for scband-net-47244640256454 (READ-ONLY COPY).

The authoritative reference and input builder live on the scoring server;
editing this copy changes nothing except your own understanding.
"""

import jax, jax.numpy as jnp
import numpy as np

N = 10000
E = 320000
F = 128
H = 128
O = 64


def setup_inputs(seed: int = 0) -> dict:
    key = jax.random.key(seed)
    k1, k2, k3, k4, k5, k6 = jax.random.split(key, 6)
    node_input = jax.random.normal(k1, (N, F), dtype=jnp.float32)
    graph = jax.random.randint(k2, (2, E), 0, N, dtype=jnp.int32)
    # GraphConv parameters (glorot-ish init)
    W1 = jax.random.normal(k3, (F, H), dtype=jnp.float32) * (1.0 / np.sqrt(F))
    b1 = jnp.zeros((H,), dtype=jnp.float32)
    W2 = jax.random.normal(k4, (H, O), dtype=jnp.float32) * (1.0 / np.sqrt(H))
    b2 = jnp.zeros((O,), dtype=jnp.float32)
    return {"graph": graph, "node_input": node_input, "W1": W1, "b1": b1, "W2": W2, "b2": b2}


def _graph_conv(x, src, dst, norm_src, norm_dst, W, b):
    # DGL GraphConv with norm='both':
    # h = x * D_out^{-1/2}; h = h @ W; agg = scatter_add over edges; agg *= D_in^{-1/2}; + bias
    h = x * norm_src[:, None]
    h = h @ W
    msgs = jnp.take(h, src, axis=0)                       # gather from source nodes
    agg = jnp.zeros((x.shape[0], W.shape[1]), dtype=x.dtype).at[dst].add(msgs)  # scatter-add to dst
    agg = agg * norm_dst[:, None]
    return agg + b


def reference(graph, node_input, W1, b1, W2, b2):
    src = graph[0]
    dst = graph[1]
    n = node_input.shape[0]
    ones = jnp.ones((graph.shape[1],), dtype=node_input.dtype)
    deg_out = jax.ops.segment_sum(ones, src, num_segments=n)
    deg_in = jax.ops.segment_sum(ones, dst, num_segments=n)
    norm_src = jnp.clip(deg_out, 1.0, None) ** -0.5
    norm_dst = jnp.clip(deg_in, 1.0, None) ** -0.5
    h = _graph_conv(node_input, src, dst, norm_src, norm_dst, W1, b1)
    h = jax.nn.relu(h)
    h = _graph_conv(h, src, dst, norm_src, norm_dst, W2, b2)
    h = jax.nn.relu(h)
    return h

if __name__ == "__main__":
    import jax
    _d = setup_inputs()
    print(jax.jit(kernel)(*tuple(_d.values())))

</pallas_src>

<mosaic_0001>
#map = affine_map<(d0, d1) -> (0, 0)>
#map1 = affine_map<(d0, d1) -> (0, 0, 0)>
module attributes {stable_mosaic.version = 14 : i64} {
  func.func @body(%arg0: i32, %arg1: i32, %arg2: memref<10000x64xf32, #tpu.memory_space<hbm>>, %arg3: memref<32x125x80xi32, #tpu.memory_space<hbm>>, %arg4: memref<32x125x80xi32, #tpu.memory_space<hbm>>, %arg5: memref<2x10112x64xf32, #tpu.memory_space<hbm>>, %arg6: memref<125x80xi32, #tpu.memory_space<vmem>>, %arg7: memref<125x80xi32, #tpu.memory_space<vmem>>, %arg8: memref<80x64xf32, #tpu.memory_space<vmem>>, %arg9: memref<80x64xf32, #tpu.memory_space<vmem>>, %arg10: memref<80x64xf32, #tpu.memory_space<vmem>>, %arg11: memref<80x64xf32, #tpu.memory_space<vmem>>, %arg12: memref<80x64xf32, #tpu.memory_space<vmem>>, %arg13: memref<!tpu.dma_semaphore, #tpu.memory_space<semaphore_mem>>, %arg14: memref<!tpu.dma_semaphore, #tpu.memory_space<semaphore_mem>>, %arg15: memref<!tpu.dma_semaphore, #tpu.memory_space<semaphore_mem>>, %arg16: memref<!tpu.dma_semaphore, #tpu.memory_space<semaphore_mem>>, %arg17: memref<!tpu.dma_semaphore, #tpu.memory_space<semaphore_mem>>, %arg18: memref<!tpu.dma_semaphore, #tpu.memory_space<semaphore_mem>>, %arg19: memref<!tpu.dma_semaphore, #tpu.memory_space<semaphore_mem>>, %arg20: memref<!tpu.dma_semaphore, #tpu.memory_space<semaphore_mem>>, %arg21: memref<!tpu.dma_semaphore, #tpu.memory_space<semaphore_mem>>, %arg22: memref<!tpu.dma_semaphore, #tpu.memory_space<semaphore_mem>>, %arg23: memref<!tpu.dma_semaphore, #tpu.memory_space<semaphore_mem>>, %arg24: memref<10112x64xf32, #tpu.memory_space<vmem_shared>>) attributes {dimension_semantics = [#tpu.dimension_semantics<core_parallel>, #tpu.dimension_semantics<subcore_parallel>], iteration_bounds = array<i64: 2, 16>, scalar_prefetch = 0 : i64, scratch_operands = 19 : i64, tpu.core_type = #tpu.core_type<sc_vector_subcore>, window_params = [{transform_indices = #map}, {transform_indices = #map1}, {transform_indices = #map1}, {transform_indices = #map1}]} {
    %mul3A = arith.constant 2 : i32
    %mul3A_0 = arith.muli %arg1, %mul3A : i32
    %add3A = arith.addi %mul3A_0, %arg0 : i32
    %dma_start3A = arith.constant 0 : i32
    %dma_start3A_1 = arith.constant 0 : i32
    %dma_start3A_2 = tpu.memref_slice %arg3[%add3A, %dma_start3A, %dma_start3A_1] : memref<32x125x80xi32, #tpu.memory_space<hbm>> -> memref<1x125x80xi32, #tpu.memory_space<hbm>>
    %dma_start3A_3 = tpu.memref_squeeze %dma_start3A_2 : memref<1x125x80xi32, #tpu.memory_space<hbm>> -> memref<125x80xi32, #tpu.memory_space<hbm>>
    %dma_start3A_4 = arith.constant 0 : i32
    %dma_start3A_5 = arith.constant 0 : i32
    %dma_start3A_6 = tpu.memref_slice %arg3[%add3A, %dma_start3A_4, %dma_start3A_5] : memref<32x125x80xi32, #tpu.memory_space<hbm>> -> memref<1x125x80xi32, #tpu.memory_space<hbm>>
    %dma_start3A_7 = tpu.memref_squeeze %dma_start3A_6 : memref<1x125x80xi32, #tpu.memory_space<hbm>> -> memref<125x80xi32, #tpu.memory_space<hbm>>
    tpu.enqueue_dma source(%dma_start3A_7 : memref<125x80xi32, #tpu.memory_space<hbm>>) target(%arg6 : memref<125x80xi32, #tpu.memory_space<vmem>>) target_semaphore(%arg23 : memref<!tpu.dma_semaphore, #tpu.memory_space<semaphore_mem>>)
    %dma_start3A_8 = arith.constant 0 : i32
    %dma_start3A_9 = arith.constant 0 : i32
    %dma_start3A_10 = tpu.memref_slice %arg4[%add3A, %dma_start3A_8, %dma_start3A_9] : memref<32x125x80xi32, #tpu.memory_space<hbm>> -> memref<1x125x80xi32, #tpu.memory_space<hbm>>
    %dma_start3A_11 = tpu.memref_squeeze %dma_start3A_10 : memref<1x125x80xi32, #tpu.memory_space<hbm>> -> memref<125x80xi32, #tpu.memory_space<hbm>>
    %dma_start3A_12 = arith.constant 0 : i32
    %dma_start3A_13 = arith.constant 0 : i32
    %dma_start3A_14 = tpu.memref_slice %arg4[%add3A, %dma_start3A_12, %dma_start3A_13] : memref<32x125x80xi32, #tpu.memory_space<hbm>> -> memref<1x125x80xi32, #tpu.memory_space<hbm>>
    %dma_start3A_15 = tpu.memref_squeeze %dma_start3A_14 : memref<1x125x80xi32, #tpu.memory_space<hbm>> -> memref<125x80xi32, #tpu.memory_space<hbm>>
    tpu.enqueue_dma source(%dma_start3A_15 : memref<125x80xi32, #tpu.memory_space<hbm>>) target(%arg7 : memref<125x80xi32, #tpu.memory_space<vmem>>) target_semaphore(%arg23 : memref<!tpu.dma_semaphore, #tpu.memory_space<semaphore_mem>>)
    %scan3A = arith.constant 0 : i32
    %scan3A_16 = arith.constant 0 : i32
    %scan3A_17 = arith.constant 320 : i32
    %scan3A_18 = arith.addi %scan3A_16, %scan3A_17 : i32
    %scan3A_19 = arith.constant 1 : i32
    scf.for %scan3A_149 = %scan3A_16 to %scan3A_18 step %scan3A_19  : i32 {
      %jit3A = arith.constant 4 : i32
      %div3A = arith.divsi %scan3A_149, %jit3A : i32
      %sign3A = arith.constant 0 : i32
      %sign3A_150 = arith.cmpi sgt, %scan3A_149, %sign3A : i32
      %sign3A_151 = arith.extui %sign3A_150 : i1 to i32
      %sign3A_152 = arith.constant 0 : i32
      %sign3A_153 = arith.cmpi slt, %scan3A_149, %sign3A_152 : i32
      %sign3A_154 = arith.extui %sign3A_153 : i1 to i32
      %sign3A_155 = arith.subi %sign3A_151, %sign3A_154 : i32
      %sign3A_156 = arith.constant 0 : i32
      %sign3A_157 = arith.cmpi sgt, %jit3A, %sign3A_156 : i32
      %sign3A_158 = arith.extui %sign3A_157 : i1 to i32
      %sign3A_159 = arith.constant 0 : i32
      %sign3A_160 = arith.cmpi slt, %jit3A, %sign3A_159 : i32
      %sign3A_161 = arith.extui %sign3A_160 : i1 to i32
      %sign3A_162 = arith.subi %sign3A_158, %sign3A_161 : i32
      %ne3A = arith.cmpi ne, %sign3A_155, %sign3A_162 : i32
      %rem3A = arith.remsi %scan3A_149, %jit3A : i32
      %ne3A_163 = arith.constant 0 : i32
      %ne3A_164 = arith.cmpi ne, %rem3A, %ne3A_163 : i32
      %and3A = arith.andi %ne3A, %ne3A_164 : i1
      %sub3A = arith.constant 1 : i32
      %sub3A_165 = arith.subi %div3A, %sub3A : i32
      %select_n3A = arith.select %and3A, %sub3A_165, %div3A : i32
      %jit3A_166 = arith.constant 4 : i32
      %eq3A = arith.constant 0 : i32
      %eq3A_167 = arith.cmpi eq, %jit3A_166, %eq3A : i32
      %jit3A_168 = arith.constant 1 : i32
      %select_n3A_169 = arith.select %eq3A_167, %jit3A_168, %jit3A_166 : i32
      %rem3A_170 = arith.remsi %scan3A_149, %select_n3A_169 : i32
      %ne3A_171 = arith.constant 0 : i32
      %ne3A_172 = arith.cmpi ne, %rem3A_170, %ne3A_171 : i32
      %lt3A = arith.constant 0 : i32
      %lt3A_173 = arith.cmpi slt, %rem3A_170, %lt3A : i32
      %lt3A_174 = arith.constant 0 : i32
      %lt3A_175 = arith.cmpi slt, %select_n3A_169, %lt3A_174 : i32
      %ne3A_176 = arith.xori %lt3A_173, %lt3A_175 : i1
      %and3A_177 = arith.andi %ne3A_176, %ne3A_172 : i1
      %add3A_178 = arith.addi %rem3A_170, %select_n3A_169 : i32
      %select_n3A_179 = arith.select %and3A_177, %add3A_178, %rem3A_170 : i32
      %broadcast_in_dim3A = arith.constant 0.000000e+00 : f32
      %broadcast_in_dim3A_180 = vector.broadcast %broadcast_in_dim3A : f32 to vector<16xf32>
      %mul3A_181 = arith.constant 16 : i32
      %mul3A_182 = arith.muli %select_n3A_179, %mul3A_181 : i32
      %swap3A = arith.index_cast %select_n3A : i32 to index
      %swap3A_183 = arith.index_cast %mul3A_182 : i32 to index
      %swap3A_184 = tpu.vector_load %arg8[%swap3A, %swap3A_183] {strides = array<i32>} : memref<80x64xf32, #tpu.memory_space<vmem>>, vector<1x16xf32>,
      %swap3A_185 = vector.shape_cast %swap3A_184 : vector<1x16xf32> to vector<16xf32>
      %swap3A_186 = vector.shape_cast %broadcast_in_dim3A_180 : vector<16xf32> to vector<1x16xf32>
      tpu.vector_store %arg8[%swap3A, %swap3A_183], %swap3A_186 {strides = array<i32>} : memref<80x64xf32, #tpu.memory_space<vmem>>, vector<1x16xf32>,
    }
    %scan3A_20 = arith.constant 320 : i32
    %mul3A_21 = arith.constant 632 : i32
    %mul3A_22 = arith.muli %arg1, %mul3A_21 : i32
    %add3A_23 = arith.constant 0 : i32
    %add3A_24 = arith.addi %mul3A_22, %add3A_23 : i32
    "tpu.region"() ({
      %run_scoped3A = tpu.sem_alloc : memref<!tpu.dma_semaphore, #tpu.memory_space<semaphore_mem>>
      %dma_start3A_149 = arith.constant 0 : i32
      %dma_start3A_150 = arith.constant 0 : i32
      %dma_start3A_151 = tpu.memref_slice %arg8[%dma_start3A_149, %dma_start3A_150] : memref<80x64xf32, #tpu.memory_space<vmem>> -> memref<79x64xf32, #tpu.memory_space<vmem>>
      %dma_start3A_152 = arith.constant 0 : i32
      %dma_start3A_153 = tpu.memref_slice %arg24[%add3A_24, %dma_start3A_152] : memref<10112x64xf32, #tpu.memory_space<vmem_shared>> -> memref<79x64xf32, #tpu.memory_space<vmem_shared>>
      %dma_start3A_154 = arith.constant 0 : i32
      %dma_start3A_155 = tpu.memref_slice %arg24[%add3A_24, %dma_start3A_154] : memref<10112x64xf32, #tpu.memory_space<vmem_shared>> -> memref<79x64xf32, #tpu.memory_space<vmem_shared>>
      %dma_start3A_156 = arith.constant 0 : i32
      %dma_start3A_157 = arith.constant 0 : i32
      %dma_start3A_158 = tpu.memref_slice %arg8[%dma_start3A_156, %dma_start3A_157] : memref<80x64xf32, #tpu.memory_space<vmem>> -> memref<79x64xf32, #tpu.memory_space<vmem>>
      tpu.enqueue_dma source(%dma_start3A_158 : memref<79x64xf32, #tpu.memory_space<vmem>>) target(%dma_start3A_155 : memref<79x64xf32, #tpu.memory_space<vmem_shared>>) target_semaphore(%run_scoped3A : memref<!tpu.dma_semaphore, #tpu.memory_space<semaphore_mem>>)
      %dma_wait3A_159 = arith.constant 0 : i32
      %dma_wait3A_160 = arith.constant 0 : i32
      %dma_wait3A_161 = tpu.memref_slice %arg8[%dma_wait3A_159, %dma_wait3A_160] : memref<80x64xf32, #tpu.memory_space<vmem>> -> memref<79x64xf32, #tpu.memory_space<vmem>>
      %dma_wait3A_162 = arith.constant 0 : i32
      %dma_wait3A_163 = tpu.memref_slice %arg24[%add3A_24, %dma_wait3A_162] : memref<10112x64xf32, #tpu.memory_space<vmem_shared>> -> memref<79x64xf32, #tpu.memory_space<vmem_shared>>
      %dma_wait3A_164 = arith.constant 0 : i32
      %dma_wait3A_165 = tpu.memref_slice %arg24[%add3A_24, %dma_wait3A_164] : memref<10112x64xf32, #tpu.memory_space<vmem_shared>> -> memref<79x64xf32, #tpu.memory_space<vmem_shared>>
      %dma_wait3A_166 = arith.constant 0 : i32
      %dma_wait3A_167 = arith.constant 0 : i32
      %dma_wait3A_168 = tpu.memref_slice %arg8[%dma_wait3A_166, %dma_wait3A_167] : memref<80x64xf32, #tpu.memory_space<vmem>> -> memref<79x64xf32, #tpu.memory_space<vmem>>
      tpu.wait_dma2 semaphore(%run_scoped3A : memref<!tpu.dma_semaphore, #tpu.memory_space<semaphore_mem>>) src(%dma_wait3A_168 : memref<79x64xf32, #tpu.memory_space<vmem>>) dst(%dma_wait3A_165 : memref<79x64xf32, #tpu.memory_space<vmem_shared>>)
      tpu.yield
    }) : () -> ()
    %mul3A_25 = arith.constant 632 : i32
    %mul3A_26 = arith.muli %arg1, %mul3A_25 : i32
    %add3A_27 = arith.constant 79 : i32
    %add3A_28 = arith.addi %mul3A_26, %add3A_27 : i32
    "tpu.region"() ({
      %run_scoped3A = tpu.sem_alloc : memref<!tpu.dma_semaphore, #tpu.memory_space<semaphore_mem>>
      %dma_start3A_149 = arith.constant 0 : i32
      %dma_start3A_150 = arith.constant 0 : i32
      %dma_start3A_151 = tpu.memref_slice %arg8[%dma_start3A_149, %dma_start3A_150] : memref<80x64xf32, #tpu.memory_space<vmem>> -> memref<79x64xf32, #tpu.memory_space<vmem>>
      %dma_start3A_152 = arith.constant 0 : i32
      %dma_start3A_153 = tpu.memref_slice %arg24[%add3A_28, %dma_start3A_152] : memref<10112x64xf32, #tpu.memory_space<vmem_shared>> -> memref<79x64xf32, #tpu.memory_space<vmem_shared>>
      %dma_start3A_154 = arith.constant 0 : i32
      %dma_start3A_155 = tpu.memref_slice %arg24[%add3A_28, %dma_start3A_154] : memref<10112x64xf32, #tpu.memory_space<vmem_shared>> -> memref<79x64xf32, #tpu.memory_space<vmem_shared>>
      %dma_start3A_156 = arith.constant 0 : i32
      %dma_start3A_157 = arith.constant 0 : i32
      %dma_start3A_158 = tpu.memref_slice %arg8[%dma_start3A_156, %dma_start3A_157] : memref<80x64xf32, #tpu.memory_space<vmem>> -> memref<79x64xf32, #tpu.memory_space<vmem>>
      tpu.enqueue_dma source(%dma_start3A_158 : memref<79x64xf32, #tpu.memory_space<vmem>>) target(%dma_start3A_155 : memref<79x64xf32, #tpu.memory_space<vmem_shared>>) target_semaphore(%run_scoped3A : memref<!tpu.dma_semaphore, #tpu.memory_space<semaphore_mem>>)
      %dma_wait3A_159 = arith.constant 0 : i32
      %dma_wait3A_160 = arith.constant 0 : i32
      %dma_wait3A_161 = tpu.memref_slice %arg8[%dma_wait3A_159, %dma_wait3A_160] : memref<80x64xf32, #tpu.memory_space<vmem>> -> memref<79x64xf32, #tpu.memory_space<vmem>>
      %dma_wait3A_162 = arith.constant 0 : i32
      %dma_wait3A_163 = tpu.memref_slice %arg24[%add3A_28, %dma_wait3A_162] : memref<10112x64xf32, #tpu.memory_space<vmem_shared>> -> memref<79x64xf32, #tpu.memory_space<vmem_shared>>
      %dma_wait3A_164 = arith.constant 0 : i32
      %dma_wait3A_165 = tpu.memref_slice %arg24[%add3A_28, %dma_wait3A_164] : memref<10112x64xf32, #tpu.memory_space<vmem_shared>> -> memref<79x64xf32, #tpu.memory_space<vmem_shared>>
      %dma_wait3A_166 = arith.constant 0 : i32
      %dma_wait3A_167 = arith.constant 0 : i32
      %dma_wait3A_168 = tpu.memref_slice %arg8[%dma_wait3A_166, %dma_wait3A_167] : memref<80x64xf32, #tpu.memory_space<vmem>> -> memref<79x64xf32, #tpu.memory_space<vmem>>
      tpu.wait_dma2 semaphore(%run_scoped3A : memref<!tpu.dma_semaphore, #tpu.memory_space<semaphore_mem>>) src(%dma_wait3A_168 : memref<79x64xf32, #tpu.memory_space<vmem>>) dst(%dma_wait3A_165 : memref<79x64xf32, #tpu.memory_space<vmem_shared>>)
      tpu.yield
    }) : () -> ()
    %mul3A_29 = arith.constant 632 : i32
    %mul3A_30 = arith.muli %arg1, %mul3A_29 : i32
    %add3A_31 = arith.constant 158 : i32
    %add3A_32 = arith.addi %mul3A_30, %add3A_31 : i32
    "tpu.region"() ({
      %run_scoped3A = tpu.sem_alloc : memref<!tpu.dma_semaphore, #tpu.memory_space<semaphore_mem>>
      %dma_start3A_149 = arith.constant 0 : i32
      %dma_start3A_150 = arith.constant 0 : i32
      %dma_start3A_151 = tpu.memref_slice %arg8[%dma_start3A_149, %dma_start3A_150] : memref<80x64xf32, #tpu.memory_space<vmem>> -> memref<79x64xf32, #tpu.memory_space<vmem>>
      %dma_start3A_152 = arith.constant 0 : i32
      %dma_start3A_153 = tpu.memref_slice %arg24[%add3A_32, %dma_start3A_152] : memref<10112x64xf32, #tpu.memory_space<vmem_shared>> -> memref<79x64xf32, #tpu.memory_space<vmem_shared>>
      %dma_start3A_154 = arith.constant 0 : i32
      %dma_start3A_155 = tpu.memref_slice %arg24[%add3A_32, %dma_start3A_154] : memref<10112x64xf32, #tpu.memory_space<vmem_shared>> -> memref<79x64xf32, #tpu.memory_space<vmem_shared>>
      %dma_start3A_156 = arith.constant 0 : i32
      %dma_start3A_157 = arith.constant 0 : i32
      %dma_start3A_158 = tpu.memref_slice %arg8[%dma_start3A_156, %dma_start3A_157] : memref<80x64xf32, #tpu.memory_space<vmem>> -> memref<79x64xf32, #tpu.memory_space<vmem>>
      tpu.enqueue_dma source(%dma_start3A_158 : memref<79x64xf32, #tpu.memory_space<vmem>>) target(%dma_start3A_155 : memref<79x64xf32, #tpu.memory_space<vmem_shared>>) target_semaphore(%run_scoped3A : memref<!tpu.dma_semaphore, #tpu.memory_space<semaphore_mem>>)
      %dma_wait3A_159 = arith.constant 0 : i32
      %dma_wait3A_160 = arith.constant 0 : i32
      %dma_wait3A_161 = tpu.memref_slice %arg8[%dma_wait3A_159, %dma_wait3A_160] : memref<80x64xf32, #tpu.memory_space<vmem>> -> memref<79x64xf32, #tpu.memory_space<vmem>>
      %dma_wait3A_162 = arith.constant 0 : i32
      %dma_wait3A_163 = tpu.memref_slice %arg24[%add3A_32, %dma_wait3A_162] : memref<10112x64xf32, #tpu.memory_space<vmem_shared>> -> memref<79x64xf32, #tpu.memory_space<vmem_shared>>
      %dma_wait3A_164 = arith.constant 0 : i32
      %dma_wait3A_165 = tpu.memref_slice %arg24[%add3A_32, %dma_wait3A_164] : memref<10112x64xf32, #tpu.memory_space<vmem_shared>> -> memref<79x64xf32, #tpu.memory_space<vmem_shared>>
      %dma_wait3A_166 = arith.constant 0 : i32
      %dma_wait3A_167 = arith.constant 0 : i32
      %dma_wait3A_168 = tpu.memref_slice %arg8[%dma_wait3A_166, %dma_wait3A_167] : memref<80x64xf32, #tpu.memory_space<vmem>> -> memref<79x64xf32, #tpu.memory_space<vmem>>
      tpu.wait_dma2 semaphore(%run_scoped3A : memref<!tpu.dma_semaphore, #tpu.memory_space<semaphore_mem>>) src(%dma_wait3A_168 : memref<79x64xf32, #tpu.memory_space<vmem>>) dst(%dma_wait3A_165 : memref<79x64xf32, #tpu.memory_space<vmem_shared>>)
      tpu.yield
    }) : () -> ()
    %mul3A_33 = arith.constant 632 : i32
    %mul3A_34 = arith.muli %arg1, %mul3A_33 : i32
    %add3A_35 = arith.constant 237 : i32
    %add3A_36 = arith.addi %mul3A_34, %add3A_35 : i32
    "tpu.region"() ({
      %run_scoped3A = tpu.sem_alloc : memref<!tpu.dma_semaphore, #tpu.memory_space<semaphore_mem>>
      %dma_start3A_149 = arith.constant 0 : i32
      %dma_start3A_150 = arith.constant 0 : i32
      %dma_start3A_151 = tpu.memref_slice %arg8[%dma_start3A_149, %dma_start3A_150] : memref<80x64xf32, #tpu.memory_space<vmem>> -> memref<79x64xf32, #tpu.memory_space<vmem>>
      %dma_start3A_152 = arith.constant 0 : i32
      %dma_start3A_153 = tpu.memref_slice %arg24[%add3A_36, %dma_start3A_152] : memref<10112x64xf32, #tpu.memory_space<vmem_shared>> -> memref<79x64xf32, #tpu.memory_space<vmem_shared>>
      %dma_start3A_154 = arith.constant 0 : i32
      %dma_start3A_155 = tpu.memref_slice %arg24[%add3A_36, %dma_start3A_154] : memref<10112x64xf32, #tpu.memory_space<vmem_shared>> -> memref<79x64xf32, #tpu.memory_space<vmem_shared>>
      %dma_start3A_156 = arith.constant 0 : i32
      %dma_start3A_157 = arith.constant 0 : i32
      %dma_start3A_158 = tpu.memref_slice %arg8[%dma_start3A_156, %dma_start3A_157] : memref<80x64xf32, #tpu.memory_space<vmem>> -> memref<79x64xf32, #tpu.memory_space<vmem>>
      tpu.enqueue_dma source(%dma_start3A_158 : memref<79x64xf32, #tpu.memory_space<vmem>>) target(%dma_start3A_155 : memref<79x64xf32, #tpu.memory_space<vmem_shared>>) target_semaphore(%run_scoped3A : memref<!tpu.dma_semaphore, #tpu.memory_space<semaphore_mem>>)
      %dma_wait3A_159 = arith.constant 0 : i32
      %dma_wait3A_160 = arith.constant 0 : i32
      %dma_wait3A_161 = tpu.memref_slice %arg8[%dma_wait3A_159, %dma_wait3A_160] : memref<80x64xf32, #tpu.memory_space<vmem>> -> memref<79x64xf32, #tpu.memory_space<vmem>>
      %dma_wait3A_162 = arith.constant 0 : i32
      %dma_wait3A_163 = tpu.memref_slice %arg24[%add3A_36, %dma_wait3A_162] : memref<10112x64xf32, #tpu.memory_space<vmem_shared>> -> memref<79x64xf32, #tpu.memory_space<vmem_shared>>
      %dma_wait3A_164 = arith.constant 0 : i32
      %dma_wait3A_165 = tpu.memref_slice %arg24[%add3A_36, %dma_wait3A_164] : memref<10112x64xf32, #tpu.memory_space<vmem_shared>> -> memref<79x64xf32, #tpu.memory_space<vmem_shared>>
      %dma_wait3A_166 = arith.constant 0 : i32
      %dma_wait3A_167 = arith.constant 0 : i32
      %dma_wait3A_168 = tpu.memref_slice %arg8[%dma_wait3A_166, %dma_wait3A_167] : memref<80x64xf32, #tpu.memory_space<vmem>> -> memref<79x64xf32, #tpu.memory_space<vmem>>
      tpu.wait_dma2 semaphore(%run_scoped3A : memref<!tpu.dma_semaphore, #tpu.memory_space<semaphore_mem>>) src(%dma_wait3A_168 : memref<79x64xf32, #tpu.memory_space<vmem>>) dst(%dma_wait3A_165 : memref<79x64xf32, #tpu.memory_space<vmem_shared>>)
      tpu.yield
    }) : () -> ()
    %mul3A_37 = arith.constant 632 : i32
    %mul3A_38 = arith.muli %arg1, %mul3A_37 : i32
    %add3A_39 = arith.constant 316 : i32
    %add3A_40 = arith.addi %mul3A_38, %add3A_39 : i32
    "tpu.region"() ({
      %run_scoped3A = tpu.sem_alloc : memref<!tpu.dma_semaphore, #tpu.memory_space<semaphore_mem>>
      %dma_start3A_149 = arith.constant 0 : i32
      %dma_start3A_150 = arith.constant 0 : i32
      %dma_start3A_151 = tpu.memref_slice %arg8[%dma_start3A_149, %dma_start3A_150] : memref<80x64xf32, #tpu.memory_space<vmem>> -> memref<79x64xf32, #tpu.memory_space<vmem>>
      %dma_start3A_152 = arith.constant 0 : i32
      %dma_start3A_153 = tpu.memref_slice %arg24[%add3A_40, %dma_start3A_152] : memref<10112x64xf32, #tpu.memory_space<vmem_shared>> -> memref<79x64xf32, #tpu.memory_space<vmem_shared>>
      %dma_start3A_154 = arith.constant 0 : i32
      %dma_start3A_155 = tpu.memref_slice %arg24[%add3A_40, %dma_start3A_154] : memref<10112x64xf32, #tpu.memory_space<vmem_shared>> -> memref<79x64xf32, #tpu.memory_space<vmem_shared>>
      %dma_start3A_156 = arith.constant 0 : i32
      %dma_start3A_157 = arith.constant 0 : i32
      %dma_start3A_158 = tpu.memref_slice %arg8[%dma_start3A_156, %dma_start3A_157] : memref<80x64xf32, #tpu.memory_space<vmem>> -> memref<79x64xf32, #tpu.memory_space<vmem>>
      tpu.enqueue_dma source(%dma_start3A_158 : memref<79x64xf32, #tpu.memory_space<vmem>>) target(%dma_start3A_155 : memref<79x64xf32, #tpu.memory_space<vmem_shared>>) target_semaphore(%run_scoped3A : memref<!tpu.dma_semaphore, #tpu.memory_space<semaphore_mem>>)
      %dma_wait3A_159 = arith.constant 0 : i32
      %dma_wait3A_160 = arith.constant 0 : i32
      %dma_wait3A_161 = tpu.memref_slice %arg8[%dma_wait3A_159, %dma_wait3A_160] : memref<80x64xf32, #tpu.memory_space<vmem>> -> memref<79x64xf32, #tpu.memory_space<vmem>>
      %dma_wait3A_162 = arith.constant 0 : i32
      %dma_wait3A_163 = tpu.memref_slice %arg24[%add3A_40, %dma_wait3A_162] : memref<10112x64xf32, #tpu.memory_space<vmem_shared>> -> memref<79x64xf32, #tpu.memory_space<vmem_shared>>
      %dma_wait3A_164 = arith.constant 0 : i32
      %dma_wait3A_165 = tpu.memref_slice %arg24[%add3A_40, %dma_wait3A_164] : memref<10112x64xf32, #tpu.memory_space<vmem_shared>> -> memref<79x64xf32, #tpu.memory_space<vmem_shared>>
      %dma_wait3A_166 = arith.constant 0 : i32
      %dma_wait3A_167 = arith.constant 0 : i32
      %dma_wait3A_168 = tpu.memref_slice %arg8[%dma_wait3A_166, %dma_wait3A_167] : memref<80x64xf32, #tpu.memory_space<vmem>> -> memref<79x64xf32, #tpu.memory_space<vmem>>
      tpu.wait_dma2 semaphore(%run_scoped3A : memref<!tpu.dma_semaphore, #tpu.memory_space<semaphore_mem>>) src(%dma_wait3A_168 : memref<79x64xf32, #tpu.memory_space<vmem>>) dst(%dma_wait3A_165 : memref<79x64xf32, #tpu.memory_space<vmem_shared>>)
      tpu.yield
    }) : () -> ()
    %mul3A_41 = arith.constant 632 : i32
    %mul3A_42 = arith.muli %arg1, %mul3A_41 : i32
    %add3A_43 = arith.constant 395 : i32
    %add3A_44 = arith.addi %mul3A_42, %add3A_43 : i32
    "tpu.region"() ({
      %run_scoped3A = tpu.sem_alloc : memref<!tpu.dma_semaphore, #tpu.memory_space<semaphore_mem>>
      %dma_start3A_149 = arith.constant 0 : i32
      %dma_start3A_150 = arith.constant 0 : i32
      %dma_start3A_151 = tpu.memref_slice %arg8[%dma_start3A_149, %dma_start3A_150] : memref<80x64xf32, #tpu.memory_space<vmem>> -> memref<79x64xf32, #tpu.memory_space<vmem>>
      %dma_start3A_152 = arith.constant 0 : i32
      %dma_start3A_153 = tpu.memref_slice %arg24[%add3A_44, %dma_start3A_152] : memref<10112x64xf32, #tpu.memory_space<vmem_shared>> -> memref<79x64xf32, #tpu.memory_space<vmem_shared>>
      %dma_start3A_154 = arith.constant 0 : i32
      %dma_start3A_155 = tpu.memref_slice %arg24[%add3A_44, %dma_start3A_154] : memref<10112x64xf32, #tpu.memory_space<vmem_shared>> -> memref<79x64xf32, #tpu.memory_space<vmem_shared>>
      %dma_start3A_156 = arith.constant 0 : i32
      %dma_start3A_157 = arith.constant 0 : i32
      %dma_start3A_158 = tpu.memref_slice %arg8[%dma_start3A_156, %dma_start3A_157] : memref<80x64xf32, #tpu.memory_space<vmem>> -> memref<79x64xf32, #tpu.memory_space<vmem>>
      tpu.enqueue_dma source(%dma_start3A_158 : memref<79x64xf32, #tpu.memory_space<vmem>>) target(%dma_start3A_155 : memref<79x64xf32, #tpu.memory_space<vmem_shared>>) target_semaphore(%run_scoped3A : memref<!tpu.dma_semaphore, #tpu.memory_space<semaphore_mem>>)
      %dma_wait3A_159 = arith.constant 0 : i32
      %dma_wait3A_160 = arith.constant 0 : i32
      %dma_wait3A_161 = tpu.memref_slice %arg8[%dma_wait3A_159, %dma_wait3A_160] : memref<80x64xf32, #tpu.memory_space<vmem>> -> memref<79x64xf32, #tpu.memory_space<vmem>>
      %dma_wait3A_162 = arith.constant 0 : i32
      %dma_wait3A_163 = tpu.memref_slice %arg24[%add3A_44, %dma_wait3A_162] : memref<10112x64xf32, #tpu.memory_space<vmem_shared>> -> memref<79x64xf32, #tpu.memory_space<vmem_shared>>
      %dma_wait3A_164 = arith.constant 0 : i32
      %dma_wait3A_165 = tpu.memref_slice %arg24[%add3A_44, %dma_wait3A_164] : memref<10112x64xf32, #tpu.memory_space<vmem_shared>> -> memref<79x64xf32, #tpu.memory_space<vmem_shared>>
      %dma_wait3A_166 = arith.constant 0 : i32
      %dma_wait3A_167 = arith.constant 0 : i32
      %dma_wait3A_168 = tpu.memref_slice %arg8[%dma_wait3A_166, %dma_wait3A_167] : memref<80x64xf32, #tpu.memory_space<vmem>> -> memref<79x64xf32, #tpu.memory_space<vmem>>
      tpu.wait_dma2 semaphore(%run_scoped3A : memref<!tpu.dma_semaphore, #tpu.memory_space<semaphore_mem>>) src(%dma_wait3A_168 : memref<79x64xf32, #tpu.memory_space<vmem>>) dst(%dma_wait3A_165 : memref<79x64xf32, #tpu.memory_space<vmem_shared>>)
      tpu.yield
    }) : () -> ()
    %mul3A_45 = arith.constant 632 : i32
    %mul3A_46 = arith.muli %arg1, %mul3A_45 : i32
    %add3A_47 = arith.constant 474 : i32
    %add3A_48 = arith.addi %mul3A_46, %add3A_47 : i32
    "tpu.region"() ({
      %run_scoped3A = tpu.sem_alloc : memref<!tpu.dma_semaphore, #tpu.memory_space<semaphore_mem>>
      %dma_start3A_149 = arith.constant 0 : i32
      %dma_start3A_150 = arith.constant 0 : i32
      %dma_start3A_151 = tpu.memref_slice %arg8[%dma_start3A_149, %dma_start3A_150] : memref<80x64xf32, #tpu.memory_space<vmem>> -> memref<79x64xf32, #tpu.memory_space<vmem>>
      %dma_start3A_152 = arith.constant 0 : i32
      %dma_start3A_153 = tpu.memref_slice %arg24[%add3A_48, %dma_start3A_152] : memref<10112x64xf32, #tpu.memory_space<vmem_shared>> -> memref<79x64xf32, #tpu.memory_space<vmem_shared>>
      %dma_start3A_154 = arith.constant 0 : i32
      %dma_start3A_155 = tpu.memref_slice %arg24[%add3A_48, %dma_start3A_154] : memref<10112x64xf32, #tpu.memory_space<vmem_shared>> -> memref<79x64xf32, #tpu.memory_space<vmem_shared>>
      %dma_start3A_156 = arith.constant 0 : i32
      %dma_start3A_157 = arith.constant 0 : i32
      %dma_start3A_158 = tpu.memref_slice %arg8[%dma_start3A_156, %dma_start3A_157] : memref<80x64xf32, #tpu.memory_space<vmem>> -> memref<79x64xf32, #tpu.memory_space<vmem>>
      tpu.enqueue_dma source(%dma_start3A_158 : memref<79x64xf32, #tpu.memory_space<vmem>>) target(%dma_start3A_155 : memref<79x64xf32, #tpu.memory_space<vmem_shared>>) target_semaphore(%run_scoped3A : memref<!tpu.dma_semaphore, #tpu.memory_space<semaphore_mem>>)
      %dma_wait3A_159 = arith.constant 0 : i32
      %dma_wait3A_160 = arith.constant 0 : i32
      %dma_wait3A_161 = tpu.memref_slice %arg8[%dma_wait3A_159, %dma_wait3A_160] : memref<80x64xf32, #tpu.memory_space<vmem>> -> memref<79x64xf32, #tpu.memory_space<vmem>>
      %dma_wait3A_162 = arith.constant 0 : i32
      %dma_wait3A_163 = tpu.memref_slice %arg24[%add3A_48, %dma_wait3A_162] : memref<10112x64xf32, #tpu.memory_space<vmem_shared>> -> memref<79x64xf32, #tpu.memory_space<vmem_shared>>
      %dma_wait3A_164 = arith.constant 0 : i32
      %dma_wait3A_165 = tpu.memref_slice %arg24[%add3A_48, %dma_wait3A_164] : memref<10112x64xf32, #tpu.memory_space<vmem_shared>> -> memref<79x64xf32, #tpu.memory_space<vmem_shared>>
      %dma_wait3A_166 = arith.constant 0 : i32
      %dma_wait3A_167 = arith.constant 0 : i32
      %dma_wait3A_168 = tpu.memref_slice %arg8[%dma_wait3A_166, %dma_wait3A_167] : memref<80x64xf32, #tpu.memory_space<vmem>> -> memref<79x64xf32, #tpu.memory_space<vmem>>
      tpu.wait_dma2 semaphore(%run_scoped3A : memref<!tpu.dma_semaphore, #tpu.memory_space<semaphore_mem>>) src(%dma_wait3A_168 : memref<79x64xf32, #tpu.memory_space<vmem>>) dst(%dma_wait3A_165 : memref<79x64xf32, #tpu.memory_space<vmem_shared>>)
      tpu.yield
    }) : () -> ()
    %mul3A_49 = arith.constant 632 : i32
    %mul3A_50 = arith.muli %arg1, %mul3A_49 : i32
    %add3A_51 = arith.constant 553 : i32
    %add3A_52 = arith.addi %mul3A_50, %add3A_51 : i32
    "tpu.region"() ({
      %run_scoped3A = tpu.sem_alloc : memref<!tpu.dma_semaphore, #tpu.memory_space<semaphore_mem>>
      %dma_start3A_149 = arith.constant 0 : i32
      %dma_start3A_150 = arith.constant 0 : i32
      %dma_start3A_151 = tpu.memref_slice %arg8[%dma_start3A_149, %dma_start3A_150] : memref<80x64xf32, #tpu.memory_space<vmem>> -> memref<79x64xf32, #tpu.memory_space<vmem>>
      %dma_start3A_152 = arith.constant 0 : i32
      %dma_start3A_153 = tpu.memref_slice %arg24[%add3A_52, %dma_start3A_152] : memref<10112x64xf32, #tpu.memory_space<vmem_shared>> -> memref<79x64xf32, #tpu.memory_space<vmem_shared>>
      %dma_start3A_154 = arith.constant 0 : i32
      %dma_start3A_155 = tpu.memref_slice %arg24[%add3A_52, %dma_start3A_154] : memref<10112x64xf32, #tpu.memory_space<vmem_shared>> -> memref<79x64xf32, #tpu.memory_space<vmem_shared>>
      %dma_start3A_156 = arith.constant 0 : i32
      %dma_start3A_157 = arith.constant 0 : i32
      %dma_start3A_158 = tpu.memref_slice %arg8[%dma_start3A_156, %dma_start3A_157] : memref<80x64xf32, #tpu.memory_space<vmem>> -> memref<79x64xf32, #tpu.memory_space<vmem>>
      tpu.enqueue_dma source(%dma_start3A_158 : memref<79x64xf32, #tpu.memory_space<vmem>>) target(%dma_start3A_155 : memref<79x64xf32, #tpu.memory_space<vmem_shared>>) target_semaphore(%run_scoped3A : memref<!tpu.dma_semaphore, #tpu.memory_space<semaphore_mem>>)
      %dma_wait3A_159 = arith.constant 0 : i32
      %dma_wait3A_160 = arith.constant 0 : i32
      %dma_wait3A_161 = tpu.memref_slice %arg8[%dma_wait3A_159, %dma_wait3A_160] : memref<80x64xf32, #tpu.memory_space<vmem>> -> memref<79x64xf32, #tpu.memory_space<vmem>>
      %dma_wait3A_162 = arith.constant 0 : i32
      %dma_wait3A_163 = tpu.memref_slice %arg24[%add3A_52, %dma_wait3A_162] : memref<10112x64xf32, #tpu.memory_space<vmem_shared>> -> memref<79x64xf32, #tpu.memory_space<vmem_shared>>
      %dma_wait3A_164 = arith.constant 0 : i32
      %dma_wait3A_165 = tpu.memref_slice %arg24[%add3A_52, %dma_wait3A_164] : memref<10112x64xf32, #tpu.memory_space<vmem_shared>> -> memref<79x64xf32, #tpu.memory_space<vmem_shared>>
      %dma_wait3A_166 = arith.constant 0 : i32
      %dma_wait3A_167 = arith.constant 0 : i32
      %dma_wait3A_168 = tpu.memref_slice %arg8[%dma_wait3A_166, %dma_wait3A_167] : memref<80x64xf32, #tpu.memory_space<vmem>> -> memref<79x64xf32, #tpu.memory_space<vmem>>
      tpu.wait_dma2 semaphore(%run_scoped3A : memref<!tpu.dma_semaphore, #tpu.memory_space<semaphore_mem>>) src(%dma_wait3A_168 : memref<79x64xf32, #tpu.memory_space<vmem>>) dst(%dma_wait3A_165 : memref<79x64xf32, #tpu.memory_space<vmem_shared>>)
      tpu.yield
    }) : () -> ()
    %dma_wait3A = arith.constant 0 : i32
    %dma_wait3A_53 = arith.constant 0 : i32
    %dma_wait3A_54 = tpu.memref_slice %arg3[%add3A, %dma_wait3A, %dma_wait3A_53] : memref<32x125x80xi32, #tpu.memory_space<hbm>> -> memref<1x125x80xi32, #tpu.memory_space<hbm>>
    %dma_wait3A_55 = tpu.memref_squeeze %dma_wait3A_54 : memref<1x125x80xi32, #tpu.memory_space<hbm>> -> memref<125x80xi32, #tpu.memory_space<hbm>>
    %dma_wait3A_56 = arith.constant 0 : i32
    %dma_wait3A_57 = arith.constant 0 : i32
    %dma_wait3A_58 = tpu.memref_slice %arg3[%add3A, %dma_wait3A_56, %dma_wait3A_57] : memref<32x125x80xi32, #tpu.memory_space<hbm>> -> memref<1x125x80xi32, #tpu.memory_space<hbm>>
    %dma_wait3A_59 = tpu.memref_squeeze %dma_wait3A_58 : memref<1x125x80xi32, #tpu.memory_space<hbm>> -> memref<125x80xi32, #tpu.memory_space<hbm>>
    tpu.wait_dma2 semaphore(%arg23 : memref<!tpu.dma_semaphore, #tpu.memory_space<semaphore_mem>>) src(%dma_wait3A_59 : memref<125x80xi32, #tpu.memory_space<hbm>>) dst(%arg6 : memref<125x80xi32, #tpu.memory_space<vmem>>)
    %dma_wait3A_60 = arith.constant 0 : i32
    %dma_wait3A_61 = arith.constant 0 : i32
    %dma_wait3A_62 = tpu.memref_slice %arg4[%add3A, %dma_wait3A_60, %dma_wait3A_61] : memref<32x125x80xi32, #tpu.memory_space<hbm>> -> memref<1x125x80xi32, #tpu.memory_space<hbm>>
    %dma_wait3A_63 = tpu.memref_squeeze %dma_wait3A_62 : memref<1x125x80xi32, #tpu.memory_space<hbm>> -> memref<125x80xi32, #tpu.memory_space<hbm>>
    %dma_wait3A_64 = arith.constant 0 : i32
    %dma_wait3A_65 = arith.constant 0 : i32
    %dma_wait3A_66 = tpu.memref_slice %arg4[%add3A, %dma_wait3A_64, %dma_wait3A_65] : memref<32x125x80xi32, #tpu.memory_space<hbm>> -> memref<1x125x80xi32, #tpu.memory_space<hbm>>
    %dma_wait3A_67 = tpu.memref_squeeze %dma_wait3A_66 : memref<1x125x80xi32, #tpu.memory_space<hbm>> -> memref<125x80xi32, #tpu.memory_space<hbm>>
    tpu.wait_dma2 semaphore(%arg23 : memref<!tpu.dma_semaphore, #tpu.memory_space<semaphore_mem>>) src(%dma_wait3A_67 : memref<125x80xi32, #tpu.memory_space<hbm>>) dst(%arg7 : memref<125x80xi32, #tpu.memory_space<vmem>>)
    %barrier3A = arith.constant 0 : index
    tpu.barrier barrier_id(%barrier3A)
    %dma_start3A_68 = arith.constant 0 : i32
    %dma_start3A_69 = arith.constant 0 : i32
    %dma_start3A_70 = tpu.memref_slice %arg6[%dma_start3A_68, %dma_start3A_69] : memref<125x80xi32, #tpu.memory_space<vmem>> -> memref<1x80xi32, #tpu.memory_space<vmem>>
    %dma_start3A_71 = tpu.memref_squeeze %dma_start3A_70 : memref<1x80xi32, #tpu.memory_space<vmem>> -> memref<80xi32, #tpu.memory_space<vmem>>
    %dma_start3A_72 = arith.constant 0 : i32
    %dma_start3A_73 = arith.constant 0 : i32
    %dma_start3A_74 = tpu.memref_slice %arg2[%dma_start3A_72, %dma_start3A_73] : memref<10000x64xf32, #tpu.memory_space<hbm>> -> memref<10000x64xf32, #tpu.memory_space<hbm>>
    tpu.enqueue_indirect_dma source(%dma_start3A_74 : memref<10000x64xf32, #tpu.memory_space<hbm>>) target(%arg8 : memref<80x64xf32, #tpu.memory_space<vmem>>) offsets(%dma_start3A_71 : memref<80xi32, #tpu.memory_space<vmem>>) semaphore(%arg13 : memref<!tpu.dma_semaphore, #tpu.memory_space<semaphore_mem>>)
    %dma_start3A_75 = arith.constant 1 : i32
    %dma_start3A_76 = arith.constant 0 : i32
    %dma_start3A_77 = tpu.memref_slice %arg6[%dma_start3A_75, %dma_start3A_76] : memref<125x80xi32, #tpu.memory_space<vmem>> -> memref<1x80xi32, #tpu.memory_space<vmem>>
    %dma_start3A_78 = tpu.memref_squeeze %dma_start3A_77 : memref<1x80xi32, #tpu.memory_space<vmem>> -> memref<80xi32, #tpu.memory_space<vmem>>
    %dma_start3A_79 = arith.constant 0 : i32
    %dma_start3A_80 = arith.constant 0 : i32
    %dma_start3A_81 = tpu.memref_slice %arg2[%dma_start3A_79, %dma_start3A_80] : memref<10000x64xf32, #tpu.memory_space<hbm>> -> memref<10000x64xf32, #tpu.memory_space<hbm>>
    tpu.enqueue_indirect_dma source(%dma_start3A_81 : memref<10000x64xf32, #tpu.memory_space<hbm>>) target(%arg9 : memref<80x64xf32, #tpu.memory_space<vmem>>) offsets(%dma_start3A_78 : memref<80xi32, #tpu.memory_space<vmem>>) semaphore(%arg14 : memref<!tpu.dma_semaphore, #tpu.memory_space<semaphore_mem>>)
    %dma_start3A_82 = arith.constant 2 : i32
    %dma_start3A_83 = arith.constant 0 : i32
    %dma_start3A_84 = tpu.memref_slice %arg6[%dma_start3A_82, %dma_start3A_83] : memref<125x80xi32, #tpu.memory_space<vmem>> -> memref<1x80xi32, #tpu.memory_space<vmem>>
    %dma_start3A_85 = tpu.memref_squeeze %dma_start3A_84 : memref<1x80xi32, #tpu.memory_space<vmem>> -> memref<80xi32, #tpu.memory_space<vmem>>
    %dma_start3A_86 = arith.constant 0 : i32
    %dma_start3A_87 = arith.constant 0 : i32
    %dma_start3A_88 = tpu.memref_slice %arg2[%dma_start3A_86, %dma_start3A_87] : memref<10000x64xf32, #tpu.memory_space<hbm>> -> memref<10000x64xf32, #tpu.memory_space<hbm>>
    tpu.enqueue_indirect_dma source(%dma_start3A_88 : memref<10000x64xf32, #tpu.memory_space<hbm>>) target(%arg10 : memref<80x64xf32, #tpu.memory_space<vmem>>) offsets(%dma_start3A_85 : memref<80xi32, #tpu.memory_space<vmem>>) semaphore(%arg15 : memref<!tpu.dma_semaphore, #tpu.memory_space<semaphore_mem>>)
    %dma_start3A_89 = arith.constant 3 : i32
    %dma_start3A_90 = arith.constant 0 : i32
    %dma_start3A_91 = tpu.memref_slice %arg6[%dma_start3A_89, %dma_start3A_90] : memref<125x80xi32, #tpu.memory_space<vmem>> -> memref<1x80xi32, #tpu.memory_space<vmem>>
    %dma_start3A_92 = tpu.memref_squeeze %dma_start3A_91 : memref<1x80xi32, #tpu.memory_space<vmem>> -> memref<80xi32, #tpu.memory_space<vmem>>
    %dma_start3A_93 = arith.constant 0 : i32
    %dma_start3A_94 = arith.constant 0 : i32
    %dma_start3A_95 = tpu.memref_slice %arg2[%dma_start3A_93, %dma_start3A_94] : memref<10000x64xf32, #tpu.memory_space<hbm>> -> memref<10000x64xf32, #tpu.memory_space<hbm>>
    tpu.enqueue_indirect_dma source(%dma_start3A_95 : memref<10000x64xf32, #tpu.memory_space<hbm>>) target(%arg11 : memref<80x64xf32, #tpu.memory_space<vmem>>) offsets(%dma_start3A_92 : memref<80xi32, #tpu.memory_space<vmem>>) semaphore(%arg16 : memref<!tpu.dma_semaphore, #tpu.memory_space<semaphore_mem>>)
    %dma_start3A_96 = arith.constant 4 : i32
    %dma_start3A_97 = arith.constant 0 : i32
    %dma_start3A_98 = tpu.memref_slice %arg6[%dma_start3A_96, %dma_start3A_97] : memref<125x80xi32, #tpu.memory_space<vmem>> -> memref<1x80xi32, #tpu.memory_space<vmem>>
    %dma_start3A_99 = tpu.memref_squeeze %dma_start3A_98 : memref<1x80xi32, #tpu.memory_space<vmem>> -> memref<80xi32, #tpu.memory_space<vmem>>
    %dma_start3A_100 = arith.constant 0 : i32
    %dma_start3A_101 = arith.constant 0 : i32
    %dma_start3A_102 = tpu.memref_slice %arg2[%dma_start3A_100, %dma_start3A_101] : memref<10000x64xf32, #tpu.memory_space<hbm>> -> memref<10000x64xf32, #tpu.memory_space<hbm>>
    tpu.enqueue_indirect_dma source(%dma_start3A_102 : memref<10000x64xf32, #tpu.memory_space<hbm>>) target(%arg12 : memref<80x64xf32, #tpu.memory_space<vmem>>) offsets(%dma_start3A_99 : memref<80xi32, #tpu.memory_space<vmem>>) semaphore(%arg17 : memref<!tpu.dma_semaphore, #tpu.memory_space<semaphore_mem>>)
    %scan3A_103 = arith.constant 0 : i32
    %scan3A_104 = arith.constant 0 : i32
    %scan3A_105 = arith.constant 25 : i32
    %scan3A_106 = arith.addi %scan3A_104, %scan3A_105 : i32
    %scan3A_107 = arith.constant 1 : i32
    scf.for %scan3A_149 = %scan3A_104 to %scan3A_106 step %scan3A_107  : i32 {
      %mul3A_150 = arith.constant 5 : i32
      %mul3A_151 = arith.muli %scan3A_149, %mul3A_150 : i32
      %add3A_152 = arith.constant 0 : i32
      %add3A_153 = arith.addi %mul3A_151, %add3A_152 : i32
      %dma_wait3A_154 = arith.constant 0 : i32
      %dma_wait3A_155 = tpu.memref_slice %arg6[%add3A_153, %dma_wait3A_154] : memref<125x80xi32, #tpu.memory_space<vmem>> -> memref<1x80xi32, #tpu.memory_space<vmem>>
      %dma_wait3A_156 = tpu.memref_squeeze %dma_wait3A_155 : memref<1x80xi32, #tpu.memory_space<vmem>> -> memref<80xi32, #tpu.memory_space<vmem>>
      %dma_wait3A_157 = arith.constant 0 : i32
      %dma_wait3A_158 = arith.constant 0 : i32
      %dma_wait3A_159 = tpu.memref_slice %arg2[%dma_wait3A_157, %dma_wait3A_158] : memref<10000x64xf32, #tpu.memory_space<hbm>> -> memref<10000x64xf32, #tpu.memory_space<hbm>>
      tpu.wait_indirect_dma semaphore(%arg13 : memref<!tpu.dma_semaphore, #tpu.memory_space<semaphore_mem>>) src(%dma_wait3A_159 : memref<10000x64xf32, #tpu.memory_space<hbm>>) dst(%arg8 : memref<80x64xf32, #tpu.memory_space<vmem>>)
      %dma_start3A_160 = arith.constant 0 : i32
      %dma_start3A_161 = tpu.memref_slice %arg7[%add3A_153, %dma_start3A_160] : memref<125x80xi32, #tpu.memory_space<vmem>> -> memref<1x80xi32, #tpu.memory_space<vmem>>
      %dma_start3A_162 = tpu.memref_squeeze %dma_start3A_161 : memref<1x80xi32, #tpu.memory_space<vmem>> -> memref<80xi32, #tpu.memory_space<vmem>>
      %dma_start3A_163 = arith.constant 0 : i32
      %dma_start3A_164 = arith.constant 0 : i32
      %dma_start3A_165 = tpu.memref_slice %arg24[%dma_start3A_163, %dma_start3A_164] : memref<10112x64xf32, #tpu.memory_space<vmem_shared>> -> memref<10112x64xf32, #tpu.memory_space<vmem_shared>>
      tpu.enqueue_indirect_dma source(%arg8 : memref<80x64xf32, #tpu.memory_space<vmem>>) target(%dma_start3A_165 : memref<10112x64xf32, #tpu.memory_space<vmem_shared>>) offsets(%dma_start3A_162 : memref<80xi32, #tpu.memory_space<vmem>>) semaphore(%arg18 : memref<!tpu.dma_semaphore, #tpu.memory_space<semaphore_mem>>) {add = true}
      %add3A_166 = arith.constant 5 : i32
      %add3A_167 = arith.addi %add3A_153, %add3A_166 : i32
      %lt3A = arith.constant 125 : i32
      %lt3A_168 = arith.cmpi slt, %add3A_167, %lt3A : i32
      %convert_element_type3A = arith.extui %lt3A_168 : i1 to i32
      %cond3A = arith.constant 0 : i32
      %cond3A_169 = arith.cmpi ne, %convert_element_type3A, %cond3A : i32
      scf.if %cond3A_169 {
        %dma_wait3A_262 = arith.constant 0 : i32
        %dma_wait3A_263 = arith.constant 0 : i32
        %dma_wait3A_264 = tpu.memref_slice %arg7[%dma_wait3A_262, %dma_wait3A_263] : memref<125x80xi32, #tpu.memory_space<vmem>> -> memref<1x80xi32, #tpu.memory_space<vmem>>
        %dma_wait3A_265 = tpu.memref_squeeze %dma_wait3A_264 : memref<1x80xi32, #tpu.memory_space<vmem>> -> memref<80xi32, #tpu.memory_space<vmem>>
        %dma_wait3A_266 = arith.constant 0 : i32
        %dma_wait3A_267 = arith.constant 0 : i32
        %dma_wait3A_268 = tpu.memref_slice %arg24[%dma_wait3A_266, %dma_wait3A_267] : memref<10112x64xf32, #tpu.memory_space<vmem_shared>> -> memref<10112x64xf32, #tpu.memory_space<vmem_shared>>
        tpu.wait_indirect_dma semaphore(%arg18 : memref<!tpu.dma_semaphore, #tpu.memory_space<semaphore_mem>>) src(%arg8 : memref<80x64xf32, #tpu.memory_space<vmem>>) dst(%dma_wait3A_268 : memref<10112x64xf32, #tpu.memory_space<vmem_shared>>)
        %add3A_269 = arith.constant 5 : i32
        %add3A_270 = arith.addi %add3A_153, %add3A_269 : i32
        %dma_start3A_271 = arith.constant 0 : i32
        %dma_start3A_272 = tpu.memref_slice %arg6[%add3A_270, %dma_start3A_271] : memref<125x80xi32, #tpu.memory_space<vmem>> -> memref<1x80xi32, #tpu.memory_space<vmem>>
        %dma_start3A_273 = tpu.memref_squeeze %dma_start3A_272 : memref<1x80xi32, #tpu.memory_space<vmem>> -> memref<80xi32, #tpu.memory_space<vmem>>
        %dma_start3A_274 = arith.constant 0 : i32
        %dma_start3A_275 = arith.constant 0 : i32
        %dma_start3A_276 = tpu.memref_slice %arg2[%dma_start3A_274, %dma_start3A_275] : memref<10000x64xf32, #tpu.memory_space<hbm>> -> memref<10000x64xf32, #tpu.memory_space<hbm>>
        tpu.enqueue_indirect_dma source(%dma_start3A_276 : memref<10000x64xf32, #tpu.memory_space<hbm>>) target(%arg8 : memref<80x64xf32, #tpu.memory_space<vmem>>) offsets(%dma_start3A_273 : memref<80xi32, #tpu.memory_space<vmem>>) semaphore(%arg13 : memref<!tpu.dma_semaphore, #tpu.memory_space<semaphore_mem>>)
      } else {
      }
      %mul3A_170 = arith.constant 5 : i32
      %mul3A_171 = arith.muli %scan3A_149, %mul3A_170 : i32
      %add3A_172 = arith.constant 1 : i32
      %add3A_173 = arith.addi %mul3A_171, %add3A_172 : i32
      %dma_wait3A_174 = arith.constant 0 : i32
      %dma_wait3A_175 = tpu.memref_slice %arg6[%add3A_173, %dma_wait3A_174] : memref<125x80xi32, #tpu.memory_space<vmem>> -> memref<1x80xi32, #tpu.memory_space<vmem>>
      %dma_wait3A_176 = tpu.memref_squeeze %dma_wait3A_175 : memref<1x80xi32, #tpu.memory_space<vmem>> -> memref<80xi32, #tpu.memory_space<vmem>>
      %dma_wait3A_177 = arith.constant 0 : i32
      %dma_wait3A_178 = arith.constant 0 : i32
      %dma_wait3A_179 = tpu.memref_slice %arg2[%dma_wait3A_177, %dma_wait3A_178] : memref<10000x64xf32, #tpu.memory_space<hbm>> -> memref<10000x64xf32, #tpu.memory_space<hbm>>
      tpu.wait_indirect_dma semaphore(%arg14 : memref<!tpu.dma_semaphore, #tpu.memory_space<semaphore_mem>>) src(%dma_wait3A_179 : memref<10000x64xf32, #tpu.memory_space<hbm>>) dst(%arg9 : memref<80x64xf32, #tpu.memory_space<vmem>>)
      %dma_start3A_180 = arith.constant 0 : i32
      %dma_start3A_181 = tpu.memref_slice %arg7[%add3A_173, %dma_start3A_180] : memref<125x80xi32, #tpu.memory_space<vmem>> -> memref<1x80xi32, #tpu.memory_space<vmem>>
      %dma_start3A_182 = tpu.memref_squeeze %dma_start3A_181 : memref<1x80xi32, #tpu.memory_space<vmem>> -> memref<80xi32, #tpu.memory_space<vmem>>
      %dma_start3A_183 = arith.constant 0 : i32
      %dma_start3A_184 = arith.constant 0 : i32
      %dma_start3A_185 = tpu.memref_slice %arg24[%dma_start3A_183, %dma_start3A_184] : memref<10112x64xf32, #tpu.memory_space<vmem_shared>> -> memref<10112x64xf32, #tpu.memory_space<vmem_shared>>
      tpu.enqueue_indirect_dma source(%arg9 : memref<80x64xf32, #tpu.memory_space<vmem>>) target(%dma_start3A_185 : memref<10112x64xf32, #tpu.memory_space<vmem_shared>>) offsets(%dma_start3A_182 : memref<80xi32, #tpu.memory_space<vmem>>) semaphore(%arg19 : memref<!tpu.dma_semaphore, #tpu.memory_space<semaphore_mem>>) {add = true}
      %add3A_186 = arith.constant 5 : i32
      %add3A_187 = arith.addi %add3A_173, %add3A_186 : i32
      %lt3A_188 = arith.constant 125 : i32
      %lt3A_189 = arith.cmpi slt, %add3A_187, %lt3A_188 : i32
      %convert_element_type3A_190 = arith.extui %lt3A_189 : i1 to i32
      %cond3A_191 = arith.constant 0 : i32
      %cond3A_192 = arith.cmpi ne, %convert_element_type3A_190, %cond3A_191 : i32
      scf.if %cond3A_192 {
        %dma_wait3A_262 = arith.constant 0 : i32
        %dma_wait3A_263 = arith.constant 0 : i32
        %dma_wait3A_264 = tpu.memref_slice %arg7[%dma_wait3A_262, %dma_wait3A_263] : memref<125x80xi32, #tpu.memory_space<vmem>> -> memref<1x80xi32, #tpu.memory_space<vmem>>
        %dma_wait3A_265 = tpu.memref_squeeze %dma_wait3A_264 : memref<1x80xi32, #tpu.memory_space<vmem>> -> memref<80xi32, #tpu.memory_space<vmem>>
        %dma_wait3A_266 = arith.constant 0 : i32
        %dma_wait3A_267 = arith.constant 0 : i32
        %dma_wait3A_268 = tpu.memref_slice %arg24[%dma_wait3A_266, %dma_wait3A_267] : memref<10112x64xf32, #tpu.memory_space<vmem_shared>> -> memref<10112x64xf32, #tpu.memory_space<vmem_shared>>
        tpu.wait_indirect_dma semaphore(%arg19 : memref<!tpu.dma_semaphore, #tpu.memory_space<semaphore_mem>>) src(%arg9 : memref<80x64xf32, #tpu.memory_space<vmem>>) dst(%dma_wait3A_268 : memref<10112x64xf32, #tpu.memory_space<vmem_shared>>)
        %add3A_269 = arith.constant 5 : i32
        %add3A_270 = arith.addi %add3A_173, %add3A_269 : i32
        %dma_start3A_271 = arith.constant 0 : i32
        %dma_start3A_272 = tpu.memref_slice %arg6[%add3A_270, %dma_start3A_271] : memref<125x80xi32, #tpu.memory_space<vmem>> -> memref<1x80xi32, #tpu.memory_space<vmem>>
        %dma_start3A_273 = tpu.memref_squeeze %dma_start3A_272 : memref<1x80xi32, #tpu.memory_space<vmem>> -> memref<80xi32, #tpu.memory_space<vmem>>
        %dma_start3A_274 = arith.constant 0 : i32
        %dma_start3A_275 = arith.constant 0 : i32
        %dma_start3A_276 = tpu.memref_slice %arg2[%dma_start3A_274, %dma_start3A_275] : memref<10000x64xf32, #tpu.memory_space<hbm>> -> memref<10000x64xf32, #tpu.memory_space<hbm>>
        tpu.enqueue_indirect_dma source(%dma_start3A_276 : memref<10000x64xf32, #tpu.memory_space<hbm>>) target(%arg9 : memref<80x64xf32, #tpu.memory_space<vmem>>) offsets(%dma_start3A_273 : memref<80xi32, #tpu.memory_space<vmem>>) semaphore(%arg14 : memref<!tpu.dma_semaphore, #tpu.memory_space<semaphore_mem>>)
      } else {
      }
      %mul3A_193 = arith.constant 5 : i32
      %mul3A_194 = arith.muli %scan3A_149, %mul3A_193 : i32
      %add3A_195 = arith.constant 2 : i32
      %add3A_196 = arith.addi %mul3A_194, %add3A_195 : i32
      %dma_wait3A_197 = arith.constant 0 : i32
      %dma_wait3A_198 = tpu.memref_slice %arg6[%add3A_196, %dma_wait3A_197] : memref<125x80xi32, #tpu.memory_space<vmem>> -> memref<1x80xi32, #tpu.memory_space<vmem>>
      %dma_wait3A_199 = tpu.memref_squeeze %dma_wait3A_198 : memref<1x80xi32, #tpu.memory_space<vmem>> -> memref<80xi32, #tpu.memory_space<vmem>>
      %dma_wait3A_200 = arith.constant 0 : i32
      %dma_wait3A_201 = arith.constant 0 : i32
      %dma_wait3A_202 = tpu.memref_slice %arg2[%dma_wait3A_200, %dma_wait3A_201] : memref<10000x64xf32, #tpu.memory_space<hbm>> -> memref<10000x64xf32, #tpu.memory_space<hbm>>
      tpu.wait_indirect_dma semaphore(%arg15 : memref<!tpu.dma_semaphore, #tpu.memory_space<semaphore_mem>>) src(%dma_wait3A_202 : memref<10000x64xf32, #tpu.memory_space<hbm>>) dst(%arg10 : memref<80x64xf32, #tpu.memory_space<vmem>>)
      %dma_start3A_203 = arith.constant 0 : i32
      %dma_start3A_204 = tpu.memref_slice %arg7[%add3A_196, %dma_start3A_203] : memref<125x80xi32, #tpu.memory_space<vmem>> -> memref<1x80xi32, #tpu.memory_space<vmem>>
      %dma_start3A_205 = tpu.memref_squeeze %dma_start3A_204 : memref<1x80xi32, #tpu.memory_space<vmem>> -> memref<80xi32, #tpu.memory_space<vmem>>
      %dma_start3A_206 = arith.constant 0 : i32
      %dma_start3A_207 = arith.constant 0 : i32
      %dma_start3A_208 = tpu.memref_slice %arg24[%dma_start3A_206, %dma_start3A_207] : memref<10112x64xf32, #tpu.memory_space<vmem_shared>> -> memref<10112x64xf32, #tpu.memory_space<vmem_shared>>
      tpu.enqueue_indirect_dma source(%arg10 : memref<80x64xf32, #tpu.memory_space<vmem>>) target(%dma_start3A_208 : memref<10112x64xf32, #tpu.memory_space<vmem_shared>>) offsets(%dma_start3A_205 : memref<80xi32, #tpu.memory_space<vmem>>) semaphore(%arg20 : memref<!tpu.dma_semaphore, #tpu.memory_space<semaphore_mem>>) {add = true}
      %add3A_209 = arith.constant 5 : i32
      %add3A_210 = arith.addi %add3A_196, %add3A_209 : i32
      %lt3A_211 = arith.constant 125 : i32
      %lt3A_212 = arith.cmpi slt, %add3A_210, %lt3A_211 : i32
      %convert_element_type3A_213 = arith.extui %lt3A_212 : i1 to i32
      %cond3A_214 = arith.constant 0 : i32
      %cond3A_215 = arith.cmpi ne, %convert_element_type3A_213, %cond3A_214 : i32
      scf.if %cond3A_215 {
        %dma_wait3A_262 = arith.constant 0 : i32
        %dma_wait3A_263 = arith.constant 0 : i32
        %dma_wait3A_264 = tpu.memref_slice %arg7[%dma_wait3A_262, %dma_wait3A_263] : memref<125x80xi32, #tpu.memory_space<vmem>> -> memref<1x80xi32, #tpu.memory_space<vmem>>
        %dma_wait3A_265 = tpu.memref_squeeze %dma_wait3A_264 : memref<1x80xi32, #tpu.memory_space<vmem>> -> memref<80xi32, #tpu.memory_space<vmem>>
        %dma_wait3A_266 = arith.constant 0 : i32
        %dma_wait3A_267 = arith.constant 0 : i32
        %dma_wait3A_268 = tpu.memref_slice %arg24[%dma_wait3A_266, %dma_wait3A_267] : memref<10112x64xf32, #tpu.memory_space<vmem_shared>> -> memref<10112x64xf32, #tpu.memory_space<vmem_shared>>
        tpu.wait_indirect_dma semaphore(%arg20 : memref<!tpu.dma_semaphore, #tpu.memory_space<semaphore_mem>>) src(%arg10 : memref<80x64xf32, #tpu.memory_space<vmem>>) dst(%dma_wait3A_268 : memref<10112x64xf32, #tpu.memory_space<vmem_shared>>)
        %add3A_269 = arith.constant 5 : i32
        %add3A_270 = arith.addi %add3A_196, %add3A_269 : i32
        %dma_start3A_271 = arith.constant 0 : i32
        %dma_start3A_272 = tpu.memref_slice %arg6[%add3A_270, %dma_start3A_271] : memref<125x80xi32, #tpu.memory_space<vmem>> -> memref<1x80xi32, #tpu.memory_space<vmem>>
        %dma_start3A_273 = tpu.memref_squeeze %dma_start3A_272 : memref<1x80xi32, #tpu.memory_space<vmem>> -> memref<80xi32, #tpu.memory_space<vmem>>
        %dma_start3A_274 = arith.constant 0 : i32
        %dma_start3A_275 = arith.constant 0 : i32
        %dma_start3A_276 = tpu.memref_slice %arg2[%dma_start3A_274, %dma_start3A_275] : memref<10000x64xf32, #tpu.memory_space<hbm>> -> memref<10000x64xf32, #tpu.memory_space<hbm>>
        tpu.enqueue_indirect_dma source(%dma_start3A_276 : memref<10000x64xf32, #tpu.memory_space<hbm>>) target(%arg10 : memref<80x64xf32, #tpu.memory_space<vmem>>) offsets(%dma_start3A_273 : memref<80xi32, #tpu.memory_space<vmem>>) semaphore(%arg15 : memref<!tpu.dma_semaphore, #tpu.memory_space<semaphore_mem>>)
      } else {
      }
      %mul3A_216 = arith.constant 5 : i32
      %mul3A_217 = arith.muli %scan3A_149, %mul3A_216 : i32
      %add3A_218 = arith.constant 3 : i32
      %add3A_219 = arith.addi %mul3A_217, %add3A_218 : i32
      %dma_wait3A_220 = arith.constant 0 : i32
      %dma_wait3A_221 = tpu.memref_slice %arg6[%add3A_219, %dma_wait3A_220] : memref<125x80xi32, #tpu.memory_space<vmem>> -> memref<1x80xi32, #tpu.memory_space<vmem>>
      %dma_wait3A_222 = tpu.memref_squeeze %dma_wait3A_221 : memref<1x80xi32, #tpu.memory_space<vmem>> -> memref<80xi32, #tpu.memory_space<vmem>>
      %dma_wait3A_223 = arith.constant 0 : i32
      %dma_wait3A_224 = arith.constant 0 : i32
      %dma_wait3A_225 = tpu.memref_slice %arg2[%dma_wait3A_223, %dma_wait3A_224] : memref<10000x64xf32, #tpu.memory_space<hbm>> -> memref<10000x64xf32, #tpu.memory_space<hbm>>
      tpu.wait_indirect_dma semaphore(%arg16 : memref<!tpu.dma_semaphore, #tpu.memory_space<semaphore_mem>>) src(%dma_wait3A_225 : memref<10000x64xf32, #tpu.memory_space<hbm>>) dst(%arg11 : memref<80x64xf32, #tpu.memory_space<vmem>>)
      %dma_start3A_226 = arith.constant 0 : i32
      %dma_start3A_227 = tpu.memref_slice %arg7[%add3A_219, %dma_start3A_226] : memref<125x80xi32, #tpu.memory_space<vmem>> -> memref<1x80xi32, #tpu.memory_space<vmem>>
      %dma_start3A_228 = tpu.memref_squeeze %dma_start3A_227 : memref<1x80xi32, #tpu.memory_space<vmem>> -> memref<80xi32, #tpu.memory_space<vmem>>
      %dma_start3A_229 = arith.constant 0 : i32
      %dma_start3A_230 = arith.constant 0 : i32
      %dma_start3A_231 = tpu.memref_slice %arg24[%dma_start3A_229, %dma_start3A_230] : memref<10112x64xf32, #tpu.memory_space<vmem_shared>> -> memref<10112x64xf32, #tpu.memory_space<vmem_shared>>
      tpu.enqueue_indirect_dma source(%arg11 : memref<80x64xf32, #tpu.memory_space<vmem>>) target(%dma_start3A_231 : memref<10112x64xf32, #tpu.memory_space<vmem_shared>>) offsets(%dma_start3A_228 : memref<80xi32, #tpu.memory_space<vmem>>) semaphore(%arg21 : memref<!tpu.dma_semaphore, #tpu.memory_space<semaphore_mem>>) {add = true}
      %add3A_232 = arith.constant 5 : i32
      %add3A_233 = arith.addi %add3A_219, %add3A_232 : i32
      %lt3A_234 = arith.constant 125 : i32
      %lt3A_235 = arith.cmpi slt, %add3A_233, %lt3A_234 : i32
      %convert_element_type3A_236 = arith.extui %lt3A_235 : i1 to i32
      %cond3A_237 = arith.constant 0 : i32
      %cond3A_238 = arith.cmpi ne, %convert_element_type3A_236, %cond3A_237 : i32
      scf.if %cond3A_238 {
        %dma_wait3A_262 = arith.constant 0 : i32
        %dma_wait3A_263 = arith.constant 0 : i32
        %dma_wait3A_264 = tpu.memref_slice %arg7[%dma_wait3A_262, %dma_wait3A_263] : memref<125x80xi32, #tpu.memory_space<vmem>> -> memref<1x80xi32, #tpu.memory_space<vmem>>
        %dma_wait3A_265 = tpu.memref_squeeze %dma_wait3A_264 : memref<1x80xi32, #tpu.memory_space<vmem>> -> memref<80xi32, #tpu.memory_space<vmem>>
        %dma_wait3A_266 = arith.constant 0 : i32
        %dma_wait3A_267 = arith.constant 0 : i32
        %dma_wait3A_268 = tpu.memref_slice %arg24[%dma_wait3A_266, %dma_wait3A_267] : memref<10112x64xf32, #tpu.memory_space<vmem_shared>> -> memref<10112x64xf32, #tpu.memory_space<vmem_shared>>
        tpu.wait_indirect_dma semaphore(%arg21 : memref<!tpu.dma_semaphore, #tpu.memory_space<semaphore_mem>>) src(%arg11 : memref<80x64xf32, #tpu.memory_space<vmem>>) dst(%dma_wait3A_268 : memref<10112x64xf32, #tpu.memory_space<vmem_shared>>)
        %add3A_269 = arith.constant 5 : i32
        %add3A_270 = arith.addi %add3A_219, %add3A_269 : i32
        %dma_start3A_271 = arith.constant 0 : i32
        %dma_start3A_272 = tpu.memref_slice %arg6[%add3A_270, %dma_start3A_271] : memref<125x80xi32, #tpu.memory_space<vmem>> -> memref<1x80xi32, #tpu.memory_space<vmem>>
        %dma_start3A_273 = tpu.memref_squeeze %dma_start3A_272 : memref<1x80xi32, #tpu.memory_space<vmem>> -> memref<80xi32, #tpu.memory_space<vmem>>
        %dma_start3A_274 = arith.constant 0 : i32
        %dma_start3A_275 = arith.constant 0 : i32
        %dma_start3A_276 = tpu.memref_slice %arg2[%dma_start3A_274, %dma_start3A_275] : memref<10000x64xf32, #tpu.memory_space<hbm>> -> memref<10000x64xf32, #tpu.memory_space<hbm>>
        tpu.enqueue_indirect_dma source(%dma_start3A_276 : memref<10000x64xf32, #tpu.memory_space<hbm>>) target(%arg11 : memref<80x64xf32, #tpu.memory_space<vmem>>) offsets(%dma_start3A_273 : memref<80xi32, #tpu.memory_space<vmem>>) semaphore(%arg16 : memref<!tpu.dma_semaphore, #tpu.memory_space<semaphore_mem>>)
      } else {
      }
      %mul3A_239 = arith.constant 5 : i32
      %mul3A_240 = arith.muli %scan3A_149, %mul3A_239 : i32
      %add3A_241 = arith.constant 4 : i32
      %add3A_242 = arith.addi %mul3A_240, %add3A_241 : i32
      %dma_wait3A_243 = arith.constant 0 : i32
      %dma_wait3A_244 = tpu.memref_slice %arg6[%add3A_242, %dma_wait3A_243] : memref<125x80xi32, #tpu.memory_space<vmem>> -> memref<1x80xi32, #tpu.memory_space<vmem>>
      %dma_wait3A_245 = tpu.memref_squeeze %dma_wait3A_244 : memref<1x80xi32, #tpu.memory_space<vmem>> -> memref<80xi32, #tpu.memory_space<vmem>>
      %dma_wait3A_246 = arith.constant 0 : i32
      %dma_wait3A_247 = arith.constant 0 : i32
      %dma_wait3A_248 = tpu.memref_slice %arg2[%dma_wait3A_246, %dma_wait3A_247] : memref<10000x64xf32, #tpu.memory_space<hbm>> -> memref<10000x64xf32, #tpu.memory_space<hbm>>
      tpu.wait_indirect_dma semaphore(%arg17 : memref<!tpu.dma_semaphore, #tpu.memory_space<semaphore_mem>>) src(%dma_wait3A_248 : memref<10000x64xf32, #tpu.memory_space<hbm>>) dst(%arg12 : memref<80x64xf32, #tpu.memory_space<vmem>>)
      %dma_start3A_249 = arith.constant 0 : i32
      %dma_start3A_250 = tpu.memref_slice %arg7[%add3A_242, %dma_start3A_249] : memref<125x80xi32, #tpu.memory_space<vmem>> -> memref<1x80xi32, #tpu.memory_space<vmem>>
      %dma_start3A_251 = tpu.memref_squeeze %dma_start3A_250 : memref<1x80xi32, #tpu.memory_space<vmem>> -> memref<80xi32, #tpu.memory_space<vmem>>
      %dma_start3A_252 = arith.constant 0 : i32
      %dma_start3A_253 = arith.constant 0 : i32
      %dma_start3A_254 = tpu.memref_slice %arg24[%dma_start3A_252, %dma_start3A_253] : memref<10112x64xf32, #tpu.memory_space<vmem_shared>> -> memref<10112x64xf32, #tpu.memory_space<vmem_shared>>
      tpu.enqueue_indirect_dma source(%arg12 : memref<80x64xf32, #tpu.memory_space<vmem>>) target(%dma_start3A_254 : memref<10112x64xf32, #tpu.memory_space<vmem_shared>>) offsets(%dma_start3A_251 : memref<80xi32, #tpu.memory_space<vmem>>) semaphore(%arg22 : memref<!tpu.dma_semaphore, #tpu.memory_space<semaphore_mem>>) {add = true}
      %add3A_255 = arith.constant 5 : i32
      %add3A_256 = arith.addi %add3A_242, %add3A_255 : i32
      %lt3A_257 = arith.constant 125 : i32
      %lt3A_258 = arith.cmpi slt, %add3A_256, %lt3A_257 : i32
      %convert_element_type3A_259 = arith.extui %lt3A_258 : i1 to i32
      %cond3A_260 = arith.constant 0 : i32
      %cond3A_261 = arith.cmpi ne, %convert_element_type3A_259, %cond3A_260 : i32
      scf.if %cond3A_261 {
        %dma_wait3A_262 = arith.constant 0 : i32
        %dma_wait3A_263 = arith.constant 0 : i32
        %dma_wait3A_264 = tpu.memref_slice %arg7[%dma_wait3A_262, %dma_wait3A_263] : memref<125x80xi32, #tpu.memory_space<vmem>> -> memref<1x80xi32, #tpu.memory_space<vmem>>
        %dma_wait3A_265 = tpu.memref_squeeze %dma_wait3A_264 : memref<1x80xi32, #tpu.memory_space<vmem>> -> memref<80xi32, #tpu.memory_space<vmem>>
        %dma_wait3A_266 = arith.constant 0 : i32
        %dma_wait3A_267 = arith.constant 0 : i32
        %dma_wait3A_268 = tpu.memref_slice %arg24[%dma_wait3A_266, %dma_wait3A_267] : memref<10112x64xf32, #tpu.memory_space<vmem_shared>> -> memref<10112x64xf32, #tpu.memory_space<vmem_shared>>
        tpu.wait_indirect_dma semaphore(%arg22 : memref<!tpu.dma_semaphore, #tpu.memory_space<semaphore_mem>>) src(%arg12 : memref<80x64xf32, #tpu.memory_space<vmem>>) dst(%dma_wait3A_268 : memref<10112x64xf32, #tpu.memory_space<vmem_shared>>)
        %add3A_269 = arith.constant 5 : i32
        %add3A_270 = arith.addi %add3A_242, %add3A_269 : i32
        %dma_start3A_271 = arith.constant 0 : i32
        %dma_start3A_272 = tpu.memref_slice %arg6[%add3A_270, %dma_start3A_271] : memref<125x80xi32, #tpu.memory_space<vmem>> -> memref<1x80xi32, #tpu.memory_space<vmem>>
        %dma_start3A_273 = tpu.memref_squeeze %dma_start3A_272 : memref<1x80xi32, #tpu.memory_space<vmem>> -> memref<80xi32, #tpu.memory_space<vmem>>
        %dma_start3A_274 = arith.constant 0 : i32
        %dma_start3A_275 = arith.constant 0 : i32
        %dma_start3A_276 = tpu.memref_slice %arg2[%dma_start3A_274, %dma_start3A_275] : memref<10000x64xf32, #tpu.memory_space<hbm>> -> memref<10000x64xf32, #tpu.memory_space<hbm>>
        tpu.enqueue_indirect_dma source(%dma_start3A_276 : memref<10000x64xf32, #tpu.memory_space<hbm>>) target(%arg12 : memref<80x64xf32, #tpu.memory_space<vmem>>) offsets(%dma_start3A_273 : memref<80xi32, #tpu.memory_space<vmem>>) semaphore(%arg17 : memref<!tpu.dma_semaphore, #tpu.memory_space<semaphore_mem>>)
      } else {
      }
    }
    %scan3A_108 = arith.constant 25 : i32
    %dma_wait3A_109 = arith.constant 0 : i32
    %dma_wait3A_110 = arith.constant 0 : i32
    %dma_wait3A_111 = tpu.memref_slice %arg7[%dma_wait3A_109, %dma_wait3A_110] : memref<125x80xi32, #tpu.memory_space<vmem>> -> memref<1x80xi32, #tpu.memory_space<vmem>>
    %dma_wait3A_112 = tpu.memref_squeeze %dma_wait3A_111 : memref<1x80xi32, #tpu.memory_space<vmem>> -> memref<80xi32, #tpu.memory_space<vmem>>
    %dma_wait3A_113 = arith.constant 0 : i32
    %dma_wait3A_114 = arith.constant 0 : i32
    %dma_wait3A_115 = tpu.memref_slice %arg24[%dma_wait3A_113, %dma_wait3A_114] : memref<10112x64xf32, #tpu.memory_space<vmem_shared>> -> memref<10112x64xf32, #tpu.memory_space<vmem_shared>>
    tpu.wait_indirect_dma semaphore(%arg18 : memref<!tpu.dma_semaphore, #tpu.memory_space<semaphore_mem>>) src(%arg8 : memref<80x64xf32, #tpu.memory_space<vmem>>) dst(%dma_wait3A_115 : memref<10112x64xf32, #tpu.memory_space<vmem_shared>>)
    %dma_wait3A_116 = arith.constant 0 : i32
    %dma_wait3A_117 = arith.constant 0 : i32
    %dma_wait3A_118 = tpu.memref_slice %arg7[%dma_wait3A_116, %dma_wait3A_117] : memref<125x80xi32, #tpu.memory_space<vmem>> -> memref<1x80xi32, #tpu.memory_space<vmem>>
    %dma_wait3A_119 = tpu.memref_squeeze %dma_wait3A_118 : memref<1x80xi32, #tpu.memory_space<vmem>> -> memref<80xi32, #tpu.memory_space<vmem>>
    %dma_wait3A_120 = arith.constant 0 : i32
    %dma_wait3A_121 = arith.constant 0 : i32
    %dma_wait3A_122 = tpu.memref_slice %arg24[%dma_wait3A_120, %dma_wait3A_121] : memref<10112x64xf32, #tpu.memory_space<vmem_shared>> -> memref<10112x64xf32, #tpu.memory_space<vmem_shared>>
    tpu.wait_indirect_dma semaphore(%arg19 : memref<!tpu.dma_semaphore, #tpu.memory_space<semaphore_mem>>) src(%arg9 : memref<80x64xf32, #tpu.memory_space<vmem>>) dst(%dma_wait3A_122 : memref<10112x64xf32, #tpu.memory_space<vmem_shared>>)
    %dma_wait3A_123 = arith.constant 0 : i32
    %dma_wait3A_124 = arith.constant 0 : i32
    %dma_wait3A_125 = tpu.memref_slice %arg7[%dma_wait3A_123, %dma_wait3A_124] : memref<125x80xi32, #tpu.memory_space<vmem>> -> memref<1x80xi32, #tpu.memory_space<vmem>>
    %dma_wait3A_126 = tpu.memref_squeeze %dma_wait3A_125 : memref<1x80xi32, #tpu.memory_space<vmem>> -> memref<80xi32, #tpu.memory_space<vmem>>
    %dma_wait3A_127 = arith.constant 0 : i32
    %dma_wait3A_128 = arith.constant 0 : i32
    %dma_wait3A_129 = tpu.memref_slice %arg24[%dma_wait3A_127, %dma_wait3A_128] : memref<10112x64xf32, #tpu.memory_space<vmem_shared>> -> memref<10112x64xf32, #tpu.memory_space<vmem_shared>>
    tpu.wait_indirect_dma semaphore(%arg20 : memref<!tpu.dma_semaphore, #tpu.memory_space<semaphore_mem>>) src(%arg10 : memref<80x64xf32, #tpu.memory_space<vmem>>) dst(%dma_wait3A_129 : memref<10112x64xf32, #tpu.memory_space<vmem_shared>>)
    %dma_wait3A_130 = arith.constant 0 : i32
    %dma_wait3A_131 = arith.constant 0 : i32
    %dma_wait3A_132 = tpu.memref_slice %arg7[%dma_wait3A_130, %dma_wait3A_131] : memref<125x80xi32, #tpu.memory_space<vmem>> -> memref<1x80xi32, #tpu.memory_space<vmem>>
    %dma_wait3A_133 = tpu.memref_squeeze %dma_wait3A_132 : memref<1x80xi32, #tpu.memory_space<vmem>> -> memref<80xi32, #tpu.memory_space<vmem>>
    %dma_wait3A_134 = arith.constant 0 : i32
    %dma_wait3A_135 = arith.constant 0 : i32
    %dma_wait3A_136 = tpu.memref_slice %arg24[%dma_wait3A_134, %dma_wait3A_135] : memref<10112x64xf32, #tpu.memory_space<vmem_shared>> -> memref<10112x64xf32, #tpu.memory_space<vmem_shared>>
    tpu.wait_indirect_dma semaphore(%arg21 : memref<!tpu.dma_semaphore, #tpu.memory_space<semaphore_mem>>) src(%arg11 : memref<80x64xf32, #tpu.memory_space<vmem>>) dst(%dma_wait3A_136 : memref<10112x64xf32, #tpu.memory_space<vmem_shared>>)
    %dma_wait3A_137 = arith.constant 0 : i32
    %dma_wait3A_138 = arith.constant 0 : i32
    %dma_wait3A_139 = tpu.memref_slice %arg7[%dma_wait3A_137, %dma_wait3A_138] : memref<125x80xi32, #tpu.memory_space<vmem>> -> memref<1x80xi32, #tpu.memory_space<vmem>>
    %dma_wait3A_140 = tpu.memref_squeeze %dma_wait3A_139 : memref<1x80xi32, #tpu.memory_space<vmem>> -> memref<80xi32, #tpu.memory_space<vmem>>
    %dma_wait3A_141 = arith.constant 0 : i32
    %dma_wait3A_142 = arith.constant 0 : i32
    %dma_wait3A_143 = tpu.memref_slice %arg24[%dma_wait3A_141, %dma_wait3A_142] : memref<10112x64xf32, #tpu.memory_space<vmem_shared>> -> memref<10112x64xf32, #tpu.memory_space<vmem_shared>>
    tpu.wait_indirect_dma semaphore(%arg22 : memref<!tpu.dma_semaphore, #tpu.memory_space<semaphore_mem>>) src(%arg12 : memref<80x64xf32, #tpu.memory_space<vmem>>) dst(%dma_wait3A_143 : memref<10112x64xf32, #tpu.memory_space<vmem_shared>>)
    %barrier3A_144 = arith.constant 0 : index
    tpu.barrier barrier_id(%barrier3A_144)
    %mul3A_145 = arith.constant 632 : i32
    %mul3A_146 = arith.muli %arg1, %mul3A_145 : i32
    %mul3A_147 = arith.constant 632 : i32
    %mul3A_148 = arith.muli %arg1, %mul3A_147 : i32
    "tpu.region"() ({
      %run_scoped3A = tpu.sem_alloc : memref<!tpu.dma_semaphore, #tpu.memory_space<semaphore_mem>>
      %dma_start3A_149 = arith.constant 0 : i32
      %dma_start3A_150 = tpu.memref_slice %arg5[%arg0, %mul3A_148, %dma_start3A_149] : memref<2x10112x64xf32, #tpu.memory_space<hbm>> -> memref<1x632x64xf32, #tpu.memory_space<hbm>>
      %dma_start3A_151 = tpu.memref_squeeze %dma_start3A_150 : memref<1x632x64xf32, #tpu.memory_space<hbm>> -> memref<632x64xf32, #tpu.memory_space<hbm>>
      %dma_start3A_152 = arith.constant 0 : i32
      %dma_start3A_153 = tpu.memref_slice %arg24[%mul3A_146, %dma_start3A_152] : memref<10112x64xf32, #tpu.memory_space<vmem_shared>> -> memref<632x64xf32, #tpu.memory_space<vmem_shared>>
      tpu.enqueue_dma source(%dma_start3A_153 : memref<632x64xf32, #tpu.memory_space<vmem_shared>>) target(%dma_start3A_151 : memref<632x64xf32, #tpu.memory_space<hbm>>) target_semaphore(%run_scoped3A : memref<!tpu.dma_semaphore, #tpu.memory_space<semaphore_mem>>)
      %dma_wait3A_154 = arith.constant 0 : i32
      %dma_wait3A_155 = tpu.memref_slice %arg5[%arg0, %mul3A_148, %dma_wait3A_154] : memref<2x10112x64xf32, #tpu.memory_space<hbm>> -> memref<1x632x64xf32, #tpu.memory_space<hbm>>
      %dma_wait3A_156 = tpu.memref_squeeze %dma_wait3A_155 : memref<1x632x64xf32, #tpu.memory_space<hbm>> -> memref<632x64xf32, #tpu.memory_space<hbm>>
      %dma_wait3A_157 = arith.constant 0 : i32
      %dma_wait3A_158 = tpu.memref_slice %arg24[%mul3A_146, %dma_wait3A_157] : memref<10112x64xf32, #tpu.memory_space<vmem_shared>> -> memref<632x64xf32, #tpu.memory_space<vmem_shared>>
      tpu.wait_dma2 semaphore(%run_scoped3A : memref<!tpu.dma_semaphore, #tpu.memory_space<semaphore_mem>>) src(%dma_wait3A_158 : memref<632x64xf32, #tpu.memory_space<vmem_shared>>) dst(%dma_wait3A_156 : memref<632x64xf32, #tpu.memory_space<hbm>>)
      tpu.yield
    }) : () -> ()
    return
  }
}

#map = affine_map<(d0, d1) -> (0, 0)>
#map1 = affine_map<(d0, d1) -> (0, 0, 0)>
module attributes {stable_mosaic.version = 14 : i64} {
  func.func @body(%arg0: i32, %arg1: i32, %arg2: memref<10000x128xf32, #tpu.memory_space<hbm>>, %arg3: memref<32x125x80xi32, #tpu.memory_space<hbm>>, %arg4: memref<32x125x80xi32, #tpu.memory_space<hbm>>, %arg5: memref<2x10000x128xf32, #tpu.memory_space<hbm>>, %arg6: memref<125x80xi32, #tpu.memory_space<vmem>>, %arg7: memref<125x80xi32, #tpu.memory_space<vmem>>, %arg8: memref<80x128xf32, #tpu.memory_space<vmem>>, %arg9: memref<80x128xf32, #tpu.memory_space<vmem>>, %arg10: memref<80x128xf32, #tpu.memory_space<vmem>>, %arg11: memref<!tpu.dma_semaphore, #tpu.memory_space<semaphore_mem>>, %arg12: memref<!tpu.dma_semaphore, #tpu.memory_space<semaphore_mem>>, %arg13: memref<!tpu.dma_semaphore, #tpu.memory_space<semaphore_mem>>, %arg14: memref<!tpu.dma_semaphore, #tpu.memory_space<semaphore_mem>>, %arg15: memref<!tpu.dma_semaphore, #tpu.memory_space<semaphore_mem>>, %arg16: memref<!tpu.dma_semaphore, #tpu.memory_space<semaphore_mem>>, %arg17: memref<!tpu.dma_semaphore, #tpu.memory_space<semaphore_mem>>, %arg18: memref<10000x128xf32, #tpu.memory_space<vmem_shared>>) attributes {dimension_semantics = [#tpu.dimension_semantics<core_parallel>, #tpu.dimension_semantics<subcore_parallel>], iteration_bounds = array<i64: 2, 16>, scalar_prefetch = 0 : i64, scratch_operands = 13 : i64, tpu.core_type = #tpu.core_type<sc_vector_subcore>, window_params = [{transform_indices = #map}, {transform_indices = #map1}, {transform_indices = #map1}, {transform_indices = #map1}]} {
    %mul3A = arith.constant 2 : i32
    %mul3A_0 = arith.muli %arg1, %mul3A : i32
    %add3A = arith.addi %mul3A_0, %arg0 : i32
    %dma_start3A = arith.constant 0 : i32
    %dma_start3A_1 = arith.constant 0 : i32
    %dma_start3A_2 = tpu.memref_slice %arg3[%add3A, %dma_start3A, %dma_start3A_1] : memref<32x125x80xi32, #tpu.memory_space<hbm>> -> memref<1x125x80xi32, #tpu.memory_space<hbm>>
    %dma_start3A_3 = tpu.memref_squeeze %dma_start3A_2 : memref<1x125x80xi32, #tpu.memory_space<hbm>> -> memref<125x80xi32, #tpu.memory_space<hbm>>
    %dma_start3A_4 = arith.constant 0 : i32
    %dma_start3A_5 = arith.constant 0 : i32
    %dma_start3A_6 = tpu.memref_slice %arg3[%add3A, %dma_start3A_4, %dma_start3A_5] : memref<32x125x80xi32, #tpu.memory_space<hbm>> -> memref<1x125x80xi32, #tpu.memory_space<hbm>>
    %dma_start3A_7 = tpu.memref_squeeze %dma_start3A_6 : memref<1x125x80xi32, #tpu.memory_space<hbm>> -> memref<125x80xi32, #tpu.memory_space<hbm>>
    tpu.enqueue_dma source(%dma_start3A_7 : memref<125x80xi32, #tpu.memory_space<hbm>>) target(%arg6 : memref<125x80xi32, #tpu.memory_space<vmem>>) target_semaphore(%arg17 : memref<!tpu.dma_semaphore, #tpu.memory_space<semaphore_mem>>)
    %dma_start3A_8 = arith.constant 0 : i32
    %dma_start3A_9 = arith.constant 0 : i32
    %dma_start3A_10 = tpu.memref_slice %arg4[%add3A, %dma_start3A_8, %dma_start3A_9] : memref<32x125x80xi32, #tpu.memory_space<hbm>> -> memref<1x125x80xi32, #tpu.memory_space<hbm>>
    %dma_start3A_11 = tpu.memref_squeeze %dma_start3A_10 : memref<1x125x80xi32, #tpu.memory_space<hbm>> -> memref<125x80xi32, #tpu.memory_space<hbm>>
    %dma_start3A_12 = arith.constant 0 : i32
    %dma_start3A_13 = arith.constant 0 : i32
    %dma_start3A_14 = tpu.memref_slice %arg4[%add3A, %dma_start3A_12, %dma_start3A_13] : memref<32x125x80xi32, #tpu.memory_space<hbm>> -> memref<1x125x80xi32, #tpu.memory_space<hbm>>
    %dma_start3A_15 = tpu.memref_squeeze %dma_start3A_14 : memref<1x125x80xi32, #tpu.memory_space<hbm>> -> memref<125x80xi32, #tpu.memory_space<hbm>>
    tpu.enqueue_dma source(%dma_start3A_15 : memref<125x80xi32, #tpu.memory_space<hbm>>) target(%arg7 : memref<125x80xi32, #tpu.memory_space<vmem>>) target_semaphore(%arg17 : memref<!tpu.dma_semaphore, #tpu.memory_space<semaphore_mem>>)
    %scan3A = arith.constant 0 : i32
    %scan3A_16 = arith.constant 0 : i32
    %scan3A_17 = arith.constant 640 : i32
    %scan3A_18 = arith.addi %scan3A_16, %scan3A_17 : i32
    %scan3A_19 = arith.constant 1 : i32
    scf.for %scan3A_217 = %scan3A_16 to %scan3A_18 step %scan3A_19  : i32 {
      %jit3A = arith.constant 8 : i32
      %div3A = arith.divsi %scan3A_217, %jit3A : i32
      %sign3A = arith.constant 0 : i32
      %sign3A_218 = arith.cmpi sgt, %scan3A_217, %sign3A : i32
      %sign3A_219 = arith.extui %sign3A_218 : i1 to i32
      %sign3A_220 = arith.constant 0 : i32
      %sign3A_221 = arith.cmpi slt, %scan3A_217, %sign3A_220 : i32
      %sign3A_222 = arith.extui %sign3A_221 : i1 to i32
      %sign3A_223 = arith.subi %sign3A_219, %sign3A_222 : i32
      %sign3A_224 = arith.constant 0 : i32
      %sign3A_225 = arith.cmpi sgt, %jit3A, %sign3A_224 : i32
      %sign3A_226 = arith.extui %sign3A_225 : i1 to i32
      %sign3A_227 = arith.constant 0 : i32
      %sign3A_228 = arith.cmpi slt, %jit3A, %sign3A_227 : i32
      %sign3A_229 = arith.extui %sign3A_228 : i1 to i32
      %sign3A_230 = arith.subi %sign3A_226, %sign3A_229 : i32
      %ne3A = arith.cmpi ne, %sign3A_223, %sign3A_230 : i32
      %rem3A = arith.remsi %scan3A_217, %jit3A : i32
      %ne3A_231 = arith.constant 0 : i32
      %ne3A_232 = arith.cmpi ne, %rem3A, %ne3A_231 : i32
      %and3A = arith.andi %ne3A, %ne3A_232 : i1
      %sub3A = arith.constant 1 : i32
      %sub3A_233 = arith.subi %div3A, %sub3A : i32
      %select_n3A = arith.select %and3A, %sub3A_233, %div3A : i32
      %jit3A_234 = arith.constant 8 : i32
      %eq3A = arith.constant 0 : i32
      %eq3A_235 = arith.cmpi eq, %jit3A_234, %eq3A : i32
      %jit3A_236 = arith.constant 1 : i32
      %select_n3A_237 = arith.select %eq3A_235, %jit3A_236, %jit3A_234 : i32
      %rem3A_238 = arith.remsi %scan3A_217, %select_n3A_237 : i32
      %ne3A_239 = arith.constant 0 : i32
      %ne3A_240 = arith.cmpi ne, %rem3A_238, %ne3A_239 : i32
      %lt3A = arith.constant 0 : i32
      %lt3A_241 = arith.cmpi slt, %rem3A_238, %lt3A : i32
      %lt3A_242 = arith.constant 0 : i32
      %lt3A_243 = arith.cmpi slt, %select_n3A_237, %lt3A_242 : i32
      %ne3A_244 = arith.xori %lt3A_241, %lt3A_243 : i1
      %and3A_245 = arith.andi %ne3A_244, %ne3A_240 : i1
      %add3A_246 = arith.addi %rem3A_238, %select_n3A_237 : i32
      %select_n3A_247 = arith.select %and3A_245, %add3A_246, %rem3A_238 : i32
      %broadcast_in_dim3A = arith.constant 0.000000e+00 : f32
      %broadcast_in_dim3A_248 = vector.broadcast %broadcast_in_dim3A : f32 to vector<16xf32>
      %mul3A_249 = arith.constant 16 : i32
      %mul3A_250 = arith.muli %select_n3A_247, %mul3A_249 : i32
      %swap3A = arith.index_cast %select_n3A : i32 to index
      %swap3A_251 = arith.index_cast %mul3A_250 : i32 to index
      %swap3A_252 = tpu.vector_load %arg8[%swap3A, %swap3A_251] {strides = array<i32>} : memref<80x128xf32, #tpu.memory_space<vmem>>, vector<1x16xf32>,
      %swap3A_253 = vector.shape_cast %swap3A_252 : vector<1x16xf32> to vector<16xf32>
      %swap3A_254 = vector.shape_cast %broadcast_in_dim3A_248 : vector<16xf32> to vector<1x16xf32>
      tpu.vector_store %arg8[%swap3A, %swap3A_251], %swap3A_254 {strides = array<i32>} : memref<80x128xf32, #tpu.memory_space<vmem>>, vector<1x16xf32>,
    }
    %scan3A_20 = arith.constant 640 : i32
    %mul3A_21 = arith.constant 625 : i32
    %mul3A_22 = arith.muli %arg1, %mul3A_21 : i32
    %add3A_23 = arith.constant 0 : i32
    %add3A_24 = arith.addi %mul3A_22, %add3A_23 : i32
    "tpu.region"() ({
      %run_scoped3A = tpu.sem_alloc : memref<!tpu.dma_semaphore, #tpu.memory_space<semaphore_mem>>
      %dma_start3A_217 = arith.constant 0 : i32
      %dma_start3A_218 = arith.constant 0 : i32
      %dma_start3A_219 = tpu.memref_slice %arg8[%dma_start3A_217, %dma_start3A_218] : memref<80x128xf32, #tpu.memory_space<vmem>> -> memref<25x128xf32, #tpu.memory_space<vmem>>
      %dma_start3A_220 = arith.constant 0 : i32
      %dma_start3A_221 = tpu.memref_slice %arg18[%add3A_24, %dma_start3A_220] : memref<10000x128xf32, #tpu.memory_space<vmem_shared>> -> memref<25x128xf32, #tpu.memory_space<vmem_shared>>
      %dma_start3A_222 = arith.constant 0 : i32
      %dma_start3A_223 = tpu.memref_slice %arg18[%add3A_24, %dma_start3A_222] : memref<10000x128xf32, #tpu.memory_space<vmem_shared>> -> memref<25x128xf32, #tpu.memory_space<vmem_shared>>
      %dma_start3A_224 = arith.constant 0 : i32
      %dma_start3A_225 = arith.constant 0 : i32
      %dma_start3A_226 = tpu.memref_slice %arg8[%dma_start3A_224, %dma_start3A_225] : memref<80x128xf32, #tpu.memory_space<vmem>> -> memref<25x128xf32, #tpu.memory_space<vmem>>
      tpu.enqueue_dma source(%dma_start3A_226 : memref<25x128xf32, #tpu.memory_space<vmem>>) target(%dma_start3A_223 : memref<25x128xf32, #tpu.memory_space<vmem_shared>>) target_semaphore(%run_scoped3A : memref<!tpu.dma_semaphore, #tpu.memory_space<semaphore_mem>>)
      %dma_wait3A_227 = arith.constant 0 : i32
      %dma_wait3A_228 = arith.constant 0 : i32
      %dma_wait3A_229 = tpu.memref_slice %arg8[%dma_wait3A_227, %dma_wait3A_228] : memref<80x128xf32, #tpu.memory_space<vmem>> -> memref<25x128xf32, #tpu.memory_space<vmem>>
      %dma_wait3A_230 = arith.constant 0 : i32
      %dma_wait3A_231 = tpu.memref_slice %arg18[%add3A_24, %dma_wait3A_230] : memref<10000x128xf32, #tpu.memory_space<vmem_shared>> -> memref<25x128xf32, #tpu.memory_space<vmem_shared>>
      %dma_wait3A_232 = arith.constant 0 : i32
      %dma_wait3A_233 = tpu.memref_slice %arg18[%add3A_24, %dma_wait3A_232] : memref<10000x128xf32, #tpu.memory_space<vmem_shared>> -> memref<25x128xf32, #tpu.memory_space<vmem_shared>>
      %dma_wait3A_234 = arith.constant 0 : i32
      %dma_wait3A_235 = arith.constant 0 : i32
      %dma_wait3A_236 = tpu.memref_slice %arg8[%dma_wait3A_234, %dma_wait3A_235] : memref<80x128xf32, #tpu.memory_space<vmem>> -> memref<25x128xf32, #tpu.memory_space<vmem>>
      tpu.wait_dma2 semaphore(%run_scoped3A : memref<!tpu.dma_semaphore, #tpu.memory_space<semaphore_mem>>) src(%dma_wait3A_236 : memref<25x128xf32, #tpu.memory_space<vmem>>) dst(%dma_wait3A_233 : memref<25x128xf32, #tpu.memory_space<vmem_shared>>)
      tpu.yield
    }) : () -> ()
    %mul3A_25 = arith.constant 625 : i32
    %mul3A_26 = arith.muli %arg1, %mul3A_25 : i32
    %add3A_27 = arith.constant 25 : i32
    %add3A_28 = arith.addi %mul3A_26, %add3A_27 : i32
    "tpu.region"() ({
      %run_scoped3A = tpu.sem_alloc : memref<!tpu.dma_semaphore, #tpu.memory_space<semaphore_mem>>
      %dma_start3A_217 = arith.constant 0 : i32
      %dma_start3A_218 = arith.constant 0 : i32
      %dma_start3A_219 = tpu.memref_slice %arg8[%dma_start3A_217, %dma_start3A_218] : memref<80x128xf32, #tpu.memory_space<vmem>> -> memref<25x128xf32, #tpu.memory_space<vmem>>
      %dma_start3A_220 = arith.constant 0 : i32
      %dma_start3A_221 = tpu.memref_slice %arg18[%add3A_28, %dma_start3A_220] : memref<10000x128xf32, #tpu.memory_space<vmem_shared>> -> memref<25x128xf32, #tpu.memory_space<vmem_shared>>
      %dma_start3A_222 = arith.constant 0 : i32
      %dma_start3A_223 = tpu.memref_slice %arg18[%add3A_28, %dma_start3A_222] : memref<10000x128xf32, #tpu.memory_space<vmem_shared>> -> memref<25x128xf32, #tpu.memory_space<vmem_shared>>
      %dma_start3A_224 = arith.constant 0 : i32
      %dma_start3A_225 = arith.constant 0 : i32
      %dma_start3A_226 = tpu.memref_slice %arg8[%dma_start3A_224, %dma_start3A_225] : memref<80x128xf32, #tpu.memory_space<vmem>> -> memref<25x128xf32, #tpu.memory_space<vmem>>
      tpu.enqueue_dma source(%dma_start3A_226 : memref<25x128xf32, #tpu.memory_space<vmem>>) target(%dma_start3A_223 : memref<25x128xf32, #tpu.memory_space<vmem_shared>>) target_semaphore(%run_scoped3A : memref<!tpu.dma_semaphore, #tpu.memory_space<semaphore_mem>>)
      %dma_wait3A_227 = arith.constant 0 : i32
      %dma_wait3A_228 = arith.constant 0 : i32
      %dma_wait3A_229 = tpu.memref_slice %arg8[%dma_wait3A_227, %dma_wait3A_228] : memref<80x128xf32, #tpu.memory_space<vmem>> -> memref<25x128xf32, #tpu.memory_space<vmem>>
      %dma_wait3A_230 = arith.constant 0 : i32
      %dma_wait3A_231 = tpu.memref_slice %arg18[%add3A_28, %dma_wait3A_230] : memref<10000x128xf32, #tpu.memory_space<vmem_shared>> -> memref<25x128xf32, #tpu.memory_space<vmem_shared>>
      %dma_wait3A_232 = arith.constant 0 : i32
      %dma_wait3A_233 = tpu.memref_slice %arg18[%add3A_28, %dma_wait3A_232] : memref<10000x128xf32, #tpu.memory_space<vmem_shared>> -> memref<25x128xf32, #tpu.memory_space<vmem_shared>>
      %dma_wait3A_234 = arith.constant 0 : i32
      %dma_wait3A_235 = arith.constant 0 : i32
      %dma_wait3A_236 = tpu.memref_slice %arg8[%dma_wait3A_234, %dma_wait3A_235] : memref<80x128xf32, #tpu.memory_space<vmem>> -> memref<25x128xf32, #tpu.memory_space<vmem>>
      tpu.wait_dma2 semaphore(%run_scoped3A : memref<!tpu.dma_semaphore, #tpu.memory_space<semaphore_mem>>) src(%dma_wait3A_236 : memref<25x128xf32, #tpu.memory_space<vmem>>) dst(%dma_wait3A_233 : memref<25x128xf32, #tpu.memory_space<vmem_shared>>)
      tpu.yield
    }) : () -> ()
    %mul3A_29 = arith.constant 625 : i32
    %mul3A_30 = arith.muli %arg1, %mul3A_29 : i32
    %add3A_31 = arith.constant 50 : i32
    %add3A_32 = arith.addi %mul3A_30, %add3A_31 : i32
    "tpu.region"() ({
      %run_scoped3A = tpu.sem_alloc : memref<!tpu.dma_semaphore, #tpu.memory_space<semaphore_mem>>
      %dma_start3A_217 = arith.constant 0 : i32
      %dma_start3A_218 = arith.constant 0 : i32
      %dma_start3A_219 = tpu.memref_slice %arg8[%dma_start3A_217, %dma_start3A_218] : memref<80x128xf32, #tpu.memory_space<vmem>> -> memref<25x128xf32, #tpu.memory_space<vmem>>
      %dma_start3A_220 = arith.constant 0 : i32
      %dma_start3A_221 = tpu.memref_slice %arg18[%add3A_32, %dma_start3A_220] : memref<10000x128xf32, #tpu.memory_space<vmem_shared>> -> memref<25x128xf32, #tpu.memory_space<vmem_shared>>
      %dma_start3A_222 = arith.constant 0 : i32
      %dma_start3A_223 = tpu.memref_slice %arg18[%add3A_32, %dma_start3A_222] : memref<10000x128xf32, #tpu.memory_space<vmem_shared>> -> memref<25x128xf32, #tpu.memory_space<vmem_shared>>
      %dma_start3A_224 = arith.constant 0 : i32
      %dma_start3A_225 = arith.constant 0 : i32
      %dma_start3A_226 = tpu.memref_slice %arg8[%dma_start3A_224, %dma_start3A_225] : memref<80x128xf32, #tpu.memory_space<vmem>> -> memref<25x128xf32, #tpu.memory_space<vmem>>
      tpu.enqueue_dma source(%dma_start3A_226 : memref<25x128xf32, #tpu.memory_space<vmem>>) target(%dma_start3A_223 : memref<25x128xf32, #tpu.memory_space<vmem_shared>>) target_semaphore(%run_scoped3A : memref<!tpu.dma_semaphore, #tpu.memory_space<semaphore_mem>>)
      %dma_wait3A_227 = arith.constant 0 : i32
      %dma_wait3A_228 = arith.constant 0 : i32
      %dma_wait3A_229 = tpu.memref_slice %arg8[%dma_wait3A_227, %dma_wait3A_228] : memref<80x128xf32, #tpu.memory_space<vmem>> -> memref<25x128xf32, #tpu.memory_space<vmem>>
      %dma_wait3A_230 = arith.constant 0 : i32
      %dma_wait3A_231 = tpu.memref_slice %arg18[%add3A_32, %dma_wait3A_230] : memref<10000x128xf32, #tpu.memory_space<vmem_shared>> -> memref<25x128xf32, #tpu.memory_space<vmem_shared>>
      %dma_wait3A_232 = arith.constant 0 : i32
      %dma_wait3A_233 = tpu.memref_slice %arg18[%add3A_32, %dma_wait3A_232] : memref<10000x128xf32, #tpu.memory_space<vmem_shared>> -> memref<25x128xf32, #tpu.memory_space<vmem_shared>>
      %dma_wait3A_234 = arith.constant 0 : i32
      %dma_wait3A_235 = arith.constant 0 : i32
      %dma_wait3A_236 = tpu.memref_slice %arg8[%dma_wait3A_234, %dma_wait3A_235] : memref<80x128xf32, #tpu.memory_space<vmem>> -> memref<25x128xf32, #tpu.memory_space<vmem>>
      tpu.wait_dma2 semaphore(%run_scoped3A : memref<!tpu.dma_semaphore, #tpu.memory_space<semaphore_mem>>) src(%dma_wait3A_236 : memref<25x128xf32, #tpu.memory_space<vmem>>) dst(%dma_wait3A_233 : memref<25x128xf32, #tpu.memory_space<vmem_shared>>)
      tpu.yield
    }) : () -> ()
    %mul3A_33 = arith.constant 625 : i32
    %mul3A_34 = arith.muli %arg1, %mul3A_33 : i32
    %add3A_35 = arith.constant 75 : i32
    %add3A_36 = arith.addi %mul3A_34, %add3A_35 : i32
    "tpu.region"() ({
      %run_scoped3A = tpu.sem_alloc : memref<!tpu.dma_semaphore, #tpu.memory_space<semaphore_mem>>
      %dma_start3A_217 = arith.constant 0 : i32
      %dma_start3A_218 = arith.constant 0 : i32
      %dma_start3A_219 = tpu.memref_slice %arg8[%dma_start3A_217, %dma_start3A_218] : memref<80x128xf32, #tpu.memory_space<vmem>> -> memref<25x128xf32, #tpu.memory_space<vmem>>
      %dma_start3A_220 = arith.constant 0 : i32
      %dma_start3A_221 = tpu.memref_slice %arg18[%add3A_36, %dma_start3A_220] : memref<10000x128xf32, #tpu.memory_space<vmem_shared>> -> memref<25x128xf32, #tpu.memory_space<vmem_shared>>
      %dma_start3A_222 = arith.constant 0 : i32
      %dma_start3A_223 = tpu.memref_slice %arg18[%add3A_36, %dma_start3A_222] : memref<10000x128xf32, #tpu.memory_space<vmem_shared>> -> memref<25x128xf32, #tpu.memory_space<vmem_shared>>
      %dma_start3A_224 = arith.constant 0 : i32
      %dma_start3A_225 = arith.constant 0 : i32
      %dma_start3A_226 = tpu.memref_slice %arg8[%dma_start3A_224, %dma_start3A_225] : memref<80x128xf32, #tpu.memory_space<vmem>> -> memref<25x128xf32, #tpu.memory_space<vmem>>
      tpu.enqueue_dma source(%dma_start3A_226 : memref<25x128xf32, #tpu.memory_space<vmem>>) target(%dma_start3A_223 : memref<25x128xf32, #tpu.memory_space<vmem_shared>>) target_semaphore(%run_scoped3A : memref<!tpu.dma_semaphore, #tpu.memory_space<semaphore_mem>>)
      %dma_wait3A_227 = arith.constant 0 : i32
      %dma_wait3A_228 = arith.constant 0 : i32
      %dma_wait3A_229 = tpu.memref_slice %arg8[%dma_wait3A_227, %dma_wait3A_228] : memref<80x128xf32, #tpu.memory_space<vmem>> -> memref<25x128xf32, #tpu.memory_space<vmem>>
      %dma_wait3A_230 = arith.constant 0 : i32
      %dma_wait3A_231 = tpu.memref_slice %arg18[%add3A_36, %dma_wait3A_230] : memref<10000x128xf32, #tpu.memory_space<vmem_shared>> -> memref<25x128xf32, #tpu.memory_space<vmem_shared>>
      %dma_wait3A_232 = arith.constant 0 : i32
      %dma_wait3A_233 = tpu.memref_slice %arg18[%add3A_36, %dma_wait3A_232] : memref<10000x128xf32, #tpu.memory_space<vmem_shared>> -> memref<25x128xf32, #tpu.memory_space<vmem_shared>>
      %dma_wait3A_234 = arith.constant 0 : i32
      %dma_wait3A_235 = arith.constant 0 : i32
      %dma_wait3A_236 = tpu.memref_slice %arg8[%dma_wait3A_234, %dma_wait3A_235] : memref<80x128xf32, #tpu.memory_space<vmem>> -> memref<25x128xf32, #tpu.memory_space<vmem>>
      tpu.wait_dma2 semaphore(%run_scoped3A : memref<!tpu.dma_semaphore, #tpu.memory_space<semaphore_mem>>) src(%dma_wait3A_236 : memref<25x128xf32, #tpu.memory_space<vmem>>) dst(%dma_wait3A_233 : memref<25x128xf32, #tpu.memory_space<vmem_shared>>)
      tpu.yield
    }) : () -> ()
    %mul3A_37 = arith.constant 625 : i32
    %mul3A_38 = arith.muli %arg1, %mul3A_37 : i32
    %add3A_39 = arith.constant 100 : i32
    %add3A_40 = arith.addi %mul3A_38, %add3A_39 : i32
    "tpu.region"() ({
      %run_scoped3A = tpu.sem_alloc : memref<!tpu.dma_semaphore, #tpu.memory_space<semaphore_mem>>
      %dma_start3A_217 = arith.constant 0 : i32
      %dma_start3A_218 = arith.constant 0 : i32
      %dma_start3A_219 = tpu.memref_slice %arg8[%dma_start3A_217, %dma_start3A_218] : memref<80x128xf32, #tpu.memory_space<vmem>> -> memref<25x128xf32, #tpu.memory_space<vmem>>
      %dma_start3A_220 = arith.constant 0 : i32
      %dma_start3A_221 = tpu.memref_slice %arg18[%add3A_40, %dma_start3A_220] : memref<10000x128xf32, #tpu.memory_space<vmem_shared>> -> memref<25x128xf32, #tpu.memory_space<vmem_shared>>
      %dma_start3A_222 = arith.constant 0 : i32
      %dma_start3A_223 = tpu.memref_slice %arg18[%add3A_40, %dma_start3A_222] : memref<10000x128xf32, #tpu.memory_space<vmem_shared>> -> memref<25x128xf32, #tpu.memory_space<vmem_shared>>
      %dma_start3A_224 = arith.constant 0 : i32
      %dma_start3A_225 = arith.constant 0 : i32
      %dma_start3A_226 = tpu.memref_slice %arg8[%dma_start3A_224, %dma_start3A_225] : memref<80x128xf32, #tpu.memory_space<vmem>> -> memref<25x128xf32, #tpu.memory_space<vmem>>
      tpu.enqueue_dma source(%dma_start3A_226 : memref<25x128xf32, #tpu.memory_space<vmem>>) target(%dma_start3A_223 : memref<25x128xf32, #tpu.memory_space<vmem_shared>>) target_semaphore(%run_scoped3A : memref<!tpu.dma_semaphore, #tpu.memory_space<semaphore_mem>>)
      %dma_wait3A_227 = arith.constant 0 : i32
      %dma_wait3A_228 = arith.constant 0 : i32
      %dma_wait3A_229 = tpu.memref_slice %arg8[%dma_wait3A_227, %dma_wait3A_228] : memref<80x128xf32, #tpu.memory_space<vmem>> -> memref<25x128xf32, #tpu.memory_space<vmem>>
      %dma_wait3A_230 = arith.constant 0 : i32
      %dma_wait3A_231 = tpu.memref_slice %arg18[%add3A_40, %dma_wait3A_230] : memref<10000x128xf32, #tpu.memory_space<vmem_shared>> -> memref<25x128xf32, #tpu.memory_space<vmem_shared>>
      %dma_wait3A_232 = arith.constant 0 : i32
      %dma_wait3A_233 = tpu.memref_slice %arg18[%add3A_40, %dma_wait3A_232] : memref<10000x128xf32, #tpu.memory_space<vmem_shared>> -> memref<25x128xf32, #tpu.memory_space<vmem_shared>>
      %dma_wait3A_234 = arith.constant 0 : i32
      %dma_wait3A_235 = arith.constant 0 : i32
      %dma_wait3A_236 = tpu.memref_slice %arg8[%dma_wait3A_234, %dma_wait3A_235] : memref<80x128xf32, #tpu.memory_space<vmem>> -> memref<25x128xf32, #tpu.memory_space<vmem>>
      tpu.wait_dma2 semaphore(%run_scoped3A : memref<!tpu.dma_semaphore, #tpu.memory_space<semaphore_mem>>) src(%dma_wait3A_236 : memref<25x128xf32, #tpu.memory_space<vmem>>) dst(%dma_wait3A_233 : memref<25x128xf32, #tpu.memory_space<vmem_shared>>)
      tpu.yield
    }) : () -> ()
    %mul3A_41 = arith.constant 625 : i32
    %mul3A_42 = arith.muli %arg1, %mul3A_41 : i32
    %add3A_43 = arith.constant 125 : i32
    %add3A_44 = arith.addi %mul3A_42, %add3A_43 : i32
    "tpu.region"() ({
      %run_scoped3A = tpu.sem_alloc : memref<!tpu.dma_semaphore, #tpu.memory_space<semaphore_mem>>
      %dma_start3A_217 = arith.constant 0 : i32
      %dma_start3A_218 = arith.constant 0 : i32
      %dma_start3A_219 = tpu.memref_slice %arg8[%dma_start3A_217, %dma_start3A_218] : memref<80x128xf32, #tpu.memory_space<vmem>> -> memref<25x128xf32, #tpu.memory_space<vmem>>
      %dma_start3A_220 = arith.constant 0 : i32
      %dma_start3A_221 = tpu.memref_slice %arg18[%add3A_44, %dma_start3A_220] : memref<10000x128xf32, #tpu.memory_space<vmem_shared>> -> memref<25x128xf32, #tpu.memory_space<vmem_shared>>
      %dma_start3A_222 = arith.constant 0 : i32
      %dma_start3A_223 = tpu.memref_slice %arg18[%add3A_44, %dma_start3A_222] : memref<10000x128xf32, #tpu.memory_space<vmem_shared>> -> memref<25x128xf32, #tpu.memory_space<vmem_shared>>
      %dma_start3A_224 = arith.constant 0 : i32
      %dma_start3A_225 = arith.constant 0 : i32
      %dma_start3A_226 = tpu.memref_slice %arg8[%dma_start3A_224, %dma_start3A_225] : memref<80x128xf32, #tpu.memory_space<vmem>> -> memref<25x128xf32, #tpu.memory_space<vmem>>
      tpu.enqueue_dma source(%dma_start3A_226 : memref<25x128xf32, #tpu.memory_space<vmem>>) target(%dma_start3A_223 : memref<25x128xf32, #tpu.memory_space<vmem_shared>>) target_semaphore(%run_scoped3A : memref<!tpu.dma_semaphore, #tpu.memory_space<semaphore_mem>>)
      %dma_wait3A_227 = arith.constant 0 : i32
      %dma_wait3A_228 = arith.constant 0 : i32
      %dma_wait3A_229 = tpu.memref_slice %arg8[%dma_wait3A_227, %dma_wait3A_228] : memref<80x128xf32, #tpu.memory_space<vmem>> -> memref<25x128xf32, #tpu.memory_space<vmem>>
      %dma_wait3A_230 = arith.constant 0 : i32
      %dma_wait3A_231 = tpu.memref_slice %arg18[%add3A_44, %dma_wait3A_230] : memref<10000x128xf32, #tpu.memory_space<vmem_shared>> -> memref<25x128xf32, #tpu.memory_space<vmem_shared>>
      %dma_wait3A_232 = arith.constant 0 : i32
      %dma_wait3A_233 = tpu.memref_slice %arg18[%add3A_44, %dma_wait3A_232] : memref<10000x128xf32, #tpu.memory_space<vmem_shared>> -> memref<25x128xf32, #tpu.memory_space<vmem_shared>>
      %dma_wait3A_234 = arith.constant 0 : i32
      %dma_wait3A_235 = arith.constant 0 : i32
      %dma_wait3A_236 = tpu.memref_slice %arg8[%dma_wait3A_234, %dma_wait3A_235] : memref<80x128xf32, #tpu.memory_space<vmem>> -> memref<25x128xf32, #tpu.memory_space<vmem>>
      tpu.wait_dma2 semaphore(%run_scoped3A : memref<!tpu.dma_semaphore, #tpu.memory_space<semaphore_mem>>) src(%dma_wait3A_236 : memref<25x128xf32, #tpu.memory_space<vmem>>) dst(%dma_wait3A_233 : memref<25x128xf32, #tpu.memory_space<vmem_shared>>)
      tpu.yield
    }) : () -> ()
    %mul3A_45 = arith.constant 625 : i32
    %mul3A_46 = arith.muli %arg1, %mul3A_45 : i32
    %add3A_47 = arith.constant 150 : i32
    %add3A_48 = arith.addi %mul3A_46, %add3A_47 : i32
    "tpu.region"() ({
      %run_scoped3A = tpu.sem_alloc : memref<!tpu.dma_semaphore, #tpu.memory_space<semaphore_mem>>
      %dma_start3A_217 = arith.constant 0 : i32
      %dma_start3A_218 = arith.constant 0 : i32
      %dma_start3A_219 = tpu.memref_slice %arg8[%dma_start3A_217, %dma_start3A_218] : memref<80x128xf32, #tpu.memory_space<vmem>> -> memref<25x128xf32, #tpu.memory_space<vmem>>
      %dma_start3A_220 = arith.constant 0 : i32
      %dma_start3A_221 = tpu.memref_slice %arg18[%add3A_48, %dma_start3A_220] : memref<10000x128xf32, #tpu.memory_space<vmem_shared>> -> memref<25x128xf32, #tpu.memory_space<vmem_shared>>
      %dma_start3A_222 = arith.constant 0 : i32
      %dma_start3A_223 = tpu.memref_slice %arg18[%add3A_48, %dma_start3A_222] : memref<10000x128xf32, #tpu.memory_space<vmem_shared>> -> memref<25x128xf32, #tpu.memory_space<vmem_shared>>
      %dma_start3A_224 = arith.constant 0 : i32
      %dma_start3A_225 = arith.constant 0 : i32
      %dma_start3A_226 = tpu.memref_slice %arg8[%dma_start3A_224, %dma_start3A_225] : memref<80x128xf32, #tpu.memory_space<vmem>> -> memref<25x128xf32, #tpu.memory_space<vmem>>
      tpu.enqueue_dma source(%dma_start3A_226 : memref<25x128xf32, #tpu.memory_space<vmem>>) target(%dma_start3A_223 : memref<25x128xf32, #tpu.memory_space<vmem_shared>>) target_semaphore(%run_scoped3A : memref<!tpu.dma_semaphore, #tpu.memory_space<semaphore_mem>>)
      %dma_wait3A_227 = arith.constant 0 : i32
      %dma_wait3A_228 = arith.constant 0 : i32
      %dma_wait3A_229 = tpu.memref_slice %arg8[%dma_wait3A_227, %dma_wait3A_228] : memref<80x128xf32, #tpu.memory_space<vmem>> -> memref<25x128xf32, #tpu.memory_space<vmem>>
      %dma_wait3A_230 = arith.constant 0 : i32
      %dma_wait3A_231 = tpu.memref_slice %arg18[%add3A_48, %dma_wait3A_230] : memref<10000x128xf32, #tpu.memory_space<vmem_shared>> -> memref<25x128xf32, #tpu.memory_space<vmem_shared>>
      %dma_wait3A_232 = arith.constant 0 : i32
      %dma_wait3A_233 = tpu.memref_slice %arg18[%add3A_48, %dma_wait3A_232] : memref<10000x128xf32, #tpu.memory_space<vmem_shared>> -> memref<25x128xf32, #tpu.memory_space<vmem_shared>>
      %dma_wait3A_234 = arith.constant 0 : i32
      %dma_wait3A_235 = arith.constant 0 : i32
      %dma_wait3A_236 = tpu.memref_slice %arg8[%dma_wait3A_234, %dma_wait3A_235] : memref<80x128xf32, #tpu.memory_space<vmem>> -> memref<25x128xf32, #tpu.memory_space<vmem>>
      tpu.wait_dma2 semaphore(%run_scoped3A : memref<!tpu.dma_semaphore, #tpu.memory_space<semaphore_mem>>) src(%dma_wait3A_236 : memref<25x128xf32, #tpu.memory_space<vmem>>) dst(%dma_wait3A_233 : memref<25x128xf32, #tpu.memory_space<vmem_shared>>)
      tpu.yield
    }) : () -> ()
    %mul3A_49 = arith.constant 625 : i32
    %mul3A_50 = arith.muli %arg1, %mul3A_49 : i32
    %add3A_51 = arith.constant 175 : i32
    %add3A_52 = arith.addi %mul3A_50, %add3A_51 : i32
    "tpu.region"() ({
      %run_scoped3A = tpu.sem_alloc : memref<!tpu.dma_semaphore, #tpu.memory_space<semaphore_mem>>
      %dma_start3A_217 = arith.constant 0 : i32
      %dma_start3A_218 = arith.constant 0 : i32
      %dma_start3A_219 = tpu.memref_slice %arg8[%dma_start3A_217, %dma_start3A_218] : memref<80x128xf32, #tpu.memory_space<vmem>> -> memref<25x128xf32, #tpu.memory_space<vmem>>
      %dma_start3A_220 = arith.constant 0 : i32
      %dma_start3A_221 = tpu.memref_slice %arg18[%add3A_52, %dma_start3A_220] : memref<10000x128xf32, #tpu.memory_space<vmem_shared>> -> memref<25x128xf32, #tpu.memory_space<vmem_shared>>
      %dma_start3A_222 = arith.constant 0 : i32
      %dma_start3A_223 = tpu.memref_slice %arg18[%add3A_52, %dma_start3A_222] : memref<10000x128xf32, #tpu.memory_space<vmem_shared>> -> memref<25x128xf32, #tpu.memory_space<vmem_shared>>
      %dma_start3A_224 = arith.constant 0 : i32
      %dma_start3A_225 = arith.constant 0 : i32
      %dma_start3A_226 = tpu.memref_slice %arg8[%dma_start3A_224, %dma_start3A_225] : memref<80x128xf32, #tpu.memory_space<vmem>> -> memref<25x128xf32, #tpu.memory_space<vmem>>
      tpu.enqueue_dma source(%dma_start3A_226 : memref<25x128xf32, #tpu.memory_space<vmem>>) target(%dma_start3A_223 : memref<25x128xf32, #tpu.memory_space<vmem_shared>>) target_semaphore(%run_scoped3A : memref<!tpu.dma_semaphore, #tpu.memory_space<semaphore_mem>>)
      %dma_wait3A_227 = arith.constant 0 : i32
      %dma_wait3A_228 = arith.constant 0 : i32
      %dma_wait3A_229 = tpu.memref_slice %arg8[%dma_wait3A_227, %dma_wait3A_228] : memref<80x128xf32, #tpu.memory_space<vmem>> -> memref<25x128xf32, #tpu.memory_space<vmem>>
      %dma_wait3A_230 = arith.constant 0 : i32
      %dma_wait3A_231 = tpu.memref_slice %arg18[%add3A_52, %dma_wait3A_230] : memref<10000x128xf32, #tpu.memory_space<vmem_shared>> -> memref<25x128xf32, #tpu.memory_space<vmem_shared>>
      %dma_wait3A_232 = arith.constant 0 : i32
      %dma_wait3A_233 = tpu.memref_slice %arg18[%add3A_52, %dma_wait3A_232] : memref<10000x128xf32, #tpu.memory_space<vmem_shared>> -> memref<25x128xf32, #tpu.memory_space<vmem_shared>>
      %dma_wait3A_234 = arith.constant 0 : i32
      %dma_wait3A_235 = arith.constant 0 : i32
      %dma_wait3A_236 = tpu.memref_slice %arg8[%dma_wait3A_234, %dma_wait3A_235] : memref<80x128xf32, #tpu.memory_space<vmem>> -> memref<25x128xf32, #tpu.memory_space<vmem>>
      tpu.wait_dma2 semaphore(%run_scoped3A : memref<!tpu.dma_semaphore, #tpu.memory_space<semaphore_mem>>) src(%dma_wait3A_236 : memref<25x128xf32, #tpu.memory_space<vmem>>) dst(%dma_wait3A_233 : memref<25x128xf32, #tpu.memory_space<vmem_shared>>)
      tpu.yield
    }) : () -> ()
    %mul3A_53 = arith.constant 625 : i32
    %mul3A_54 = arith.muli %arg1, %mul3A_53 : i32
    %add3A_55 = arith.constant 200 : i32
    %add3A_56 = arith.addi %mul3A_54, %add3A_55 : i32
    "tpu.region"() ({
      %run_scoped3A = tpu.sem_alloc : memref<!tpu.dma_semaphore, #tpu.memory_space<semaphore_mem>>
      %dma_start3A_217 = arith.constant 0 : i32
      %dma_start3A_218 = arith.constant 0 : i32
      %dma_start3A_219 = tpu.memref_slice %arg8[%dma_start3A_217, %dma_start3A_218] : memref<80x128xf32, #tpu.memory_space<vmem>> -> memref<25x128xf32, #tpu.memory_space<vmem>>
      %dma_start3A_220 = arith.constant 0 : i32
      %dma_start3A_221 = tpu.memref_slice %arg18[%add3A_56, %dma_start3A_220] : memref<10000x128xf32, #tpu.memory_space<vmem_shared>> -> memref<25x128xf32, #tpu.memory_space<vmem_shared>>
      %dma_start3A_222 = arith.constant 0 : i32
      %dma_start3A_223 = tpu.memref_slice %arg18[%add3A_56, %dma_start3A_222] : memref<10000x128xf32, #tpu.memory_space<vmem_shared>> -> memref<25x128xf32, #tpu.memory_space<vmem_shared>>
      %dma_start3A_224 = arith.constant 0 : i32
      %dma_start3A_225 = arith.constant 0 : i32
      %dma_start3A_226 = tpu.memref_slice %arg8[%dma_start3A_224, %dma_start3A_225] : memref<80x128xf32, #tpu.memory_space<vmem>> -> memref<25x128xf32, #tpu.memory_space<vmem>>
      tpu.enqueue_dma source(%dma_start3A_226 : memref<25x128xf32, #tpu.memory_space<vmem>>) target(%dma_start3A_223 : memref<25x128xf32, #tpu.memory_space<vmem_shared>>) target_semaphore(%run_scoped3A : memref<!tpu.dma_semaphore, #tpu.memory_space<semaphore_mem>>)
      %dma_wait3A_227 = arith.constant 0 : i32
      %dma_wait3A_228 = arith.constant 0 : i32
      %dma_wait3A_229 = tpu.memref_slice %arg8[%dma_wait3A_227, %dma_wait3A_228] : memref<80x128xf32, #tpu.memory_space<vmem>> -> memref<25x128xf32, #tpu.memory_space<vmem>>
      %dma_wait3A_230 = arith.constant 0 : i32
      %dma_wait3A_231 = tpu.memref_slice %arg18[%add3A_56, %dma_wait3A_230] : memref<10000x128xf32, #tpu.memory_space<vmem_shared>> -> memref<25x128xf32, #tpu.memory_space<vmem_shared>>
      %dma_wait3A_232 = arith.constant 0 : i32
      %dma_wait3A_233 = tpu.memref_slice %arg18[%add3A_56, %dma_wait3A_232] : memref<10000x128xf32, #tpu.memory_space<vmem_shared>> -> memref<25x128xf32, #tpu.memory_space<vmem_shared>>
      %dma_wait3A_234 = arith.constant 0 : i32
      %dma_wait3A_235 = arith.constant 0 : i32
      %dma_wait3A_236 = tpu.memref_slice %arg8[%dma_wait3A_234, %dma_wait3A_235] : memref<80x128xf32, #tpu.memory_space<vmem>> -> memref<25x128xf32, #tpu.memory_space<vmem>>
      tpu.wait_dma2 semaphore(%run_scoped3A : memref<!tpu.dma_semaphore, #tpu.memory_space<semaphore_mem>>) src(%dma_wait3A_236 : memref<25x128xf32, #tpu.memory_space<vmem>>) dst(%dma_wait3A_233 : memref<25x128xf32, #tpu.memory_space<vmem_shared>>)
      tpu.yield
    }) : () -> ()
    %mul3A_57 = arith.constant 625 : i32
    %mul3A_58 = arith.muli %arg1, %mul3A_57 : i32
    %add3A_59 = arith.constant 225 : i32
    %add3A_60 = arith.addi %mul3A_58, %add3A_59 : i32
    "tpu.region"() ({
      %run_scoped3A = tpu.sem_alloc : memref<!tpu.dma_semaphore, #tpu.memory_space<semaphore_mem>>
      %dma_start3A_217 = arith.constant 0 : i32
      %dma_start3A_218 = arith.constant 0 : i32
      %dma_start3A_219 = tpu.memref_slice %arg8[%dma_start3A_217, %dma_start3A_218] : memref<80x128xf32, #tpu.memory_space<vmem>> -> memref<25x128xf32, #tpu.memory_space<vmem>>
      %dma_start3A_220 = arith.constant 0 : i32
      %dma_start3A_221 = tpu.memref_slice %arg18[%add3A_60, %dma_start3A_220] : memref<10000x128xf32, #tpu.memory_space<vmem_shared>> -> memref<25x128xf32, #tpu.memory_space<vmem_shared>>
      %dma_start3A_222 = arith.constant 0 : i32
      %dma_start3A_223 = tpu.memref_slice %arg18[%add3A_60, %dma_start3A_222] : memref<10000x128xf32, #tpu.memory_space<vmem_shared>> -> memref<25x128xf32, #tpu.memory_space<vmem_shared>>
      %dma_start3A_224 = arith.constant 0 : i32
      %dma_start3A_225 = arith.constant 0 : i32
      %dma_start3A_226 = tpu.memref_slice %arg8[%dma_start3A_224, %dma_start3A_225] : memref<80x128xf32, #tpu.memory_space<vmem>> -> memref<25x128xf32, #tpu.memory_space<vmem>>
      tpu.enqueue_dma source(%dma_start3A_226 : memref<25x128xf32, #tpu.memory_space<vmem>>) target(%dma_start3A_223 : memref<25x128xf32, #tpu.memory_space<vmem_shared>>) target_semaphore(%run_scoped3A : memref<!tpu.dma_semaphore, #tpu.memory_space<semaphore_mem>>)
      %dma_wait3A_227 = arith.constant 0 : i32
      %dma_wait3A_228 = arith.constant 0 : i32
      %dma_wait3A_229 = tpu.memref_slice %arg8[%dma_wait3A_227, %dma_wait3A_228] : memref<80x128xf32, #tpu.memory_space<vmem>> -> memref<25x128xf32, #tpu.memory_space<vmem>>
      %dma_wait3A_230 = arith.constant 0 : i32
      %dma_wait3A_231 = tpu.memref_slice %arg18[%add3A_60, %dma_wait3A_230] : memref<10000x128xf32, #tpu.memory_space<vmem_shared>> -> memref<25x128xf32, #tpu.memory_space<vmem_shared>>
      %dma_wait3A_232 = arith.constant 0 : i32
      %dma_wait3A_233 = tpu.memref_slice %arg18[%add3A_60, %dma_wait3A_232] : memref<10000x128xf32, #tpu.memory_space<vmem_shared>> -> memref<25x128xf32, #tpu.memory_space<vmem_shared>>
      %dma_wait3A_234 = arith.constant 0 : i32
      %dma_wait3A_235 = arith.constant 0 : i32
      %dma_wait3A_236 = tpu.memref_slice %arg8[%dma_wait3A_234, %dma_wait3A_235] : memref<80x128xf32, #tpu.memory_space<vmem>> -> memref<25x128xf32, #tpu.memory_space<vmem>>
      tpu.wait_dma2 semaphore(%run_scoped3A : memref<!tpu.dma_semaphore, #tpu.memory_space<semaphore_mem>>) src(%dma_wait3A_236 : memref<25x128xf32, #tpu.memory_space<vmem>>) dst(%dma_wait3A_233 : memref<25x128xf32, #tpu.memory_space<vmem_shared>>)
      tpu.yield
    }) : () -> ()
    %mul3A_61 = arith.constant 625 : i32
    %mul3A_62 = arith.muli %arg1, %mul3A_61 : i32
    %add3A_63 = arith.constant 250 : i32
    %add3A_64 = arith.addi %mul3A_62, %add3A_63 : i32
    "tpu.region"() ({
      %run_scoped3A = tpu.sem_alloc : memref<!tpu.dma_semaphore, #tpu.memory_space<semaphore_mem>>
      %dma_start3A_217 = arith.constant 0 : i32
      %dma_start3A_218 = arith.constant 0 : i32
      %dma_start3A_219 = tpu.memref_slice %arg8[%dma_start3A_217, %dma_start3A_218] : memref<80x128xf32, #tpu.memory_space<vmem>> -> memref<25x128xf32, #tpu.memory_space<vmem>>
      %dma_start3A_220 = arith.constant 0 : i32
      %dma_start3A_221 = tpu.memref_slice %arg18[%add3A_64, %dma_start3A_220] : memref<10000x128xf32, #tpu.memory_space<vmem_shared>> -> memref<25x128xf32, #tpu.memory_space<vmem_shared>>
      %dma_start3A_222 = arith.constant 0 : i32
      %dma_start3A_223 = tpu.memref_slice %arg18[%add3A_64, %dma_start3A_222] : memref<10000x128xf32, #tpu.memory_space<vmem_shared>> -> memref<25x128xf32, #tpu.memory_space<vmem_shared>>
      %dma_start3A_224 = arith.constant 0 : i32
      %dma_start3A_225 = arith.constant 0 : i32
      %dma_start3A_226 = tpu.memref_slice %arg8[%dma_start3A_224, %dma_start3A_225] : memref<80x128xf32, #tpu.memory_space<vmem>> -> memref<25x128xf32, #tpu.memory_space<vmem>>
      tpu.enqueue_dma source(%dma_start3A_226 : memref<25x128xf32, #tpu.memory_space<vmem>>) target(%dma_start3A_223 : memref<25x128xf32, #tpu.memory_space<vmem_shared>>) target_semaphore(%run_scoped3A : memref<!tpu.dma_semaphore, #tpu.memory_space<semaphore_mem>>)
      %dma_wait3A_227 = arith.constant 0 : i32
      %dma_wait3A_228 = arith.constant 0 : i32
      %dma_wait3A_229 = tpu.memref_slice %arg8[%dma_wait3A_227, %dma_wait3A_228] : memref<80x128xf32, #tpu.memory_space<vmem>> -> memref<25x128xf32, #tpu.memory_space<vmem>>
      %dma_wait3A_230 = arith.constant 0 : i32
      %dma_wait3A_231 = tpu.memref_slice %arg18[%add3A_64, %dma_wait3A_230] : memref<10000x128xf32, #tpu.memory_space<vmem_shared>> -> memref<25x128xf32, #tpu.memory_space<vmem_shared>>
      %dma_wait3A_232 = arith.constant 0 : i32
      %dma_wait3A_233 = tpu.memref_slice %arg18[%add3A_64, %dma_wait3A_232] : memref<10000x128xf32, #tpu.memory_space<vmem_shared>> -> memref<25x128xf32, #tpu.memory_space<vmem_shared>>
      %dma_wait3A_234 = arith.constant 0 : i32
      %dma_wait3A_235 = arith.constant 0 : i32
      %dma_wait3A_236 = tpu.memref_slice %arg8[%dma_wait3A_234, %dma_wait3A_235] : memref<80x128xf32, #tpu.memory_space<vmem>> -> memref<25x128xf32, #tpu.memory_space<vmem>>
      tpu.wait_dma2 semaphore(%run_scoped3A : memref<!tpu.dma_semaphore, #tpu.memory_space<semaphore_mem>>) src(%dma_wait3A_236 : memref<25x128xf32, #tpu.memory_space<vmem>>) dst(%dma_wait3A_233 : memref<25x128xf32, #tpu.memory_space<vmem_shared>>)
      tpu.yield
    }) : () -> ()
    %mul3A_65 = arith.constant 625 : i32
    %mul3A_66 = arith.muli %arg1, %mul3A_65 : i32
    %add3A_67 = arith.constant 275 : i32
    %add3A_68 = arith.addi %mul3A_66, %add3A_67 : i32
    "tpu.region"() ({
      %run_scoped3A = tpu.sem_alloc : memref<!tpu.dma_semaphore, #tpu.memory_space<semaphore_mem>>
      %dma_start3A_217 = arith.constant 0 : i32
      %dma_start3A_218 = arith.constant 0 : i32
      %dma_start3A_219 = tpu.memref_slice %arg8[%dma_start3A_217, %dma_start3A_218] : memref<80x128xf32, #tpu.memory_space<vmem>> -> memref<25x128xf32, #tpu.memory_space<vmem>>
      %dma_start3A_220 = arith.constant 0 : i32
      %dma_start3A_221 = tpu.memref_slice %arg18[%add3A_68, %dma_start3A_220] : memref<10000x128xf32, #tpu.memory_space<vmem_shared>> -> memref<25x128xf32, #tpu.memory_space<vmem_shared>>
      %dma_start3A_222 = arith.constant 0 : i32
      %dma_start3A_223 = tpu.memref_slice %arg18[%add3A_68, %dma_start3A_222] : memref<10000x128xf32, #tpu.memory_space<vmem_shared>> -> memref<25x128xf32, #tpu.memory_space<vmem_shared>>
      %dma_start3A_224 = arith.constant 0 : i32
      %dma_start3A_225 = arith.constant 0 : i32
      %dma_start3A_226 = tpu.memref_slice %arg8[%dma_start3A_224, %dma_start3A_225] : memref<80x128xf32, #tpu.memory_space<vmem>> -> memref<25x128xf32, #tpu.memory_space<vmem>>
      tpu.enqueue_dma source(%dma_start3A_226 : memref<25x128xf32, #tpu.memory_space<vmem>>) target(%dma_start3A_223 : memref<25x128xf32, #tpu.memory_space<vmem_shared>>) target_semaphore(%run_scoped3A : memref<!tpu.dma_semaphore, #tpu.memory_space<semaphore_mem>>)
      %dma_wait3A_227 = arith.constant 0 : i32
      %dma_wait3A_228 = arith.constant 0 : i32
      %dma_wait3A_229 = tpu.memref_slice %arg8[%dma_wait3A_227, %dma_wait3A_228] : memref<80x128xf32, #tpu.memory_space<vmem>> -> memref<25x128xf32, #tpu.memory_space<vmem>>
      %dma_wait3A_230 = arith.constant 0 : i32
      %dma_wait3A_231 = tpu.memref_slice %arg18[%add3A_68, %dma_wait3A_230] : memref<10000x128xf32, #tpu.memory_space<vmem_shared>> -> memref<25x128xf32, #tpu.memory_space<vmem_shared>>
      %dma_wait3A_232 = arith.constant 0 : i32
      %dma_wait3A_233 = tpu.memref_slice %arg18[%add3A_68, %dma_wait3A_232] : memref<10000x128xf32, #tpu.memory_space<vmem_shared>> -> memref<25x128xf32, #tpu.memory_space<vmem_shared>>
      %dma_wait3A_234 = arith.constant 0 : i32
      %dma_wait3A_235 = arith.constant 0 : i32
      %dma_wait3A_236 = tpu.memref_slice %arg8[%dma_wait3A_234, %dma_wait3A_235] : memref<80x128xf32, #tpu.memory_space<vmem>> -> memref<25x128xf32, #tpu.memory_space<vmem>>
      tpu.wait_dma2 semaphore(%run_scoped3A : memref<!tpu.dma_semaphore, #tpu.memory_space<semaphore_mem>>) src(%dma_wait3A_236 : memref<25x128xf32, #tpu.memory_space<vmem>>) dst(%dma_wait3A_233 : memref<25x128xf32, #tpu.memory_space<vmem_shared>>)
      tpu.yield
    }) : () -> ()
    %mul3A_69 = arith.constant 625 : i32
    %mul3A_70 = arith.muli %arg1, %mul3A_69 : i32
    %add3A_71 = arith.constant 300 : i32
    %add3A_72 = arith.addi %mul3A_70, %add3A_71 : i32
    "tpu.region"() ({
      %run_scoped3A = tpu.sem_alloc : memref<!tpu.dma_semaphore, #tpu.memory_space<semaphore_mem>>
      %dma_start3A_217 = arith.constant 0 : i32
      %dma_start3A_218 = arith.constant 0 : i32
      %dma_start3A_219 = tpu.memref_slice %arg8[%dma_start3A_217, %dma_start3A_218] : memref<80x128xf32, #tpu.memory_space<vmem>> -> memref<25x128xf32, #tpu.memory_space<vmem>>
      %dma_start3A_220 = arith.constant 0 : i32
      %dma_start3A_221 = tpu.memref_slice %arg18[%add3A_72, %dma_start3A_220] : memref<10000x128xf32, #tpu.memory_space<vmem_shared>> -> memref<25x128xf32, #tpu.memory_space<vmem_shared>>
      %dma_start3A_222 = arith.constant 0 : i32
      %dma_start3A_223 = tpu.memref_slice %arg18[%add3A_72, %dma_start3A_222] : memref<10000x128xf32, #tpu.memory_space<vmem_shared>> -> memref<25x128xf32, #tpu.memory_space<vmem_shared>>
      %dma_start3A_224 = arith.constant 0 : i32
      %dma_start3A_225 = arith.constant 0 : i32
      %dma_start3A_226 = tpu.memref_slice %arg8[%dma_start3A_224, %dma_start3A_225] : memref<80x128xf32, #tpu.memory_space<vmem>> -> memref<25x128xf32, #tpu.memory_space<vmem>>
      tpu.enqueue_dma source(%dma_start3A_226 : memref<25x128xf32, #tpu.memory_space<vmem>>) target(%dma_start3A_223 : memref<25x128xf32, #tpu.memory_space<vmem_shared>>) target_semaphore(%run_scoped3A : memref<!tpu.dma_semaphore, #tpu.memory_space<semaphore_mem>>)
      %dma_wait3A_227 = arith.constant 0 : i32
      %dma_wait3A_228 = arith.constant 0 : i32
      %dma_wait3A_229 = tpu.memref_slice %arg8[%dma_wait3A_227, %dma_wait3A_228] : memref<80x128xf32, #tpu.memory_space<vmem>> -> memref<25x128xf32, #tpu.memory_space<vmem>>
      %dma_wait3A_230 = arith.constant 0 : i32
      %dma_wait3A_231 = tpu.memref_slice %arg18[%add3A_72, %dma_wait3A_230] : memref<10000x128xf32, #tpu.memory_space<vmem_shared>> -> memref<25x128xf32, #tpu.memory_space<vmem_shared>>
      %dma_wait3A_232 = arith.constant 0 : i32
      %dma_wait3A_233 = tpu.memref_slice %arg18[%add3A_72, %dma_wait3A_232] : memref<10000x128xf32, #tpu.memory_space<vmem_shared>> -> memref<25x128xf32, #tpu.memory_space<vmem_shared>>
      %dma_wait3A_234 = arith.constant 0 : i32
      %dma_wait3A_235 = arith.constant 0 : i32
      %dma_wait3A_236 = tpu.memref_slice %arg8[%dma_wait3A_234, %dma_wait3A_235] : memref<80x128xf32, #tpu.memory_space<vmem>> -> memref<25x128xf32, #tpu.memory_space<vmem>>
      tpu.wait_dma2 semaphore(%run_scoped3A : memref<!tpu.dma_semaphore, #tpu.memory_space<semaphore_mem>>) src(%dma_wait3A_236 : memref<25x128xf32, #tpu.memory_space<vmem>>) dst(%dma_wait3A_233 : memref<25x128xf32, #tpu.memory_space<vmem_shared>>)
      tpu.yield
    }) : () -> ()
    %mul3A_73 = arith.constant 625 : i32
    %mul3A_74 = arith.muli %arg1, %mul3A_73 : i32
    %add3A_75 = arith.constant 325 : i32
    %add3A_76 = arith.addi %mul3A_74, %add3A_75 : i32
    "tpu.region"() ({
      %run_scoped3A = tpu.sem_alloc : memref<!tpu.dma_semaphore, #tpu.memory_space<semaphore_mem>>
      %dma_start3A_217 = arith.constant 0 : i32
      %dma_start3A_218 = arith.constant 0 : i32
      %dma_start3A_219 = tpu.memref_slice %arg8[%dma_start3A_217, %dma_start3A_218] : memref<80x128xf32, #tpu.memory_space<vmem>> -> memref<25x128xf32, #tpu.memory_space<vmem>>
      %dma_start3A_220 = arith.constant 0 : i32
      %dma_start3A_221 = tpu.memref_slice %arg18[%add3A_76, %dma_start3A_220] : memref<10000x128xf32, #tpu.memory_space<vmem_shared>> -> memref<25x128xf32, #tpu.memory_space<vmem_shared>>
      %dma_start3A_222 = arith.constant 0 : i32
      %dma_start3A_223 = tpu.memref_slice %arg18[%add3A_76, %dma_start3A_222] : memref<10000x128xf32, #tpu.memory_space<vmem_shared>> -> memref<25x128xf32, #tpu.memory_space<vmem_shared>>
      %dma_start3A_224 = arith.constant 0 : i32
      %dma_start3A_225 = arith.constant 0 : i32
      %dma_start3A_226 = tpu.memref_slice %arg8[%dma_start3A_224, %dma_start3A_225] : memref<80x128xf32, #tpu.memory_space<vmem>> -> memref<25x128xf32, #tpu.memory_space<vmem>>
      tpu.enqueue_dma source(%dma_start3A_226 : memref<25x128xf32, #tpu.memory_space<vmem>>) target(%dma_start3A_223 : memref<25x128xf32, #tpu.memory_space<vmem_shared>>) target_semaphore(%run_scoped3A : memref<!tpu.dma_semaphore, #tpu.memory_space<semaphore_mem>>)
      %dma_wait3A_227 = arith.constant 0 : i32
      %dma_wait3A_228 = arith.constant 0 : i32
      %dma_wait3A_229 = tpu.memref_slice %arg8[%dma_wait3A_227, %dma_wait3A_228] : memref<80x128xf32, #tpu.memory_space<vmem>> -> memref<25x128xf32, #tpu.memory_space<vmem>>
      %dma_wait3A_230 = arith.constant 0 : i32
      %dma_wait3A_231 = tpu.memref_slice %arg18[%add3A_76, %dma_wait3A_230] : memref<10000x128xf32, #tpu.memory_space<vmem_shared>> -> memref<25x128xf32, #tpu.memory_space<vmem_shared>>
      %dma_wait3A_232 = arith.constant 0 : i32
      %dma_wait3A_233 = tpu.memref_slice %arg18[%add3A_76, %dma_wait3A_232] : memref<10000x128xf32, #tpu.memory_space<vmem_shared>> -> memref<25x128xf32, #tpu.memory_space<vmem_shared>>
      %dma_wait3A_234 = arith.constant 0 : i32
      %dma_wait3A_235 = arith.constant 0 : i32
      %dma_wait3A_236 = tpu.memref_slice %arg8[%dma_wait3A_234, %dma_wait3A_235] : memref<80x128xf32, #tpu.memory_space<vmem>> -> memref<25x128xf32, #tpu.memory_space<vmem>>
      tpu.wait_dma2 semaphore(%run_scoped3A : memref<!tpu.dma_semaphore, #tpu.memory_space<semaphore_mem>>) src(%dma_wait3A_236 : memref<25x128xf32, #tpu.memory_space<vmem>>) dst(%dma_wait3A_233 : memref<25x128xf32, #tpu.memory_space<vmem_shared>>)
      tpu.yield
    }) : () -> ()
    %mul3A_77 = arith.constant 625 : i32
    %mul3A_78 = arith.muli %arg1, %mul3A_77 : i32
    %add3A_79 = arith.constant 350 : i32
    %add3A_80 = arith.addi %mul3A_78, %add3A_79 : i32
    "tpu.region"() ({
      %run_scoped3A = tpu.sem_alloc : memref<!tpu.dma_semaphore, #tpu.memory_space<semaphore_mem>>
      %dma_start3A_217 = arith.constant 0 : i32
      %dma_start3A_218 = arith.constant 0 : i32
      %dma_start3A_219 = tpu.memref_slice %arg8[%dma_start3A_217, %dma_start3A_218] : memref<80x128xf32, #tpu.memory_space<vmem>> -> memref<25x128xf32, #tpu.memory_space<vmem>>
      %dma_start3A_220 = arith.constant 0 : i32
      %dma_start3A_221 = tpu.memref_slice %arg18[%add3A_80, %dma_start3A_220] : memref<10000x128xf32, #tpu.memory_space<vmem_shared>> -> memref<25x128xf32, #tpu.memory_space<vmem_shared>>
      %dma_start3A_222 = arith.constant 0 : i32
      %dma_start3A_223 = tpu.memref_slice %arg18[%add3A_80, %dma_start3A_222] : memref<10000x128xf32, #tpu.memory_space<vmem_shared>> -> memref<25x128xf32, #tpu.memory_space<vmem_shared>>
      %dma_start3A_224 = arith.constant 0 : i32
      %dma_start3A_225 = arith.constant 0 : i32
      %dma_start3A_226 = tpu.memref_slice %arg8[%dma_start3A_224, %dma_start3A_225] : memref<80x128xf32, #tpu.memory_space<vmem>> -> memref<25x128xf32, #tpu.memory_space<vmem>>
      tpu.enqueue_dma source(%dma_start3A_226 : memref<25x128xf32, #tpu.memory_space<vmem>>) target(%dma_start3A_223 : memref<25x128xf32, #tpu.memory_space<vmem_shared>>) target_semaphore(%run_scoped3A : memref<!tpu.dma_semaphore, #tpu.memory_space<semaphore_mem>>)
      %dma_wait3A_227 = arith.constant 0 : i32
      %dma_wait3A_228 = arith.constant 0 : i32
      %dma_wait3A_229 = tpu.memref_slice %arg8[%dma_wait3A_227, %dma_wait3A_228] : memref<80x128xf32, #tpu.memory_space<vmem>> -> memref<25x128xf32, #tpu.memory_space<vmem>>
      %dma_wait3A_230 = arith.constant 0 : i32
      %dma_wait3A_231 = tpu.memref_slice %arg18[%add3A_80, %dma_wait3A_230] : memref<10000x128xf32, #tpu.memory_space<vmem_shared>> -> memref<25x128xf32, #tpu.memory_space<vmem_shared>>
      %dma_wait3A_232 = arith.constant 0 : i32
      %dma_wait3A_233 = tpu.memref_slice %arg18[%add3A_80, %dma_wait3A_232] : memref<10000x128xf32, #tpu.memory_space<vmem_shared>> -> memref<25x128xf32, #tpu.memory_space<vmem_shared>>
      %dma_wait3A_234 = arith.constant 0 : i32
      %dma_wait3A_235 = arith.constant 0 : i32
      %dma_wait3A_236 = tpu.memref_slice %arg8[%dma_wait3A_234, %dma_wait3A_235] : memref<80x128xf32, #tpu.memory_space<vmem>> -> memref<25x128xf32, #tpu.memory_space<vmem>>
      tpu.wait_dma2 semaphore(%run_scoped3A : memref<!tpu.dma_semaphore, #tpu.memory_space<semaphore_mem>>) src(%dma_wait3A_236 : memref<25x128xf32, #tpu.memory_space<vmem>>) dst(%dma_wait3A_233 : memref<25x128xf32, #tpu.memory_space<vmem_shared>>)
      tpu.yield
    }) : () -> ()
    %mul3A_81 = arith.constant 625 : i32
    %mul3A_82 = arith.muli %arg1, %mul3A_81 : i32
    %add3A_83 = arith.constant 375 : i32
    %add3A_84 = arith.addi %mul3A_82, %add3A_83 : i32
    "tpu.region"() ({
      %run_scoped3A = tpu.sem_alloc : memref<!tpu.dma_semaphore, #tpu.memory_space<semaphore_mem>>
      %dma_start3A_217 = arith.constant 0 : i32
      %dma_start3A_218 = arith.constant 0 : i32
      %dma_start3A_219 = tpu.memref_slice %arg8[%dma_start3A_217, %dma_start3A_218] : memref<80x128xf32, #tpu.memory_space<vmem>> -> memref<25x128xf32, #tpu.memory_space<vmem>>
      %dma_start3A_220 = arith.constant 0 : i32
      %dma_start3A_221 = tpu.memref_slice %arg18[%add3A_84, %dma_start3A_220] : memref<10000x128xf32, #tpu.memory_space<vmem_shared>> -> memref<25x128xf32, #tpu.memory_space<vmem_shared>>
      %dma_start3A_222 = arith.constant 0 : i32
      %dma_start3A_223 = tpu.memref_slice %arg18[%add3A_84, %dma_start3A_222] : memref<10000x128xf32, #tpu.memory_space<vmem_shared>> -> memref<25x128xf32, #tpu.memory_space<vmem_shared>>
      %dma_start3A_224 = arith.constant 0 : i32
      %dma_start3A_225 = arith.constant 0 : i32
      %dma_start3A_226 = tpu.memref_slice %arg8[%dma_start3A_224, %dma_start3A_225] : memref<80x128xf32, #tpu.memory_space<vmem>> -> memref<25x128xf32, #tpu.memory_space<vmem>>
      tpu.enqueue_dma source(%dma_start3A_226 : memref<25x128xf32, #tpu.memory_space<vmem>>) target(%dma_start3A_223 : memref<25x128xf32, #tpu.memory_space<vmem_shared>>) target_semaphore(%run_scoped3A : memref<!tpu.dma_semaphore, #tpu.memory_space<semaphore_mem>>)
      %dma_wait3A_227 = arith.constant 0 : i32
      %dma_wait3A_228 = arith.constant 0 : i32
      %dma_wait3A_229 = tpu.memref_slice %arg8[%dma_wait3A_227, %dma_wait3A_228] : memref<80x128xf32, #tpu.memory_space<vmem>> -> memref<25x128xf32, #tpu.memory_space<vmem>>
      %dma_wait3A_230 = arith.constant 0 : i32
      %dma_wait3A_231 = tpu.memref_slice %arg18[%add3A_84, %dma_wait3A_230] : memref<10000x128xf32, #tpu.memory_space<vmem_shared>> -> memref<25x128xf32, #tpu.memory_space<vmem_shared>>
      %dma_wait3A_232 = arith.constant 0 : i32
      %dma_wait3A_233 = tpu.memref_slice %arg18[%add3A_84, %dma_wait3A_232] : memref<10000x128xf32, #tpu.memory_space<vmem_shared>> -> memref<25x128xf32, #tpu.memory_space<vmem_shared>>
      %dma_wait3A_234 = arith.constant 0 : i32
      %dma_wait3A_235 = arith.constant 0 : i32
      %dma_wait3A_236 = tpu.memref_slice %arg8[%dma_wait3A_234, %dma_wait3A_235] : memref<80x128xf32, #tpu.memory_space<vmem>> -> memref<25x128xf32, #tpu.memory_space<vmem>>
      tpu.wait_dma2 semaphore(%run_scoped3A : memref<!tpu.dma_semaphore, #tpu.memory_space<semaphore_mem>>) src(%dma_wait3A_236 : memref<25x128xf32, #tpu.memory_space<vmem>>) dst(%dma_wait3A_233 : memref<25x128xf32, #tpu.memory_space<vmem_shared>>)
      tpu.yield
    }) : () -> ()
    %mul3A_85 = arith.constant 625 : i32
    %mul3A_86 = arith.muli %arg1, %mul3A_85 : i32
    %add3A_87 = arith.constant 400 : i32
    %add3A_88 = arith.addi %mul3A_86, %add3A_87 : i32
    "tpu.region"() ({
      %run_scoped3A = tpu.sem_alloc : memref<!tpu.dma_semaphore, #tpu.memory_space<semaphore_mem>>
      %dma_start3A_217 = arith.constant 0 : i32
      %dma_start3A_218 = arith.constant 0 : i32
      %dma_start3A_219 = tpu.memref_slice %arg8[%dma_start3A_217, %dma_start3A_218] : memref<80x128xf32, #tpu.memory_space<vmem>> -> memref<25x128xf32, #tpu.memory_space<vmem>>
      %dma_start3A_220 = arith.constant 0 : i32
      %dma_start3A_221 = tpu.memref_slice %arg18[%add3A_88, %dma_start3A_220] : memref<10000x128xf32, #tpu.memory_space<vmem_shared>> -> memref<25x128xf32, #tpu.memory_space<vmem_shared>>
      %dma_start3A_222 = arith.constant 0 : i32
      %dma_start3A_223 = tpu.memref_slice %arg18[%add3A_88, %dma_start3A_222] : memref<10000x128xf32, #tpu.memory_space<vmem_shared>> -> memref<25x128xf32, #tpu.memory_space<vmem_shared>>
      %dma_start3A_224 = arith.constant 0 : i32
      %dma_start3A_225 = arith.constant 0 : i32
      %dma_start3A_226 = tpu.memref_slice %arg8[%dma_start3A_224, %dma_start3A_225] : memref<80x128xf32, #tpu.memory_space<vmem>> -> memref<25x128xf32, #tpu.memory_space<vmem>>
      tpu.enqueue_dma source(%dma_start3A_226 : memref<25x128xf32, #tpu.memory_space<vmem>>) target(%dma_start3A_223 : memref<25x128xf32, #tpu.memory_space<vmem_shared>>) target_semaphore(%run_scoped3A : memref<!tpu.dma_semaphore, #tpu.memory_space<semaphore_mem>>)
      %dma_wait3A_227 = arith.constant 0 : i32
      %dma_wait3A_228 = arith.constant 0 : i32
      %dma_wait3A_229 = tpu.memref_slice %arg8[%dma_wait3A_227, %dma_wait3A_228] : memref<80x128xf32, #tpu.memory_space<vmem>> -> memref<25x128xf32, #tpu.memory_space<vmem>>
      %dma_wait3A_230 = arith.constant 0 : i32
      %dma_wait3A_231 = tpu.memref_slice %arg18[%add3A_88, %dma_wait3A_230] : memref<10000x128xf32, #tpu.memory_space<vmem_shared>> -> memref<25x128xf32, #tpu.memory_space<vmem_shared>>
      %dma_wait3A_232 = arith.constant 0 : i32
      %dma_wait3A_233 = tpu.memref_slice %arg18[%add3A_88, %dma_wait3A_232] : memref<10000x128xf32, #tpu.memory_space<vmem_shared>> -> memref<25x128xf32, #tpu.memory_space<vmem_shared>>
      %dma_wait3A_234 = arith.constant 0 : i32
      %dma_wait3A_235 = arith.constant 0 : i32
      %dma_wait3A_236 = tpu.memref_slice %arg8[%dma_wait3A_234, %dma_wait3A_235] : memref<80x128xf32, #tpu.memory_space<vmem>> -> memref<25x128xf32, #tpu.memory_space<vmem>>
      tpu.wait_dma2 semaphore(%run_scoped3A : memref<!tpu.dma_semaphore, #tpu.memory_space<semaphore_mem>>) src(%dma_wait3A_236 : memref<25x128xf32, #tpu.memory_space<vmem>>) dst(%dma_wait3A_233 : memref<25x128xf32, #tpu.memory_space<vmem_shared>>)
      tpu.yield
    }) : () -> ()
    %mul3A_89 = arith.constant 625 : i32
    %mul3A_90 = arith.muli %arg1, %mul3A_89 : i32
    %add3A_91 = arith.constant 425 : i32
    %add3A_92 = arith.addi %mul3A_90, %add3A_91 : i32
    "tpu.region"() ({
      %run_scoped3A = tpu.sem_alloc : memref<!tpu.dma_semaphore, #tpu.memory_space<semaphore_mem>>
      %dma_start3A_217 = arith.constant 0 : i32
      %dma_start3A_218 = arith.constant 0 : i32
      %dma_start3A_219 = tpu.memref_slice %arg8[%dma_start3A_217, %dma_start3A_218] : memref<80x128xf32, #tpu.memory_space<vmem>> -> memref<25x128xf32, #tpu.memory_space<vmem>>
      %dma_start3A_220 = arith.constant 0 : i32
      %dma_start3A_221 = tpu.memref_slice %arg18[%add3A_92, %dma_start3A_220] : memref<10000x128xf32, #tpu.memory_space<vmem_shared>> -> memref<25x128xf32, #tpu.memory_space<vmem_shared>>
      %dma_start3A_222 = arith.constant 0 : i32
      %dma_start3A_223 = tpu.memref_slice %arg18[%add3A_92, %dma_start3A_222] : memref<10000x128xf32, #tpu.memory_space<vmem_shared>> -> memref<25x128xf32, #tpu.memory_space<vmem_shared>>
      %dma_start3A_224 = arith.constant 0 : i32
      %dma_start3A_225 = arith.constant 0 : i32
      %dma_start3A_226 = tpu.memref_slice %arg8[%dma_start3A_224, %dma_start3A_225] : memref<80x128xf32, #tpu.memory_space<vmem>> -> memref<25x128xf32, #tpu.memory_space<vmem>>
      tpu.enqueue_dma source(%dma_start3A_226 : memref<25x128xf32, #tpu.memory_space<vmem>>) target(%dma_start3A_223 : memref<25x128xf32, #tpu.memory_space<vmem_shared>>) target_semaphore(%run_scoped3A : memref<!tpu.dma_semaphore, #tpu.memory_space<semaphore_mem>>)
      %dma_wait3A_227 = arith.constant 0 : i32
      %dma_wait3A_228 = arith.constant 0 : i32
      %dma_wait3A_229 = tpu.memref_slice %arg8[%dma_wait3A_227, %dma_wait3A_228] : memref<80x128xf32, #tpu.memory_space<vmem>> -> memref<25x128xf32, #tpu.memory_space<vmem>>
      %dma_wait3A_230 = arith.constant 0 : i32
      %dma_wait3A_231 = tpu.memref_slice %arg18[%add3A_92, %dma_wait3A_230] : memref<10000x128xf32, #tpu.memory_space<vmem_shared>> -> memref<25x128xf32, #tpu.memory_space<vmem_shared>>
      %dma_wait3A_232 = arith.constant 0 : i32
      %dma_wait3A_233 = tpu.memref_slice %arg18[%add3A_92, %dma_wait3A_232] : memref<10000x128xf32, #tpu.memory_space<vmem_shared>> -> memref<25x128xf32, #tpu.memory_space<vmem_shared>>
      %dma_wait3A_234 = arith.constant 0 : i32
      %dma_wait3A_235 = arith.constant 0 : i32
      %dma_wait3A_236 = tpu.memref_slice %arg8[%dma_wait3A_234, %dma_wait3A_235] : memref<80x128xf32, #tpu.memory_space<vmem>> -> memref<25x128xf32, #tpu.memory_space<vmem>>
      tpu.wait_dma2 semaphore(%run_scoped3A : memref<!tpu.dma_semaphore, #tpu.memory_space<semaphore_mem>>) src(%dma_wait3A_236 : memref<25x128xf32, #tpu.memory_space<vmem>>) dst(%dma_wait3A_233 : memref<25x128xf32, #tpu.memory_space<vmem_shared>>)
      tpu.yield
    }) : () -> ()
    %mul3A_93 = arith.constant 625 : i32
    %mul3A_94 = arith.muli %arg1, %mul3A_93 : i32
    %add3A_95 = arith.constant 450 : i32
    %add3A_96 = arith.addi %mul3A_94, %add3A_95 : i32
    "tpu.region"() ({
      %run_scoped3A = tpu.sem_alloc : memref<!tpu.dma_semaphore, #tpu.memory_space<semaphore_mem>>
      %dma_start3A_217 = arith.constant 0 : i32
      %dma_start3A_218 = arith.constant 0 : i32
      %dma_start3A_219 = tpu.memref_slice %arg8[%dma_start3A_217, %dma_start3A_218] : memref<80x128xf32, #tpu.memory_space<vmem>> -> memref<25x128xf32, #tpu.memory_space<vmem>>
      %dma_start3A_220 = arith.constant 0 : i32
      %dma_start3A_221 = tpu.memref_slice %arg18[%add3A_96, %dma_start3A_220] : memref<10000x128xf32, #tpu.memory_space<vmem_shared>> -> memref<25x128xf32, #tpu.memory_space<vmem_shared>>
      %dma_start3A_222 = arith.constant 0 : i32
      %dma_start3A_223 = tpu.memref_slice %arg18[%add3A_96, %dma_start3A_222] : memref<10000x128xf32, #tpu.memory_space<vmem_shared>> -> memref<25x128xf32, #tpu.memory_space<vmem_shared>>
      %dma_start3A_224 = arith.constant 0 : i32
      %dma_start3A_225 = arith.constant 0 : i32
      %dma_start3A_226 = tpu.memref_slice %arg8[%dma_start3A_224, %dma_start3A_225] : memref<80x128xf32, #tpu.memory_space<vmem>> -> memref<25x128xf32, #tpu.memory_space<vmem>>
      tpu.enqueue_dma source(%dma_start3A_226 : memref<25x128xf32, #tpu.memory_space<vmem>>) target(%dma_start3A_223 : memref<25x128xf32, #tpu.memory_space<vmem_shared>>) target_semaphore(%run_scoped3A : memref<!tpu.dma_semaphore, #tpu.memory_space<semaphore_mem>>)
      %dma_wait3A_227 = arith.constant 0 : i32
      %dma_wait3A_228 = arith.constant 0 : i32
      %dma_wait3A_229 = tpu.memref_slice %arg8[%dma_wait3A_227, %dma_wait3A_228] : memref<80x128xf32, #tpu.memory_space<vmem>> -> memref<25x128xf32, #tpu.memory_space<vmem>>
      %dma_wait3A_230 = arith.constant 0 : i32
      %dma_wait3A_231 = tpu.memref_slice %arg18[%add3A_96, %dma_wait3A_230] : memref<10000x128xf32, #tpu.memory_space<vmem_shared>> -> memref<25x128xf32, #tpu.memory_space<vmem_shared>>
      %dma_wait3A_232 = arith.constant 0 : i32
      %dma_wait3A_233 = tpu.memref_slice %arg18[%add3A_96, %dma_wait3A_232] : memref<10000x128xf32, #tpu.memory_space<vmem_shared>> -> memref<25x128xf32, #tpu.memory_space<vmem_shared>>
      %dma_wait3A_234 = arith.constant 0 : i32
      %dma_wait3A_235 = arith.constant 0 : i32
      %dma_wait3A_236 = tpu.memref_slice %arg8[%dma_wait3A_234, %dma_wait3A_235] : memref<80x128xf32, #tpu.memory_space<vmem>> -> memref<25x128xf32, #tpu.memory_space<vmem>>
      tpu.wait_dma2 semaphore(%run_scoped3A : memref<!tpu.dma_semaphore, #tpu.memory_space<semaphore_mem>>) src(%dma_wait3A_236 : memref<25x128xf32, #tpu.memory_space<vmem>>) dst(%dma_wait3A_233 : memref<25x128xf32, #tpu.memory_space<vmem_shared>>)
      tpu.yield
    }) : () -> ()
    %mul3A_97 = arith.constant 625 : i32
    %mul3A_98 = arith.muli %arg1, %mul3A_97 : i32
    %add3A_99 = arith.constant 475 : i32
    %add3A_100 = arith.addi %mul3A_98, %add3A_99 : i32
    "tpu.region"() ({
      %run_scoped3A = tpu.sem_alloc : memref<!tpu.dma_semaphore, #tpu.memory_space<semaphore_mem>>
      %dma_start3A_217 = arith.constant 0 : i32
      %dma_start3A_218 = arith.constant 0 : i32
      %dma_start3A_219 = tpu.memref_slice %arg8[%dma_start3A_217, %dma_start3A_218] : memref<80x128xf32, #tpu.memory_space<vmem>> -> memref<25x128xf32, #tpu.memory_space<vmem>>
      %dma_start3A_220 = arith.constant 0 : i32
      %dma_start3A_221 = tpu.memref_slice %arg18[%add3A_100, %dma_start3A_220] : memref<10000x128xf32, #tpu.memory_space<vmem_shared>> -> memref<25x128xf32, #tpu.memory_space<vmem_shared>>
      %dma_start3A_222 = arith.constant 0 : i32
      %dma_start3A_223 = tpu.memref_slice %arg18[%add3A_100, %dma_start3A_222] : memref<10000x128xf32, #tpu.memory_space<vmem_shared>> -> memref<25x128xf32, #tpu.memory_space<vmem_shared>>
      %dma_start3A_224 = arith.constant 0 : i32
      %dma_start3A_225 = arith.constant 0 : i32
      %dma_start3A_226 = tpu.memref_slice %arg8[%dma_start3A_224, %dma_start3A_225] : memref<80x128xf32, #tpu.memory_space<vmem>> -> memref<25x128xf32, #tpu.memory_space<vmem>>
      tpu.enqueue_dma source(%dma_start3A_226 : memref<25x128xf32, #tpu.memory_space<vmem>>) target(%dma_start3A_223 : memref<25x128xf32, #tpu.memory_space<vmem_shared>>) target_semaphore(%run_scoped3A : memref<!tpu.dma_semaphore, #tpu.memory_space<semaphore_mem>>)
      %dma_wait3A_227 = arith.constant 0 : i32
      %dma_wait3A_228 = arith.constant 0 : i32
      %dma_wait3A_229 = tpu.memref_slice %arg8[%dma_wait3A_227, %dma_wait3A_228] : memref<80x128xf32, #tpu.memory_space<vmem>> -> memref<25x128xf32, #tpu.memory_space<vmem>>
      %dma_wait3A_230 = arith.constant 0 : i32
      %dma_wait3A_231 = tpu.memref_slice %arg18[%add3A_100, %dma_wait3A_230] : memref<10000x128xf32, #tpu.memory_space<vmem_shared>> -> memref<25x128xf32, #tpu.memory_space<vmem_shared>>
      %dma_wait3A_232 = arith.constant 0 : i32
      %dma_wait3A_233 = tpu.memref_slice %arg18[%add3A_100, %dma_wait3A_232] : memref<10000x128xf32, #tpu.memory_space<vmem_shared>> -> memref<25x128xf32, #tpu.memory_space<vmem_shared>>
      %dma_wait3A_234 = arith.constant 0 : i32
      %dma_wait3A_235 = arith.constant 0 : i32
      %dma_wait3A_236 = tpu.memref_slice %arg8[%dma_wait3A_234, %dma_wait3A_235] : memref<80x128xf32, #tpu.memory_space<vmem>> -> memref<25x128xf32, #tpu.memory_space<vmem>>
      tpu.wait_dma2 semaphore(%run_scoped3A : memref<!tpu.dma_semaphore, #tpu.memory_space<semaphore_mem>>) src(%dma_wait3A_236 : memref<25x128xf32, #tpu.memory_space<vmem>>) dst(%dma_wait3A_233 : memref<25x128xf32, #tpu.memory_space<vmem_shared>>)
      tpu.yield
    }) : () -> ()
    %mul3A_101 = arith.constant 625 : i32
    %mul3A_102 = arith.muli %arg1, %mul3A_101 : i32
    %add3A_103 = arith.constant 500 : i32
    %add3A_104 = arith.addi %mul3A_102, %add3A_103 : i32
    "tpu.region"() ({
      %run_scoped3A = tpu.sem_alloc : memref<!tpu.dma_semaphore, #tpu.memory_space<semaphore_mem>>
      %dma_start3A_217 = arith.constant 0 : i32
      %dma_start3A_218 = arith.constant 0 : i32
      %dma_start3A_219 = tpu.memref_slice %arg8[%dma_start3A_217, %dma_start3A_218] : memref<80x128xf32, #tpu.memory_space<vmem>> -> memref<25x128xf32, #tpu.memory_space<vmem>>
      %dma_start3A_220 = arith.constant 0 : i32
      %dma_start3A_221 = tpu.memref_slice %arg18[%add3A_104, %dma_start3A_220] : memref<10000x128xf32, #tpu.memory_space<vmem_shared>> -> memref<25x128xf32, #tpu.memory_space<vmem_shared>>
      %dma_start3A_222 = arith.constant 0 : i32
      %dma_start3A_223 = tpu.memref_slice %arg18[%add3A_104, %dma_start3A_222] : memref<10000x128xf32, #tpu.memory_space<vmem_shared>> -> memref<25x128xf32, #tpu.memory_space<vmem_shared>>
      %dma_start3A_224 = arith.constant 0 : i32
      %dma_start3A_225 = arith.constant 0 : i32
      %dma_start3A_226 = tpu.memref_slice %arg8[%dma_start3A_224, %dma_start3A_225] : memref<80x128xf32, #tpu.memory_space<vmem>> -> memref<25x128xf32, #tpu.memory_space<vmem>>
      tpu.enqueue_dma source(%dma_start3A_226 : memref<25x128xf32, #tpu.memory_space<vmem>>) target(%dma_start3A_223 : memref<25x128xf32, #tpu.memory_space<vmem_shared>>) target_semaphore(%run_scoped3A : memref<!tpu.dma_semaphore, #tpu.memory_space<semaphore_mem>>)
      %dma_wait3A_227 = arith.constant 0 : i32
      %dma_wait3A_228 = arith.constant 0 : i32
      %dma_wait3A_229 = tpu.memref_slice %arg8[%dma_wait3A_227, %dma_wait3A_228] : memref<80x128xf32, #tpu.memory_space<vmem>> -> memref<25x128xf32, #tpu.memory_space<vmem>>
      %dma_wait3A_230 = arith.constant 0 : i32
      %dma_wait3A_231 = tpu.memref_slice %arg18[%add3A_104, %dma_wait3A_230] : memref<10000x128xf32, #tpu.memory_space<vmem_shared>> -> memref<25x128xf32, #tpu.memory_space<vmem_shared>>
      %dma_wait3A_232 = arith.constant 0 : i32
      %dma_wait3A_233 = tpu.memref_slice %arg18[%add3A_104, %dma_wait3A_232] : memref<10000x128xf32, #tpu.memory_space<vmem_shared>> -> memref<25x128xf32, #tpu.memory_space<vmem_shared>>
      %dma_wait3A_234 = arith.constant 0 : i32
      %dma_wait3A_235 = arith.constant 0 : i32
      %dma_wait3A_236 = tpu.memref_slice %arg8[%dma_wait3A_234, %dma_wait3A_235] : memref<80x128xf32, #tpu.memory_space<vmem>> -> memref<25x128xf32, #tpu.memory_space<vmem>>
      tpu.wait_dma2 semaphore(%run_scoped3A : memref<!tpu.dma_semaphore, #tpu.memory_space<semaphore_mem>>) src(%dma_wait3A_236 : memref<25x128xf32, #tpu.memory_space<vmem>>) dst(%dma_wait3A_233 : memref<25x128xf32, #tpu.memory_space<vmem_shared>>)
      tpu.yield
    }) : () -> ()
    %mul3A_105 = arith.constant 625 : i32
    %mul3A_106 = arith.muli %arg1, %mul3A_105 : i32
    %add3A_107 = arith.constant 525 : i32
    %add3A_108 = arith.addi %mul3A_106, %add3A_107 : i32
    "tpu.region"() ({
      %run_scoped3A = tpu.sem_alloc : memref<!tpu.dma_semaphore, #tpu.memory_space<semaphore_mem>>
      %dma_start3A_217 = arith.constant 0 : i32
      %dma_start3A_218 = arith.constant 0 : i32
      %dma_start3A_219 = tpu.memref_slice %arg8[%dma_start3A_217, %dma_start3A_218] : memref<80x128xf32, #tpu.memory_space<vmem>> -> memref<25x128xf32, #tpu.memory_space<vmem>>
      %dma_start3A_220 = arith.constant 0 : i32
      %dma_start3A_221 = tpu.memref_slice %arg18[%add3A_108, %dma_start3A_220] : memref<10000x128xf32, #tpu.memory_space<vmem_shared>> -> memref<25x128xf32, #tpu.memory_space<vmem_shared>>
      %dma_start3A_222 = arith.constant 0 : i32
      %dma_start3A_223 = tpu.memref_slice %arg18[%add3A_108, %dma_start3A_222] : memref<10000x128xf32, #tpu.memory_space<vmem_shared>> -> memref<25x128xf32, #tpu.memory_space<vmem_shared>>
      %dma_start3A_224 = arith.constant 0 : i32
      %dma_start3A_225 = arith.constant 0 : i32
      %dma_start3A_226 = tpu.memref_slice %arg8[%dma_start3A_224, %dma_start3A_225] : memref<80x128xf32, #tpu.memory_space<vmem>> -> memref<25x128xf32, #tpu.memory_space<vmem>>
      tpu.enqueue_dma source(%dma_start3A_226 : memref<25x128xf32, #tpu.memory_space<vmem>>) target(%dma_start3A_223 : memref<25x128xf32, #tpu.memory_space<vmem_shared>>) target_semaphore(%run_scoped3A : memref<!tpu.dma_semaphore, #tpu.memory_space<semaphore_mem>>)
      %dma_wait3A_227 = arith.constant 0 : i32
      %dma_wait3A_228 = arith.constant 0 : i32
      %dma_wait3A_229 = tpu.memref_slice %arg8[%dma_wait3A_227, %dma_wait3A_228] : memref<80x128xf32, #tpu.memory_space<vmem>> -> memref<25x128xf32, #tpu.memory_space<vmem>>
      %dma_wait3A_230 = arith.constant 0 : i32
      %dma_wait3A_231 = tpu.memref_slice %arg18[%add3A_108, %dma_wait3A_230] : memref<10000x128xf32, #tpu.memory_space<vmem_shared>> -> memref<25x128xf32, #tpu.memory_space<vmem_shared>>
      %dma_wait3A_232 = arith.constant 0 : i32
      %dma_wait3A_233 = tpu.memref_slice %arg18[%add3A_108, %dma_wait3A_232] : memref<10000x128xf32, #tpu.memory_space<vmem_shared>> -> memref<25x128xf32, #tpu.memory_space<vmem_shared>>
      %dma_wait3A_234 = arith.constant 0 : i32
      %dma_wait3A_235 = arith.constant 0 : i32
      %dma_wait3A_236 = tpu.memref_slice %arg8[%dma_wait3A_234, %dma_wait3A_235] : memref<80x128xf32, #tpu.memory_space<vmem>> -> memref<25x128xf32, #tpu.memory_space<vmem>>
      tpu.wait_dma2 semaphore(%run_scoped3A : memref<!tpu.dma_semaphore, #tpu.memory_space<semaphore_mem>>) src(%dma_wait3A_236 : memref<25x128xf32, #tpu.memory_space<vmem>>) dst(%dma_wait3A_233 : memref<25x128xf32, #tpu.memory_space<vmem_shared>>)
      tpu.yield
    }) : () -> ()
    %mul3A_109 = arith.constant 625 : i32
    %mul3A_110 = arith.muli %arg1, %mul3A_109 : i32
    %add3A_111 = arith.constant 550 : i32
    %add3A_112 = arith.addi %mul3A_110, %add3A_111 : i32
    "tpu.region"() ({
      %run_scoped3A = tpu.sem_alloc : memref<!tpu.dma_semaphore, #tpu.memory_space<semaphore_mem>>
      %dma_start3A_217 = arith.constant 0 : i32
      %dma_start3A_218 = arith.constant 0 : i32
      %dma_start3A_219 = tpu.memref_slice %arg8[%dma_start3A_217, %dma_start3A_218] : memref<80x128xf32, #tpu.memory_space<vmem>> -> memref<25x128xf32, #tpu.memory_space<vmem>>
      %dma_start3A_220 = arith.constant 0 : i32
      %dma_start3A_221 = tpu.memref_slice %arg18[%add3A_112, %dma_start3A_220] : memref<10000x128xf32, #tpu.memory_space<vmem_shared>> -> memref<25x128xf32, #tpu.memory_space<vmem_shared>>
      %dma_start3A_222 = arith.constant 0 : i32
      %dma_start3A_223 = tpu.memref_slice %arg18[%add3A_112, %dma_start3A_222] : memref<10000x128xf32, #tpu.memory_space<vmem_shared>> -> memref<25x128xf32, #tpu.memory_space<vmem_shared>>
      %dma_start3A_224 = arith.constant 0 : i32
      %dma_start3A_225 = arith.constant 0 : i32
      %dma_start3A_226 = tpu.memref_slice %arg8[%dma_start3A_224, %dma_start3A_225] : memref<80x128xf32, #tpu.memory_space<vmem>> -> memref<25x128xf32, #tpu.memory_space<vmem>>
      tpu.enqueue_dma source(%dma_start3A_226 : memref<25x128xf32, #tpu.memory_space<vmem>>) target(%dma_start3A_223 : memref<25x128xf32, #tpu.memory_space<vmem_shared>>) target_semaphore(%run_scoped3A : memref<!tpu.dma_semaphore, #tpu.memory_space<semaphore_mem>>)
      %dma_wait3A_227 = arith.constant 0 : i32
      %dma_wait3A_228 = arith.constant 0 : i32
      %dma_wait3A_229 = tpu.memref_slice %arg8[%dma_wait3A_227, %dma_wait3A_228] : memref<80x128xf32, #tpu.memory_space<vmem>> -> memref<25x128xf32, #tpu.memory_space<vmem>>
      %dma_wait3A_230 = arith.constant 0 : i32
      %dma_wait3A_231 = tpu.memref_slice %arg18[%add3A_112, %dma_wait3A_230] : memref<10000x128xf32, #tpu.memory_space<vmem_shared>> -> memref<25x128xf32, #tpu.memory_space<vmem_shared>>
      %dma_wait3A_232 = arith.constant 0 : i32
      %dma_wait3A_233 = tpu.memref_slice %arg18[%add3A_112, %dma_wait3A_232] : memref<10000x128xf32, #tpu.memory_space<vmem_shared>> -> memref<25x128xf32, #tpu.memory_space<vmem_shared>>
      %dma_wait3A_234 = arith.constant 0 : i32
      %dma_wait3A_235 = arith.constant 0 : i32
      %dma_wait3A_236 = tpu.memref_slice %arg8[%dma_wait3A_234, %dma_wait3A_235] : memref<80x128xf32, #tpu.memory_space<vmem>> -> memref<25x128xf32, #tpu.memory_space<vmem>>
      tpu.wait_dma2 semaphore(%run_scoped3A : memref<!tpu.dma_semaphore, #tpu.memory_space<semaphore_mem>>) src(%dma_wait3A_236 : memref<25x128xf32, #tpu.memory_space<vmem>>) dst(%dma_wait3A_233 : memref<25x128xf32, #tpu.memory_space<vmem_shared>>)
      tpu.yield
    }) : () -> ()
    %mul3A_113 = arith.constant 625 : i32
    %mul3A_114 = arith.muli %arg1, %mul3A_113 : i32
    %add3A_115 = arith.constant 575 : i32
    %add3A_116 = arith.addi %mul3A_114, %add3A_115 : i32
    "tpu.region"() ({
      %run_scoped3A = tpu.sem_alloc : memref<!tpu.dma_semaphore, #tpu.memory_space<semaphore_mem>>
      %dma_start3A_217 = arith.constant 0 : i32
      %dma_start3A_218 = arith.constant 0 : i32
      %dma_start3A_219 = tpu.memref_slice %arg8[%dma_start3A_217, %dma_start3A_218] : memref<80x128xf32, #tpu.memory_space<vmem>> -> memref<25x128xf32, #tpu.memory_space<vmem>>
      %dma_start3A_220 = arith.constant 0 : i32
      %dma_start3A_221 = tpu.memref_slice %arg18[%add3A_116, %dma_start3A_220] : memref<10000x128xf32, #tpu.memory_space<vmem_shared>> -> memref<25x128xf32, #tpu.memory_space<vmem_shared>>
      %dma_start3A_222 = arith.constant 0 : i32
      %dma_start3A_223 = tpu.memref_slice %arg18[%add3A_116, %dma_start3A_222] : memref<10000x128xf32, #tpu.memory_space<vmem_shared>> -> memref<25x128xf32, #tpu.memory_space<vmem_shared>>
      %dma_start3A_224 = arith.constant 0 : i32
      %dma_start3A_225 = arith.constant 0 : i32
      %dma_start3A_226 = tpu.memref_slice %arg8[%dma_start3A_224, %dma_start3A_225] : memref<80x128xf32, #tpu.memory_space<vmem>> -> memref<25x128xf32, #tpu.memory_space<vmem>>
      tpu.enqueue_dma source(%dma_start3A_226 : memref<25x128xf32, #tpu.memory_space<vmem>>) target(%dma_start3A_223 : memref<25x128xf32, #tpu.memory_space<vmem_shared>>) target_semaphore(%run_scoped3A : memref<!tpu.dma_semaphore, #tpu.memory_space<semaphore_mem>>)
      %dma_wait3A_227 = arith.constant 0 : i32
      %dma_wait3A_228 = arith.constant 0 : i32
      %dma_wait3A_229 = tpu.memref_slice %arg8[%dma_wait3A_227, %dma_wait3A_228] : memref<80x128xf32, #tpu.memory_space<vmem>> -> memref<25x128xf32, #tpu.memory_space<vmem>>
      %dma_wait3A_230 = arith.constant 0 : i32
      %dma_wait3A_231 = tpu.memref_slice %arg18[%add3A_116, %dma_wait3A_230] : memref<10000x128xf32, #tpu.memory_space<vmem_shared>> -> memref<25x128xf32, #tpu.memory_space<vmem_shared>>
      %dma_wait3A_232 = arith.constant 0 : i32
      %dma_wait3A_233 = tpu.memref_slice %arg18[%add3A_116, %dma_wait3A_232] : memref<10000x128xf32, #tpu.memory_space<vmem_shared>> -> memref<25x128xf32, #tpu.memory_space<vmem_shared>>
      %dma_wait3A_234 = arith.constant 0 : i32
      %dma_wait3A_235 = arith.constant 0 : i32
      %dma_wait3A_236 = tpu.memref_slice %arg8[%dma_wait3A_234, %dma_wait3A_235] : memref<80x128xf32, #tpu.memory_space<vmem>> -> memref<25x128xf32, #tpu.memory_space<vmem>>
      tpu.wait_dma2 semaphore(%run_scoped3A : memref<!tpu.dma_semaphore, #tpu.memory_space<semaphore_mem>>) src(%dma_wait3A_236 : memref<25x128xf32, #tpu.memory_space<vmem>>) dst(%dma_wait3A_233 : memref<25x128xf32, #tpu.memory_space<vmem_shared>>)
      tpu.yield
    }) : () -> ()
    %mul3A_117 = arith.constant 625 : i32
    %mul3A_118 = arith.muli %arg1, %mul3A_117 : i32
    %add3A_119 = arith.constant 600 : i32
    %add3A_120 = arith.addi %mul3A_118, %add3A_119 : i32
    "tpu.region"() ({
      %run_scoped3A = tpu.sem_alloc : memref<!tpu.dma_semaphore, #tpu.memory_space<semaphore_mem>>
      %dma_start3A_217 = arith.constant 0 : i32
      %dma_start3A_218 = arith.constant 0 : i32
      %dma_start3A_219 = tpu.memref_slice %arg8[%dma_start3A_217, %dma_start3A_218] : memref<80x128xf32, #tpu.memory_space<vmem>> -> memref<25x128xf32, #tpu.memory_space<vmem>>
      %dma_start3A_220 = arith.constant 0 : i32
      %dma_start3A_221 = tpu.memref_slice %arg18[%add3A_120, %dma_start3A_220] : memref<10000x128xf32, #tpu.memory_space<vmem_shared>> -> memref<25x128xf32, #tpu.memory_space<vmem_shared>>
      %dma_start3A_222 = arith.constant 0 : i32
      %dma_start3A_223 = tpu.memref_slice %arg18[%add3A_120, %dma_start3A_222] : memref<10000x128xf32, #tpu.memory_space<vmem_shared>> -> memref<25x128xf32, #tpu.memory_space<vmem_shared>>
      %dma_start3A_224 = arith.constant 0 : i32
      %dma_start3A_225 = arith.constant 0 : i32
      %dma_start3A_226 = tpu.memref_slice %arg8[%dma_start3A_224, %dma_start3A_225] : memref<80x128xf32, #tpu.memory_space<vmem>> -> memref<25x128xf32, #tpu.memory_space<vmem>>
      tpu.enqueue_dma source(%dma_start3A_226 : memref<25x128xf32, #tpu.memory_space<vmem>>) target(%dma_start3A_223 : memref<25x128xf32, #tpu.memory_space<vmem_shared>>) target_semaphore(%run_scoped3A : memref<!tpu.dma_semaphore, #tpu.memory_space<semaphore_mem>>)
      %dma_wait3A_227 = arith.constant 0 : i32
      %dma_wait3A_228 = arith.constant 0 : i32
      %dma_wait3A_229 = tpu.memref_slice %arg8[%dma_wait3A_227, %dma_wait3A_228] : memref<80x128xf32, #tpu.memory_space<vmem>> -> memref<25x128xf32, #tpu.memory_space<vmem>>
      %dma_wait3A_230 = arith.constant 0 : i32
      %dma_wait3A_231 = tpu.memref_slice %arg18[%add3A_120, %dma_wait3A_230] : memref<10000x128xf32, #tpu.memory_space<vmem_shared>> -> memref<25x128xf32, #tpu.memory_space<vmem_shared>>
      %dma_wait3A_232 = arith.constant 0 : i32
      %dma_wait3A_233 = tpu.memref_slice %arg18[%add3A_120, %dma_wait3A_232] : memref<10000x128xf32, #tpu.memory_space<vmem_shared>> -> memref<25x128xf32, #tpu.memory_space<vmem_shared>>
      %dma_wait3A_234 = arith.constant 0 : i32
      %dma_wait3A_235 = arith.constant 0 : i32
      %dma_wait3A_236 = tpu.memref_slice %arg8[%dma_wait3A_234, %dma_wait3A_235] : memref<80x128xf32, #tpu.memory_space<vmem>> -> memref<25x128xf32, #tpu.memory_space<vmem>>
      tpu.wait_dma2 semaphore(%run_scoped3A : memref<!tpu.dma_semaphore, #tpu.memory_space<semaphore_mem>>) src(%dma_wait3A_236 : memref<25x128xf32, #tpu.memory_space<vmem>>) dst(%dma_wait3A_233 : memref<25x128xf32, #tpu.memory_space<vmem_shared>>)
      tpu.yield
    }) : () -> ()
    %dma_wait3A = arith.constant 0 : i32
    %dma_wait3A_121 = arith.constant 0 : i32
    %dma_wait3A_122 = tpu.memref_slice %arg3[%add3A, %dma_wait3A, %dma_wait3A_121] : memref<32x125x80xi32, #tpu.memory_space<hbm>> -> memref<1x125x80xi32, #tpu.memory_space<hbm>>
    %dma_wait3A_123 = tpu.memref_squeeze %dma_wait3A_122 : memref<1x125x80xi32, #tpu.memory_space<hbm>> -> memref<125x80xi32, #tpu.memory_space<hbm>>
    %dma_wait3A_124 = arith.constant 0 : i32
    %dma_wait3A_125 = arith.constant 0 : i32
    %dma_wait3A_126 = tpu.memref_slice %arg3[%add3A, %dma_wait3A_124, %dma_wait3A_125] : memref<32x125x80xi32, #tpu.memory_space<hbm>> -> memref<1x125x80xi32, #tpu.memory_space<hbm>>
    %dma_wait3A_127 = tpu.memref_squeeze %dma_wait3A_126 : memref<1x125x80xi32, #tpu.memory_space<hbm>> -> memref<125x80xi32, #tpu.memory_space<hbm>>
    tpu.wait_dma2 semaphore(%arg17 : memref<!tpu.dma_semaphore, #tpu.memory_space<semaphore_mem>>) src(%dma_wait3A_127 : memref<125x80xi32, #tpu.memory_space<hbm>>) dst(%arg6 : memref<125x80xi32, #tpu.memory_space<vmem>>)
    %dma_wait3A_128 = arith.constant 0 : i32
    %dma_wait3A_129 = arith.constant 0 : i32
    %dma_wait3A_130 = tpu.memref_slice %arg4[%add3A, %dma_wait3A_128, %dma_wait3A_129] : memref<32x125x80xi32, #tpu.memory_space<hbm>> -> memref<1x125x80xi32, #tpu.memory_space<hbm>>
    %dma_wait3A_131 = tpu.memref_squeeze %dma_wait3A_130 : memref<1x125x80xi32, #tpu.memory_space<hbm>> -> memref<125x80xi32, #tpu.memory_space<hbm>>
    %dma_wait3A_132 = arith.constant 0 : i32
    %dma_wait3A_133 = arith.constant 0 : i32
    %dma_wait3A_134 = tpu.memref_slice %arg4[%add3A, %dma_wait3A_132, %dma_wait3A_133] : memref<32x125x80xi32, #tpu.memory_space<hbm>> -> memref<1x125x80xi32, #tpu.memory_space<hbm>>
    %dma_wait3A_135 = tpu.memref_squeeze %dma_wait3A_134 : memref<1x125x80xi32, #tpu.memory_space<hbm>> -> memref<125x80xi32, #tpu.memory_space<hbm>>
    tpu.wait_dma2 semaphore(%arg17 : memref<!tpu.dma_semaphore, #tpu.memory_space<semaphore_mem>>) src(%dma_wait3A_135 : memref<125x80xi32, #tpu.memory_space<hbm>>) dst(%arg7 : memref<125x80xi32, #tpu.memory_space<vmem>>)
    %barrier3A = arith.constant 0 : index
    tpu.barrier barrier_id(%barrier3A)
    %dma_start3A_136 = arith.constant 0 : i32
    %dma_start3A_137 = arith.constant 0 : i32
    %dma_start3A_138 = tpu.memref_slice %arg6[%dma_start3A_136, %dma_start3A_137] : memref<125x80xi32, #tpu.memory_space<vmem>> -> memref<1x80xi32, #tpu.memory_space<vmem>>
    %dma_start3A_139 = tpu.memref_squeeze %dma_start3A_138 : memref<1x80xi32, #tpu.memory_space<vmem>> -> memref<80xi32, #tpu.memory_space<vmem>>
    %dma_start3A_140 = arith.constant 0 : i32
    %dma_start3A_141 = arith.constant 0 : i32
    %dma_start3A_142 = tpu.memref_slice %arg2[%dma_start3A_140, %dma_start3A_141] : memref<10000x128xf32, #tpu.memory_space<hbm>> -> memref<10000x128xf32, #tpu.memory_space<hbm>>
    tpu.enqueue_indirect_dma source(%dma_start3A_142 : memref<10000x128xf32, #tpu.memory_space<hbm>>) target(%arg8 : memref<80x128xf32, #tpu.memory_space<vmem>>) offsets(%dma_start3A_139 : memref<80xi32, #tpu.memory_space<vmem>>) semaphore(%arg11 : memref<!tpu.dma_semaphore, #tpu.memory_space<semaphore_mem>>)
    %dma_start3A_143 = arith.constant 1 : i32
    %dma_start3A_144 = arith.constant 0 : i32
    %dma_start3A_145 = tpu.memref_slice %arg6[%dma_start3A_143, %dma_start3A_144] : memref<125x80xi32, #tpu.memory_space<vmem>> -> memref<1x80xi32, #tpu.memory_space<vmem>>
    %dma_start3A_146 = tpu.memref_squeeze %dma_start3A_145 : memref<1x80xi32, #tpu.memory_space<vmem>> -> memref<80xi32, #tpu.memory_space<vmem>>
    %dma_start3A_147 = arith.constant 0 : i32
    %dma_start3A_148 = arith.constant 0 : i32
    %dma_start3A_149 = tpu.memref_slice %arg2[%dma_start3A_147, %dma_start3A_148] : memref<10000x128xf32, #tpu.memory_space<hbm>> -> memref<10000x128xf32, #tpu.memory_space<hbm>>
    tpu.enqueue_indirect_dma source(%dma_start3A_149 : memref<10000x128xf32, #tpu.memory_space<hbm>>) target(%arg9 : memref<80x128xf32, #tpu.memory_space<vmem>>) offsets(%dma_start3A_146 : memref<80xi32, #tpu.memory_space<vmem>>) semaphore(%arg12 : memref<!tpu.dma_semaphore, #tpu.memory_space<semaphore_mem>>)
    %dma_start3A_150 = arith.constant 2 : i32
    %dma_start3A_151 = arith.constant 0 : i32
    %dma_start3A_152 = tpu.memref_slice %arg6[%dma_start3A_150, %dma_start3A_151] : memref<125x80xi32, #tpu.memory_space<vmem>> -> memref<1x80xi32, #tpu.memory_space<vmem>>
    %dma_start3A_153 = tpu.memref_squeeze %dma_start3A_152 : memref<1x80xi32, #tpu.memory_space<vmem>> -> memref<80xi32, #tpu.memory_space<vmem>>
    %dma_start3A_154 = arith.constant 0 : i32
    %dma_start3A_155 = arith.constant 0 : i32
    %dma_start3A_156 = tpu.memref_slice %arg2[%dma_start3A_154, %dma_start3A_155] : memref<10000x128xf32, #tpu.memory_space<hbm>> -> memref<10000x128xf32, #tpu.memory_space<hbm>>
    tpu.enqueue_indirect_dma source(%dma_start3A_156 : memref<10000x128xf32, #tpu.memory_space<hbm>>) target(%arg10 : memref<80x128xf32, #tpu.memory_space<vmem>>) offsets(%dma_start3A_153 : memref<80xi32, #tpu.memory_space<vmem>>) semaphore(%arg13 : memref<!tpu.dma_semaphore, #tpu.memory_space<semaphore_mem>>)
    %scan3A_157 = arith.constant 0 : i32
    %scan3A_158 = arith.constant 0 : i32
    %scan3A_159 = arith.constant 41 : i32
    %scan3A_160 = arith.addi %scan3A_158, %scan3A_159 : i32
    %scan3A_161 = arith.constant 1 : i32
    scf.for %scan3A_217 = %scan3A_158 to %scan3A_160 step %scan3A_161  : i32 {
      %mul3A_218 = arith.constant 3 : i32
      %mul3A_219 = arith.muli %scan3A_217, %mul3A_218 : i32
      %add3A_220 = arith.constant 0 : i32
      %add3A_221 = arith.addi %mul3A_219, %add3A_220 : i32
      %dma_wait3A_222 = arith.constant 0 : i32
      %dma_wait3A_223 = tpu.memref_slice %arg6[%add3A_221, %dma_wait3A_222] : memref<125x80xi32, #tpu.memory_space<vmem>> -> memref<1x80xi32, #tpu.memory_space<vmem>>
      %dma_wait3A_224 = tpu.memref_squeeze %dma_wait3A_223 : memref<1x80xi32, #tpu.memory_space<vmem>> -> memref<80xi32, #tpu.memory_space<vmem>>
      %dma_wait3A_225 = arith.constant 0 : i32
      %dma_wait3A_226 = arith.constant 0 : i32
      %dma_wait3A_227 = tpu.memref_slice %arg2[%dma_wait3A_225, %dma_wait3A_226] : memref<10000x128xf32, #tpu.memory_space<hbm>> -> memref<10000x128xf32, #tpu.memory_space<hbm>>
      tpu.wait_indirect_dma semaphore(%arg11 : memref<!tpu.dma_semaphore, #tpu.memory_space<semaphore_mem>>) src(%dma_wait3A_227 : memref<10000x128xf32, #tpu.memory_space<hbm>>) dst(%arg8 : memref<80x128xf32, #tpu.memory_space<vmem>>)
      %dma_start3A_228 = arith.constant 0 : i32
      %dma_start3A_229 = tpu.memref_slice %arg7[%add3A_221, %dma_start3A_228] : memref<125x80xi32, #tpu.memory_space<vmem>> -> memref<1x80xi32, #tpu.memory_space<vmem>>
      %dma_start3A_230 = tpu.memref_squeeze %dma_start3A_229 : memref<1x80xi32, #tpu.memory_space<vmem>> -> memref<80xi32, #tpu.memory_space<vmem>>
      %dma_start3A_231 = arith.constant 0 : i32
      %dma_start3A_232 = arith.constant 0 : i32
      %dma_start3A_233 = tpu.memref_slice %arg18[%dma_start3A_231, %dma_start3A_232] : memref<10000x128xf32, #tpu.memory_space<vmem_shared>> -> memref<10000x128xf32, #tpu.memory_space<vmem_shared>>
      tpu.enqueue_indirect_dma source(%arg8 : memref<80x128xf32, #tpu.memory_space<vmem>>) target(%dma_start3A_233 : memref<10000x128xf32, #tpu.memory_space<vmem_shared>>) offsets(%dma_start3A_230 : memref<80xi32, #tpu.memory_space<vmem>>) semaphore(%arg14 : memref<!tpu.dma_semaphore, #tpu.memory_space<semaphore_mem>>) {add = true}
      %add3A_234 = arith.constant 3 : i32
      %add3A_235 = arith.addi %add3A_221, %add3A_234 : i32
      %lt3A = arith.constant 125 : i32
      %lt3A_236 = arith.cmpi slt, %add3A_235, %lt3A : i32
      %convert_element_type3A = arith.extui %lt3A_236 : i1 to i32
      %cond3A = arith.constant 0 : i32
      %cond3A_237 = arith.cmpi ne, %convert_element_type3A, %cond3A : i32
      scf.if %cond3A_237 {
        %dma_wait3A_284 = arith.constant 0 : i32
        %dma_wait3A_285 = arith.constant 0 : i32
        %dma_wait3A_286 = tpu.memref_slice %arg7[%dma_wait3A_284, %dma_wait3A_285] : memref<125x80xi32, #tpu.memory_space<vmem>> -> memref<1x80xi32, #tpu.memory_space<vmem>>
        %dma_wait3A_287 = tpu.memref_squeeze %dma_wait3A_286 : memref<1x80xi32, #tpu.memory_space<vmem>> -> memref<80xi32, #tpu.memory_space<vmem>>
        %dma_wait3A_288 = arith.constant 0 : i32
        %dma_wait3A_289 = arith.constant 0 : i32
        %dma_wait3A_290 = tpu.memref_slice %arg18[%dma_wait3A_288, %dma_wait3A_289] : memref<10000x128xf32, #tpu.memory_space<vmem_shared>> -> memref<10000x128xf32, #tpu.memory_space<vmem_shared>>
        tpu.wait_indirect_dma semaphore(%arg14 : memref<!tpu.dma_semaphore, #tpu.memory_space<semaphore_mem>>) src(%arg8 : memref<80x128xf32, #tpu.memory_space<vmem>>) dst(%dma_wait3A_290 : memref<10000x128xf32, #tpu.memory_space<vmem_shared>>)
        %add3A_291 = arith.constant 3 : i32
        %add3A_292 = arith.addi %add3A_221, %add3A_291 : i32
        %dma_start3A_293 = arith.constant 0 : i32
        %dma_start3A_294 = tpu.memref_slice %arg6[%add3A_292, %dma_start3A_293] : memref<125x80xi32, #tpu.memory_space<vmem>> -> memref<1x80xi32, #tpu.memory_space<vmem>>
        %dma_start3A_295 = tpu.memref_squeeze %dma_start3A_294 : memref<1x80xi32, #tpu.memory_space<vmem>> -> memref<80xi32, #tpu.memory_space<vmem>>
        %dma_start3A_296 = arith.constant 0 : i32
        %dma_start3A_297 = arith.constant 0 : i32
        %dma_start3A_298 = tpu.memref_slice %arg2[%dma_start3A_296, %dma_start3A_297] : memref<10000x128xf32, #tpu.memory_space<hbm>> -> memref<10000x128xf32, #tpu.memory_space<hbm>>
        tpu.enqueue_indirect_dma source(%dma_start3A_298 : memref<10000x128xf32, #tpu.memory_space<hbm>>) target(%arg8 : memref<80x128xf32, #tpu.memory_space<vmem>>) offsets(%dma_start3A_295 : memref<80xi32, #tpu.memory_space<vmem>>) semaphore(%arg11 : memref<!tpu.dma_semaphore, #tpu.memory_space<semaphore_mem>>)
      } else {
      }
      %mul3A_238 = arith.constant 3 : i32
      %mul3A_239 = arith.muli %scan3A_217, %mul3A_238 : i32
      %add3A_240 = arith.constant 1 : i32
      %add3A_241 = arith.addi %mul3A_239, %add3A_240 : i32
      %dma_wait3A_242 = arith.constant 0 : i32
      %dma_wait3A_243 = tpu.memref_slice %arg6[%add3A_241, %dma_wait3A_242] : memref<125x80xi32, #tpu.memory_space<vmem>> -> memref<1x80xi32, #tpu.memory_space<vmem>>
      %dma_wait3A_244 = tpu.memref_squeeze %dma_wait3A_243 : memref<1x80xi32, #tpu.memory_space<vmem>> -> memref<80xi32, #tpu.memory_space<vmem>>
      %dma_wait3A_245 = arith.constant 0 : i32
      %dma_wait3A_246 = arith.constant 0 : i32
      %dma_wait3A_247 = tpu.memref_slice %arg2[%dma_wait3A_245, %dma_wait3A_246] : memref<10000x128xf32, #tpu.memory_space<hbm>> -> memref<10000x128xf32, #tpu.memory_space<hbm>>
      tpu.wait_indirect_dma semaphore(%arg12 : memref<!tpu.dma_semaphore, #tpu.memory_space<semaphore_mem>>) src(%dma_wait3A_247 : memref<10000x128xf32, #tpu.memory_space<hbm>>) dst(%arg9 : memref<80x128xf32, #tpu.memory_space<vmem>>)
      %dma_start3A_248 = arith.constant 0 : i32
      %dma_start3A_249 = tpu.memref_slice %arg7[%add3A_241, %dma_start3A_248] : memref<125x80xi32, #tpu.memory_space<vmem>> -> memref<1x80xi32, #tpu.memory_space<vmem>>
      %dma_start3A_250 = tpu.memref_squeeze %dma_start3A_249 : memref<1x80xi32, #tpu.memory_space<vmem>> -> memref<80xi32, #tpu.memory_space<vmem>>
      %dma_start3A_251 = arith.constant 0 : i32
      %dma_start3A_252 = arith.constant 0 : i32
      %dma_start3A_253 = tpu.memref_slice %arg18[%dma_start3A_251, %dma_start3A_252] : memref<10000x128xf32, #tpu.memory_space<vmem_shared>> -> memref<10000x128xf32, #tpu.memory_space<vmem_shared>>
      tpu.enqueue_indirect_dma source(%arg9 : memref<80x128xf32, #tpu.memory_space<vmem>>) target(%dma_start3A_253 : memref<10000x128xf32, #tpu.memory_space<vmem_shared>>) offsets(%dma_start3A_250 : memref<80xi32, #tpu.memory_space<vmem>>) semaphore(%arg15 : memref<!tpu.dma_semaphore, #tpu.memory_space<semaphore_mem>>) {add = true}
      %add3A_254 = arith.constant 3 : i32
      %add3A_255 = arith.addi %add3A_241, %add3A_254 : i32
      %lt3A_256 = arith.constant 125 : i32
      %lt3A_257 = arith.cmpi slt, %add3A_255, %lt3A_256 : i32
      %convert_element_type3A_258 = arith.extui %lt3A_257 : i1 to i32
      %cond3A_259 = arith.constant 0 : i32
      %cond3A_260 = arith.cmpi ne, %convert_element_type3A_258, %cond3A_259 : i32
      scf.if %cond3A_260 {
        %dma_wait3A_284 = arith.constant 0 : i32
        %dma_wait3A_285 = arith.constant 0 : i32
        %dma_wait3A_286 = tpu.memref_slice %arg7[%dma_wait3A_284, %dma_wait3A_285] : memref<125x80xi32, #tpu.memory_space<vmem>> -> memref<1x80xi32, #tpu.memory_space<vmem>>
        %dma_wait3A_287 = tpu.memref_squeeze %dma_wait3A_286 : memref<1x80xi32, #tpu.memory_space<vmem>> -> memref<80xi32, #tpu.memory_space<vmem>>
        %dma_wait3A_288 = arith.constant 0 : i32
        %dma_wait3A_289 = arith.constant 0 : i32
        %dma_wait3A_290 = tpu.memref_slice %arg18[%dma_wait3A_288, %dma_wait3A_289] : memref<10000x128xf32, #tpu.memory_space<vmem_shared>> -> memref<10000x128xf32, #tpu.memory_space<vmem_shared>>
        tpu.wait_indirect_dma semaphore(%arg15 : memref<!tpu.dma_semaphore, #tpu.memory_space<semaphore_mem>>) src(%arg9 : memref<80x128xf32, #tpu.memory_space<vmem>>) dst(%dma_wait3A_290 : memref<10000x128xf32, #tpu.memory_space<vmem_shared>>)
        %add3A_291 = arith.constant 3 : i32
        %add3A_292 = arith.addi %add3A_241, %add3A_291 : i32
        %dma_start3A_293 = arith.constant 0 : i32
        %dma_start3A_294 = tpu.memref_slice %arg6[%add3A_292, %dma_start3A_293] : memref<125x80xi32, #tpu.memory_space<vmem>> -> memref<1x80xi32, #tpu.memory_space<vmem>>
        %dma_start3A_295 = tpu.memref_squeeze %dma_start3A_294 : memref<1x80xi32, #tpu.memory_space<vmem>> -> memref<80xi32, #tpu.memory_space<vmem>>
        %dma_start3A_296 = arith.constant 0 : i32
        %dma_start3A_297 = arith.constant 0 : i32
        %dma_start3A_298 = tpu.memref_slice %arg2[%dma_start3A_296, %dma_start3A_297] : memref<10000x128xf32, #tpu.memory_space<hbm>> -> memref<10000x128xf32, #tpu.memory_space<hbm>>
        tpu.enqueue_indirect_dma source(%dma_start3A_298 : memref<10000x128xf32, #tpu.memory_space<hbm>>) target(%arg9 : memref<80x128xf32, #tpu.memory_space<vmem>>) offsets(%dma_start3A_295 : memref<80xi32, #tpu.memory_space<vmem>>) semaphore(%arg12 : memref<!tpu.dma_semaphore, #tpu.memory_space<semaphore_mem>>)
      } else {
      }
      %mul3A_261 = arith.constant 3 : i32
      %mul3A_262 = arith.muli %scan3A_217, %mul3A_261 : i32
      %add3A_263 = arith.constant 2 : i32
      %add3A_264 = arith.addi %mul3A_262, %add3A_263 : i32
      %dma_wait3A_265 = arith.constant 0 : i32
      %dma_wait3A_266 = tpu.memref_slice %arg6[%add3A_264, %dma_wait3A_265] : memref<125x80xi32, #tpu.memory_space<vmem>> -> memref<1x80xi32, #tpu.memory_space<vmem>>
      %dma_wait3A_267 = tpu.memref_squeeze %dma_wait3A_266 : memref<1x80xi32, #tpu.memory_space<vmem>> -> memref<80xi32, #tpu.memory_space<vmem>>
      %dma_wait3A_268 = arith.constant 0 : i32
      %dma_wait3A_269 = arith.constant 0 : i32
      %dma_wait3A_270 = tpu.memref_slice %arg2[%dma_wait3A_268, %dma_wait3A_269] : memref<10000x128xf32, #tpu.memory_space<hbm>> -> memref<10000x128xf32, #tpu.memory_space<hbm>>
      tpu.wait_indirect_dma semaphore(%arg13 : memref<!tpu.dma_semaphore, #tpu.memory_space<semaphore_mem>>) src(%dma_wait3A_270 : memref<10000x128xf32, #tpu.memory_space<hbm>>) dst(%arg10 : memref<80x128xf32, #tpu.memory_space<vmem>>)
      %dma_start3A_271 = arith.constant 0 : i32
      %dma_start3A_272 = tpu.memref_slice %arg7[%add3A_264, %dma_start3A_271] : memref<125x80xi32, #tpu.memory_space<vmem>> -> memref<1x80xi32, #tpu.memory_space<vmem>>
      %dma_start3A_273 = tpu.memref_squeeze %dma_start3A_272 : memref<1x80xi32, #tpu.memory_space<vmem>> -> memref<80xi32, #tpu.memory_space<vmem>>
      %dma_start3A_274 = arith.constant 0 : i32
      %dma_start3A_275 = arith.constant 0 : i32
      %dma_start3A_276 = tpu.memref_slice %arg18[%dma_start3A_274, %dma_start3A_275] : memref<10000x128xf32, #tpu.memory_space<vmem_shared>> -> memref<10000x128xf32, #tpu.memory_space<vmem_shared>>
      tpu.enqueue_indirect_dma source(%arg10 : memref<80x128xf32, #tpu.memory_space<vmem>>) target(%dma_start3A_276 : memref<10000x128xf32, #tpu.memory_space<vmem_shared>>) offsets(%dma_start3A_273 : memref<80xi32, #tpu.memory_space<vmem>>) semaphore(%arg16 : memref<!tpu.dma_semaphore, #tpu.memory_space<semaphore_mem>>) {add = true}
      %add3A_277 = arith.constant 3 : i32
      %add3A_278 = arith.addi %add3A_264, %add3A_277 : i32
      %lt3A_279 = arith.constant 125 : i32
      %lt3A_280 = arith.cmpi slt, %add3A_278, %lt3A_279 : i32
      %convert_element_type3A_281 = arith.extui %lt3A_280 : i1 to i32
      %cond3A_282 = arith.constant 0 : i32
      %cond3A_283 = arith.cmpi ne, %convert_element_type3A_281, %cond3A_282 : i32
      scf.if %cond3A_283 {
        %dma_wait3A_284 = arith.constant 0 : i32
        %dma_wait3A_285 = arith.constant 0 : i32
        %dma_wait3A_286 = tpu.memref_slice %arg7[%dma_wait3A_284, %dma_wait3A_285] : memref<125x80xi32, #tpu.memory_space<vmem>> -> memref<1x80xi32, #tpu.memory_space<vmem>>
        %dma_wait3A_287 = tpu.memref_squeeze %dma_wait3A_286 : memref<1x80xi32, #tpu.memory_space<vmem>> -> memref<80xi32, #tpu.memory_space<vmem>>
        %dma_wait3A_288 = arith.constant 0 : i32
        %dma_wait3A_289 = arith.constant 0 : i32
        %dma_wait3A_290 = tpu.memref_slice %arg18[%dma_wait3A_288, %dma_wait3A_289] : memref<10000x128xf32, #tpu.memory_space<vmem_shared>> -> memref<10000x128xf32, #tpu.memory_space<vmem_shared>>
        tpu.wait_indirect_dma semaphore(%arg16 : memref<!tpu.dma_semaphore, #tpu.memory_space<semaphore_mem>>) src(%arg10 : memref<80x128xf32, #tpu.memory_space<vmem>>) dst(%dma_wait3A_290 : memref<10000x128xf32, #tpu.memory_space<vmem_shared>>)
        %add3A_291 = arith.constant 3 : i32
        %add3A_292 = arith.addi %add3A_264, %add3A_291 : i32
        %dma_start3A_293 = arith.constant 0 : i32
        %dma_start3A_294 = tpu.memref_slice %arg6[%add3A_292, %dma_start3A_293] : memref<125x80xi32, #tpu.memory_space<vmem>> -> memref<1x80xi32, #tpu.memory_space<vmem>>
        %dma_start3A_295 = tpu.memref_squeeze %dma_start3A_294 : memref<1x80xi32, #tpu.memory_space<vmem>> -> memref<80xi32, #tpu.memory_space<vmem>>
        %dma_start3A_296 = arith.constant 0 : i32
        %dma_start3A_297 = arith.constant 0 : i32
        %dma_start3A_298 = tpu.memref_slice %arg2[%dma_start3A_296, %dma_start3A_297] : memref<10000x128xf32, #tpu.memory_space<hbm>> -> memref<10000x128xf32, #tpu.memory_space<hbm>>
        tpu.enqueue_indirect_dma source(%dma_start3A_298 : memref<10000x128xf32, #tpu.memory_space<hbm>>) target(%arg10 : memref<80x128xf32, #tpu.memory_space<vmem>>) offsets(%dma_start3A_295 : memref<80xi32, #tpu.memory_space<vmem>>) semaphore(%arg13 : memref<!tpu.dma_semaphore, #tpu.memory_space<semaphore_mem>>)
      } else {
      }
    }
    %scan3A_162 = arith.constant 41 : i32
    %dma_wait3A_163 = arith.constant 123 : i32
    %dma_wait3A_164 = arith.constant 0 : i32
    %dma_wait3A_165 = tpu.memref_slice %arg6[%dma_wait3A_163, %dma_wait3A_164] : memref<125x80xi32, #tpu.memory_space<vmem>> -> memref<1x80xi32, #tpu.memory_space<vmem>>
    %dma_wait3A_166 = tpu.memref_squeeze %dma_wait3A_165 : memref<1x80xi32, #tpu.memory_space<vmem>> -> memref<80xi32, #tpu.memory_space<vmem>>
    %dma_wait3A_167 = arith.constant 0 : i32
    %dma_wait3A_168 = arith.constant 0 : i32
    %dma_wait3A_169 = tpu.memref_slice %arg2[%dma_wait3A_167, %dma_wait3A_168] : memref<10000x128xf32, #tpu.memory_space<hbm>> -> memref<10000x128xf32, #tpu.memory_space<hbm>>
    tpu.wait_indirect_dma semaphore(%arg11 : memref<!tpu.dma_semaphore, #tpu.memory_space<semaphore_mem>>) src(%dma_wait3A_169 : memref<10000x128xf32, #tpu.memory_space<hbm>>) dst(%arg8 : memref<80x128xf32, #tpu.memory_space<vmem>>)
    %dma_start3A_170 = arith.constant 123 : i32
    %dma_start3A_171 = arith.constant 0 : i32
    %dma_start3A_172 = tpu.memref_slice %arg7[%dma_start3A_170, %dma_start3A_171] : memref<125x80xi32, #tpu.memory_space<vmem>> -> memref<1x80xi32, #tpu.memory_space<vmem>>
    %dma_start3A_173 = tpu.memref_squeeze %dma_start3A_172 : memref<1x80xi32, #tpu.memory_space<vmem>> -> memref<80xi32, #tpu.memory_space<vmem>>
    %dma_start3A_174 = arith.constant 0 : i32
    %dma_start3A_175 = arith.constant 0 : i32
    %dma_start3A_176 = tpu.memref_slice %arg18[%dma_start3A_174, %dma_start3A_175] : memref<10000x128xf32, #tpu.memory_space<vmem_shared>> -> memref<10000x128xf32, #tpu.memory_space<vmem_shared>>
    tpu.enqueue_indirect_dma source(%arg8 : memref<80x128xf32, #tpu.memory_space<vmem>>) target(%dma_start3A_176 : memref<10000x128xf32, #tpu.memory_space<vmem_shared>>) offsets(%dma_start3A_173 : memref<80xi32, #tpu.memory_space<vmem>>) semaphore(%arg14 : memref<!tpu.dma_semaphore, #tpu.memory_space<semaphore_mem>>) {add = true}
    %dma_wait3A_177 = arith.constant 124 : i32
    %dma_wait3A_178 = arith.constant 0 : i32
    %dma_wait3A_179 = tpu.memref_slice %arg6[%dma_wait3A_177, %dma_wait3A_178] : memref<125x80xi32, #tpu.memory_space<vmem>> -> memref<1x80xi32, #tpu.memory_space<vmem>>
    %dma_wait3A_180 = tpu.memref_squeeze %dma_wait3A_179 : memref<1x80xi32, #tpu.memory_space<vmem>> -> memref<80xi32, #tpu.memory_space<vmem>>
    %dma_wait3A_181 = arith.constant 0 : i32
    %dma_wait3A_182 = arith.constant 0 : i32
    %dma_wait3A_183 = tpu.memref_slice %arg2[%dma_wait3A_181, %dma_wait3A_182] : memref<10000x128xf32, #tpu.memory_space<hbm>> -> memref<10000x128xf32, #tpu.memory_space<hbm>>
    tpu.wait_indirect_dma semaphore(%arg12 : memref<!tpu.dma_semaphore, #tpu.memory_space<semaphore_mem>>) src(%dma_wait3A_183 : memref<10000x128xf32, #tpu.memory_space<hbm>>) dst(%arg9 : memref<80x128xf32, #tpu.memory_space<vmem>>)
    %dma_start3A_184 = arith.constant 124 : i32
    %dma_start3A_185 = arith.constant 0 : i32
    %dma_start3A_186 = tpu.memref_slice %arg7[%dma_start3A_184, %dma_start3A_185] : memref<125x80xi32, #tpu.memory_space<vmem>> -> memref<1x80xi32, #tpu.memory_space<vmem>>
    %dma_start3A_187 = tpu.memref_squeeze %dma_start3A_186 : memref<1x80xi32, #tpu.memory_space<vmem>> -> memref<80xi32, #tpu.memory_space<vmem>>
    %dma_start3A_188 = arith.constant 0 : i32
    %dma_start3A_189 = arith.constant 0 : i32
    %dma_start3A_190 = tpu.memref_slice %arg18[%dma_start3A_188, %dma_start3A_189] : memref<10000x128xf32, #tpu.memory_space<vmem_shared>> -> memref<10000x128xf32, #tpu.memory_space<vmem_shared>>
    tpu.enqueue_indirect_dma source(%arg9 : memref<80x128xf32, #tpu.memory_space<vmem>>) target(%dma_start3A_190 : memref<10000x128xf32, #tpu.memory_space<vmem_shared>>) offsets(%dma_start3A_187 : memref<80xi32, #tpu.memory_space<vmem>>) semaphore(%arg15 : memref<!tpu.dma_semaphore, #tpu.memory_space<semaphore_mem>>) {add = true}
    %dma_wait3A_191 = arith.constant 0 : i32
    %dma_wait3A_192 = arith.constant 0 : i32
    %dma_wait3A_193 = tpu.memref_slice %arg7[%dma_wait3A_191, %dma_wait3A_192] : memref<125x80xi32, #tpu.memory_space<vmem>> -> memref<1x80xi32, #tpu.memory_space<vmem>>
    %dma_wait3A_194 = tpu.memref_squeeze %dma_wait3A_193 : memref<1x80xi32, #tpu.memory_space<vmem>> -> memref<80xi32, #tpu.memory_space<vmem>>
    %dma_wait3A_195 = arith.constant 0 : i32
    %dma_wait3A_196 = arith.constant 0 : i32
    %dma_wait3A_197 = tpu.memref_slice %arg18[%dma_wait3A_195, %dma_wait3A_196] : memref<10000x128xf32, #tpu.memory_space<vmem_shared>> -> memref<10000x128xf32, #tpu.memory_space<vmem_shared>>
    tpu.wait_indirect_dma semaphore(%arg14 : memref<!tpu.dma_semaphore, #tpu.memory_space<semaphore_mem>>) src(%arg8 : memref<80x128xf32, #tpu.memory_space<vmem>>) dst(%dma_wait3A_197 : memref<10000x128xf32, #tpu.memory_space<vmem_shared>>)
    %dma_wait3A_198 = arith.constant 0 : i32
    %dma_wait3A_199 = arith.constant 0 : i32
    %dma_wait3A_200 = tpu.memref_slice %arg7[%dma_wait3A_198, %dma_wait3A_199] : memref<125x80xi32, #tpu.memory_space<vmem>> -> memref<1x80xi32, #tpu.memory_space<vmem>>
    %dma_wait3A_201 = tpu.memref_squeeze %dma_wait3A_200 : memref<1x80xi32, #tpu.memory_space<vmem>> -> memref<80xi32, #tpu.memory_space<vmem>>
    %dma_wait3A_202 = arith.constant 0 : i32
    %dma_wait3A_203 = arith.constant 0 : i32
    %dma_wait3A_204 = tpu.memref_slice %arg18[%dma_wait3A_202, %dma_wait3A_203] : memref<10000x128xf32, #tpu.memory_space<vmem_shared>> -> memref<10000x128xf32, #tpu.memory_space<vmem_shared>>
    tpu.wait_indirect_dma semaphore(%arg15 : memref<!tpu.dma_semaphore, #tpu.memory_space<semaphore_mem>>) src(%arg9 : memref<80x128xf32, #tpu.memory_space<vmem>>) dst(%dma_wait3A_204 : memref<10000x128xf32, #tpu.memory_space<vmem_shared>>)
    %dma_wait3A_205 = arith.constant 0 : i32
    %dma_wait3A_206 = arith.constant 0 : i32
    %dma_wait3A_207 = tpu.memref_slice %arg7[%dma_wait3A_205, %dma_wait3A_206] : memref<125x80xi32, #tpu.memory_space<vmem>> -> memref<1x80xi32, #tpu.memory_space<vmem>>
    %dma_wait3A_208 = tpu.memref_squeeze %dma_wait3A_207 : memref<1x80xi32, #tpu.memory_space<vmem>> -> memref<80xi32, #tpu.memory_space<vmem>>
    %dma_wait3A_209 = arith.constant 0 : i32
    %dma_wait3A_210 = arith.constant 0 : i32
    %dma_wait3A_211 = tpu.memref_slice %arg18[%dma_wait3A_209, %dma_wait3A_210] : memref<10000x128xf32, #tpu.memory_space<vmem_shared>> -> memref<10000x128xf32, #tpu.memory_space<vmem_shared>>
    tpu.wait_indirect_dma semaphore(%arg16 : memref<!tpu.dma_semaphore, #tpu.memory_space<semaphore_mem>>) src(%arg10 : memref<80x128xf32, #tpu.memory_space<vmem>>) dst(%dma_wait3A_211 : memref<10000x128xf32, #tpu.memory_space<vmem_shared>>)
    %barrier3A_212 = arith.constant 0 : index
    tpu.barrier barrier_id(%barrier3A_212)
    %mul3A_213 = arith.constant 625 : i32
    %mul3A_214 = arith.muli %arg1, %mul3A_213 : i32
    %mul3A_215 = arith.constant 625 : i32
    %mul3A_216 = arith.muli %arg1, %mul3A_215 : i32
    "tpu.region"() ({
      %run_scoped3A = tpu.sem_alloc : memref<!tpu.dma_semaphore, #tpu.memory_space<semaphore_mem>>
      %dma_start3A_217 = arith.constant 0 : i32
      %dma_start3A_218 = tpu.memref_slice %arg5[%arg0, %mul3A_216, %dma_start3A_217] : memref<2x10000x128xf32, #tpu.memory_space<hbm>> -> memref<1x625x128xf32, #tpu.memory_space<hbm>>
      %dma_start3A_219 = tpu.memref_squeeze %dma_start3A_218 : memref<1x625x128xf32, #tpu.memory_space<hbm>> -> memref<625x128xf32, #tpu.memory_space<hbm>>
      %dma_start3A_220 = arith.constant 0 : i32
      %dma_start3A_221 = tpu.memref_slice %arg18[%mul3A_214, %dma_start3A_220] : memref<10000x128xf32, #tpu.memory_space<vmem_shared>> -> memref<625x128xf32, #tpu.memory_space<vmem_shared>>
      tpu.enqueue_dma source(%dma_start3A_221 : memref<625x128xf32, #tpu.memory_space<vmem_shared>>) target(%dma_start3A_219 : memref<625x128xf32, #tpu.memory_space<hbm>>) target_semaphore(%run_scoped3A : memref<!tpu.dma_semaphore, #tpu.memory_space<semaphore_mem>>)
      %dma_wait3A_222 = arith.constant 0 : i32
      %dma_wait3A_223 = tpu.memref_slice %arg5[%arg0, %mul3A_216, %dma_wait3A_222] : memref<2x10000x128xf32, #tpu.memory_space<hbm>> -> memref<1x625x128xf32, #tpu.memory_space<hbm>>
      %dma_wait3A_224 = tpu.memref_squeeze %dma_wait3A_223 : memref<1x625x128xf32, #tpu.memory_space<hbm>> -> memref<625x128xf32, #tpu.memory_space<hbm>>
      %dma_wait3A_225 = arith.constant 0 : i32
      %dma_wait3A_226 = tpu.memref_slice %arg18[%mul3A_214, %dma_wait3A_225] : memref<10000x128xf32, #tpu.memory_space<vmem_shared>> -> memref<625x128xf32, #tpu.memory_space<vmem_shared>>
      tpu.wait_dma2 semaphore(%run_scoped3A : memref<!tpu.dma_semaphore, #tpu.memory_space<semaphore_mem>>) src(%dma_wait3A_226 : memref<625x128xf32, #tpu.memory_space<vmem_shared>>) dst(%dma_wait3A_224 : memref<625x128xf32, #tpu.memory_space<hbm>>)
      tpu.yield
    }) : () -> ()
    return
  }
}

#map = affine_map<(d0, d1) -> (0, 0, 0)>
module attributes {stable_mosaic.version = 14 : i64} {
  func.func @_deg_body(%arg0: i32, %arg1: i32, %arg2: memref<32x125x80xi32, #tpu.memory_space<hbm>>, %arg3: memref<32x125x80xi32, #tpu.memory_space<hbm>>, %arg4: memref<2x2x10240xf32, #tpu.memory_space<hbm>>, %arg5: memref<125x80xi32, #tpu.memory_space<vmem>>, %arg6: memref<125x80xi32, #tpu.memory_space<vmem>>, %arg7: memref<80xf32, #tpu.memory_space<vmem>>, %arg8: memref<640xf32, #tpu.memory_space<vmem>>, %arg9: memref<10240xf32, #tpu.memory_space<vmem_shared>>, %arg10: memref<10240xf32, #tpu.memory_space<vmem_shared>>, %arg11: memref<!tpu.dma_semaphore, #tpu.memory_space<semaphore_mem>>) attributes {dimension_semantics = [#tpu.dimension_semantics<core_parallel>, #tpu.dimension_semantics<subcore_parallel>], iteration_bounds = array<i64: 2, 16>, scalar_prefetch = 0 : i64, scratch_operands = 7 : i64, tpu.core_type = #tpu.core_type<sc_vector_subcore>, window_params = [{transform_indices = #map}, {transform_indices = #map}, {transform_indices = #map}]} {
    %mul3A = arith.constant 2 : i32
    %mul3A_0 = arith.muli %arg1, %mul3A : i32
    %add3A = arith.addi %mul3A_0, %arg0 : i32
    %dma_start3A = arith.constant 0 : i32
    %dma_start3A_1 = arith.constant 0 : i32
    %dma_start3A_2 = tpu.memref_slice %arg2[%add3A, %dma_start3A, %dma_start3A_1] : memref<32x125x80xi32, #tpu.memory_space<hbm>> -> memref<1x125x80xi32, #tpu.memory_space<hbm>>
    %dma_start3A_3 = tpu.memref_squeeze %dma_start3A_2 : memref<1x125x80xi32, #tpu.memory_space<hbm>> -> memref<125x80xi32, #tpu.memory_space<hbm>>
    %dma_start3A_4 = arith.constant 0 : i32
    %dma_start3A_5 = arith.constant 0 : i32
    %dma_start3A_6 = tpu.memref_slice %arg2[%add3A, %dma_start3A_4, %dma_start3A_5] : memref<32x125x80xi32, #tpu.memory_space<hbm>> -> memref<1x125x80xi32, #tpu.memory_space<hbm>>
    %dma_start3A_7 = tpu.memref_squeeze %dma_start3A_6 : memref<1x125x80xi32, #tpu.memory_space<hbm>> -> memref<125x80xi32, #tpu.memory_space<hbm>>
    tpu.enqueue_dma source(%dma_start3A_7 : memref<125x80xi32, #tpu.memory_space<hbm>>) target(%arg5 : memref<125x80xi32, #tpu.memory_space<vmem>>) target_semaphore(%arg11 : memref<!tpu.dma_semaphore, #tpu.memory_space<semaphore_mem>>)
    %dma_start3A_8 = arith.constant 0 : i32
    %dma_start3A_9 = arith.constant 0 : i32
    %dma_start3A_10 = tpu.memref_slice %arg3[%add3A, %dma_start3A_8, %dma_start3A_9] : memref<32x125x80xi32, #tpu.memory_space<hbm>> -> memref<1x125x80xi32, #tpu.memory_space<hbm>>
    %dma_start3A_11 = tpu.memref_squeeze %dma_start3A_10 : memref<1x125x80xi32, #tpu.memory_space<hbm>> -> memref<125x80xi32, #tpu.memory_space<hbm>>
    %dma_start3A_12 = arith.constant 0 : i32
    %dma_start3A_13 = arith.constant 0 : i32
    %dma_start3A_14 = tpu.memref_slice %arg3[%add3A, %dma_start3A_12, %dma_start3A_13] : memref<32x125x80xi32, #tpu.memory_space<hbm>> -> memref<1x125x80xi32, #tpu.memory_space<hbm>>
    %dma_start3A_15 = tpu.memref_squeeze %dma_start3A_14 : memref<1x125x80xi32, #tpu.memory_space<hbm>> -> memref<125x80xi32, #tpu.memory_space<hbm>>
    tpu.enqueue_dma source(%dma_start3A_15 : memref<125x80xi32, #tpu.memory_space<hbm>>) target(%arg6 : memref<125x80xi32, #tpu.memory_space<vmem>>) target_semaphore(%arg11 : memref<!tpu.dma_semaphore, #tpu.memory_space<semaphore_mem>>)
    %broadcast_in_dim3A = arith.constant 1.000000e+00 : f32
    %broadcast_in_dim3A_16 = vector.broadcast %broadcast_in_dim3A : f32 to vector<16xf32>
    %swap3A = arith.constant 0 : index
    %swap3A_17 = tpu.vector_load %arg7[%swap3A] {strides = array<i32>} : memref<80xf32, #tpu.memory_space<vmem>>, vector<16xf32>,
    %swap3A_18 = vector.shape_cast %swap3A_17 : vector<16xf32> to vector<16xf32>
    %swap3A_19 = vector.shape_cast %broadcast_in_dim3A_16 : vector<16xf32> to vector<16xf32>
    tpu.vector_store %arg7[%swap3A], %swap3A_19 {strides = array<i32>} : memref<80xf32, #tpu.memory_space<vmem>>, vector<16xf32>,
    %broadcast_in_dim3A_20 = arith.constant 1.000000e+00 : f32
    %broadcast_in_dim3A_21 = vector.broadcast %broadcast_in_dim3A_20 : f32 to vector<16xf32>
    %swap3A_22 = arith.constant 16 : index
    %swap3A_23 = tpu.vector_load %arg7[%swap3A_22] {strides = array<i32>} : memref<80xf32, #tpu.memory_space<vmem>>, vector<16xf32>,
    %swap3A_24 = vector.shape_cast %swap3A_23 : vector<16xf32> to vector<16xf32>
    %swap3A_25 = vector.shape_cast %broadcast_in_dim3A_21 : vector<16xf32> to vector<16xf32>
    tpu.vector_store %arg7[%swap3A_22], %swap3A_25 {strides = array<i32>} : memref<80xf32, #tpu.memory_space<vmem>>, vector<16xf32>,
    %broadcast_in_dim3A_26 = arith.constant 1.000000e+00 : f32
    %broadcast_in_dim3A_27 = vector.broadcast %broadcast_in_dim3A_26 : f32 to vector<16xf32>
    %swap3A_28 = arith.constant 32 : index
    %swap3A_29 = tpu.vector_load %arg7[%swap3A_28] {strides = array<i32>} : memref<80xf32, #tpu.memory_space<vmem>>, vector<16xf32>,
    %swap3A_30 = vector.shape_cast %swap3A_29 : vector<16xf32> to vector<16xf32>
    %swap3A_31 = vector.shape_cast %broadcast_in_dim3A_27 : vector<16xf32> to vector<16xf32>
    tpu.vector_store %arg7[%swap3A_28], %swap3A_31 {strides = array<i32>} : memref<80xf32, #tpu.memory_space<vmem>>, vector<16xf32>,
    %broadcast_in_dim3A_32 = arith.constant 1.000000e+00 : f32
    %broadcast_in_dim3A_33 = vector.broadcast %broadcast_in_dim3A_32 : f32 to vector<16xf32>
    %swap3A_34 = arith.constant 48 : index
    %swap3A_35 = tpu.vector_load %arg7[%swap3A_34] {strides = array<i32>} : memref<80xf32, #tpu.memory_space<vmem>>, vector<16xf32>,
    %swap3A_36 = vector.shape_cast %swap3A_35 : vector<16xf32> to vector<16xf32>
    %swap3A_37 = vector.shape_cast %broadcast_in_dim3A_33 : vector<16xf32> to vector<16xf32>
    tpu.vector_store %arg7[%swap3A_34], %swap3A_37 {strides = array<i32>} : memref<80xf32, #tpu.memory_space<vmem>>, vector<16xf32>,
    %broadcast_in_dim3A_38 = arith.constant 1.000000e+00 : f32
    %broadcast_in_dim3A_39 = vector.broadcast %broadcast_in_dim3A_38 : f32 to vector<16xf32>
    %swap3A_40 = arith.constant 64 : index
    %swap3A_41 = tpu.vector_load %arg7[%swap3A_40] {strides = array<i32>} : memref<80xf32, #tpu.memory_space<vmem>>, vector<16xf32>,
    %swap3A_42 = vector.shape_cast %swap3A_41 : vector<16xf32> to vector<16xf32>
    %swap3A_43 = vector.shape_cast %broadcast_in_dim3A_39 : vector<16xf32> to vector<16xf32>
    tpu.vector_store %arg7[%swap3A_40], %swap3A_43 {strides = array<i32>} : memref<80xf32, #tpu.memory_space<vmem>>, vector<16xf32>,
    %scan3A = arith.constant 0 : i32
    %scan3A_44 = arith.constant 0 : i32
    %scan3A_45 = arith.constant 40 : i32
    %scan3A_46 = arith.addi %scan3A_44, %scan3A_45 : i32
    %scan3A_47 = arith.constant 1 : i32
    scf.for %scan3A_84 = %scan3A_44 to %scan3A_46 step %scan3A_47  : i32 {
      %broadcast_in_dim3A_85 = arith.constant 0.000000e+00 : f32
      %broadcast_in_dim3A_86 = vector.broadcast %broadcast_in_dim3A_85 : f32 to vector<16xf32>
      %mul3A_87 = arith.constant 16 : i32
      %mul3A_88 = arith.muli %scan3A_84, %mul3A_87 : i32
      %swap3A_89 = arith.index_cast %mul3A_88 : i32 to index
      %swap3A_90 = tpu.vector_load %arg8[%swap3A_89] {strides = array<i32>} : memref<640xf32, #tpu.memory_space<vmem>>, vector<16xf32>,
      %swap3A_91 = vector.shape_cast %swap3A_90 : vector<16xf32> to vector<16xf32>
      %swap3A_92 = vector.shape_cast %broadcast_in_dim3A_86 : vector<16xf32> to vector<16xf32>
      tpu.vector_store %arg8[%swap3A_89], %swap3A_92 {strides = array<i32>} : memref<640xf32, #tpu.memory_space<vmem>>, vector<16xf32>,
    }
    %scan3A_48 = arith.constant 40 : i32
    %mul3A_49 = arith.constant 640 : i32
    %mul3A_50 = arith.muli %arg1, %mul3A_49 : i32
    "tpu.region"() ({
      %run_scoped3A_84 = tpu.sem_alloc : memref<!tpu.dma_semaphore, #tpu.memory_space<semaphore_mem>>
      %dma_start3A_85 = tpu.memref_slice %arg9[%mul3A_50] : memref<10240xf32, #tpu.memory_space<vmem_shared>> -> memref<640xf32, #tpu.memory_space<vmem_shared>>
      %dma_start3A_86 = tpu.memref_slice %arg9[%mul3A_50] : memref<10240xf32, #tpu.memory_space<vmem_shared>> -> memref<640xf32, #tpu.memory_space<vmem_shared>>
      tpu.enqueue_dma source(%arg8 : memref<640xf32, #tpu.memory_space<vmem>>) target(%dma_start3A_86 : memref<640xf32, #tpu.memory_space<vmem_shared>>) target_semaphore(%run_scoped3A_84 : memref<!tpu.dma_semaphore, #tpu.memory_space<semaphore_mem>>)
      %dma_wait3A_87 = tpu.memref_slice %arg9[%mul3A_50] : memref<10240xf32, #tpu.memory_space<vmem_shared>> -> memref<640xf32, #tpu.memory_space<vmem_shared>>
      %dma_wait3A_88 = tpu.memref_slice %arg9[%mul3A_50] : memref<10240xf32, #tpu.memory_space<vmem_shared>> -> memref<640xf32, #tpu.memory_space<vmem_shared>>
      tpu.wait_dma2 semaphore(%run_scoped3A_84 : memref<!tpu.dma_semaphore, #tpu.memory_space<semaphore_mem>>) src(%arg8 : memref<640xf32, #tpu.memory_space<vmem>>) dst(%dma_wait3A_88 : memref<640xf32, #tpu.memory_space<vmem_shared>>)
      tpu.yield
    }) : () -> ()
    %mul3A_51 = arith.constant 640 : i32
    %mul3A_52 = arith.muli %arg1, %mul3A_51 : i32
    "tpu.region"() ({
      %run_scoped3A_84 = tpu.sem_alloc : memref<!tpu.dma_semaphore, #tpu.memory_space<semaphore_mem>>
      %dma_start3A_85 = tpu.memref_slice %arg10[%mul3A_52] : memref<10240xf32, #tpu.memory_space<vmem_shared>> -> memref<640xf32, #tpu.memory_space<vmem_shared>>
      %dma_start3A_86 = tpu.memref_slice %arg10[%mul3A_52] : memref<10240xf32, #tpu.memory_space<vmem_shared>> -> memref<640xf32, #tpu.memory_space<vmem_shared>>
      tpu.enqueue_dma source(%arg8 : memref<640xf32, #tpu.memory_space<vmem>>) target(%dma_start3A_86 : memref<640xf32, #tpu.memory_space<vmem_shared>>) target_semaphore(%run_scoped3A_84 : memref<!tpu.dma_semaphore, #tpu.memory_space<semaphore_mem>>)
      %dma_wait3A_87 = tpu.memref_slice %arg10[%mul3A_52] : memref<10240xf32, #tpu.memory_space<vmem_shared>> -> memref<640xf32, #tpu.memory_space<vmem_shared>>
      %dma_wait3A_88 = tpu.memref_slice %arg10[%mul3A_52] : memref<10240xf32, #tpu.memory_space<vmem_shared>> -> memref<640xf32, #tpu.memory_space<vmem_shared>>
      tpu.wait_dma2 semaphore(%run_scoped3A_84 : memref<!tpu.dma_semaphore, #tpu.memory_space<semaphore_mem>>) src(%arg8 : memref<640xf32, #tpu.memory_space<vmem>>) dst(%dma_wait3A_88 : memref<640xf32, #tpu.memory_space<vmem_shared>>)
      tpu.yield
    }) : () -> ()
    %dma_wait3A = arith.constant 0 : i32
    %dma_wait3A_53 = arith.constant 0 : i32
    %dma_wait3A_54 = tpu.memref_slice %arg2[%add3A, %dma_wait3A, %dma_wait3A_53] : memref<32x125x80xi32, #tpu.memory_space<hbm>> -> memref<1x125x80xi32, #tpu.memory_space<hbm>>
    %dma_wait3A_55 = tpu.memref_squeeze %dma_wait3A_54 : memref<1x125x80xi32, #tpu.memory_space<hbm>> -> memref<125x80xi32, #tpu.memory_space<hbm>>
    %dma_wait3A_56 = arith.constant 0 : i32
    %dma_wait3A_57 = arith.constant 0 : i32
    %dma_wait3A_58 = tpu.memref_slice %arg2[%add3A, %dma_wait3A_56, %dma_wait3A_57] : memref<32x125x80xi32, #tpu.memory_space<hbm>> -> memref<1x125x80xi32, #tpu.memory_space<hbm>>
    %dma_wait3A_59 = tpu.memref_squeeze %dma_wait3A_58 : memref<1x125x80xi32, #tpu.memory_space<hbm>> -> memref<125x80xi32, #tpu.memory_space<hbm>>
    tpu.wait_dma2 semaphore(%arg11 : memref<!tpu.dma_semaphore, #tpu.memory_space<semaphore_mem>>) src(%dma_wait3A_59 : memref<125x80xi32, #tpu.memory_space<hbm>>) dst(%arg5 : memref<125x80xi32, #tpu.memory_space<vmem>>)
    %dma_wait3A_60 = arith.constant 0 : i32
    %dma_wait3A_61 = arith.constant 0 : i32
    %dma_wait3A_62 = tpu.memref_slice %arg3[%add3A, %dma_wait3A_60, %dma_wait3A_61] : memref<32x125x80xi32, #tpu.memory_space<hbm>> -> memref<1x125x80xi32, #tpu.memory_space<hbm>>
    %dma_wait3A_63 = tpu.memref_squeeze %dma_wait3A_62 : memref<1x125x80xi32, #tpu.memory_space<hbm>> -> memref<125x80xi32, #tpu.memory_space<hbm>>
    %dma_wait3A_64 = arith.constant 0 : i32
    %dma_wait3A_65 = arith.constant 0 : i32
    %dma_wait3A_66 = tpu.memref_slice %arg3[%add3A, %dma_wait3A_64, %dma_wait3A_65] : memref<32x125x80xi32, #tpu.memory_space<hbm>> -> memref<1x125x80xi32, #tpu.memory_space<hbm>>
    %dma_wait3A_67 = tpu.memref_squeeze %dma_wait3A_66 : memref<1x125x80xi32, #tpu.memory_space<hbm>> -> memref<125x80xi32, #tpu.memory_space<hbm>>
    tpu.wait_dma2 semaphore(%arg11 : memref<!tpu.dma_semaphore, #tpu.memory_space<semaphore_mem>>) src(%dma_wait3A_67 : memref<125x80xi32, #tpu.memory_space<hbm>>) dst(%arg6 : memref<125x80xi32, #tpu.memory_space<vmem>>)
    %barrier3A = arith.constant 0 : index
    tpu.barrier barrier_id(%barrier3A)
    %scan3A_68 = arith.constant 0 : i32
    %scan3A_69 = arith.constant 0 : i32
    %scan3A_70 = arith.constant 25 : i32
    %scan3A_71 = arith.addi %scan3A_69, %scan3A_70 : i32
    %scan3A_72 = arith.constant 1 : i32
    scf.for %scan3A_84 = %scan3A_69 to %scan3A_71 step %scan3A_72  : i32 {
      %mul3A_85 = arith.constant 5 : i32
      %mul3A_86 = arith.muli %scan3A_84, %mul3A_85 : i32
      %add3A_87 = arith.constant 0 : i32
      %add3A_88 = arith.addi %mul3A_86, %add3A_87 : i32
      %dma_start3A_89 = arith.constant 0 : i32
      %dma_start3A_90 = tpu.memref_slice %arg5[%add3A_88, %dma_start3A_89] : memref<125x80xi32, #tpu.memory_space<vmem>> -> memref<1x80xi32, #tpu.memory_space<vmem>>
      %dma_start3A_91 = tpu.memref_squeeze %dma_start3A_90 : memref<1x80xi32, #tpu.memory_space<vmem>> -> memref<80xi32, #tpu.memory_space<vmem>>
      %dma_start3A_92 = arith.constant 0 : i32
      %dma_start3A_93 = tpu.memref_slice %arg9[%dma_start3A_92] : memref<10240xf32, #tpu.memory_space<vmem_shared>> -> memref<10240xf32, #tpu.memory_space<vmem_shared>>
      tpu.enqueue_indirect_dma source(%arg7 : memref<80xf32, #tpu.memory_space<vmem>>) target(%dma_start3A_93 : memref<10240xf32, #tpu.memory_space<vmem_shared>>) offsets(%dma_start3A_91 : memref<80xi32, #tpu.memory_space<vmem>>) semaphore(%arg11 : memref<!tpu.dma_semaphore, #tpu.memory_space<semaphore_mem>>) {add = true}
      %dma_start3A_94 = arith.constant 0 : i32
      %dma_start3A_95 = tpu.memref_slice %arg6[%add3A_88, %dma_start3A_94] : memref<125x80xi32, #tpu.memory_space<vmem>> -> memref<1x80xi32, #tpu.memory_space<vmem>>
      %dma_start3A_96 = tpu.memref_squeeze %dma_start3A_95 : memref<1x80xi32, #tpu.memory_space<vmem>> -> memref<80xi32, #tpu.memory_space<vmem>>
      %dma_start3A_97 = arith.constant 0 : i32
      %dma_start3A_98 = tpu.memref_slice %arg10[%dma_start3A_97] : memref<10240xf32, #tpu.memory_space<vmem_shared>> -> memref<10240xf32, #tpu.memory_space<vmem_shared>>
      tpu.enqueue_indirect_dma source(%arg7 : memref<80xf32, #tpu.memory_space<vmem>>) target(%dma_start3A_98 : memref<10240xf32, #tpu.memory_space<vmem_shared>>) offsets(%dma_start3A_96 : memref<80xi32, #tpu.memory_space<vmem>>) semaphore(%arg11 : memref<!tpu.dma_semaphore, #tpu.memory_space<semaphore_mem>>) {add = true}
      %mul3A_99 = arith.constant 5 : i32
      %mul3A_100 = arith.muli %scan3A_84, %mul3A_99 : i32
      %add3A_101 = arith.constant 1 : i32
      %add3A_102 = arith.addi %mul3A_100, %add3A_101 : i32
      %dma_start3A_103 = arith.constant 0 : i32
      %dma_start3A_104 = tpu.memref_slice %arg5[%add3A_102, %dma_start3A_103] : memref<125x80xi32, #tpu.memory_space<vmem>> -> memref<1x80xi32, #tpu.memory_space<vmem>>
      %dma_start3A_105 = tpu.memref_squeeze %dma_start3A_104 : memref<1x80xi32, #tpu.memory_space<vmem>> -> memref<80xi32, #tpu.memory_space<vmem>>
      %dma_start3A_106 = arith.constant 0 : i32
      %dma_start3A_107 = tpu.memref_slice %arg9[%dma_start3A_106] : memref<10240xf32, #tpu.memory_space<vmem_shared>> -> memref<10240xf32, #tpu.memory_space<vmem_shared>>
      tpu.enqueue_indirect_dma source(%arg7 : memref<80xf32, #tpu.memory_space<vmem>>) target(%dma_start3A_107 : memref<10240xf32, #tpu.memory_space<vmem_shared>>) offsets(%dma_start3A_105 : memref<80xi32, #tpu.memory_space<vmem>>) semaphore(%arg11 : memref<!tpu.dma_semaphore, #tpu.memory_space<semaphore_mem>>) {add = true}
      %dma_start3A_108 = arith.constant 0 : i32
      %dma_start3A_109 = tpu.memref_slice %arg6[%add3A_102, %dma_start3A_108] : memref<125x80xi32, #tpu.memory_space<vmem>> -> memref<1x80xi32, #tpu.memory_space<vmem>>
      %dma_start3A_110 = tpu.memref_squeeze %dma_start3A_109 : memref<1x80xi32, #tpu.memory_space<vmem>> -> memref<80xi32, #tpu.memory_space<vmem>>
      %dma_start3A_111 = arith.constant 0 : i32
      %dma_start3A_112 = tpu.memref_slice %arg10[%dma_start3A_111] : memref<10240xf32, #tpu.memory_space<vmem_shared>> -> memref<10240xf32, #tpu.memory_space<vmem_shared>>
      tpu.enqueue_indirect_dma source(%arg7 : memref<80xf32, #tpu.memory_space<vmem>>) target(%dma_start3A_112 : memref<10240xf32, #tpu.memory_space<vmem_shared>>) offsets(%dma_start3A_110 : memref<80xi32, #tpu.memory_space<vmem>>) semaphore(%arg11 : memref<!tpu.dma_semaphore, #tpu.memory_space<semaphore_mem>>) {add = true}
      %mul3A_113 = arith.constant 5 : i32
      %mul3A_114 = arith.muli %scan3A_84, %mul3A_113 : i32
      %add3A_115 = arith.constant 2 : i32
      %add3A_116 = arith.addi %mul3A_114, %add3A_115 : i32
      %dma_start3A_117 = arith.constant 0 : i32
      %dma_start3A_118 = tpu.memref_slice %arg5[%add3A_116, %dma_start3A_117] : memref<125x80xi32, #tpu.memory_space<vmem>> -> memref<1x80xi32, #tpu.memory_space<vmem>>
      %dma_start3A_119 = tpu.memref_squeeze %dma_start3A_118 : memref<1x80xi32, #tpu.memory_space<vmem>> -> memref<80xi32, #tpu.memory_space<vmem>>
      %dma_start3A_120 = arith.constant 0 : i32
      %dma_start3A_121 = tpu.memref_slice %arg9[%dma_start3A_120] : memref<10240xf32, #tpu.memory_space<vmem_shared>> -> memref<10240xf32, #tpu.memory_space<vmem_shared>>
      tpu.enqueue_indirect_dma source(%arg7 : memref<80xf32, #tpu.memory_space<vmem>>) target(%dma_start3A_121 : memref<10240xf32, #tpu.memory_space<vmem_shared>>) offsets(%dma_start3A_119 : memref<80xi32, #tpu.memory_space<vmem>>) semaphore(%arg11 : memref<!tpu.dma_semaphore, #tpu.memory_space<semaphore_mem>>) {add = true}
      %dma_start3A_122 = arith.constant 0 : i32
      %dma_start3A_123 = tpu.memref_slice %arg6[%add3A_116, %dma_start3A_122] : memref<125x80xi32, #tpu.memory_space<vmem>> -> memref<1x80xi32, #tpu.memory_space<vmem>>
      %dma_start3A_124 = tpu.memref_squeeze %dma_start3A_123 : memref<1x80xi32, #tpu.memory_space<vmem>> -> memref<80xi32, #tpu.memory_space<vmem>>
      %dma_start3A_125 = arith.constant 0 : i32
      %dma_start3A_126 = tpu.memref_slice %arg10[%dma_start3A_125] : memref<10240xf32, #tpu.memory_space<vmem_shared>> -> memref<10240xf32, #tpu.memory_space<vmem_shared>>
      tpu.enqueue_indirect_dma source(%arg7 : memref<80xf32, #tpu.memory_space<vmem>>) target(%dma_start3A_126 : memref<10240xf32, #tpu.memory_space<vmem_shared>>) offsets(%dma_start3A_124 : memref<80xi32, #tpu.memory_space<vmem>>) semaphore(%arg11 : memref<!tpu.dma_semaphore, #tpu.memory_space<semaphore_mem>>) {add = true}
      %mul3A_127 = arith.constant 5 : i32
      %mul3A_128 = arith.muli %scan3A_84, %mul3A_127 : i32
      %add3A_129 = arith.constant 3 : i32
      %add3A_130 = arith.addi %mul3A_128, %add3A_129 : i32
      %dma_start3A_131 = arith.constant 0 : i32
      %dma_start3A_132 = tpu.memref_slice %arg5[%add3A_130, %dma_start3A_131] : memref<125x80xi32, #tpu.memory_space<vmem>> -> memref<1x80xi32, #tpu.memory_space<vmem>>
      %dma_start3A_133 = tpu.memref_squeeze %dma_start3A_132 : memref<1x80xi32, #tpu.memory_space<vmem>> -> memref<80xi32, #tpu.memory_space<vmem>>
      %dma_start3A_134 = arith.constant 0 : i32
      %dma_start3A_135 = tpu.memref_slice %arg9[%dma_start3A_134] : memref<10240xf32, #tpu.memory_space<vmem_shared>> -> memref<10240xf32, #tpu.memory_space<vmem_shared>>
      tpu.enqueue_indirect_dma source(%arg7 : memref<80xf32, #tpu.memory_space<vmem>>) target(%dma_start3A_135 : memref<10240xf32, #tpu.memory_space<vmem_shared>>) offsets(%dma_start3A_133 : memref<80xi32, #tpu.memory_space<vmem>>) semaphore(%arg11 : memref<!tpu.dma_semaphore, #tpu.memory_space<semaphore_mem>>) {add = true}
      %dma_start3A_136 = arith.constant 0 : i32
      %dma_start3A_137 = tpu.memref_slice %arg6[%add3A_130, %dma_start3A_136] : memref<125x80xi32, #tpu.memory_space<vmem>> -> memref<1x80xi32, #tpu.memory_space<vmem>>
      %dma_start3A_138 = tpu.memref_squeeze %dma_start3A_137 : memref<1x80xi32, #tpu.memory_space<vmem>> -> memref<80xi32, #tpu.memory_space<vmem>>
      %dma_start3A_139 = arith.constant 0 : i32
      %dma_start3A_140 = tpu.memref_slice %arg10[%dma_start3A_139] : memref<10240xf32, #tpu.memory_space<vmem_shared>> -> memref<10240xf32, #tpu.memory_space<vmem_shared>>
      tpu.enqueue_indirect_dma source(%arg7 : memref<80xf32, #tpu.memory_space<vmem>>) target(%dma_start3A_140 : memref<10240xf32, #tpu.memory_space<vmem_shared>>) offsets(%dma_start3A_138 : memref<80xi32, #tpu.memory_space<vmem>>) semaphore(%arg11 : memref<!tpu.dma_semaphore, #tpu.memory_space<semaphore_mem>>) {add = true}
      %mul3A_141 = arith.constant 5 : i32
      %mul3A_142 = arith.muli %scan3A_84, %mul3A_141 : i32
      %add3A_143 = arith.constant 4 : i32
      %add3A_144 = arith.addi %mul3A_142, %add3A_143 : i32
      %dma_start3A_145 = arith.constant 0 : i32
      %dma_start3A_146 = tpu.memref_slice %arg5[%add3A_144, %dma_start3A_145] : memref<125x80xi32, #tpu.memory_space<vmem>> -> memref<1x80xi32, #tpu.memory_space<vmem>>
      %dma_start3A_147 = tpu.memref_squeeze %dma_start3A_146 : memref<1x80xi32, #tpu.memory_space<vmem>> -> memref<80xi32, #tpu.memory_space<vmem>>
      %dma_start3A_148 = arith.constant 0 : i32
      %dma_start3A_149 = tpu.memref_slice %arg9[%dma_start3A_148] : memref<10240xf32, #tpu.memory_space<vmem_shared>> -> memref<10240xf32, #tpu.memory_space<vmem_shared>>
      tpu.enqueue_indirect_dma source(%arg7 : memref<80xf32, #tpu.memory_space<vmem>>) target(%dma_start3A_149 : memref<10240xf32, #tpu.memory_space<vmem_shared>>) offsets(%dma_start3A_147 : memref<80xi32, #tpu.memory_space<vmem>>) semaphore(%arg11 : memref<!tpu.dma_semaphore, #tpu.memory_space<semaphore_mem>>) {add = true}
      %dma_start3A_150 = arith.constant 0 : i32
      %dma_start3A_151 = tpu.memref_slice %arg6[%add3A_144, %dma_start3A_150] : memref<125x80xi32, #tpu.memory_space<vmem>> -> memref<1x80xi32, #tpu.memory_space<vmem>>
      %dma_start3A_152 = tpu.memref_squeeze %dma_start3A_151 : memref<1x80xi32, #tpu.memory_space<vmem>> -> memref<80xi32, #tpu.memory_space<vmem>>
      %dma_start3A_153 = arith.constant 0 : i32
      %dma_start3A_154 = tpu.memref_slice %arg10[%dma_start3A_153] : memref<10240xf32, #tpu.memory_space<vmem_shared>> -> memref<10240xf32, #tpu.memory_space<vmem_shared>>
      tpu.enqueue_indirect_dma source(%arg7 : memref<80xf32, #tpu.memory_space<vmem>>) target(%dma_start3A_154 : memref<10240xf32, #tpu.memory_space<vmem_shared>>) offsets(%dma_start3A_152 : memref<80xi32, #tpu.memory_space<vmem>>) semaphore(%arg11 : memref<!tpu.dma_semaphore, #tpu.memory_space<semaphore_mem>>) {add = true}
      %dma_wait3A_155 = arith.constant 0 : i32
      %dma_wait3A_156 = arith.constant 0 : i32
      %dma_wait3A_157 = tpu.memref_slice %arg5[%dma_wait3A_155, %dma_wait3A_156] : memref<125x80xi32, #tpu.memory_space<vmem>> -> memref<1x80xi32, #tpu.memory_space<vmem>>
      %dma_wait3A_158 = tpu.memref_squeeze %dma_wait3A_157 : memref<1x80xi32, #tpu.memory_space<vmem>> -> memref<80xi32, #tpu.memory_space<vmem>>
      %dma_wait3A_159 = arith.constant 0 : i32
      %dma_wait3A_160 = tpu.memref_slice %arg9[%dma_wait3A_159] : memref<10240xf32, #tpu.memory_space<vmem_shared>> -> memref<10240xf32, #tpu.memory_space<vmem_shared>>
      tpu.wait_indirect_dma semaphore(%arg11 : memref<!tpu.dma_semaphore, #tpu.memory_space<semaphore_mem>>) src(%arg7 : memref<80xf32, #tpu.memory_space<vmem>>) dst(%dma_wait3A_160 : memref<10240xf32, #tpu.memory_space<vmem_shared>>)
      %dma_wait3A_161 = arith.constant 0 : i32
      %dma_wait3A_162 = arith.constant 0 : i32
      %dma_wait3A_163 = tpu.memref_slice %arg6[%dma_wait3A_161, %dma_wait3A_162] : memref<125x80xi32, #tpu.memory_space<vmem>> -> memref<1x80xi32, #tpu.memory_space<vmem>>
      %dma_wait3A_164 = tpu.memref_squeeze %dma_wait3A_163 : memref<1x80xi32, #tpu.memory_space<vmem>> -> memref<80xi32, #tpu.memory_space<vmem>>
      %dma_wait3A_165 = arith.constant 0 : i32
      %dma_wait3A_166 = tpu.memref_slice %arg10[%dma_wait3A_165] : memref<10240xf32, #tpu.memory_space<vmem_shared>> -> memref<10240xf32, #tpu.memory_space<vmem_shared>>
      tpu.wait_indirect_dma semaphore(%arg11 : memref<!tpu.dma_semaphore, #tpu.memory_space<semaphore_mem>>) src(%arg7 : memref<80xf32, #tpu.memory_space<vmem>>) dst(%dma_wait3A_166 : memref<10240xf32, #tpu.memory_space<vmem_shared>>)
      %dma_wait3A_167 = arith.constant 0 : i32
      %dma_wait3A_168 = arith.constant 0 : i32
      %dma_wait3A_169 = tpu.memref_slice %arg5[%dma_wait3A_167, %dma_wait3A_168] : memref<125x80xi32, #tpu.memory_space<vmem>> -> memref<1x80xi32, #tpu.memory_space<vmem>>
      %dma_wait3A_170 = tpu.memref_squeeze %dma_wait3A_169 : memref<1x80xi32, #tpu.memory_space<vmem>> -> memref<80xi32, #tpu.memory_space<vmem>>
      %dma_wait3A_171 = arith.constant 0 : i32
      %dma_wait3A_172 = tpu.memref_slice %arg9[%dma_wait3A_171] : memref<10240xf32, #tpu.memory_space<vmem_shared>> -> memref<10240xf32, #tpu.memory_space<vmem_shared>>
      tpu.wait_indirect_dma semaphore(%arg11 : memref<!tpu.dma_semaphore, #tpu.memory_space<semaphore_mem>>) src(%arg7 : memref<80xf32, #tpu.memory_space<vmem>>) dst(%dma_wait3A_172 : memref<10240xf32, #tpu.memory_space<vmem_shared>>)
      %dma_wait3A_173 = arith.constant 0 : i32
      %dma_wait3A_174 = arith.constant 0 : i32
      %dma_wait3A_175 = tpu.memref_slice %arg6[%dma_wait3A_173, %dma_wait3A_174] : memref<125x80xi32, #tpu.memory_space<vmem>> -> memref<1x80xi32, #tpu.memory_space<vmem>>
      %dma_wait3A_176 = tpu.memref_squeeze %dma_wait3A_175 : memref<1x80xi32, #tpu.memory_space<vmem>> -> memref<80xi32, #tpu.memory_space<vmem>>
      %dma_wait3A_177 = arith.constant 0 : i32
      %dma_wait3A_178 = tpu.memref_slice %arg10[%dma_wait3A_177] : memref<10240xf32, #tpu.memory_space<vmem_shared>> -> memref<10240xf32, #tpu.memory_space<vmem_shared>>
      tpu.wait_indirect_dma semaphore(%arg11 : memref<!tpu.dma_semaphore, #tpu.memory_space<semaphore_mem>>) src(%arg7 : memref<80xf32, #tpu.memory_space<vmem>>) dst(%dma_wait3A_178 : memref<10240xf32, #tpu.memory_space<vmem_shared>>)
      %dma_wait3A_179 = arith.constant 0 : i32
      %dma_wait3A_180 = arith.constant 0 : i32
      %dma_wait3A_181 = tpu.memref_slice %arg5[%dma_wait3A_179, %dma_wait3A_180] : memref<125x80xi32, #tpu.memory_space<vmem>> -> memref<1x80xi32, #tpu.memory_space<vmem>>
      %dma_wait3A_182 = tpu.memref_squeeze %dma_wait3A_181 : memref<1x80xi32, #tpu.memory_space<vmem>> -> memref<80xi32, #tpu.memory_space<vmem>>
      %dma_wait3A_183 = arith.constant 0 : i32
      %dma_wait3A_184 = tpu.memref_slice %arg9[%dma_wait3A_183] : memref<10240xf32, #tpu.memory_space<vmem_shared>> -> memref<10240xf32, #tpu.memory_space<vmem_shared>>
      tpu.wait_indirect_dma semaphore(%arg11 : memref<!tpu.dma_semaphore, #tpu.memory_space<semaphore_mem>>) src(%arg7 : memref<80xf32, #tpu.memory_space<vmem>>) dst(%dma_wait3A_184 : memref<10240xf32, #tpu.memory_space<vmem_shared>>)
      %dma_wait3A_185 = arith.constant 0 : i32
      %dma_wait3A_186 = arith.constant 0 : i32
      %dma_wait3A_187 = tpu.memref_slice %arg6[%dma_wait3A_185, %dma_wait3A_186] : memref<125x80xi32, #tpu.memory_space<vmem>> -> memref<1x80xi32, #tpu.memory_space<vmem>>
      %dma_wait3A_188 = tpu.memref_squeeze %dma_wait3A_187 : memref<1x80xi32, #tpu.memory_space<vmem>> -> memref<80xi32, #tpu.memory_space<vmem>>
      %dma_wait3A_189 = arith.constant 0 : i32
      %dma_wait3A_190 = tpu.memref_slice %arg10[%dma_wait3A_189] : memref<10240xf32, #tpu.memory_space<vmem_shared>> -> memref<10240xf32, #tpu.memory_space<vmem_shared>>
      tpu.wait_indirect_dma semaphore(%arg11 : memref<!tpu.dma_semaphore, #tpu.memory_space<semaphore_mem>>) src(%arg7 : memref<80xf32, #tpu.memory_space<vmem>>) dst(%dma_wait3A_190 : memref<10240xf32, #tpu.memory_space<vmem_shared>>)
      %dma_wait3A_191 = arith.constant 0 : i32
      %dma_wait3A_192 = arith.constant 0 : i32
      %dma_wait3A_193 = tpu.memref_slice %arg5[%dma_wait3A_191, %dma_wait3A_192] : memref<125x80xi32, #tpu.memory_space<vmem>> -> memref<1x80xi32, #tpu.memory_space<vmem>>
      %dma_wait3A_194 = tpu.memref_squeeze %dma_wait3A_193 : memref<1x80xi32, #tpu.memory_space<vmem>> -> memref<80xi32, #tpu.memory_space<vmem>>
      %dma_wait3A_195 = arith.constant 0 : i32
      %dma_wait3A_196 = tpu.memref_slice %arg9[%dma_wait3A_195] : memref<10240xf32, #tpu.memory_space<vmem_shared>> -> memref<10240xf32, #tpu.memory_space<vmem_shared>>
      tpu.wait_indirect_dma semaphore(%arg11 : memref<!tpu.dma_semaphore, #tpu.memory_space<semaphore_mem>>) src(%arg7 : memref<80xf32, #tpu.memory_space<vmem>>) dst(%dma_wait3A_196 : memref<10240xf32, #tpu.memory_space<vmem_shared>>)
      %dma_wait3A_197 = arith.constant 0 : i32
      %dma_wait3A_198 = arith.constant 0 : i32
      %dma_wait3A_199 = tpu.memref_slice %arg6[%dma_wait3A_197, %dma_wait3A_198] : memref<125x80xi32, #tpu.memory_space<vmem>> -> memref<1x80xi32, #tpu.memory_space<vmem>>
      %dma_wait3A_200 = tpu.memref_squeeze %dma_wait3A_199 : memref<1x80xi32, #tpu.memory_space<vmem>> -> memref<80xi32, #tpu.memory_space<vmem>>
      %dma_wait3A_201 = arith.constant 0 : i32
      %dma_wait3A_202 = tpu.memref_slice %arg10[%dma_wait3A_201] : memref<10240xf32, #tpu.memory_space<vmem_shared>> -> memref<10240xf32, #tpu.memory_space<vmem_shared>>
      tpu.wait_indirect_dma semaphore(%arg11 : memref<!tpu.dma_semaphore, #tpu.memory_space<semaphore_mem>>) src(%arg7 : memref<80xf32, #tpu.memory_space<vmem>>) dst(%dma_wait3A_202 : memref<10240xf32, #tpu.memory_space<vmem_shared>>)
      %dma_wait3A_203 = arith.constant 0 : i32
      %dma_wait3A_204 = arith.constant 0 : i32
      %dma_wait3A_205 = tpu.memref_slice %arg5[%dma_wait3A_203, %dma_wait3A_204] : memref<125x80xi32, #tpu.memory_space<vmem>> -> memref<1x80xi32, #tpu.memory_space<vmem>>
      %dma_wait3A_206 = tpu.memref_squeeze %dma_wait3A_205 : memref<1x80xi32, #tpu.memory_space<vmem>> -> memref<80xi32, #tpu.memory_space<vmem>>
      %dma_wait3A_207 = arith.constant 0 : i32
      %dma_wait3A_208 = tpu.memref_slice %arg9[%dma_wait3A_207] : memref<10240xf32, #tpu.memory_space<vmem_shared>> -> memref<10240xf32, #tpu.memory_space<vmem_shared>>
      tpu.wait_indirect_dma semaphore(%arg11 : memref<!tpu.dma_semaphore, #tpu.memory_space<semaphore_mem>>) src(%arg7 : memref<80xf32, #tpu.memory_space<vmem>>) dst(%dma_wait3A_208 : memref<10240xf32, #tpu.memory_space<vmem_shared>>)
      %dma_wait3A_209 = arith.constant 0 : i32
      %dma_wait3A_210 = arith.constant 0 : i32
      %dma_wait3A_211 = tpu.memref_slice %arg6[%dma_wait3A_209, %dma_wait3A_210] : memref<125x80xi32, #tpu.memory_space<vmem>> -> memref<1x80xi32, #tpu.memory_space<vmem>>
      %dma_wait3A_212 = tpu.memref_squeeze %dma_wait3A_211 : memref<1x80xi32, #tpu.memory_space<vmem>> -> memref<80xi32, #tpu.memory_space<vmem>>
      %dma_wait3A_213 = arith.constant 0 : i32
      %dma_wait3A_214 = tpu.memref_slice %arg10[%dma_wait3A_213] : memref<10240xf32, #tpu.memory_space<vmem_shared>> -> memref<10240xf32, #tpu.memory_space<vmem_shared>>
      tpu.wait_indirect_dma semaphore(%arg11 : memref<!tpu.dma_semaphore, #tpu.memory_space<semaphore_mem>>) src(%arg7 : memref<80xf32, #tpu.memory_space<vmem>>) dst(%dma_wait3A_214 : memref<10240xf32, #tpu.memory_space<vmem_shared>>)
    }
    %scan3A_73 = arith.constant 25 : i32
    %barrier3A_74 = arith.constant 0 : index
    tpu.barrier barrier_id(%barrier3A_74)
    %mul3A_75 = arith.constant 640 : i32
    %mul3A_76 = arith.muli %arg1, %mul3A_75 : i32
    %mul3A_77 = arith.constant 640 : i32
    %mul3A_78 = arith.muli %arg1, %mul3A_77 : i32
    %run_scoped3A = arith.constant 0 : i32
    "tpu.region"() ({
      %run_scoped3A_84 = tpu.sem_alloc : memref<!tpu.dma_semaphore, #tpu.memory_space<semaphore_mem>>
      %dma_start3A_85 = tpu.memref_slice %arg4[%arg0, %run_scoped3A, %mul3A_78] : memref<2x2x10240xf32, #tpu.memory_space<hbm>> -> memref<1x1x640xf32, #tpu.memory_space<hbm>>
      %dma_start3A_86 = tpu.memref_squeeze %dma_start3A_85 : memref<1x1x640xf32, #tpu.memory_space<hbm>> -> memref<640xf32, #tpu.memory_space<hbm>>
      %dma_start3A_87 = tpu.memref_slice %arg9[%mul3A_76] : memref<10240xf32, #tpu.memory_space<vmem_shared>> -> memref<640xf32, #tpu.memory_space<vmem_shared>>
      tpu.enqueue_dma source(%dma_start3A_87 : memref<640xf32, #tpu.memory_space<vmem_shared>>) target(%dma_start3A_86 : memref<640xf32, #tpu.memory_space<hbm>>) target_semaphore(%run_scoped3A_84 : memref<!tpu.dma_semaphore, #tpu.memory_space<semaphore_mem>>)
      %dma_wait3A_88 = tpu.memref_slice %arg4[%arg0, %run_scoped3A, %mul3A_78] : memref<2x2x10240xf32, #tpu.memory_space<hbm>> -> memref<1x1x640xf32, #tpu.memory_space<hbm>>
      %dma_wait3A_89 = tpu.memref_squeeze %dma_wait3A_88 : memref<1x1x640xf32, #tpu.memory_space<hbm>> -> memref<640xf32, #tpu.memory_space<hbm>>
      %dma_wait3A_90 = tpu.memref_slice %arg9[%mul3A_76] : memref<10240xf32, #tpu.memory_space<vmem_shared>> -> memref<640xf32, #tpu.memory_space<vmem_shared>>
      tpu.wait_dma2 semaphore(%run_scoped3A_84 : memref<!tpu.dma_semaphore, #tpu.memory_space<semaphore_mem>>) src(%dma_wait3A_90 : memref<640xf32, #tpu.memory_space<vmem_shared>>) dst(%dma_wait3A_89 : memref<640xf32, #tpu.memory_space<hbm>>)
      tpu.yield
    }) : () -> ()
    %mul3A_79 = arith.constant 640 : i32
    %mul3A_80 = arith.muli %arg1, %mul3A_79 : i32
    %mul3A_81 = arith.constant 640 : i32
    %mul3A_82 = arith.muli %arg1, %mul3A_81 : i32
    %run_scoped3A_83 = arith.constant 1 : i32
    "tpu.region"() ({
      %run_scoped3A_84 = tpu.sem_alloc : memref<!tpu.dma_semaphore, #tpu.memory_space<semaphore_mem>>
      %dma_start3A_85 = tpu.memref_slice %arg4[%arg0, %run_scoped3A_83, %mul3A_82] : memref<2x2x10240xf32, #tpu.memory_space<hbm>> -> memref<1x1x640xf32, #tpu.memory_space<hbm>>
      %dma_start3A_86 = tpu.memref_squeeze %dma_start3A_85 : memref<1x1x640xf32, #tpu.memory_space<hbm>> -> memref<640xf32, #tpu.memory_space<hbm>>
      %dma_start3A_87 = tpu.memref_slice %arg10[%mul3A_80] : memref<10240xf32, #tpu.memory_space<vmem_shared>> -> memref<640xf32, #tpu.memory_space<vmem_shared>>
      tpu.enqueue_dma source(%dma_start3A_87 : memref<640xf32, #tpu.memory_space<vmem_shared>>) target(%dma_start3A_86 : memref<640xf32, #tpu.memory_space<hbm>>) target_semaphore(%run_scoped3A_84 : memref<!tpu.dma_semaphore, #tpu.memory_space<semaphore_mem>>)
      %dma_wait3A_88 = tpu.memref_slice %arg4[%arg0, %run_scoped3A_83, %mul3A_82] : memref<2x2x10240xf32, #tpu.memory_space<hbm>> -> memref<1x1x640xf32, #tpu.memory_space<hbm>>
      %dma_wait3A_89 = tpu.memref_squeeze %dma_wait3A_88 : memref<1x1x640xf32, #tpu.memory_space<hbm>> -> memref<640xf32, #tpu.memory_space<hbm>>
      %dma_wait3A_90 = tpu.memref_slice %arg10[%mul3A_80] : memref<10240xf32, #tpu.memory_space<vmem_shared>> -> memref<640xf32, #tpu.memory_space<vmem_shared>>
      tpu.wait_dma2 semaphore(%run_scoped3A_84 : memref<!tpu.dma_semaphore, #tpu.memory_space<semaphore_mem>>) src(%dma_wait3A_90 : memref<640xf32, #tpu.memory_space<vmem_shared>>) dst(%dma_wait3A_89 : memref<640xf32, #tpu.memory_space<hbm>>)
      tpu.yield
    }) : () -> ()
    return
  }
}

module attributes {stable_mosaic.version = 14 : i64} {
  func.func @_tcb_body(%arg0: i32, %arg1: memref<1000x128xf32, #tpu.memory_space<vmem>>, %arg2: memref<128x128xf32, #tpu.memory_space<vmem>>, %arg3: memref<2x2x1000x1xf32, #tpu.memory_space<vmem>>, %arg4: memref<1000x128xf32, #tpu.memory_space<vmem>>, %arg5: memref<1000x1xf32, #tpu.memory_space<vmem>>, %arg6: memref<1000x1xf32, #tpu.memory_space<vmem>>) attributes {dimension_semantics = [#tpu.dimension_semantics<arbitrary>], iteration_bounds = array<i64: 10>, scalar_prefetch = 0 : i64, scratch_operands = 0 : i64, tpu.core_type = #tpu.core_type<tc>, window_params = [{transform_indices = @transform_0, window_bounds = array<i64: 1000, 128>}, {pipeline_mode = #tpu.pipeline_mode<synchronous>, transform_indices = @transform_1, window_bounds = array<i64: 128, 128>}, {transform_indices = @transform_2, window_bounds = array<i64: 2, 2, 1000, 1>}, {transform_indices = @transform_3, window_bounds = array<i64: 1000, 128>}, {transform_indices = @transform_4, window_bounds = array<i64: 1000, 1>}, {transform_indices = @transform_5, window_bounds = array<i64: 1000, 1>}]} {
    %get3A = arith.constant 0 : index
    %get3A_0 = arith.constant 0 : index
    %get3A_1 = arith.constant 0 : index
    %get3A_2 = arith.constant 0 : index
    %get3A_3 = vector.load %arg3[%get3A, %get3A_0, %get3A_1, %get3A_2] : memref<2x2x1000x1xf32, #tpu.memory_space<vmem>>, vector<1x1x1000x1xf32>
    %get3A_4 = vector.shape_cast %get3A_3 : vector<1x1x1000x1xf32> to vector<1000x1xf32>
    %get3A_5 = arith.constant 1 : index
    %get3A_6 = arith.constant 0 : index
    %get3A_7 = arith.constant 0 : index
    %get3A_8 = arith.constant 0 : index
    %get3A_9 = vector.load %arg3[%get3A_5, %get3A_6, %get3A_7, %get3A_8] : memref<2x2x1000x1xf32, #tpu.memory_space<vmem>>, vector<1x1x1000x1xf32>
    %get3A_10 = vector.shape_cast %get3A_9 : vector<1x1x1000x1xf32> to vector<1000x1xf32>
    %add3A = arith.addf %get3A_4, %get3A_10 : vector<1000x1xf32>
    %get3A_11 = arith.constant 0 : index
    %get3A_12 = arith.constant 1 : index
    %get3A_13 = arith.constant 0 : index
    %get3A_14 = arith.constant 0 : index
    %get3A_15 = vector.load %arg3[%get3A_11, %get3A_12, %get3A_13, %get3A_14] : memref<2x2x1000x1xf32, #tpu.memory_space<vmem>>, vector<1x1x1000x1xf32>
    %get3A_16 = vector.shape_cast %get3A_15 : vector<1x1x1000x1xf32> to vector<1000x1xf32>
    %get3A_17 = arith.constant 1 : index
    %get3A_18 = arith.constant 1 : index
    %get3A_19 = arith.constant 0 : index
    %get3A_20 = arith.constant 0 : index
    %get3A_21 = vector.load %arg3[%get3A_17, %get3A_18, %get3A_19, %get3A_20] : memref<2x2x1000x1xf32, #tpu.memory_space<vmem>>, vector<1x1x1000x1xf32>
    %get3A_22 = vector.shape_cast %get3A_21 : vector<1x1x1000x1xf32> to vector<1000x1xf32>
    %add3A_23 = arith.addf %get3A_16, %get3A_22 : vector<1000x1xf32>
    %max3A = arith.constant 1.000000e+00 : f32
    %max3A_24 = vector.broadcast %max3A : f32 to vector<1000x1xf32>
    %max3A_25 = arith.maximumf %add3A, %max3A_24 : vector<1000x1xf32>
    %rsqrt3A = math.rsqrt %max3A_25 : vector<1000x1xf32>
    %max3A_26 = arith.constant 1.000000e+00 : f32
    %max3A_27 = vector.broadcast %max3A_26 : f32 to vector<1000x1xf32>
    %max3A_28 = arith.maximumf %add3A_23, %max3A_27 : vector<1000x1xf32>
    %rsqrt3A_29 = math.rsqrt %max3A_28 : vector<1000x1xf32>
    %swap3A = arith.constant 0 : index
    %swap3A_30 = arith.constant 0 : index
    %swap3A_31 = vector.load %arg5[%swap3A, %swap3A_30] : memref<1000x1xf32, #tpu.memory_space<vmem>>, vector<1000x1xf32>
    tpu.vector_store %arg5[%swap3A, %swap3A_30], %rsqrt3A {strides = array<i32>} : memref<1000x1xf32, #tpu.memory_space<vmem>>, vector<1000x1xf32>,
    %swap3A_32 = arith.constant 0 : index
    %swap3A_33 = arith.constant 0 : index
    %swap3A_34 = vector.load %arg6[%swap3A_32, %swap3A_33] : memref<1000x1xf32, #tpu.memory_space<vmem>>, vector<1000x1xf32>
    tpu.vector_store %arg6[%swap3A_32, %swap3A_33], %rsqrt3A_29 {strides = array<i32>} : memref<1000x1xf32, #tpu.memory_space<vmem>>, vector<1000x1xf32>,
    %get3A_35 = arith.constant 0 : index
    %get3A_36 = arith.constant 0 : index
    %get3A_37 = vector.load %arg1[%get3A_35, %get3A_36] : memref<1000x128xf32, #tpu.memory_space<vmem>>, vector<1000x128xf32>
    %get3A_38 = arith.constant 0 : index
    %get3A_39 = arith.constant 0 : index
    %get3A_40 = vector.load %arg2[%get3A_38, %get3A_39] : memref<128x128xf32, #tpu.memory_space<vmem>>, vector<128x128xf32>
    %dot_general3A = arith.constant dense<0.000000e+00> : vector<1000x128xf32>
    %dot_general3A_41 = tpu.matmul %get3A_37, %get3A_40, %dot_general3A {dimension_numbers = #tpu.dot_dimension_numbers<[1], [0], [0], [1], [0, 0, 1, 1], [], []>, transpose_lhs_hint = false} : vector<1000x128xf32>, vector<128x128xf32>, vector<1000x128xf32> -> vector<1000x128xf32>
    %mul3A = vector.broadcast %rsqrt3A : vector<1000x1xf32> to vector<1000x128xf32>
    %mul3A_42 = arith.mulf %dot_general3A_41, %mul3A : vector<1000x128xf32>
    %swap3A_43 = arith.constant 0 : index
    %swap3A_44 = arith.constant 0 : index
    %swap3A_45 = vector.load %arg4[%swap3A_43, %swap3A_44] : memref<1000x128xf32, #tpu.memory_space<vmem>>, vector<1000x128xf32>
    tpu.vector_store %arg4[%swap3A_43, %swap3A_44], %mul3A_42 {strides = array<i32>} : memref<1000x128xf32, #tpu.memory_space<vmem>>, vector<1000x128xf32>,
    return
  }
  func.func @transform_0(%arg0: i32) -> (i32, i32) {
    %c0_i32 = arith.constant 0 : i32
    %c0_i32_0 = arith.constant 0 : i32
    return %arg0, %c0_i32 : i32, i32
  }
  func.func @transform_1(%arg0: i32) -> (i32, i32) {
    %c0_i32 = arith.constant 0 : i32
    %c0_i32_0 = arith.constant 0 : i32
    %c0_i32_1 = arith.constant 0 : i32
    return %c0_i32, %c0_i32_0 : i32, i32
  }
  func.func @transform_2(%arg0: i32) -> (i32, i32, i32, i32) {
    %c0_i32 = arith.constant 0 : i32
    %c0_i32_0 = arith.constant 0 : i32
    %c0_i32_1 = arith.constant 0 : i32
    %c0_i32_2 = arith.constant 0 : i32
    return %c0_i32, %c0_i32_0, %arg0, %c0_i32_1 : i32, i32, i32, i32
  }
  func.func @transform_3(%arg0: i32) -> (i32, i32) {
    %c0_i32 = arith.constant 0 : i32
    %c0_i32_0 = arith.constant 0 : i32
    return %arg0, %c0_i32 : i32, i32
  }
  func.func @transform_4(%arg0: i32) -> (i32, i32) {
    %c0_i32 = arith.constant 0 : i32
    %c0_i32_0 = arith.constant 0 : i32
    return %arg0, %c0_i32 : i32, i32
  }
  func.func @transform_5(%arg0: i32) -> (i32, i32) {
    %c0_i32 = arith.constant 0 : i32
    %c0_i32_0 = arith.constant 0 : i32
    return %arg0, %c0_i32 : i32, i32
  }
}

module attributes {stable_mosaic.version = 14 : i64} {
  func.func @_tc2_body(%arg0: i32, %arg1: memref<2x1000x128xf32, #tpu.memory_space<vmem>>, %arg2: memref<1000x1xf32, #tpu.memory_space<vmem>>, %arg3: memref<1x128xf32, #tpu.memory_space<vmem>>, %arg4: memref<128x64xf32, #tpu.memory_space<vmem>>, %arg5: memref<1000x1xf32, #tpu.memory_space<vmem>>, %arg6: memref<1000x64xf32, #tpu.memory_space<vmem>>) attributes {dimension_semantics = [#tpu.dimension_semantics<arbitrary>], iteration_bounds = array<i64: 10>, scalar_prefetch = 0 : i64, scratch_operands = 0 : i64, tpu.core_type = #tpu.core_type<tc>, window_params = [{transform_indices = @transform_0, window_bounds = array<i64: 2, 1000, 128>}, {transform_indices = @transform_1, window_bounds = array<i64: 1000, 1>}, {pipeline_mode = #tpu.pipeline_mode<synchronous>, transform_indices = @transform_2, window_bounds = array<i64: 1, 128>}, {pipeline_mode = #tpu.pipeline_mode<synchronous>, transform_indices = @transform_3, window_bounds = array<i64: 128, 64>}, {transform_indices = @transform_4, window_bounds = array<i64: 1000, 1>}, {transform_indices = @transform_5, window_bounds = array<i64: 1000, 64>}]} {
    %get3A = arith.constant 0 : index
    %get3A_0 = arith.constant 0 : index
    %get3A_1 = arith.constant 0 : index
    %get3A_2 = vector.load %arg1[%get3A, %get3A_0, %get3A_1] : memref<2x1000x128xf32, #tpu.memory_space<vmem>>, vector<1x1000x128xf32>
    %get3A_3 = vector.shape_cast %get3A_2 : vector<1x1000x128xf32> to vector<1000x128xf32>
    %get3A_4 = arith.constant 1 : index
    %get3A_5 = arith.constant 0 : index
    %get3A_6 = arith.constant 0 : index
    %get3A_7 = vector.load %arg1[%get3A_4, %get3A_5, %get3A_6] : memref<2x1000x128xf32, #tpu.memory_space<vmem>>, vector<1x1000x128xf32>
    %get3A_8 = vector.shape_cast %get3A_7 : vector<1x1000x128xf32> to vector<1000x128xf32>
    %add3A = arith.addf %get3A_3, %get3A_8 : vector<1000x128xf32>
    %get3A_9 = arith.constant 0 : index
    %get3A_10 = arith.constant 0 : index
    %get3A_11 = vector.load %arg2[%get3A_9, %get3A_10] : memref<1000x1xf32, #tpu.memory_space<vmem>>, vector<1000x1xf32>
    %mul3A = vector.broadcast %get3A_11 : vector<1000x1xf32> to vector<1000x128xf32>
    %mul3A_12 = arith.mulf %add3A, %mul3A : vector<1000x128xf32>
    %get3A_13 = arith.constant 0 : index
    %get3A_14 = arith.constant 0 : index
    %get3A_15 = vector.load %arg3[%get3A_13, %get3A_14] : memref<1x128xf32, #tpu.memory_space<vmem>>, vector<1x128xf32>
    %add3A_16 = vector.broadcast %get3A_15 : vector<1x128xf32> to vector<1000x128xf32>
    %add3A_17 = arith.addf %mul3A_12, %add3A_16 : vector<1000x128xf32>
    %max3A = arith.constant 0.000000e+00 : f32
    %max3A_18 = vector.broadcast %max3A : f32 to vector<1000x128xf32>
    %max3A_19 = arith.maximumf %add3A_17, %max3A_18 : vector<1000x128xf32>
    %get3A_20 = arith.constant 0 : index
    %get3A_21 = arith.constant 0 : index
    %get3A_22 = vector.load %arg4[%get3A_20, %get3A_21] : memref<128x64xf32, #tpu.memory_space<vmem>>, vector<128x64xf32>
    %dot_general3A = arith.constant dense<0.000000e+00> : vector<1000x64xf32>
    %dot_general3A_23 = tpu.matmul %max3A_19, %get3A_22, %dot_general3A {dimension_numbers = #tpu.dot_dimension_numbers<[1], [0], [0], [1], [0, 0, 1, 1], [], []>, transpose_lhs_hint = false} : vector<1000x128xf32>, vector<128x64xf32>, vector<1000x64xf32> -> vector<1000x64xf32>
    %get3A_24 = arith.constant 0 : index
    %get3A_25 = arith.constant 0 : index
    %get3A_26 = vector.load %arg5[%get3A_24, %get3A_25] : memref<1000x1xf32, #tpu.memory_space<vmem>>, vector<1000x1xf32>
    %mul3A_27 = vector.broadcast %get3A_26 : vector<1000x1xf32> to vector<1000x64xf32>
    %mul3A_28 = arith.mulf %dot_general3A_23, %mul3A_27 : vector<1000x64xf32>
    %swap3A = arith.constant 0 : index
    %swap3A_29 = arith.constant 0 : index
    %swap3A_30 = vector.load %arg6[%swap3A, %swap3A_29] : memref<1000x64xf32, #tpu.memory_space<vmem>>, vector<1000x64xf32>
    tpu.vector_store %arg6[%swap3A, %swap3A_29], %mul3A_28 {strides = array<i32>} : memref<1000x64xf32, #tpu.memory_space<vmem>>, vector<1000x64xf32>,
    return
  }
  func.func @transform_0(%arg0: i32) -> (i32, i32, i32) {
    %c0_i32 = arith.constant 0 : i32
    %c0_i32_0 = arith.constant 0 : i32
    %c0_i32_1 = arith.constant 0 : i32
    return %c0_i32, %arg0, %c0_i32_0 : i32, i32, i32
  }
  func.func @transform_1(%arg0: i32) -> (i32, i32) {
    %c0_i32 = arith.constant 0 : i32
    %c0_i32_0 = arith.constant 0 : i32
    return %arg0, %c0_i32 : i32, i32
  }
  func.func @transform_2(%arg0: i32) -> (i32, i32) {
    %c0_i32 = arith.constant 0 : i32
    %c0_i32_0 = arith.constant 0 : i32
    %c0_i32_1 = arith.constant 0 : i32
    return %c0_i32, %c0_i32_0 : i32, i32
  }
  func.func @transform_3(%arg0: i32) -> (i32, i32) {
    %c0_i32 = arith.constant 0 : i32
    %c0_i32_0 = arith.constant 0 : i32
    %c0_i32_1 = arith.constant 0 : i32
    return %c0_i32, %c0_i32_0 : i32, i32
  }
  func.func @transform_4(%arg0: i32) -> (i32, i32) {
    %c0_i32 = arith.constant 0 : i32
    %c0_i32_0 = arith.constant 0 : i32
    return %arg0, %c0_i32 : i32, i32
  }
  func.func @transform_5(%arg0: i32) -> (i32, i32) {
    %c0_i32 = arith.constant 0 : i32
    %c0_i32_0 = arith.constant 0 : i32
    return %arg0, %c0_i32 : i32, i32
  }
}

module attributes {stable_mosaic.version = 14 : i64} {
  func.func @_tc3_body(%arg0: i32, %arg1: memref<2x1000x64xf32, #tpu.memory_space<vmem>>, %arg2: memref<1000x1xf32, #tpu.memory_space<vmem>>, %arg3: memref<1x64xf32, #tpu.memory_space<vmem>>, %arg4: memref<1000x64xf32, #tpu.memory_space<vmem>>) attributes {dimension_semantics = [#tpu.dimension_semantics<arbitrary>], iteration_bounds = array<i64: 10>, scalar_prefetch = 0 : i64, scratch_operands = 0 : i64, tpu.core_type = #tpu.core_type<tc>, window_params = [{transform_indices = @transform_0, window_bounds = array<i64: 2, 1000, 64>}, {transform_indices = @transform_1, window_bounds = array<i64: 1000, 1>}, {pipeline_mode = #tpu.pipeline_mode<synchronous>, transform_indices = @transform_2, window_bounds = array<i64: 1, 64>}, {transform_indices = @transform_3, window_bounds = array<i64: 1000, 64>}]} {
    %get3A = arith.constant 0 : index
    %get3A_0 = arith.constant 0 : index
    %get3A_1 = arith.constant 0 : index
    %get3A_2 = vector.load %arg1[%get3A, %get3A_0, %get3A_1] : memref<2x1000x64xf32, #tpu.memory_space<vmem>>, vector<1x1000x64xf32>
    %get3A_3 = vector.shape_cast %get3A_2 : vector<1x1000x64xf32> to vector<1000x64xf32>
    %get3A_4 = arith.constant 1 : index
    %get3A_5 = arith.constant 0 : index
    %get3A_6 = arith.constant 0 : index
    %get3A_7 = vector.load %arg1[%get3A_4, %get3A_5, %get3A_6] : memref<2x1000x64xf32, #tpu.memory_space<vmem>>, vector<1x1000x64xf32>
    %get3A_8 = vector.shape_cast %get3A_7 : vector<1x1000x64xf32> to vector<1000x64xf32>
    %add3A = arith.addf %get3A_3, %get3A_8 : vector<1000x64xf32>
    %get3A_9 = arith.constant 0 : index
    %get3A_10 = arith.constant 0 : index
    %get3A_11 = vector.load %arg2[%get3A_9, %get3A_10] : memref<1000x1xf32, #tpu.memory_space<vmem>>, vector<1000x1xf32>
    %mul3A = vector.broadcast %get3A_11 : vector<1000x1xf32> to vector<1000x64xf32>
    %mul3A_12 = arith.mulf %add3A, %mul3A : vector<1000x64xf32>
    %get3A_13 = arith.constant 0 : index
    %get3A_14 = arith.constant 0 : index
    %get3A_15 = vector.load %arg3[%get3A_13, %get3A_14] : memref<1x64xf32, #tpu.memory_space<vmem>>, vector<1x64xf32>
    %add3A_16 = vector.broadcast %get3A_15 : vector<1x64xf32> to vector<1000x64xf32>
    %add3A_17 = arith.addf %mul3A_12, %add3A_16 : vector<1000x64xf32>
    %max3A = arith.constant 0.000000e+00 : f32
    %max3A_18 = vector.broadcast %max3A : f32 to vector<1000x64xf32>
    %max3A_19 = arith.maximumf %add3A_17, %max3A_18 : vector<1000x64xf32>
    %swap3A = arith.constant 0 : index
    %swap3A_20 = arith.constant 0 : index
    %swap3A_21 = vector.load %arg4[%swap3A, %swap3A_20] : memref<1000x64xf32, #tpu.memory_space<vmem>>, vector<1000x64xf32>
    tpu.vector_store %arg4[%swap3A, %swap3A_20], %max3A_19 {strides = array<i32>} : memref<1000x64xf32, #tpu.memory_space<vmem>>, vector<1000x64xf32>,
    return
  }
  func.func @transform_0(%arg0: i32) -> (i32, i32, i32) {
    %c0_i32 = arith.constant 0 : i32
    %c0_i32_0 = arith.constant 0 : i32
    %c0_i32_1 = arith.constant 0 : i32
    return %c0_i32, %arg0, %c0_i32_0 : i32, i32, i32
  }
  func.func @transform_1(%arg0: i32) -> (i32, i32) {
    %c0_i32 = arith.constant 0 : i32
    %c0_i32_0 = arith.constant 0 : i32
    return %arg0, %c0_i32 : i32, i32
  }
  func.func @transform_2(%arg0: i32) -> (i32, i32) {
    %c0_i32 = arith.constant 0 : i32
    %c0_i32_0 = arith.constant 0 : i32
    %c0_i32_1 = arith.constant 0 : i32
    return %c0_i32, %c0_i32_0 : i32, i32
  }
  func.func @transform_3(%arg0: i32) -> (i32, i32) {
    %c0_i32 = arith.constant 0 : i32
    %c0_i32_0 = arith.constant 0 : i32
    return %arg0, %c0_i32 : i32, i32
  }
}

</mosaic_0001>

<sc_bundles>
// kernel: kernel.11.cloned.1.call-start
scs
__scs_entry_jumppad:
0x0: {  	(pc) =	sbr.rel $0x88, $3  }
0x1: {  	(tag) =	ssettag $0x0;
	lr =	simm.s32 $0x1  }
0x2: {  	[smem:$0x3F9B] =	sst lr;
	_ =	strace $0xD0000000  }
0x3: {  	_ = 	snop  }
0x4: {  	_ = 	snop  }
0x5: {  	_ = 	snop  }
0x6: {  	_ = 	snop  }
0x7: {  	_ = 	snop  }
__scs_overlays_trampoline_lowered:
0x8: {  	[smem:$0x3FAA] =	sst s0  }
0x9: {  	[smem:$0x3FAB] =	sst s1  }
0xa: {  	[smem:$0x3FAC] =	sst s2  }
0xb: {  	[smem:$0x3FAD] =	sst s3  }
0xc: {  	[smem:$0x3FAE] =	sst s4  }
0xd: {  	[smem:$0x3FAF] =	sst s5  }
0xe: {  	[smem:$0x3FB0] =	sst s6  }
0xf: {  	[smem:$0x3FB1] =	sst s7  }
0x10: {  	[smem:$0x3FB2] =	sst s8  }
0x11: {  	[smem:$0x3FB3] =	sst s9;
	s0 =	simm.s32 @!p0 $0x0  }
0x12: {  	s1 =	sld [smem:$0x3F99];
	s0 =	simm.s32 @p0 $0x1  }
0x13: {  	[smem:$0x3FB4] =	sst s0;
	s0 =	simm.s32 @!p1 $0x0  }
0x14: {  	s2 =	sld [smem:$0x3F98];
	s0 =	simm.s32 @p1 $0x1  }
0x15: {  	[smem:$0x3FB5] =	sst s0;
	s0 =	simm.s32 @!p2 $0x0  }
0x16: {  	s3 =	sld [smem:$0x3FDB];
	s0 =	simm.s32 @p2 $0x1  }
0x17: {  	s4 =	simm.s32 $0x1BF5;
	[smem:$0x3FB7] =	sst s0  }
0x18: {  	s0 =	sld [smem:$0x3F9A];
	_ =	swait.ge [sflag:s4], $0x0  }
0x19: {  	s7 =	sld [smem:$0x3F9B]  }
0x1a: {  	s8 =	sadd.s32 $0xFFFFE003, lr  }
0x1b: {  	s9 =	sadd.s32 $0xFFFFFEF7, lr;
	s5 =	simm.s32 $0xFFFFFFFF;
	p2 =	slt.u32 s8, $0xFFFFF086  }
0x1c: {  	p1 =	slt.u32 s9, $0xF7A;
	s5 =	simm.s32 @!p2 $0x0  }
0x1d: {  	s5 =	simm.s32 @p1 $0x1;
	p0 =	seq.s32 s7, s2  }
0x1e: {  	s7 =	smul.u32 @!p0 $0xF7A, s2;
	p2 =	seq.s32 @!p0 s5, $0x0  }
0x1f: {  	s9 =	smul.u32 $0xF7A, s1;
	s8 =	simm.s32 @!p0 $0x1BF5;
	p2 =	por !p2, p0  }
0x20: {  	[sflag:s8] =	ssyncset.s32 @!p0 $0xFFFFF086;
	s6 =	sadd.s32 @!p0 s3, s7;
	s7 =	simm.s32 @!p0 $0x108  }
0x21: {  	s3 =	sadd.s32 s3, s9;
	s6 =	sadd.s32 @!p0 $0x88, s6;
	s7 =	simm.s32 @p2 $0x1082  }
0x22: {  	[simem:s7], [sflag:s8] =	dma.local @!p0 [hbm:s6], $0xF7A  }
0x23: {  	s9 =	sor.u32 $0xD0000000, s2;
	s6 =	simm.s32 $0x108;
	_ =	swait.ge @!p0 [sflag:s8], $0x0  }
0x24: {  	s3 =	sadd.s32 $0x88, s3;
	s6 =	simm.s32 @!p1 $0x1082;
	[sflag:s4] =	ssyncset.s32 $0xFFFFF086  }
0x25: {  	[simem:s6], [sflag:s4] =	dma.local [hbm:s3], $0xF7A  }
0x26: {  	[smem:$0x3F9B] =	sst s1;
	(tag) =	ssettag s2;
	_ =	strace s9  }
0x27: {  	s1 =	sld [smem:$0x3FAB]  }
0x28: {  	s2 =	sld [smem:$0x3FAC]  }
0x29: {  	s4 =	sld [smem:$0x3FAE]  }
0x2a: {  	p0 =	seq.s32 s5, $0x0;
	s5 =	sld [smem:$0x3FAF]  }
0x2b: {  	s6 =	sld [smem:$0x3FB0]  }
0x2c: {  	s7 =	sld [smem:$0x3FB1]  }
0x2d: {  	s3 =	simm.s32 $0x108;
	s8 =	sld [smem:$0x3FB2]  }
0x2e: {  	s3 =	simm.s32 @!p0 $0x1082;
	s9 =	sld [smem:$0x3FB3]  }
0x2f: {  	lr =	sadd.s32 s0, s3;
	s0 =	sld [smem:$0x3FAA]  }
0x30: {  	s3 =	sld [smem:$0x3FAD]  }
0x31: {  	[smem:$0x3FB6] =	sst s10  }
0x32: {  	s10 =	sld [smem:$0x3FB4];
	_ =	sdelay $0x3  }
0x33: {  	p0 =	seq.s32 s10, $0x1;
	s10 =	sld [smem:$0x3FB6];
	_ =	sdelay $0x3  }
0x34: {  	[smem:$0x3FB6] =	sst s10  }
0x35: {  	s10 =	sld [smem:$0x3FB5];
	_ =	sdelay $0x3  }
0x36: {  	p1 =	seq.s32 s10, $0x1;
	s10 =	sld [smem:$0x3FB6];
	_ =	sdelay $0x3  }
0x37: {  	[smem:$0x3FB6] =	sst s10  }
0x38: {  	s10 =	sld [smem:$0x3FB7]  }
0x39: {  	_ = 	snop;
	(pc) =	sbr.ind lr, $3  }
0x3a: {  	_ = 	snop  }
0x3b: {  	_ = 	snop  }
0x3c: {  	p2 =	seq.s32 s10, $0x1;
	s10 =	sld [smem:$0x3FB6]  }
0x3d: {  	_ =	shalt  }
0x3e: {  	_ =	shalt  }
0x3f: {  	_ =	shalt  }
0x40: {  	_ =	shalt  }
0x41: {  	_ =	shalt  }
0x42: {  	_ =	shalt  }
0x43: {  	_ =	shalt  }
0x44: {  	_ =	shalt  }
0x45: {  	_ =	shalt  }
0x46: {  	_ =	shalt  }
0x47: {  	_ =	shalt  }
0x48: {  	_ =	shalt  }
0x49: {  	_ =	shalt  }
0x4a: {  	_ =	shalt  }
0x4b: {  	_ =	shalt  }
0x4c: {  	_ =	shalt  }
0x4d: {  	_ =	shalt  }
0x4e: {  	_ =	shalt  }
0x4f: {  	_ =	shalt  }
0x50: {  	_ =	shalt  }
0x51: {  	_ =	shalt  }
0x52: {  	_ =	shalt  }
0x53: {  	_ =	shalt  }
0x54: {  	_ =	shalt  }
0x55: {  	_ =	shalt  }
0x56: {  	_ =	shalt  }
0x57: {  	_ =	shalt  }
0x58: {  	_ =	shalt  }
0x59: {  	_ =	shalt  }
0x5a: {  	_ =	shalt  }
0x5b: {  	_ =	shalt  }
0x5c: {  	_ =	shalt  }
0x5d: {  	_ =	shalt  }
0x5e: {  	_ =	shalt  }
0x5f: {  	_ =	shalt  }
0x60: {  	_ =	shalt  }
0x61: {  	_ =	shalt  }
0x62: {  	_ =	shalt  }
0x63: {  	_ =	shalt  }
0x64: {  	_ =	shalt  }
0x65: {  	_ =	shalt  }
0x66: {  	_ =	shalt  }
0x67: {  	_ =	shalt  }
0x68: {  	_ =	shalt  }
0x69: {  	_ =	shalt  }
0x6a: {  	_ =	shalt  }
0x6b: {  	_ =	shalt  }
0x6c: {  	_ =	shalt  }
0x6d: {  	_ =	shalt  }
0x6e: {  	_ =	shalt  }
0x6f: {  	_ =	shalt  }
0x70: {  	_ =	shalt  }
0x71: {  	_ =	shalt  }
0x72: {  	_ =	shalt  }
0x73: {  	_ =	shalt  }
0x74: {  	_ =	shalt  }
0x75: {  	_ =	shalt  }
0x76: {  	_ =	shalt  }
0x77: {  	_ =	shalt  }
0x78: {  	_ =	shalt  }
0x79: {  	_ =	shalt  }
0x7a: {  	_ =	shalt  }
0x7b: {  	_ =	shalt  }
0x7c: {  	_ =	shalt  }
0x7d: {  	_ =	shalt  }
0x7e: {  	_ =	shalt  }
0x7f: {  	_ =	shalt  }
0x80: {  	_ =	shalt  }
0x81: {  	_ =	shalt  }
0x82: {  	_ =	shalt  }
0x83: {  	_ =	shalt  }
0x84: {  	_ =	shalt  }
0x85: {  	_ =	shalt  }
0x86: {  	_ =	shalt  }
0x87: {  	_ =	shalt  }
.Lfunc_end0:
.L_simem_size_0:
called_computation.1_lowered:
.L_overlay_start_0:
0x88: {  	s2 =	sld [smem:$0x3FD9]  }
0x89: {  	s3 =	sld [smem:$0x3FFE];
	_ =	sdelay $0x1  }
0x8a: {  	s1 =	srdreg.scid  }
0x8b: {  	s0 =	sand.u32 $0x1, s1  }
0x8c: {  	s16 =	sshll.u32 s0, $0xA;
	s2 =	sadd.s32 s3, s2  }
0x8d: {  	s2 =	sadd.s32 s2, s16  }
0x8e: {  	[smem:$0x3FC2] =	sst s2  }
0x8f: {  	_ = 	snop  }
0x90: {  	(tm) =	ssettm $0x1  }
0x91: {  	s17 =	sld [smem:$0x3FFB];
	_ =	sdelay $0x3  }
0x92: {  	_ =	strace s17  }
0x93: {  	s2 =	sld [smem:$0x3FFC];
	_ =	sdelay $0x3  }
0x94: {  	_ =	strace s2  }
0x95: {  	s2 =	sld [smem:$0x3FFD];
	_ =	sdelay $0x3  }
0x96: {  	_ =	strace s2  }
0x97: {  	_ =	strace $0x8FFFFFFF  }
0x98: {  	s18 =	sld [smem:$0x3FDB];
	_ =	sdelay $0x1  }
0x99: {  	s19 =	simm.s32 $_scs_section_size  }
0x9a: {  	s4 =	simm.s32 $_size__tile_overlayer_lowered;
	s5 =	simm.s32 $_tile_overlayer_lowered  }
0x9b: {  	s22 =	simm.s32 $0x1BFF;
	s21 =	sshll.u32 s5, $0x1;
	s2 =	sadd.s32 s19, s18  }
0x9c: {  	s6 =	simm.s32 $0x0;
	s20 =	sshll.u32 s4, $0x1;
	s4 =	sadd.s32 s21, s2  }
0x9d: {  	[timem:s6], [sflag:s22] =	dma.local [hbm:s4], s20  }
0x9e: {  	_ =	swait.ge [sflag:s22], s20  }
0x9f: {  	s3 =	ssub.s32 $0x0, s20;
	[sflag:s22] =	ssyncset.done $0x0  }
0xa0: {  	[sflag:s22] =	ssyncadd.s32 s3;
	_ =	sdelay $0x1  }
0xa1: {  	s23 =	simm.s32 $0x1B8B  }
0xa2: {  	_ =	swait.ge [sflag:s23], $0x1  }
0xa3: {  	[sflag:s23] =	ssyncset.done $0x0  }
0xa4: {  	s25 =	simm.s32 $0x1B8E;
	s24 =	sld [smem:$0x3FFE];
	[sflag:s23] =	ssyncadd.s32 $0xFFFFFFFF  }
0xa5: {  	s26 =	simm.s32 $execute0_lowered;
	[smem:$0x3FD2] =	sst s25  }
0xa6: {  	s4 =	sshll.u32 s26, $0x1;
	_ =	strace $0x80000049;
	[dreg:$0x1] =	wrdreg $0xFFFFFFFF  }
0xa7: {  	s28 =	simm.s32 $_size_execute0_lowered;
	s2 =	sadd.s32 s2, s4;
	[dreg:$0x0] =	wrdreg $0x0  }
0xa8: {  	s4 =	sshll.u32 s28, $0x1;
	[dreg:$0x2] =	wrdreg s2  }
0xa9: {  	[dreg:$0x3] =	wrdreg s4  }
0xaa: {  	[dreg:$0x4] =	wrdreg $0xC0  }
0xab: {  	_ =	task [dreg:s6], $0x5FFFF  }
0xac: {  	[dreg:$0x1] =	wrdreg $0xFFFFFFFF  }
0xad: {  	[dreg:$0x0] =	wrdreg $0x60  }
0xae: {  	[dreg:$0x2] =	wrdreg s24  }
0xaf: {  	[dreg:$0x3] =	wrdreg $0xC6200  }
0xb0: {  	[dreg:$0x4] =	wrdreg $0x9  }
0xb1: {  	_ =	task.clear_ibuf [dreg:s6], $0x5FFFF;
	_ =	strace $0x90000049  }
0xb2: {  	s29 =	simm.s32 $0x9;
	_ =	strace $0x8000004B  }
0xb3: {  	_ =	swait.ge [sflag:s29], $0x1  }
0xb4: {  	[sflag:s29] =	ssyncadd.s32 $0xFFFFFFFF  }
0xb5: {  	_ =	strace $0x9000004B  }
0xb6: {  	_ =	sfence  }
0xb7: {  	s30 =	sld [smem:$0x0];
	_ =	sdelay $0x2  }
0xb8: {  	s31 =	sshll.u32 s1, $0xD;
	s1 =	sshrl.u32 s1, $0x2  }
0xb9: {  	s3 =	sand.u32 $0x4000, s31;
	s1 =	sadd.s32 s1, s30  }
0xba: {  	s0 =	sor.u32 s3, s0;
	s1 =	sshll.u32 s1, $0x11  }
0xbb: {  	s0 =	sor.u32 s1, s0  }
0xbc: {  	s0 =	sadd.s32 $0x8F2B, s0  }
0xbd: {  	[sflag:s0] =	ssyncadd.remote.s32 $0x1  }
0xbe: {  	_ =	sfence.sel $0xFFFF  }
0xbf: {  	[dreg:$0x0] =	wrdreg $0xFFFFFFFF;
	(pc) =	sbr.abs _section_cstart, $3  }
0xc0: {  	[dreg:$0x1] =	wrdreg $0xFFFFFFFF  }
0xc1: {  	_ =	task.clear_ibuf [dreg:s6], $0x2FFFF;
	_ =	strace $0x9FFFFFFF  }
0xc2: {  	(tm) =	ssettm $0x7FFFFFFF  }
0xc3: {  	_ =	shalt  }
tec
execute0_lowered:
.L_overlay_start_1:
0x0: {  	(tag) =	ssettag $0x1  }
0x1: {  	s0 =	rddreg [dreg:$0x0]  }
0x2: {  	s2 =	rddreg [dreg:$0x1];
	s8 =	stileid.u32  }
0x3: {  	s1 =	srdreg.scid;
	s3 =	simm.s32 $0x0;
	s5 =	smul.u32 $0x13880, s8  }
0x4: {  	s1 =	sand.u32 $0x1, s1;
	s4 =	sshll.u32 s8, $0x1;
	s8 =	smul.u32 $0x4E200, s8  }
0x5: {  	[smem:$0x7FF] =	sst s3;
	s6 =	smul.u32 $0x138800, s1;
	s7 =	sor.u32 s1, s4  }
0x6: {  	_ =	strace $0x8000004A;
	s1 =	ssub.s32 $0x2, s1;
	s7 =	smul.u32 $0x4E2, s7  }
0x7: {  	s4 =	sadd.s32 $0x15400, s0;
	s26 =	sshrl.u32 s1, $0x1;
	s6 =	sadd.s32 s5, s6  }
0x8: {  	s8 =	sshrl.u32 s8, $0x2;
	s6 =	sshrl.u32 s6, $0x3;
	s7 =	sadd.s32 s7, s0  }
0x9: {  	s9 =	ssub.s32 s1, s26;
	s6 =	sadd.s32 s6, s0;
	s1 =	sadd.s32 $0xB600, s7  }
0xa: {  	s10 =	sadd.s32 $0x1800, s7;
	s0 =	sadd.s32 s8, s2;
	[dreg:$0x3] =	wrdreg s1  }
0xb: {  	[dreg:$0x4] =	wrdreg s10;
	s11 =	sadd.s32 $0xC80, s0  }
0xc: {  	s12 =	sadd.s32 $0x1900, s0;
	[dreg:$0x5] =	wrdreg s11  }
0xd: {  	s13 =	sadd.s32 $0x2580, s0;
	[dreg:$0x6] =	wrdreg s12  }
0xe: {  	s14 =	sadd.s32 $0x3200, s0;
	[dreg:$0x7] =	wrdreg s13  }
0xf: {  	s15 =	sadd.s32 $0x3E80, s0;
	[dreg:$0x8] =	wrdreg s14  }
0x10: {  	s16 =	sadd.s32 $0x4B00, s0;
	[dreg:$0x9] =	wrdreg s15  }
0x11: {  	s7 =	sadd.s32 s5, s2;
	s17 =	sadd.s32 $0x5780, s0;
	[dreg:$0xa] =	wrdreg s16  }
0x12: {  	s5 =	smax.u32 s9, $0x1;
	s18 =	sadd.s32 $0x6400, s0;
	[dreg:$0xb] =	wrdreg s17  }
0x13: {  	s8 =	simm.s32 $0x8;
	s19 =	sadd.s32 $0x7080, s0;
	[dreg:$0xc] =	wrdreg s18  }
0x14: {  	s9 =	simm.s32 $0x7;
	s20 =	sadd.s32 $0x7D00, s0;
	[dreg:$0xd] =	wrdreg s19  }
0x15: {  	s21 =	sadd.s32 $0x8980, s0;
	s22 =	sadd.s32 $0x9600, s0;
	[dreg:$0xe] =	wrdreg s20  }
0x16: {  	s23 =	sadd.s32 $0xA280, s0;
	s24 =	sadd.s32 $0xAF00, s0;
	[dreg:$0xf] =	wrdreg s21  }
0x17: {  	s25 =	sadd.s32 $0xBB80, s0;
	s26 =	sadd.s32 $0xC800, s0;
	[dreg:$0x10] =	wrdreg s22  }
0x18: {  	s28 =	sadd.s32 $0xFA00, s0;
	s29 =	sadd.s32 $0x10680, s0;
	[dreg:$0x11] =	wrdreg s23  }
0x19: {  	s30 =	sadd.s32 $0x11300, s0;
	s31 =	sadd.s32 $0x11F80, s0;
	[dreg:$0x12] =	wrdreg s24  }
0x1a: {  	s1 =	sadd.s32 $0x3C600, s6;
	s6 =	simm.s32 $0x4E20;
	[dreg:$0x13] =	wrdreg s25  }
0x1b: {  	s10 =	simm.s32 $0x50;
	[dreg:$0x14] =	wrdreg s26;
	s24 =	sadd.s32 $0xD480, s0  }
0x1c: {  	s25 =	sadd.s32 $0xE100, s0;
	s26 =	sadd.s32 $0xED80, s0;
	s0 =	sadd.s32 $0x12C00, s0  }
0x1d: {  	s11 =	simm.s32 $0x7620;
	s12 =	simm.s32 $0x9E20;
	s13 =	simm.s32 $0x1  }
0x1e: {  	s14 =	simm.s32 $0x4;
	s15 =	simm.s32 $0x2;
	s16 =	simm.s32 $0x5  }
0x1f: {  	v0 =	vimm.f32 $0.0e+00;
	s17 =	simm.s32 $0x3;
	s18 =	simm.s32 $0x6;
	s19 =	simm.s32 $0x0  }
.LBB2_1:
0x20: {  	s20 =	rddreg [dreg:$0x3]  }
0x21: {  	[tilespmem:s3], [sflag:$0x7] =	stream.linear.gather [hbm4b:s20+s3], $0x2710, $0x38;
	[tilespmem:$0x1FEA0] =	vst v63  }
0x22: {  	s23 =	rddreg [dreg:$0x4];
	s21 =	simm.s32 $0x2710;
	s22 =	sand.u32 $0xFE00, s3  }
0x23: {  	[tilespmem:s21], [sflag:$0x7] =	stream.linear.gather [hbm4b:s23+s3], $0x2710, $0x38;
	[tilespmem:$0x1FEA0] =	vst v63  }
0x24: {  	s22 =	sshrl.u32 s22, $0x2;
	s23 =	sand.u32 $0x70, s3  }
0x25: {  	s20 =	simm.s32 $0x40;
	s21 =	simm.s32 $0x0;
	s22 =	sor.u32 s23, s22  }
.LBB2_2:
0x26: {  	p0 =	sne.s32 s20, $0x9FC0  }
0x27: {  	[tilespmem:s22+$0x4E20] =	vst v0;
	s21 =	sadd.s32 $0x10, s21;
	s22 =	smov.u32 s20;
	s20 =	sadd.s32 $0x40, s20  }
.Ltmp0:
0x28: {  	(pc) =	sbr.rel @p0 .LBB2_2-.Ltmp0, $4  }
0x29: {  	_ = 	snop  }
0x2a: {  	s22 =	sand.u32 $0xFE00, s22  }
0x2b: {  	s23 =	sand.u32 $0x70, s21;
	s22 =	sshrl.u32 s22, $0x2  }
0x2c: {  	s22 =	sor.u32 s23, s22  }
0x2d: {  	[tilespmem:s22+$0x4E20] =	vst v0  }
0x2e: {  	[spmem:s7] =	stream.linear.scatter [tilespmem:s6], [sflag:$0x8], $0xC80, $0x38;
	[tilespmem:$0x1FEA0] =	vst v63  }
0x2f: {  	_ =	swait.ge [sflag:s8], $0xC80  }
0x30: {  	[sflag:s8] =	ssyncset.done $0x0  }
0x31: {  	s20 =	rddreg [dreg:$0x5];
	[sflag:s8] =	ssyncadd.s32 $0xFFFFF380  }
0x32: {  	[spmem:s20] =	stream.linear.scatter [tilespmem:s6], [sflag:$0x8], $0xC80, $0x38;
	[tilespmem:$0x1FEA0] =	vst v63  }
0x33: {  	_ =	swait.ge [sflag:s8], $0xC80  }
0x34: {  	[sflag:s8] =	ssyncset.done $0x0  }
0x35: {  	s23 =	rddreg [dreg:$0x6];
	[sflag:s8] =	ssyncadd.s32 $0xFFFFF380  }
0x36: {  	[spmem:s23] =	stream.linear.scatter [tilespmem:s6], [sflag:$0x8], $0xC80, $0x38;
	[tilespmem:$0x1FEA0] =	vst v63  }
0x37: {  	_ =	swait.ge [sflag:s8], $0xC80  }
0x38: {  	[sflag:s8] =	ssyncset.done $0x0  }
0x39: {  	s21 =	rddreg [dreg:$0x7];
	[sflag:s8] =	ssyncadd.s32 $0xFFFFF380  }
0x3a: {  	[spmem:s21] =	stream.linear.scatter [tilespmem:s6], [sflag:$0x8], $0xC80, $0x38;
	[tilespmem:$0x1FEA0] =	vst v63  }
0x3b: {  	_ =	swait.ge [sflag:s8], $0xC80  }
0x3c: {  	[sflag:s8] =	ssyncset.done $0x0  }
0x3d: {  	s22 =	rddreg [dreg:$0x8];
	[sflag:s8] =	ssyncadd.s32 $0xFFFFF380  }
0x3e: {  	[spmem:s22] =	stream.linear.scatter [tilespmem:s6], [sflag:$0x8], $0xC80, $0x38;
	[tilespmem:$0x1FEA0] =	vst v63  }
0x3f: {  	_ =	swait.ge [sflag:s8], $0xC80  }
0x40: {  	[sflag:s8] =	ssyncset.done $0x0  }
0x41: {  	s23 =	rddreg [dreg:$0x9];
	[sflag:s8] =	ssyncadd.s32 $0xFFFFF380  }
0x42: {  	[spmem:s23] =	stream.linear.scatter [tilespmem:s6], [sflag:$0x8], $0xC80, $0x38;
	[tilespmem:$0x1FEA0] =	vst v63  }
0x43: {  	_ =	swait.ge [sflag:s8], $0xC80  }
0x44: {  	[sflag:s8] =	ssyncset.done $0x0  }
0x45: {  	s21 =	rddreg [dreg:$0xa];
	[sflag:s8] =	ssyncadd.s32 $0xFFFFF380  }
0x46: {  	[spmem:s21] =	stream.linear.scatter [tilespmem:s6], [sflag:$0x8], $0xC80, $0x38;
	[tilespmem:$0x1FEA0] =	vst v63  }
0x47: {  	_ =	swait.ge [sflag:s8], $0xC80  }
0x48: {  	[sflag:s8] =	ssyncset.done $0x0  }
0x49: {  	s22 =	rddreg [dreg:$0xb];
	[sflag:s8] =	ssyncadd.s32 $0xFFFFF380  }
0x4a: {  	[spmem:s22] =	stream.linear.scatter [tilespmem:s6], [sflag:$0x8], $0xC80, $0x38;
	[tilespmem:$0x1FEA0] =	vst v63  }
0x4b: {  	_ =	swait.ge [sflag:s8], $0xC80  }
0x4c: {  	[sflag:s8] =	ssyncset.done $0x0  }
0x4d: {  	s23 =	rddreg [dreg:$0xc];
	[sflag:s8] =	ssyncadd.s32 $0xFFFFF380  }
0x4e: {  	[spmem:s23] =	stream.linear.scatter [tilespmem:s6], [sflag:$0x8], $0xC80, $0x38;
	[tilespmem:$0x1FEA0] =	vst v63  }
0x4f: {  	_ =	swait.ge [sflag:s8], $0xC80  }
0x50: {  	[sflag:s8] =	ssyncset.done $0x0  }
0x51: {  	s21 =	rddreg [dreg:$0xd];
	[sflag:s8] =	ssyncadd.s32 $0xFFFFF380  }
0x52: {  	[spmem:s21] =	stream.linear.scatter [tilespmem:s6], [sflag:$0x8], $0xC80, $0x38;
	[tilespmem:$0x1FEA0] =	vst v63  }
0x53: {  	_ =	swait.ge [sflag:s8], $0xC80  }
0x54: {  	[sflag:s8] =	ssyncset.done $0x0  }
0x55: {  	s22 =	rddreg [dreg:$0xe];
	[sflag:s8] =	ssyncadd.s32 $0xFFFFF380  }
0x56: {  	[spmem:s22] =	stream.linear.scatter [tilespmem:s6], [sflag:$0x8], $0xC80, $0x38;
	[tilespmem:$0x1FEA0] =	vst v63  }
0x57: {  	_ =	swait.ge [sflag:s8], $0xC80  }
0x58: {  	[sflag:s8] =	ssyncset.done $0x0  }
0x59: {  	s23 =	rddreg [dreg:$0xf];
	[sflag:s8] =	ssyncadd.s32 $0xFFFFF380  }
0x5a: {  	[spmem:s23] =	stream.linear.scatter [tilespmem:s6], [sflag:$0x8], $0xC80, $0x38;
	[tilespmem:$0x1FEA0] =	vst v63  }
0x5b: {  	_ =	swait.ge [sflag:s8], $0xC80  }
0x5c: {  	[sflag:s8] =	ssyncset.done $0x0  }
0x5d: {  	s21 =	rddreg [dreg:$0x10];
	[sflag:s8] =	ssyncadd.s32 $0xFFFFF380  }
0x5e: {  	[spmem:s21] =	stream.linear.scatter [tilespmem:s6], [sflag:$0x8], $0xC80, $0x38;
	[tilespmem:$0x1FEA0] =	vst v63  }
0x5f: {  	_ =	swait.ge [sflag:s8], $0xC80  }
0x60: {  	[sflag:s8] =	ssyncset.done $0x0  }
0x61: {  	s22 =	rddreg [dreg:$0x11];
	[sflag:s8] =	ssyncadd.s32 $0xFFFFF380  }
0x62: {  	[spmem:s22] =	stream.linear.scatter [tilespmem:s6], [sflag:$0x8], $0xC80, $0x38;
	[tilespmem:$0x1FEA0] =	vst v63  }
0x63: {  	_ =	swait.ge [sflag:s8], $0xC80  }
0x64: {  	[sflag:s8] =	ssyncset.done $0x0  }
0x65: {  	s23 =	rddreg [dreg:$0x12];
	[sflag:s8] =	ssyncadd.s32 $0xFFFFF380  }
0x66: {  	[spmem:s23] =	stream.linear.scatter [tilespmem:s6], [sflag:$0x8], $0xC80, $0x38;
	[tilespmem:$0x1FEA0] =	vst v63  }
0x67: {  	_ =	swait.ge [sflag:s8], $0xC80  }
0x68: {  	[sflag:s8] =	ssyncset.done $0x0  }
0x69: {  	s21 =	rddreg [dreg:$0x13];
	[sflag:s8] =	ssyncadd.s32 $0xFFFFF380  }
0x6a: {  	[spmem:s21] =	stream.linear.scatter [tilespmem:s6], [sflag:$0x8], $0xC80, $0x38;
	[tilespmem:$0x1FEA0] =	vst v63  }
0x6b: {  	_ =	swait.ge [sflag:s8], $0xC80  }
0x6c: {  	[sflag:s8] =	ssyncset.done $0x0  }
0x6d: {  	s22 =	rddreg [dreg:$0x14];
	[sflag:s8] =	ssyncadd.s32 $0xFFFFF380  }
0x6e: {  	[spmem:s22] =	stream.linear.scatter [tilespmem:s6], [sflag:$0x8], $0xC80, $0x38;
	[tilespmem:$0x1FEA0] =	vst v63  }
0x6f: {  	_ =	swait.ge [sflag:s8], $0xC80  }
0x70: {  	[sflag:s8] =	ssyncset.done $0x0  }
0x71: {  	[sflag:s8] =	ssyncadd.s32 $0xFFFFF380  }
0x72: {  	[spmem:s24] =	stream.linear.scatter [tilespmem:s6], [sflag:$0x8], $0xC80, $0x38;
	[tilespmem:$0x1FEA0] =	vst v63  }
0x73: {  	_ =	swait.ge [sflag:s8], $0xC80  }
0x74: {  	[sflag:s8] =	ssyncset.done $0x0  }
0x75: {  	[sflag:s8] =	ssyncadd.s32 $0xFFFFF380  }
0x76: {  	[spmem:s25] =	stream.linear.scatter [tilespmem:s6], [sflag:$0x8], $0xC80, $0x38;
	[tilespmem:$0x1FEA0] =	vst v63  }
0x77: {  	_ =	swait.ge [sflag:s8], $0xC80  }
0x78: {  	[sflag:s8] =	ssyncset.done $0x0  }
0x79: {  	[sflag:s8] =	ssyncadd.s32 $0xFFFFF380  }
0x7a: {  	[spmem:s26] =	stream.linear.scatter [tilespmem:s6], [sflag:$0x8], $0xC80, $0x38;
	[tilespmem:$0x1FEA0] =	vst v63  }
0x7b: {  	_ =	swait.ge [sflag:s8], $0xC80  }
0x7c: {  	[sflag:s8] =	ssyncset.done $0x0  }
0x7d: {  	[sflag:s8] =	ssyncadd.s32 $0xFFFFF380  }
0x7e: {  	[spmem:s28] =	stream.linear.scatter [tilespmem:s6], [sflag:$0x8], $0xC80, $0x38;
	[tilespmem:$0x1FEA0] =	vst v63  }
0x7f: {  	_ =	swait.ge [sflag:s8], $0xC80  }
0x80: {  	[sflag:s8] =	ssyncset.done $0x0  }
0x81: {  	[sflag:s8] =	ssyncadd.s32 $0xFFFFF380  }
0x82: {  	[spmem:s29] =	stream.linear.scatter [tilespmem:s6], [sflag:$0x8], $0xC80, $0x38;
	[tilespmem:$0x1FEA0] =	vst v63  }
0x83: {  	_ =	swait.ge [sflag:s8], $0xC80  }
0x84: {  	[sflag:s8] =	ssyncset.done $0x0  }
0x85: {  	[sflag:s8] =	ssyncadd.s32 $0xFFFFF380  }
0x86: {  	[spmem:s30] =	stream.linear.scatter [tilespmem:s6], [sflag:$0x8], $0xC80, $0x38;
	[tilespmem:$0x1FEA0] =	vst v63  }
0x87: {  	_ =	swait.ge [sflag:s8], $0xC80  }
0x88: {  	[sflag:s8] =	ssyncset.done $0x0  }
0x89: {  	[sflag:s8] =	ssyncadd.s32 $0xFFFFF380  }
0x8a: {  	[spmem:s31] =	stream.linear.scatter [tilespmem:s6], [sflag:$0x8], $0xC80, $0x38;
	[tilespmem:$0x1FEA0] =	vst v63  }
0x8b: {  	_ =	swait.ge [sflag:s8], $0xC80  }
0x8c: {  	[sflag:s8] =	ssyncset.done $0x0  }
0x8d: {  	[sflag:s8] =	ssyncadd.s32 $0xFFFFF380  }
0x8e: {  	[spmem:s0] =	stream.linear.scatter [tilespmem:s6], [sflag:$0x8], $0xC80, $0x38;
	[tilespmem:$0x1FEA0] =	vst v63  }
0x8f: {  	_ =	swait.ge [sflag:s8], $0xC80  }
0x90: {  	[sflag:s8] =	ssyncset.done $0x0  }
0x91: {  	[sflag:s8] =	ssyncadd.s32 $0xFFFFF380  }
0x92: {  	_ =	swait.ge [sflag:s9], $0x2710  }
0x93: {  	[sflag:s9] =	ssyncset.done $0x0  }
0x94: {  	[sflag:s9] =	ssyncadd.s32 $0xFFFFD8F0  }
0x95: {  	_ =	swait.ge [sflag:s9], $0x2710  }
0x96: {  	[sflag:s9] =	ssyncset.done $0x0  }
0x97: {  	[sflag:s9] =	ssyncadd.s32 $0xFFFFD8F0  }
0x98: {  	s23 =	simm.s32 $0x0;
	[bflag:$0x0] =	sbarrier.arrive $0xFFFF  }
0x99: {  	[tilespmem:s6], [sflag:$0x1] =	stream.indirect.gather [hbm4b:s4+s10], $0x80, s23, s10, $0xb8;
	[tilespmem:$0x1FEA0] =	vst v63  }
0x9a: {  	_ = 	snop  }
0x9b: {  	[tilespmem:s11], [sflag:$0x2] =	stream.indirect.gather [hbm4b:s4+s10], $0x80, s10, s10, $0xb8;
	[tilespmem:$0x1FEA0] =	vst v63  }
0x9c: {  	s21 =	simm.s32 $0xA0  }
0x9d: {  	[tilespmem:s12], [sflag:$0x3] =	stream.indirect.gather [hbm4b:s4+s10], $0x80, s21, s10, $0xb8;
	[tilespmem:$0x1FEA0] =	vst v63  }
0x9e: {  	_ =	swait.ge [sflag:s13], $0x2800  }
0x9f: {  	[sflag:s13] =	ssyncset.done $0x0  }
0xa0: {  	s22 =	simm.s32 $0x2710;
	[sflag:s13] =	ssyncadd.s32 $0xFFFFD800  }
0xa1: {  	[spmem:s2] =	stream.indirect.scatter.add.f32 [tilespmem:s6], [sflag:$0x4], $0x80, s22, s10, $0xb8;
	[tilespmem:$0x1FEA0] =	vst v63  }
0xa2: {  	_ =	swait.ge [sflag:s14], $0x2800  }
0xa3: {  	[sflag:s14] =	ssyncset.done $0x0  }
0xa4: {  	s23 =	simm.s32 $0xF0;
	[sflag:s14] =	ssyncadd.s32 $0xFFFFD800  }
0xa5: {  	[tilespmem:s6], [sflag:$0x1] =	stream.indirect.gather [hbm4b:s4+s10], $0x80, s23, s10, $0xb8;
	[tilespmem:$0x1FEA0] =	vst v63  }
0xa6: {  	_ =	swait.ge [sflag:s15], $0x2800  }
0xa7: {  	[sflag:s15] =	ssyncset.done $0x0  }
0xa8: {  	s21 =	simm.s32 $0x2760;
	[sflag:s15] =	ssyncadd.s32 $0xFFFFD800  }
0xa9: {  	[spmem:s2] =	stream.indirect.scatter.add.f32 [tilespmem:s11], [sflag:$0x5], $0x80, s21, s10, $0xb8;
	[tilespmem:$0x1FEA0] =	vst v63  }
0xaa: {  	_ =	swait.ge [sflag:s16], $0x2800  }
0xab: {  	[sflag:s16] =	ssyncset.done $0x0  }
0xac: {  	s22 =	simm.s32 $0x140;
	[sflag:s16] =	ssyncadd.s32 $0xFFFFD800  }
0xad: {  	[tilespmem:s11], [sflag:$0x2] =	stream.indirect.gather [hbm4b:s4+s10], $0x80, s22, s10, $0xb8;
	[tilespmem:$0x1FEA0] =	vst v63  }
0xae: {  	_ =	swait.ge [sflag:s17], $0x2800  }
0xaf: {  	[sflag:s17] =	ssyncset.done $0x0  }
0xb0: {  	s23 =	simm.s32 $0x27B0;
	[sflag:s17] =	ssyncadd.s32 $0xFFFFD800  }
0xb1: {  	[spmem:s2] =	stream.indirect.scatter.add.f32 [tilespmem:s12], [sflag:$0x6], $0x80, s23, s10, $0xb8;
	[tilespmem:$0x1FEA0] =	vst v63  }
0xb2: {  	_ =	swait.ge [sflag:s18], $0x2800  }
0xb3: {  	[sflag:s18] =	ssyncset.done $0x0  }
0xb4: {  	s20 =	simm.s32 $0x3C0;
	s21 =	simm.s32 $0x190;
	[sflag:s18] =	ssyncadd.s32 $0xFFFFD800  }
.LBB2_4:
0xb5: {  	[tilespmem:s12], [sflag:$0x3] =	stream.indirect.gather [hbm4b:s4+s10], $0x80, s21, s10, $0xb8;
	[tilespmem:$0x1FEA0] =	vst v63  }
0xb6: {  	s21 =	smov.u32 s20  }
0xb7: {  	p0 =	sne.s32 s20, $0x9240;
	s20 =	sadd.s32 $0x3C0, s20;
	_ =	swait.ge [sflag:s13], $0x2800  }
0xb8: {  	s21 =	sshra.s32 s21, $0x2;
	[sflag:s13] =	ssyncset.done $0x0  }
0xb9: {  	s22 =	sadd.s32 $0x2710, s21;
	[sflag:s13] =	ssyncadd.s32 $0xFFFFD800  }
0xba: {  	[spmem:s2] =	stream.indirect.scatter.add.f32 [tilespmem:s6], [sflag:$0x4], $0x80, s22, s10, $0xb8;
	[tilespmem:$0x1FEA0] =	vst v63  }
0xbb: {  	_ =	swait.ge [sflag:s14], $0x2800  }
0xbc: {  	[sflag:s14] =	ssyncset.done $0x0  }
0xbd: {  	s22 =	sadd.s32 $0xF0, s21;
	[sflag:s14] =	ssyncadd.s32 $0xFFFFD800  }
0xbe: {  	[tilespmem:s6], [sflag:$0x1] =	stream.indirect.gather [hbm4b:s4+s10], $0x80, s22, s10, $0xb8;
	[tilespmem:$0x1FEA0] =	vst v63  }
0xbf: {  	_ =	swait.ge [sflag:s15], $0x2800  }
0xc0: {  	[sflag:s15] =	ssyncset.done $0x0  }
0xc1: {  	s22 =	sadd.s32 $0x2760, s21;
	[sflag:s15] =	ssyncadd.s32 $0xFFFFD800  }
0xc2: {  	[spmem:s2] =	stream.indirect.scatter.add.f32 [tilespmem:s11], [sflag:$0x5], $0x80, s22, s10, $0xb8;
	[tilespmem:$0x1FEA0] =	vst v63  }
0xc3: {  	_ =	swait.ge [sflag:s16], $0x2800  }
0xc4: {  	[sflag:s16] =	ssyncset.done $0x0  }
0xc5: {  	s22 =	sadd.s32 $0x140, s21;
	[sflag:s16] =	ssyncadd.s32 $0xFFFFD800  }
0xc6: {  	[tilespmem:s11], [sflag:$0x2] =	stream.indirect.gather [hbm4b:s4+s10], $0x80, s22, s10, $0xb8;
	[tilespmem:$0x1FEA0] =	vst v63  }
0xc7: {  	_ =	swait.ge [sflag:s17], $0x2800  }
0xc8: {  	[sflag:s17] =	ssyncset.done $0x0  }
.Ltmp1:
0xc9: {  	s22 =	sadd.s32 $0x27B0, s21;
	[sflag:s17] =	ssyncadd.s32 $0xFFFFD800;
	(pc) =	sbr.rel @p0 .LBB2_4-.Ltmp1, $4  }
0xca: {  	[spmem:s2] =	stream.indirect.scatter.add.f32 [tilespmem:s12], [sflag:$0x6], $0x80, s22, s10, $0xb8;
	[tilespmem:$0x1FEA0] =	vst v63  }
0xcb: {  	_ =	swait.ge [sflag:s18], $0x2800  }
0xcc: {  	[sflag:s18] =	ssyncset.done $0x0  }
0xcd: {  	s21 =	sadd.s32 $0x190, s21;
	[sflag:s18] =	ssyncadd.s32 $0xFFFFD800  }
0xce: {  	[tilespmem:s12], [sflag:$0x3] =	stream.indirect.gather [hbm4b:s4+s10], $0x80, s21, s10, $0xb8;
	[tilespmem:$0x1FEA0] =	vst v63  }
0xcf: {  	_ =	swait.ge [sflag:s13], $0x2800  }
0xd0: {  	[sflag:s13] =	ssyncset.done $0x0  }
0xd1: {  	s20 =	simm.s32 $0x4C90;
	[sflag:s13] =	ssyncadd.s32 $0xFFFFD800  }
0xd2: {  	[spmem:s2] =	stream.indirect.scatter.add.f32 [tilespmem:s6], [sflag:$0x4], $0x80, s20, s10, $0xb8;
	[tilespmem:$0x1FEA0] =	vst v63  }
0xd3: {  	_ =	swait.ge [sflag:s14], $0x2800  }
0xd4: {  	[sflag:s14] =	ssyncset.done $0x0  }
0xd5: {  	s22 =	simm.s32 $0x2670;
	[sflag:s14] =	ssyncadd.s32 $0xFFFFD800  }
0xd6: {  	[tilespmem:s6], [sflag:$0x1] =	stream.indirect.gather [hbm4b:s4+s10], $0x80, s22, s10, $0xb8;
	[tilespmem:$0x1FEA0] =	vst v63  }
0xd7: {  	_ =	swait.ge [sflag:s15], $0x2800  }
0xd8: {  	[sflag:s15] =	ssyncset.done $0x0  }
0xd9: {  	s23 =	simm.s32 $0x4CE0;
	[sflag:s15] =	ssyncadd.s32 $0xFFFFD800  }
0xda: {  	[spmem:s2] =	stream.indirect.scatter.add.f32 [tilespmem:s11], [sflag:$0x5], $0x80, s23, s10, $0xb8;
	[tilespmem:$0x1FEA0] =	vst v63  }
0xdb: {  	_ =	swait.ge [sflag:s16], $0x2800  }
0xdc: {  	[sflag:s16] =	ssyncset.done $0x0  }
0xdd: {  	s21 =	simm.s32 $0x26C0;
	[sflag:s16] =	ssyncadd.s32 $0xFFFFD800  }
0xde: {  	[tilespmem:s11], [sflag:$0x2] =	stream.indirect.gather [hbm4b:s4+s10], $0x80, s21, s10, $0xb8;
	[tilespmem:$0x1FEA0] =	vst v63  }
0xdf: {  	_ =	swait.ge [sflag:s17], $0x2800  }
0xe0: {  	[sflag:s17] =	ssyncset.done $0x0  }
0xe1: {  	s22 =	simm.s32 $0x4D30;
	[sflag:s17] =	ssyncadd.s32 $0xFFFFD800  }
0xe2: {  	[spmem:s2] =	stream.indirect.scatter.add.f32 [tilespmem:s12], [sflag:$0x6], $0x80, s22, s10, $0xb8;
	[tilespmem:$0x1FEA0] =	vst v63  }
0xe3: {  	_ =	swait.ge [sflag:s13], $0x2800  }
0xe4: {  	[sflag:s13] =	ssyncset.done $0x0  }
0xe5: {  	s23 =	simm.s32 $0x4D80;
	[sflag:s13] =	ssyncadd.s32 $0xFFFFD800  }
0xe6: {  	[spmem:s2] =	stream.indirect.scatter.add.f32 [tilespmem:s6], [sflag:$0x4], $0x80, s23, s10, $0xb8;
	[tilespmem:$0x1FEA0] =	vst v63  }
0xe7: {  	_ =	swait.ge [sflag:s15], $0x2800  }
0xe8: {  	[sflag:s15] =	ssyncset.done $0x0  }
0xe9: {  	s21 =	simm.s32 $0x4DD0;
	[sflag:s15] =	ssyncadd.s32 $0xFFFFD800  }
0xea: {  	[spmem:s2] =	stream.indirect.scatter.add.f32 [tilespmem:s11], [sflag:$0x5], $0x80, s21, s10, $0xb8;
	[tilespmem:$0x1FEA0] =	vst v63  }
0xeb: {  	_ =	swait.ge [sflag:s14], $0x2800  }
0xec: {  	[sflag:s14] =	ssyncset.done $0x0  }
0xed: {  	[sflag:s14] =	ssyncadd.s32 $0xFFFFD800  }
0xee: {  	_ =	swait.ge [sflag:s16], $0x2800  }
0xef: {  	[sflag:s16] =	ssyncset.done $0x0  }
0xf0: {  	[sflag:s16] =	ssyncadd.s32 $0xFFFFD800  }
0xf1: {  	s22 =	stileid.u32;
	_ =	swait.ge [sflag:s18], $0x2800  }
0xf2: {  	s19 =	sadd.s32 $0x1, s19;
	s20 =	sshll.u32 s22, $0x6;
	[sflag:s18] =	ssyncset.done $0x0  }
0xf3: {  	p0 =	sne.s32 s19, s5;
	s20 =	sor.u32 $0x1C08, s20;
	[sflag:s18] =	ssyncadd.s32 $0xFFFFD800  }
.Ltmp2:
0xf4: {  	s23 =	sshrl.u32 s7, $0x3;
	[bflag:$0x0] =	sbarrier.arrive $0xFFFF;
	(pc) =	sbr.rel @p0 .LBB2_1-.Ltmp2, $4  }
0xf5: {  	[hbm:s1], [sflag:s20] =	dma.local [spmem:s23], $0x2710  }
0xf6: {  	_ =	swait.ge [sflag:s8], $0x2710  }
0xf7: {  	[sflag:s8] =	ssyncset.done $0x0  }
0xf8: {  	[sflag:s8] =	ssyncadd.s32 $0xFFFFD8F0  }
0xf9: {  	_ =	sfence.sel $0x180000  }
0xfa: {  	[bflag:$0x0] =	sbarrier.arrive $0xFFFF  }
0xfb: {  	_ =	strace $0x9000004A  }
0xfc: {  	s0 =	stileid.u32;
	[bflag:$0x2] =	sbarrier.arrive $0xFFFF  }
0xfd: {  	p0 =	sne.s32 s0, $0x0;
	s0 =	rddreg [dreg:$0x2]  }
0xfe: {  	s0 =	sadd.s32 @!p0 $0x100000, s0  }
0xff: {  	[sflag:s0] =	ssyncadd.tile.s32 @!p0 $0x1;
	_ =	shalt  }
.Lfunc_end2:
_tile_overlayer_lowered:
.L_overlay_start_2:
0x100: {  	(tag) =	ssettag $0x2  }
0x101: {  	s0 =	rddreg [dreg:$0x0];
	s2 =	stileid.u32  }
0x102: {  	s1 =	rddreg [dreg:$0x1];
	p0 =	sne.s32 s2, $0x0  }
0x103: {  	s3 =	rddreg [dreg:$0x2];
	[bflag:$0x3] =	sbarrier.arrive $0xFFFF;
	s2 =	simm.s32 @!p0 $0x1C08  }
0x104: {  	[timem:s3], [sflag:s2] =	dma.local @!p0 [hbm:s0], s1  }
0x105: {  	s0 =	simm.s32 @!p0 $0x8  }
0x106: {  	_ =	swait.ge @!p0 [sflag:s0], s1  }
0x107: {  	s1 =	ssub.s32 @!p0 $0x0, s1;
	[sflag:s0] =	ssyncset.done @!p0 $0x0  }
0x108: {  	[sflag:s0] =	ssyncadd.s32 @!p0 s1  }
0x109: {  	[bflag:$0x3] =	sbarrier.arrive $0xFFFF  }
0x10a: {  	_ =	shalt  }

// kernel: kernel.14.cloned.1.call-start
scs
__scs_entry_jumppad:
0x0: {  	(pc) =	sbr.rel $0x88, $3  }
0x1: {  	(tag) =	ssettag $0x0;
	lr =	simm.s32 $0x1  }
0x2: {  	[smem:$0x3F9B] =	sst lr;
	_ =	strace $0xD0000000  }
0x3: {  	_ = 	snop  }
0x4: {  	_ = 	snop  }
0x5: {  	_ = 	snop  }
0x6: {  	_ = 	snop  }
0x7: {  	_ = 	snop  }
__scs_overlays_trampoline_lowered:
0x8: {  	[smem:$0x3FAA] =	sst s0  }
0x9: {  	[smem:$0x3FAB] =	sst s1  }
0xa: {  	[smem:$0x3FAC] =	sst s2  }
0xb: {  	[smem:$0x3FAD] =	sst s3  }
0xc: {  	[smem:$0x3FAE] =	sst s4  }
0xd: {  	[smem:$0x3FAF] =	sst s5  }
0xe: {  	[smem:$0x3FB0] =	sst s6  }
0xf: {  	[smem:$0x3FB1] =	sst s7  }
0x10: {  	[smem:$0x3FB2] =	sst s8  }
0x11: {  	[smem:$0x3FB3] =	sst s9;
	s0 =	simm.s32 @!p0 $0x0  }
0x12: {  	s1 =	sld [smem:$0x3F99];
	s0 =	simm.s32 @p0 $0x1  }
0x13: {  	[smem:$0x3FB4] =	sst s0;
	s0 =	simm.s32 @!p1 $0x0  }
0x14: {  	s2 =	sld [smem:$0x3F98];
	s0 =	simm.s32 @p1 $0x1  }
0x15: {  	[smem:$0x3FB5] =	sst s0;
	s0 =	simm.s32 @!p2 $0x0  }
0x16: {  	s3 =	sld [smem:$0x3FDB];
	s0 =	simm.s32 @p2 $0x1  }
0x17: {  	s4 =	simm.s32 $0x1BF5;
	[smem:$0x3FB7] =	sst s0  }
0x18: {  	s0 =	sld [smem:$0x3F9A];
	_ =	swait.ge [sflag:s4], $0x0  }
0x19: {  	s7 =	sld [smem:$0x3F9B]  }
0x1a: {  	s8 =	sadd.s32 $0xFFFFE003, lr  }
0x1b: {  	s9 =	sadd.s32 $0xFFFFFEF7, lr;
	s5 =	simm.s32 $0xFFFFFFFF;
	p2 =	slt.u32 s8, $0xFFFFF086  }
0x1c: {  	p1 =	slt.u32 s9, $0xF7A;
	s5 =	simm.s32 @!p2 $0x0  }
0x1d: {  	s5 =	simm.s32 @p1 $0x1;
	p0 =	seq.s32 s7, s2  }
0x1e: {  	s7 =	smul.u32 @!p0 $0xF7A, s2;
	p2 =	seq.s32 @!p0 s5, $0x0  }
0x1f: {  	s9 =	smul.u32 $0xF7A, s1;
	s8 =	simm.s32 @!p0 $0x1BF5;
	p2 =	por !p2, p0  }
0x20: {  	[sflag:s8] =	ssyncset.s32 @!p0 $0xFFFFF086;
	s6 =	sadd.s32 @!p0 s3, s7;
	s7 =	simm.s32 @!p0 $0x108  }
0x21: {  	s3 =	sadd.s32 s3, s9;
	s6 =	sadd.s32 @!p0 $0x88, s6;
	s7 =	simm.s32 @p2 $0x1082  }
0x22: {  	[simem:s7], [sflag:s8] =	dma.local @!p0 [hbm:s6], $0xF7A  }
0x23: {  	s9 =	sor.u32 $0xD0000000, s2;
	s6 =	simm.s32 $0x108;
	_ =	swait.ge @!p0 [sflag:s8], $0x0  }
0x24: {  	s3 =	sadd.s32 $0x88, s3;
	s6 =	simm.s32 @!p1 $0x1082;
	[sflag:s4] =	ssyncset.s32 $0xFFFFF086  }
0x25: {  	[simem:s6], [sflag:s4] =	dma.local [hbm:s3], $0xF7A  }
0x26: {  	[smem:$0x3F9B] =	sst s1;
	(tag) =	ssettag s2;
	_ =	strace s9  }
0x27: {  	s1 =	sld [smem:$0x3FAB]  }
0x28: {  	s2 =	sld [smem:$0x3FAC]  }
0x29: {  	s4 =	sld [smem:$0x3FAE]  }
0x2a: {  	p0 =	seq.s32 s5, $0x0;
	s5 =	sld [smem:$0x3FAF]  }
0x2b: {  	s6 =	sld [smem:$0x3FB0]  }
0x2c: {  	s7 =	sld [smem:$0x3FB1]  }
0x2d: {  	s3 =	simm.s32 $0x108;
	s8 =	sld [smem:$0x3FB2]  }
0x2e: {  	s3 =	simm.s32 @!p0 $0x1082;
	s9 =	sld [smem:$0x3FB3]  }
0x2f: {  	lr =	sadd.s32 s0, s3;
	s0 =	sld [smem:$0x3FAA]  }
0x30: {  	s3 =	sld [smem:$0x3FAD]  }
0x31: {  	[smem:$0x3FB6] =	sst s10  }
0x32: {  	s10 =	sld [smem:$0x3FB4];
	_ =	sdelay $0x3  }
0x33: {  	p0 =	seq.s32 s10, $0x1;
	s10 =	sld [smem:$0x3FB6];
	_ =	sdelay $0x3  }
0x34: {  	[smem:$0x3FB6] =	sst s10  }
0x35: {  	s10 =	sld [smem:$0x3FB5];
	_ =	sdelay $0x3  }
0x36: {  	p1 =	seq.s32 s10, $0x1;
	s10 =	sld [smem:$0x3FB6];
	_ =	sdelay $0x3  }
0x37: {  	[smem:$0x3FB6] =	sst s10  }
0x38: {  	s10 =	sld [smem:$0x3FB7]  }
0x39: {  	_ = 	snop;
	(pc) =	sbr.ind lr, $3  }
0x3a: {  	_ = 	snop  }
0x3b: {  	_ = 	snop  }
0x3c: {  	p2 =	seq.s32 s10, $0x1;
	s10 =	sld [smem:$0x3FB6]  }
0x3d: {  	_ =	shalt  }
0x3e: {  	_ =	shalt  }
0x3f: {  	_ =	shalt  }
0x40: {  	_ =	shalt  }
0x41: {  	_ =	shalt  }
0x42: {  	_ =	shalt  }
0x43: {  	_ =	shalt  }
0x44: {  	_ =	shalt  }
0x45: {  	_ =	shalt  }
0x46: {  	_ =	shalt  }
0x47: {  	_ =	shalt  }
0x48: {  	_ =	shalt  }
0x49: {  	_ =	shalt  }
0x4a: {  	_ =	shalt  }
0x4b: {  	_ =	shalt  }
0x4c: {  	_ =	shalt  }
0x4d: {  	_ =	shalt  }
0x4e: {  	_ =	shalt  }
0x4f: {  	_ =	shalt  }
0x50: {  	_ =	shalt  }
0x51: {  	_ =	shalt  }
0x52: {  	_ =	shalt  }
0x53: {  	_ =	shalt  }
0x54: {  	_ =	shalt  }
0x55: {  	_ =	shalt  }
0x56: {  	_ =	shalt  }
0x57: {  	_ =	shalt  }
0x58: {  	_ =	shalt  }
0x59: {  	_ =	shalt  }
0x5a: {  	_ =	shalt  }
0x5b: {  	_ =	shalt  }
0x5c: {  	_ =	shalt  }
0x5d: {  	_ =	shalt  }
0x5e: {  	_ =	shalt  }
0x5f: {  	_ =	shalt  }
0x60: {  	_ =	shalt  }
0x61: {  	_ =	shalt  }
0x62: {  	_ =	shalt  }
0x63: {  	_ =	shalt  }
0x64: {  	_ =	shalt  }
0x65: {  	_ =	shalt  }
0x66: {  	_ =	shalt  }
0x67: {  	_ =	shalt  }
0x68: {  	_ =	shalt  }
0x69: {  	_ =	shalt  }
0x6a: {  	_ =	shalt  }
0x6b: {  	_ =	shalt  }
0x6c: {  	_ =	shalt  }
0x6d: {  	_ =	shalt  }
0x6e: {  	_ =	shalt  }
0x6f: {  	_ =	shalt  }
0x70: {  	_ =	shalt  }
0x71: {  	_ =	shalt  }
0x72: {  	_ =	shalt  }
0x73: {  	_ =	shalt  }
0x74: {  	_ =	shalt  }
0x75: {  	_ =	shalt  }
0x76: {  	_ =	shalt  }
0x77: {  	_ =	shalt  }
0x78: {  	_ =	shalt  }
0x79: {  	_ =	shalt  }
0x7a: {  	_ =	shalt  }
0x7b: {  	_ =	shalt  }
0x7c: {  	_ =	shalt  }
0x7d: {  	_ =	shalt  }
0x7e: {  	_ =	shalt  }
0x7f: {  	_ =	shalt  }
0x80: {  	_ =	shalt  }
0x81: {  	_ =	shalt  }
0x82: {  	_ =	shalt  }
0x83: {  	_ =	shalt  }
0x84: {  	_ =	shalt  }
0x85: {  	_ =	shalt  }
0x86: {  	_ =	shalt  }
0x87: {  	_ =	shalt  }
.Lfunc_end0:
.L_simem_size_0:
called_computation.2_lowered:
.L_overlay_start_0:
0x88: {  	s2 =	sld [smem:$0x3FD9]  }
0x89: {  	s3 =	sld [smem:$0x3FFE];
	_ =	sdelay $0x1  }
0x8a: {  	s1 =	srdreg.scid  }
0x8b: {  	s0 =	sand.u32 $0x1, s1  }
0x8c: {  	s17 =	sshll.u32 s0, $0xA;
	s2 =	sadd.s32 s3, s2  }
0x8d: {  	s2 =	sadd.s32 s2, s17  }
0x8e: {  	[smem:$0x3FC2] =	sst s2  }
0x8f: {  	_ = 	snop  }
0x90: {  	s2 =	sld [smem:$0x3FD0];
	(tm) =	ssettm $0x1  }
0x91: {  	s18 =	sld [smem:$0x3FFB];
	_ =	sdelay $0x3  }
0x92: {  	_ =	strace s18  }
0x93: {  	s3 =	sld [smem:$0x3FFC];
	_ =	sdelay $0x3  }
0x94: {  	_ =	strace s3  }
0x95: {  	s3 =	sld [smem:$0x3FFD];
	_ =	sdelay $0x3  }
0x96: {  	_ =	strace s3  }
0x97: {  	_ =	strace $0x8FFFFFFF  }
0x98: {  	s19 =	sld [smem:$0x3FDB];
	_ =	sdelay $0x1  }
0x99: {  	s4 =	simm.s32 $_scs_section_size  }
0x9a: {  	s5 =	simm.s32 $_size__tile_overlayer_lowered;
	s6 =	simm.s32 $_tile_overlayer_lowered  }
0x9b: {  	s22 =	simm.s32 $0x1BFF;
	s21 =	sshll.u32 s6, $0x1;
	s3 =	sadd.s32 s4, s19  }
0x9c: {  	s7 =	simm.s32 $0x0;
	s20 =	sshll.u32 s5, $0x1;
	s5 =	sadd.s32 s21, s3  }
0x9d: {  	[timem:s7], [sflag:s22] =	dma.local [hbm:s5], s20  }
0x9e: {  	_ =	swait.ge [sflag:s22], s20  }
0x9f: {  	s4 =	ssub.s32 $0x0, s20;
	[sflag:s22] =	ssyncset.done $0x0  }
0xa0: {  	[sflag:s22] =	ssyncadd.s32 s4;
	_ =	sdelay $0x1  }
0xa1: {  	s23 =	simm.s32 $0x1B8B  }
0xa2: {  	_ =	swait.ge [sflag:s23], $0x1  }
0xa3: {  	[sflag:s23] =	ssyncset.done $0x0  }
0xa4: {  	s25 =	simm.s32 $0x1B8E;
	s24 =	sld [smem:$0x3FFE];
	[sflag:s23] =	ssyncadd.s32 $0xFFFFFFFF  }
0xa5: {  	s26 =	simm.s32 $execute0_lowered;
	[smem:$0x3FD2] =	sst s25  }
0xa6: {  	s5 =	sshll.u32 s26, $0x1;
	_ =	strace $0x8000004C;
	[dreg:$0x1] =	wrdreg $0xFFFFFFFF  }
0xa7: {  	s28 =	simm.s32 $_size_execute0_lowered;
	s3 =	sadd.s32 s3, s5;
	[dreg:$0x0] =	wrdreg $0x0  }
0xa8: {  	s5 =	sshll.u32 s28, $0x1;
	[dreg:$0x2] =	wrdreg s3  }
0xa9: {  	[dreg:$0x3] =	wrdreg s5  }
0xaa: {  	[dreg:$0x4] =	wrdreg $0xC0  }
0xab: {  	_ =	task [dreg:s7], $0x5FFFF  }
0xac: {  	[dreg:$0x1] =	wrdreg $0xFFFFFFFF  }
0xad: {  	[dreg:$0x0] =	wrdreg $0x60  }
0xae: {  	[dreg:$0x2] =	wrdreg s2  }
0xaf: {  	[dreg:$0x3] =	wrdreg s24  }
0xb0: {  	[dreg:$0x4] =	wrdreg $0xB2200  }
0xb1: {  	[dreg:$0x5] =	wrdreg $0x9  }
0xb2: {  	_ =	task.clear_ibuf [dreg:s7], $0x6FFFF;
	_ =	strace $0x9000004C  }
0xb3: {  	s29 =	simm.s32 $0x9;
	_ =	strace $0x8000004E  }
0xb4: {  	_ =	swait.ge [sflag:s29], $0x1  }
0xb5: {  	[sflag:s29] =	ssyncadd.s32 $0xFFFFFFFF  }
0xb6: {  	_ =	strace $0x9000004E  }
0xb7: {  	_ =	sfence  }
0xb8: {  	s30 =	sld [smem:$0x0];
	_ =	sdelay $0x2  }
0xb9: {  	s31 =	sshll.u32 s1, $0xD;
	s1 =	sshrl.u32 s1, $0x2  }
0xba: {  	s3 =	sand.u32 $0x4000, s31;
	s1 =	sadd.s32 s1, s30  }
0xbb: {  	s0 =	sor.u32 s3, s0;
	s1 =	sshll.u32 s1, $0x11  }
0xbc: {  	s0 =	sor.u32 s1, s0  }
0xbd: {  	s0 =	sadd.s32 $0x8F2B, s0  }
0xbe: {  	[sflag:s0] =	ssyncadd.remote.s32 $0x1  }
0xbf: {  	_ =	sfence.sel $0xFFFF  }
0xc0: {  	[dreg:$0x0] =	wrdreg $0xFFFFFFFF;
	(pc) =	sbr.abs _section_cstart, $3  }
0xc1: {  	[dreg:$0x1] =	wrdreg $0xFFFFFFFF  }
0xc2: {  	_ =	task.clear_ibuf [dreg:s7], $0x2FFFF;
	_ =	strace $0x9FFFFFFF  }
0xc3: {  	(tm) =	ssettm $0x7FFFFFFF  }
tec
execute0_lowered:
.L_overlay_start_1:
0x0: {  	(tag) =	ssettag $0x1  }
0x1: {  	s1 =	rddreg [dreg:$0x0]  }
0x2: {  	s0 =	rddreg [dreg:$0x1]  }
0x3: {  	s3 =	rddreg [dreg:$0x2]  }
0x4: {  	s2 =	srdreg.scid;
	s8 =	stileid.u32  }
0x5: {  	s4 =	simm.s32 $0x0;
	s18 =	simm.s32 $0x4E20;
	s19 =	simm.s32 $0xC  }
0x6: {  	s29 =	simm.s32 $0x9E20;
	s30 =	simm.s32 $0x1;
	s31 =	simm.s32 $0x6  }
0x7: {  	s17 =	simm.s32 $0x7;
	s28 =	simm.s32 $0x9;
	s6 =	smul.u32 $0x9E00, s8  }
0x8: {  	s2 =	sand.u32 $0x1, s2;
	s5 =	sshll.u32 s8, $0x1;
	s8 =	smul.u32 $0x27800, s8  }
0x9: {  	[smem:$0x7FF] =	sst s4;
	s5 =	sor.u32 s2, s5;
	s7 =	smul.u32 $0x9E000, s2  }
0xa: {  	_ =	strace $0x8000004D;
	s2 =	ssub.s32 $0x2, s2;
	s5 =	smul.u32 $0x4E2, s5  }
0xb: {  	s20 =	sshrl.u32 s2, $0x1;
	s8 =	sshrl.u32 s8, $0x2;
	s7 =	sadd.s32 s6, s7  }
0xc: {  	s2 =	ssub.s32 s2, s20;
	s8 =	sadd.s32 s8, s3;
	s20 =	simm.s32 $0xB  }
0xd: {  	s5 =	sadd.s32 s5, s0;
	s7 =	sshrl.u32 s7, $0x3;
	s22 =	sadd.s32 $0x13C0, s8  }
0xe: {  	s23 =	sadd.s32 $0x2780, s8;
	s24 =	sadd.s32 $0x3B40, s8;
	s25 =	sadd.s32 $0x4F00, s8  }
0xf: {  	s26 =	sadd.s32 $0x62C0, s8;
	s13 =	sadd.s32 $0x7680, s8;
	[dreg:$0x6] =	wrdreg s22  }
0x10: {  	s14 =	sadd.s32 $0x8A40, s8;
	s16 =	smax.u32 s2, $0x1;
	[dreg:$0x7] =	wrdreg s23  }
0x11: {  	s2 =	simm.s32 $0x3;
	s8 =	simm.s32 $0x0;
	[dreg:$0x8] =	wrdreg s24  }
0x12: {  	s0 =	sadd.s32 s7, s0;
	s21 =	sadd.s32 $0xB600, s5;
	[dreg:$0x9] =	wrdreg s25  }
0x13: {  	s5 =	sadd.s32 $0x1800, s5;
	s7 =	sadd.s32 s6, s3;
	[dreg:$0xa] =	wrdreg s26  }
0x14: {  	s22 =	simm.s32 $0x6220;
	s24 =	simm.s32 $0x7620;
	s26 =	simm.s32 $0x8A20  }
0x15: {  	s23 =	simm.s32 $0x8;
	s25 =	simm.s32 $0x4;
	[dreg:$0x4] =	wrdreg s21  }
0x16: {  	s6 =	simm.s32 $0xA;
	[dreg:$0x5] =	wrdreg s5;
	s15 =	sadd.s32 $0x15400, s0  }
0x17: {  	v0 =	vimm.f32 $0.0e+00;
	s21 =	simm.s32 $0x50;
	s0 =	simm.s32 $0x2;
	s5 =	simm.s32 $0x5  }
.LBB2_1:
0x18: {  	s9 =	rddreg [dreg:$0x4]  }
0x19: {  	[tilespmem:s4], [sflag:$0xB] =	stream.linear.gather [hbm4b:s9+s4], $0x2710, $0x38;
	[tilespmem:$0x15020] =	vst v63  }
0x1a: {  	s12 =	rddreg [dreg:$0x5];
	s10 =	simm.s32 $0x2710;
	s11 =	sand.u32 $0x7F00, s4  }
0x1b: {  	[tilespmem:s10], [sflag:$0xB] =	stream.linear.gather [hbm4b:s12+s4], $0x2710, $0x38;
	[tilespmem:$0x15020] =	vst v63  }
0x1c: {  	s11 =	sshrl.u32 s11, $0x2;
	s12 =	sand.u32 $0x30, s4  }
0x1d: {  	s9 =	simm.s32 $0x40;
	s10 =	simm.s32 $0x0;
	s11 =	sor.u32 s12, s11  }
.LBB2_2:
0x1e: {  	p0 =	sne.s32 s9, $0x4FC0  }
0x1f: {  	[tilespmem:s11+$0x4E20] =	vst v0;
	s10 =	sadd.s32 $0x10, s10;
	s11 =	smov.u32 s9;
	s9 =	sadd.s32 $0x40, s9  }
.Ltmp0:
0x20: {  	(pc) =	sbr.rel @p0 .LBB2_2-.Ltmp0, $4  }
0x21: {  	_ = 	snop  }
0x22: {  	s11 =	sand.u32 $0x7F00, s11  }
0x23: {  	s12 =	sand.u32 $0x30, s10;
	s11 =	sshrl.u32 s11, $0x2  }
0x24: {  	s11 =	sor.u32 s12, s11  }
0x25: {  	[tilespmem:s11+$0x4E20] =	vst v0  }
0x26: {  	[spmem:s7] =	stream.linear.scatter [tilespmem:s18], [sflag:$0xC], $0x13C0, $0x38;
	[tilespmem:$0x15020] =	vst v63  }
0x27: {  	_ =	swait.ge [sflag:s19], $0x13C0  }
0x28: {  	[sflag:s19] =	ssyncset.done $0x0  }
0x29: {  	s9 =	rddreg [dreg:$0x6];
	[sflag:s19] =	ssyncadd.s32 $0xFFFFEC40  }
0x2a: {  	[spmem:s9] =	stream.linear.scatter [tilespmem:s18], [sflag:$0xC], $0x13C0, $0x38;
	[tilespmem:$0x15020] =	vst v63  }
0x2b: {  	_ =	swait.ge [sflag:s19], $0x13C0  }
0x2c: {  	[sflag:s19] =	ssyncset.done $0x0  }
0x2d: {  	s11 =	rddreg [dreg:$0x7];
	[sflag:s19] =	ssyncadd.s32 $0xFFFFEC40  }
0x2e: {  	[spmem:s11] =	stream.linear.scatter [tilespmem:s18], [sflag:$0xC], $0x13C0, $0x38;
	[tilespmem:$0x15020] =	vst v63  }
0x2f: {  	_ =	swait.ge [sflag:s19], $0x13C0  }
0x30: {  	[sflag:s19] =	ssyncset.done $0x0  }
0x31: {  	s12 =	rddreg [dreg:$0x8];
	[sflag:s19] =	ssyncadd.s32 $0xFFFFEC40  }
0x32: {  	[spmem:s12] =	stream.linear.scatter [tilespmem:s18], [sflag:$0xC], $0x13C0, $0x38;
	[tilespmem:$0x15020] =	vst v63  }
0x33: {  	_ =	swait.ge [sflag:s19], $0x13C0  }
0x34: {  	[sflag:s19] =	ssyncset.done $0x0  }
0x35: {  	s10 =	rddreg [dreg:$0x9];
	[sflag:s19] =	ssyncadd.s32 $0xFFFFEC40  }
0x36: {  	[spmem:s10] =	stream.linear.scatter [tilespmem:s18], [sflag:$0xC], $0x13C0, $0x38;
	[tilespmem:$0x15020] =	vst v63  }
0x37: {  	_ =	swait.ge [sflag:s19], $0x13C0  }
0x38: {  	[sflag:s19] =	ssyncset.done $0x0  }
0x39: {  	s11 =	rddreg [dreg:$0xa];
	[sflag:s19] =	ssyncadd.s32 $0xFFFFEC40  }
0x3a: {  	[spmem:s11] =	stream.linear.scatter [tilespmem:s18], [sflag:$0xC], $0x13C0, $0x38;
	[tilespmem:$0x15020] =	vst v63  }
0x3b: {  	_ =	swait.ge [sflag:s19], $0x13C0  }
0x3c: {  	[sflag:s19] =	ssyncset.done $0x0  }
0x3d: {  	[sflag:s19] =	ssyncadd.s32 $0xFFFFEC40  }
0x3e: {  	[spmem:s13] =	stream.linear.scatter [tilespmem:s18], [sflag:$0xC], $0x13C0, $0x38;
	[tilespmem:$0x15020] =	vst v63  }
0x3f: {  	_ =	swait.ge [sflag:s19], $0x13C0  }
0x40: {  	[sflag:s19] =	ssyncset.done $0x0  }
0x41: {  	[sflag:s19] =	ssyncadd.s32 $0xFFFFEC40  }
0x42: {  	[spmem:s14] =	stream.linear.scatter [tilespmem:s18], [sflag:$0xC], $0x13C0, $0x38;
	[tilespmem:$0x15020] =	vst v63  }
0x43: {  	_ =	swait.ge [sflag:s19], $0x13C0  }
0x44: {  	[sflag:s19] =	ssyncset.done $0x0  }
0x45: {  	[sflag:s19] =	ssyncadd.s32 $0xFFFFEC40  }
0x46: {  	_ =	swait.ge [sflag:s20], $0x2710  }
0x47: {  	[sflag:s20] =	ssyncset.done $0x0  }
0x48: {  	[sflag:s20] =	ssyncadd.s32 $0xFFFFD8F0  }
0x49: {  	_ =	swait.ge [sflag:s20], $0x2710  }
0x4a: {  	[sflag:s20] =	ssyncset.done $0x0  }
0x4b: {  	[sflag:s20] =	ssyncadd.s32 $0xFFFFD8F0  }
0x4c: {  	s12 =	simm.s32 $0x0;
	[bflag:$0x0] =	sbarrier.arrive $0xFFFF  }
0x4d: {  	[tilespmem:s18], [sflag:$0x1] =	stream.indirect.gather [hbm4b:s1+s21], $0x40, s12, s21, $0xb8;
	[tilespmem:$0x15020] =	vst v63  }
0x4e: {  	_ = 	snop  }
0x4f: {  	[tilespmem:s22], [sflag:$0x2] =	stream.indirect.gather [hbm4b:s1+s21], $0x40, s21, s21, $0xb8;
	[tilespmem:$0x15020] =	vst v63  }
0x50: {  	s10 =	simm.s32 $0xA0  }
0x51: {  	[tilespmem:s24], [sflag:$0x3] =	stream.indirect.gather [hbm4b:s1+s21], $0x40, s10, s21, $0xb8;
	[tilespmem:$0x15020] =	vst v63  }
0x52: {  	s11 =	simm.s32 $0xF0  }
0x53: {  	[tilespmem:s26], [sflag:$0x4] =	stream.indirect.gather [hbm4b:s1+s21], $0x40, s11, s21, $0xb8;
	[tilespmem:$0x15020] =	vst v63  }
0x54: {  	s12 =	simm.s32 $0x140  }
0x55: {  	[tilespmem:s29], [sflag:$0x5] =	stream.indirect.gather [hbm4b:s1+s21], $0x40, s12, s21, $0xb8;
	[tilespmem:$0x15020] =	vst v63  }
0x56: {  	_ =	swait.ge [sflag:s30], $0x1400  }
0x57: {  	[sflag:s30] =	ssyncset.done $0x0  }
0x58: {  	s10 =	simm.s32 $0x2710;
	[sflag:s30] =	ssyncadd.s32 $0xFFFFEC00  }
0x59: {  	[spmem:s3] =	stream.indirect.scatter.add.f32 [tilespmem:s18], [sflag:$0x6], $0x40, s10, s21, $0xb8;
	[tilespmem:$0x15020] =	vst v63  }
0x5a: {  	_ =	swait.ge [sflag:s31], $0x1400  }
0x5b: {  	[sflag:s31] =	ssyncset.done $0x0  }
0x5c: {  	s11 =	simm.s32 $0x190;
	[sflag:s31] =	ssyncadd.s32 $0xFFFFEC00  }
0x5d: {  	[tilespmem:s18], [sflag:$0x1] =	stream.indirect.gather [hbm4b:s1+s21], $0x40, s11, s21, $0xb8;
	[tilespmem:$0x15020] =	vst v63  }
0x5e: {  	_ =	swait.ge [sflag:s0], $0x1400  }
0x5f: {  	[sflag:s0] =	ssyncset.done $0x0  }
0x60: {  	s12 =	simm.s32 $0x2760;
	[sflag:s0] =	ssyncadd.s32 $0xFFFFEC00  }
0x61: {  	[spmem:s3] =	stream.indirect.scatter.add.f32 [tilespmem:s22], [sflag:$0x7], $0x40, s12, s21, $0xb8;
	[tilespmem:$0x15020] =	vst v63  }
0x62: {  	_ =	swait.ge [sflag:s17], $0x1400  }
0x63: {  	[sflag:s17] =	ssyncset.done $0x0  }
0x64: {  	s10 =	simm.s32 $0x1E0;
	[sflag:s17] =	ssyncadd.s32 $0xFFFFEC00  }
0x65: {  	[tilespmem:s22], [sflag:$0x2] =	stream.indirect.gather [hbm4b:s1+s21], $0x40, s10, s21, $0xb8;
	[tilespmem:$0x15020] =	vst v63  }
0x66: {  	_ =	swait.ge [sflag:s2], $0x1400  }
0x67: {  	[sflag:s2] =	ssyncset.done $0x0  }
0x68: {  	s11 =	simm.s32 $0x27B0;
	[sflag:s2] =	ssyncadd.s32 $0xFFFFEC00  }
0x69: {  	[spmem:s3] =	stream.indirect.scatter.add.f32 [tilespmem:s24], [sflag:$0x8], $0x40, s11, s21, $0xb8;
	[tilespmem:$0x15020] =	vst v63  }
0x6a: {  	_ =	swait.ge [sflag:s23], $0x1400  }
0x6b: {  	[sflag:s23] =	ssyncset.done $0x0  }
0x6c: {  	s12 =	simm.s32 $0x230;
	[sflag:s23] =	ssyncadd.s32 $0xFFFFEC00  }
0x6d: {  	[tilespmem:s24], [sflag:$0x3] =	stream.indirect.gather [hbm4b:s1+s21], $0x40, s12, s21, $0xb8;
	[tilespmem:$0x15020] =	vst v63  }
0x6e: {  	_ =	swait.ge [sflag:s25], $0x1400  }
0x6f: {  	[sflag:s25] =	ssyncset.done $0x0  }
0x70: {  	s10 =	simm.s32 $0x2800;
	[sflag:s25] =	ssyncadd.s32 $0xFFFFEC00  }
0x71: {  	[spmem:s3] =	stream.indirect.scatter.add.f32 [tilespmem:s26], [sflag:$0x9], $0x40, s10, s21, $0xb8;
	[tilespmem:$0x15020] =	vst v63  }
0x72: {  	_ =	swait.ge [sflag:s28], $0x1400  }
0x73: {  	[sflag:s28] =	ssyncset.done $0x0  }
0x74: {  	s11 =	simm.s32 $0x280;
	[sflag:s28] =	ssyncadd.s32 $0xFFFFEC00  }
0x75: {  	[tilespmem:s26], [sflag:$0x4] =	stream.indirect.gather [hbm4b:s1+s21], $0x40, s11, s21, $0xb8;
	[tilespmem:$0x15020] =	vst v63  }
0x76: {  	_ =	swait.ge [sflag:s5], $0x1400  }
0x77: {  	[sflag:s5] =	ssyncset.done $0x0  }
0x78: {  	s12 =	simm.s32 $0x2850;
	[sflag:s5] =	ssyncadd.s32 $0xFFFFEC00  }
0x79: {  	[spmem:s3] =	stream.indirect.scatter.add.f32 [tilespmem:s29], [sflag:$0xA], $0x40, s12, s21, $0xb8;
	[tilespmem:$0x15020] =	vst v63  }
0x7a: {  	_ =	swait.ge [sflag:s6], $0x1400  }
0x7b: {  	[sflag:s6] =	ssyncset.done $0x0  }
0x7c: {  	s9 =	simm.s32 $0x640;
	s10 =	simm.s32 $0x2D0;
	[sflag:s6] =	ssyncadd.s32 $0xFFFFEC00  }
.LBB2_4:
0x7d: {  	[tilespmem:s29], [sflag:$0x5] =	stream.indirect.gather [hbm4b:s1+s21], $0x40, s10, s21, $0xb8;
	[tilespmem:$0x15020] =	vst v63  }
0x7e: {  	s10 =	smov.u32 s9  }
0x7f: {  	p0 =	sne.s32 s9, $0x8FC0;
	s9 =	sadd.s32 $0x640, s9;
	_ =	swait.ge [sflag:s30], $0x1400  }
0x80: {  	s10 =	sshra.s32 s10, $0x2;
	[sflag:s30] =	ssyncset.done $0x0  }
0x81: {  	s11 =	sadd.s32 $0x2710, s10;
	[sflag:s30] =	ssyncadd.s32 $0xFFFFEC00  }
0x82: {  	[spmem:s3] =	stream.indirect.scatter.add.f32 [tilespmem:s18], [sflag:$0x6], $0x40, s11, s21, $0xb8;
	[tilespmem:$0x15020] =	vst v63  }
0x83: {  	_ =	swait.ge [sflag:s31], $0x1400  }
0x84: {  	[sflag:s31] =	ssyncset.done $0x0  }
0x85: {  	s11 =	sadd.s32 $0x190, s10;
	[sflag:s31] =	ssyncadd.s32 $0xFFFFEC00  }
0x86: {  	[tilespmem:s18], [sflag:$0x1] =	stream.indirect.gather [hbm4b:s1+s21], $0x40, s11, s21, $0xb8;
	[tilespmem:$0x15020] =	vst v63  }
0x87: {  	_ =	swait.ge [sflag:s0], $0x1400  }
0x88: {  	[sflag:s0] =	ssyncset.done $0x0  }
0x89: {  	s11 =	sadd.s32 $0x2760, s10;
	[sflag:s0] =	ssyncadd.s32 $0xFFFFEC00  }
0x8a: {  	[spmem:s3] =	stream.indirect.scatter.add.f32 [tilespmem:s22], [sflag:$0x7], $0x40, s11, s21, $0xb8;
	[tilespmem:$0x15020] =	vst v63  }
0x8b: {  	_ =	swait.ge [sflag:s17], $0x1400  }
0x8c: {  	[sflag:s17] =	ssyncset.done $0x0  }
0x8d: {  	s11 =	sadd.s32 $0x1E0, s10;
	[sflag:s17] =	ssyncadd.s32 $0xFFFFEC00  }
0x8e: {  	[tilespmem:s22], [sflag:$0x2] =	stream.indirect.gather [hbm4b:s1+s21], $0x40, s11, s21, $0xb8;
	[tilespmem:$0x15020] =	vst v63  }
0x8f: {  	_ =	swait.ge [sflag:s2], $0x1400  }
0x90: {  	[sflag:s2] =	ssyncset.done $0x0  }
0x91: {  	s11 =	sadd.s32 $0x27B0, s10;
	[sflag:s2] =	ssyncadd.s32 $0xFFFFEC00  }
0x92: {  	[spmem:s3] =	stream.indirect.scatter.add.f32 [tilespmem:s24], [sflag:$0x8], $0x40, s11, s21, $0xb8;
	[tilespmem:$0x15020] =	vst v63  }
0x93: {  	_ =	swait.ge [sflag:s23], $0x1400  }
0x94: {  	[sflag:s23] =	ssyncset.done $0x0  }
0x95: {  	s11 =	sadd.s32 $0x230, s10;
	[sflag:s23] =	ssyncadd.s32 $0xFFFFEC00  }
0x96: {  	[tilespmem:s24], [sflag:$0x3] =	stream.indirect.gather [hbm4b:s1+s21], $0x40, s11, s21, $0xb8;
	[tilespmem:$0x15020] =	vst v63  }
0x97: {  	_ =	swait.ge [sflag:s25], $0x1400  }
0x98: {  	[sflag:s25] =	ssyncset.done $0x0  }
0x99: {  	s11 =	sadd.s32 $0x2800, s10;
	[sflag:s25] =	ssyncadd.s32 $0xFFFFEC00  }
0x9a: {  	[spmem:s3] =	stream.indirect.scatter.add.f32 [tilespmem:s26], [sflag:$0x9], $0x40, s11, s21, $0xb8;
	[tilespmem:$0x15020] =	vst v63  }
0x9b: {  	_ =	swait.ge [sflag:s28], $0x1400  }
0x9c: {  	[sflag:s28] =	ssyncset.done $0x0  }
0x9d: {  	s11 =	sadd.s32 $0x280, s10;
	[sflag:s28] =	ssyncadd.s32 $0xFFFFEC00  }
0x9e: {  	[tilespmem:s26], [sflag:$0x4] =	stream.indirect.gather [hbm4b:s1+s21], $0x40, s11, s21, $0xb8;
	[tilespmem:$0x15020] =	vst v63  }
0x9f: {  	_ =	swait.ge [sflag:s5], $0x1400  }
0xa0: {  	[sflag:s5] =	ssyncset.done $0x0  }
.Ltmp1:
0xa1: {  	s11 =	sadd.s32 $0x2850, s10;
	[sflag:s5] =	ssyncadd.s32 $0xFFFFEC00;
	(pc) =	sbr.rel @p0 .LBB2_4-.Ltmp1, $4  }
0xa2: {  	[spmem:s3] =	stream.indirect.scatter.add.f32 [tilespmem:s29], [sflag:$0xA], $0x40, s11, s21, $0xb8;
	[tilespmem:$0x15020] =	vst v63  }
0xa3: {  	_ =	swait.ge [sflag:s6], $0x1400  }
0xa4: {  	[sflag:s6] =	ssyncset.done $0x0  }
0xa5: {  	s10 =	sadd.s32 $0x2D0, s10;
	[sflag:s6] =	ssyncadd.s32 $0xFFFFEC00  }
0xa6: {  	[tilespmem:s29], [sflag:$0x5] =	stream.indirect.gather [hbm4b:s1+s21], $0x40, s10, s21, $0xb8;
	[tilespmem:$0x15020] =	vst v63  }
0xa7: {  	_ =	swait.ge [sflag:s30], $0x1400  }
0xa8: {  	[sflag:s30] =	ssyncset.done $0x0  }
0xa9: {  	s9 =	simm.s32 $0x4C90;
	[sflag:s30] =	ssyncadd.s32 $0xFFFFEC00  }
0xaa: {  	[spmem:s3] =	stream.indirect.scatter.add.f32 [tilespmem:s18], [sflag:$0x6], $0x40, s9, s21, $0xb8;
	[tilespmem:$0x15020] =	vst v63  }
0xab: {  	_ =	swait.ge [sflag:s0], $0x1400  }
0xac: {  	[sflag:s0] =	ssyncset.done $0x0  }
0xad: {  	s10 =	simm.s32 $0x4CE0;
	[sflag:s0] =	ssyncadd.s32 $0xFFFFEC00  }
0xae: {  	[spmem:s3] =	stream.indirect.scatter.add.f32 [tilespmem:s22], [sflag:$0x7], $0x40, s10, s21, $0xb8;
	[tilespmem:$0x15020] =	vst v63  }
0xaf: {  	_ =	swait.ge [sflag:s2], $0x1400  }
0xb0: {  	[sflag:s2] =	ssyncset.done $0x0  }
0xb1: {  	s11 =	simm.s32 $0x4D30;
	[sflag:s2] =	ssyncadd.s32 $0xFFFFEC00  }
0xb2: {  	[spmem:s3] =	stream.indirect.scatter.add.f32 [tilespmem:s24], [sflag:$0x8], $0x40, s11, s21, $0xb8;
	[tilespmem:$0x15020] =	vst v63  }
0xb3: {  	_ =	swait.ge [sflag:s25], $0x1400  }
0xb4: {  	[sflag:s25] =	ssyncset.done $0x0  }
0xb5: {  	s12 =	simm.s32 $0x4D80;
	[sflag:s25] =	ssyncadd.s32 $0xFFFFEC00  }
0xb6: {  	[spmem:s3] =	stream.indirect.scatter.add.f32 [tilespmem:s26], [sflag:$0x9], $0x40, s12, s21, $0xb8;
	[tilespmem:$0x15020] =	vst v63  }
0xb7: {  	_ =	swait.ge [sflag:s5], $0x1400  }
0xb8: {  	[sflag:s5] =	ssyncset.done $0x0  }
0xb9: {  	s10 =	simm.s32 $0x4DD0;
	[sflag:s5] =	ssyncadd.s32 $0xFFFFEC00  }
0xba: {  	[spmem:s3] =	stream.indirect.scatter.add.f32 [tilespmem:s29], [sflag:$0xA], $0x40, s10, s21, $0xb8;
	[tilespmem:$0x15020] =	vst v63  }
0xbb: {  	_ =	swait.ge [sflag:s31], $0x1400  }
0xbc: {  	[sflag:s31] =	ssyncset.done $0x0  }
0xbd: {  	[sflag:s31] =	ssyncadd.s32 $0xFFFFEC00  }
0xbe: {  	_ =	swait.ge [sflag:s17], $0x1400  }
0xbf: {  	[sflag:s17] =	ssyncset.done $0x0  }
0xc0: {  	[sflag:s17] =	ssyncadd.s32 $0xFFFFEC00  }
0xc1: {  	_ =	swait.ge [sflag:s23], $0x1400  }
0xc2: {  	[sflag:s23] =	ssyncset.done $0x0  }
0xc3: {  	[sflag:s23] =	ssyncadd.s32 $0xFFFFEC00  }
0xc4: {  	_ =	swait.ge [sflag:s28], $0x1400  }
0xc5: {  	[sflag:s28] =	ssyncset.done $0x0  }
0xc6: {  	[sflag:s28] =	ssyncadd.s32 $0xFFFFEC00  }
0xc7: {  	s11 =	stileid.u32;
	_ =	swait.ge [sflag:s6], $0x1400  }
0xc8: {  	s8 =	sadd.s32 $0x1, s8;
	s9 =	sshll.u32 s11, $0x6;
	[sflag:s6] =	ssyncset.done $0x0  }
0xc9: {  	p0 =	sne.s32 s8, s16;
	s9 =	sor.u32 $0x1C0C, s9;
	[sflag:s6] =	ssyncadd.s32 $0xFFFFEC00  }
.Ltmp2:
0xca: {  	s12 =	sshrl.u32 s7, $0x3;
	[bflag:$0x0] =	sbarrier.arrive $0xFFFF;
	(pc) =	sbr.rel @p0 .LBB2_1-.Ltmp2, $4  }
0xcb: {  	[hbm:s15], [sflag:s9] =	dma.local [spmem:s12], $0x13C0  }
0xcc: {  	_ =	swait.ge [sflag:s19], $0x13C0  }
0xcd: {  	[sflag:s19] =	ssyncset.done $0x0  }
0xce: {  	[sflag:s19] =	ssyncadd.s32 $0xFFFFEC40  }
0xcf: {  	_ =	sfence.sel $0x180000  }
0xd0: {  	[bflag:$0x0] =	sbarrier.arrive $0xFFFF  }
0xd1: {  	_ =	strace $0x9000004D  }
0xd2: {  	s0 =	stileid.u32;
	[bflag:$0x2] =	sbarrier.arrive $0xFFFF  }
0xd3: {  	p0 =	sne.s32 s0, $0x0;
	s0 =	rddreg [dreg:$0x3]  }
0xd4: {  	s0 =	sadd.s32 @!p0 $0x100000, s0  }
0xd5: {  	[sflag:s0] =	ssyncadd.tile.s32 @!p0 $0x1;
	_ =	shalt  }
.Lfunc_end2:
_tile_overlayer_lowered:
.L_overlay_start_2:
0xd6: {  	(tag) =	ssettag $0x2  }
0xd7: {  	s0 =	rddreg [dreg:$0x0];
	s2 =	stileid.u32  }
0xd8: {  	s1 =	rddreg [dreg:$0x1];
	p0 =	sne.s32 s2, $0x0  }
0xd9: {  	s3 =	rddreg [dreg:$0x2];
	[bflag:$0x3] =	sbarrier.arrive $0xFFFF;
	s2 =	simm.s32 @!p0 $0x1C0C  }
0xda: {  	[timem:s3], [sflag:s2] =	dma.local @!p0 [hbm:s0], s1  }
0xdb: {  	s0 =	simm.s32 @!p0 $0xC  }
0xdc: {  	_ =	swait.ge @!p0 [sflag:s0], s1  }
0xdd: {  	s1 =	ssub.s32 @!p0 $0x0, s1;
	[sflag:s0] =	ssyncset.done @!p0 $0x0  }
0xde: {  	[sflag:s0] =	ssyncadd.s32 @!p0 s1  }
0xdf: {  	[bflag:$0x3] =	sbarrier.arrive $0xFFFF  }
0xe0: {  	_ =	shalt  }

// kernel: kernel.8.cloned.1.call-start
scs
__scs_entry_jumppad:
0x0: {  	(pc) =	sbr.rel $0x88, $3  }
0x1: {  	(tag) =	ssettag $0x0;
	lr =	simm.s32 $0x1  }
0x2: {  	[smem:$0x3F9B] =	sst lr;
	_ =	strace $0xD0000000  }
0x3: {  	_ = 	snop  }
0x4: {  	_ = 	snop  }
0x5: {  	_ = 	snop  }
0x6: {  	_ = 	snop  }
0x7: {  	_ = 	snop  }
__scs_overlays_trampoline_lowered:
0x8: {  	[smem:$0x3FAA] =	sst s0  }
0x9: {  	[smem:$0x3FAB] =	sst s1  }
0xa: {  	[smem:$0x3FAC] =	sst s2  }
0xb: {  	[smem:$0x3FAD] =	sst s3  }
0xc: {  	[smem:$0x3FAE] =	sst s4  }
0xd: {  	[smem:$0x3FAF] =	sst s5  }
0xe: {  	[smem:$0x3FB0] =	sst s6  }
0xf: {  	[smem:$0x3FB1] =	sst s7  }
0x10: {  	[smem:$0x3FB2] =	sst s8  }
0x11: {  	[smem:$0x3FB3] =	sst s9;
	s0 =	simm.s32 @!p0 $0x0  }
0x12: {  	s1 =	sld [smem:$0x3F99];
	s0 =	simm.s32 @p0 $0x1  }
0x13: {  	[smem:$0x3FB4] =	sst s0;
	s0 =	simm.s32 @!p1 $0x0  }
0x14: {  	s2 =	sld [smem:$0x3F98];
	s0 =	simm.s32 @p1 $0x1  }
0x15: {  	[smem:$0x3FB5] =	sst s0;
	s0 =	simm.s32 @!p2 $0x0  }
0x16: {  	s3 =	sld [smem:$0x3FDB];
	s0 =	simm.s32 @p2 $0x1  }
0x17: {  	s4 =	simm.s32 $0x1BF5;
	[smem:$0x3FB7] =	sst s0  }
0x18: {  	s0 =	sld [smem:$0x3F9A];
	_ =	swait.ge [sflag:s4], $0x0  }
0x19: {  	s7 =	sld [smem:$0x3F9B]  }
0x1a: {  	s8 =	sadd.s32 $0xFFFFE003, lr  }
0x1b: {  	s9 =	sadd.s32 $0xFFFFFEF7, lr;
	s5 =	simm.s32 $0xFFFFFFFF;
	p2 =	slt.u32 s8, $0xFFFFF086  }
0x1c: {  	p1 =	slt.u32 s9, $0xF7A;
	s5 =	simm.s32 @!p2 $0x0  }
0x1d: {  	s5 =	simm.s32 @p1 $0x1;
	p0 =	seq.s32 s7, s2  }
0x1e: {  	s7 =	smul.u32 @!p0 $0xF7A, s2;
	p2 =	seq.s32 @!p0 s5, $0x0  }
0x1f: {  	s9 =	smul.u32 $0xF7A, s1;
	s8 =	simm.s32 @!p0 $0x1BF5;
	p2 =	por !p2, p0  }
0x20: {  	[sflag:s8] =	ssyncset.s32 @!p0 $0xFFFFF086;
	s6 =	sadd.s32 @!p0 s3, s7;
	s7 =	simm.s32 @!p0 $0x108  }
0x21: {  	s3 =	sadd.s32 s3, s9;
	s6 =	sadd.s32 @!p0 $0x88, s6;
	s7 =	simm.s32 @p2 $0x1082  }
0x22: {  	[simem:s7], [sflag:s8] =	dma.local @!p0 [hbm:s6], $0xF7A  }
0x23: {  	s9 =	sor.u32 $0xD0000000, s2;
	s6 =	simm.s32 $0x108;
	_ =	swait.ge @!p0 [sflag:s8], $0x0  }
0x24: {  	s3 =	sadd.s32 $0x88, s3;
	s6 =	simm.s32 @!p1 $0x1082;
	[sflag:s4] =	ssyncset.s32 $0xFFFFF086  }
0x25: {  	[simem:s6], [sflag:s4] =	dma.local [hbm:s3], $0xF7A  }
0x26: {  	[smem:$0x3F9B] =	sst s1;
	(tag) =	ssettag s2;
	_ =	strace s9  }
0x27: {  	s1 =	sld [smem:$0x3FAB]  }
0x28: {  	s2 =	sld [smem:$0x3FAC]  }
0x29: {  	s4 =	sld [smem:$0x3FAE]  }
0x2a: {  	p0 =	seq.s32 s5, $0x0;
	s5 =	sld [smem:$0x3FAF]  }
0x2b: {  	s6 =	sld [smem:$0x3FB0]  }
0x2c: {  	s7 =	sld [smem:$0x3FB1]  }
0x2d: {  	s3 =	simm.s32 $0x108;
	s8 =	sld [smem:$0x3FB2]  }
0x2e: {  	s3 =	simm.s32 @!p0 $0x1082;
	s9 =	sld [smem:$0x3FB3]  }
0x2f: {  	lr =	sadd.s32 s0, s3;
	s0 =	sld [smem:$0x3FAA]  }
0x30: {  	s3 =	sld [smem:$0x3FAD]  }
0x31: {  	[smem:$0x3FB6] =	sst s10  }
0x32: {  	s10 =	sld [smem:$0x3FB4];
	_ =	sdelay $0x3  }
0x33: {  	p0 =	seq.s32 s10, $0x1;
	s10 =	sld [smem:$0x3FB6];
	_ =	sdelay $0x3  }
0x34: {  	[smem:$0x3FB6] =	sst s10  }
0x35: {  	s10 =	sld [smem:$0x3FB5];
	_ =	sdelay $0x3  }
0x36: {  	p1 =	seq.s32 s10, $0x1;
	s10 =	sld [smem:$0x3FB6];
	_ =	sdelay $0x3  }
0x37: {  	[smem:$0x3FB6] =	sst s10  }
0x38: {  	s10 =	sld [smem:$0x3FB7]  }
0x39: {  	_ = 	snop;
	(pc) =	sbr.ind lr, $3  }
0x3a: {  	_ = 	snop  }
0x3b: {  	_ = 	snop  }
0x3c: {  	p2 =	seq.s32 s10, $0x1;
	s10 =	sld [smem:$0x3FB6]  }
0x3d: {  	_ =	shalt  }
0x3e: {  	_ =	shalt  }
0x3f: {  	_ =	shalt  }
0x40: {  	_ =	shalt  }
0x41: {  	_ =	shalt  }
0x42: {  	_ =	shalt  }
0x43: {  	_ =	shalt  }
0x44: {  	_ =	shalt  }
0x45: {  	_ =	shalt  }
0x46: {  	_ =	shalt  }
0x47: {  	_ =	shalt  }
0x48: {  	_ =	shalt  }
0x49: {  	_ =	shalt  }
0x4a: {  	_ =	shalt  }
0x4b: {  	_ =	shalt  }
0x4c: {  	_ =	shalt  }
0x4d: {  	_ =	shalt  }
0x4e: {  	_ =	shalt  }
0x4f: {  	_ =	shalt  }
0x50: {  	_ =	shalt  }
0x51: {  	_ =	shalt  }
0x52: {  	_ =	shalt  }
0x53: {  	_ =	shalt  }
0x54: {  	_ =	shalt  }
0x55: {  	_ =	shalt  }
0x56: {  	_ =	shalt  }
0x57: {  	_ =	shalt  }
0x58: {  	_ =	shalt  }
0x59: {  	_ =	shalt  }
0x5a: {  	_ =	shalt  }
0x5b: {  	_ =	shalt  }
0x5c: {  	_ =	shalt  }
0x5d: {  	_ =	shalt  }
0x5e: {  	_ =	shalt  }
0x5f: {  	_ =	shalt  }
0x60: {  	_ =	shalt  }
0x61: {  	_ =	shalt  }
0x62: {  	_ =	shalt  }
0x63: {  	_ =	shalt  }
0x64: {  	_ =	shalt  }
0x65: {  	_ =	shalt  }
0x66: {  	_ =	shalt  }
0x67: {  	_ =	shalt  }
0x68: {  	_ =	shalt  }
0x69: {  	_ =	shalt  }
0x6a: {  	_ =	shalt  }
0x6b: {  	_ =	shalt  }
0x6c: {  	_ =	shalt  }
0x6d: {  	_ =	shalt  }
0x6e: {  	_ =	shalt  }
0x6f: {  	_ =	shalt  }
0x70: {  	_ =	shalt  }
0x71: {  	_ =	shalt  }
0x72: {  	_ =	shalt  }
0x73: {  	_ =	shalt  }
0x74: {  	_ =	shalt  }
0x75: {  	_ =	shalt  }
0x76: {  	_ =	shalt  }
0x77: {  	_ =	shalt  }
0x78: {  	_ =	shalt  }
0x79: {  	_ =	shalt  }
0x7a: {  	_ =	shalt  }
0x7b: {  	_ =	shalt  }
0x7c: {  	_ =	shalt  }
0x7d: {  	_ =	shalt  }
0x7e: {  	_ =	shalt  }
0x7f: {  	_ =	shalt  }
0x80: {  	_ =	shalt  }
0x81: {  	_ =	shalt  }
0x82: {  	_ =	shalt  }
0x83: {  	_ =	shalt  }
0x84: {  	_ =	shalt  }
0x85: {  	_ =	shalt  }
0x86: {  	_ =	shalt  }
0x87: {  	_ =	shalt  }
.Lfunc_end0:
.L_simem_size_0:
called_computation_lowered:
.L_overlay_start_0:
0x88: {  	s2 =	sld [smem:$0x3FD9]  }
0x89: {  	s3 =	sld [smem:$0x3FFE];
	_ =	sdelay $0x1  }
0x8a: {  	s1 =	srdreg.scid  }
0x8b: {  	s0 =	sand.u32 $0x1, s1  }
0x8c: {  	s17 =	sshll.u32 s0, $0xA;
	s2 =	sadd.s32 s3, s2  }
0x8d: {  	s2 =	sadd.s32 s2, s17  }
0x8e: {  	[smem:$0x3FC2] =	sst s2  }
0x8f: {  	_ = 	snop  }
0x90: {  	s2 =	sld [smem:$0x3FD0];
	(tm) =	ssettm $0x1  }
0x91: {  	s18 =	sld [smem:$0x3FFB];
	_ =	sdelay $0x3  }
0x92: {  	_ =	strace s18  }
0x93: {  	s3 =	sld [smem:$0x3FFC];
	_ =	sdelay $0x3  }
0x94: {  	_ =	strace s3  }
0x95: {  	s3 =	sld [smem:$0x3FFD];
	_ =	sdelay $0x3  }
0x96: {  	_ =	strace s3  }
0x97: {  	_ =	strace $0x8FFFFFFF  }
0x98: {  	s19 =	sld [smem:$0x3FDB];
	_ =	sdelay $0x1  }
0x99: {  	s4 =	simm.s32 $_scs_section_size  }
0x9a: {  	s5 =	simm.s32 $_size__tile_overlayer_lowered;
	s6 =	simm.s32 $_tile_overlayer_lowered  }
0x9b: {  	s22 =	simm.s32 $0x1BFF;
	s21 =	sshll.u32 s6, $0x1;
	s3 =	sadd.s32 s4, s19  }
0x9c: {  	s7 =	simm.s32 $0x0;
	s20 =	sshll.u32 s5, $0x1;
	s5 =	sadd.s32 s21, s3  }
0x9d: {  	[timem:s7], [sflag:s22] =	dma.local [hbm:s5], s20  }
0x9e: {  	_ =	swait.ge [sflag:s22], s20  }
0x9f: {  	s4 =	ssub.s32 $0x0, s20;
	[sflag:s22] =	ssyncset.done $0x0  }
0xa0: {  	[sflag:s22] =	ssyncadd.s32 s4;
	_ =	sdelay $0x1  }
0xa1: {  	s23 =	simm.s32 $0x1B8B  }
0xa2: {  	_ =	swait.ge [sflag:s23], $0x1  }
0xa3: {  	[sflag:s23] =	ssyncset.done $0x0  }
0xa4: {  	s25 =	simm.s32 $0x1B8E;
	s24 =	sld [smem:$0x3FFE];
	[sflag:s23] =	ssyncadd.s32 $0xFFFFFFFF  }
0xa5: {  	s26 =	simm.s32 $execute0_lowered;
	[smem:$0x3FD2] =	sst s25  }
0xa6: {  	s5 =	sshll.u32 s26, $0x1;
	_ =	strace $0x80000046;
	[dreg:$0x1] =	wrdreg $0xFFFFFFFF  }
0xa7: {  	s28 =	simm.s32 $_size_execute0_lowered;
	s3 =	sadd.s32 s3, s5;
	[dreg:$0x0] =	wrdreg $0x0  }
0xa8: {  	s5 =	sshll.u32 s28, $0x1;
	[dreg:$0x2] =	wrdreg s3  }
0xa9: {  	[dreg:$0x3] =	wrdreg s5  }
0xaa: {  	[dreg:$0x4] =	wrdreg $0xC0  }
0xab: {  	_ =	task [dreg:s7], $0x5FFFF  }
0xac: {  	[dreg:$0x1] =	wrdreg $0xFFFFFFFF  }
0xad: {  	[dreg:$0x0] =	wrdreg $0x60  }
0xae: {  	[dreg:$0x2] =	wrdreg s24  }
0xaf: {  	[dreg:$0x3] =	wrdreg s2  }
0xb0: {  	[dreg:$0x4] =	wrdreg $0x50F00  }
0xb1: {  	[dreg:$0x5] =	wrdreg $0x53700  }
0xb2: {  	[dreg:$0x6] =	wrdreg $0x9  }
0xb3: {  	_ =	task.clear_ibuf [dreg:s7], $0x7FFFF;
	_ =	strace $0x90000046  }
0xb4: {  	s29 =	simm.s32 $0x9;
	_ =	strace $0x80000048  }
0xb5: {  	_ =	swait.ge [sflag:s29], $0x1  }
0xb6: {  	[sflag:s29] =	ssyncadd.s32 $0xFFFFFFFF  }
0xb7: {  	_ =	strace $0x90000048  }
0xb8: {  	_ =	sfence  }
0xb9: {  	s30 =	sld [smem:$0x0];
	_ =	sdelay $0x2  }
0xba: {  	s31 =	sshll.u32 s1, $0xD;
	s1 =	sshrl.u32 s1, $0x2  }
0xbb: {  	s3 =	sand.u32 $0x4000, s31;
	s1 =	sadd.s32 s1, s30  }
0xbc: {  	s0 =	sor.u32 s3, s0;
	s1 =	sshll.u32 s1, $0x11  }
0xbd: {  	s0 =	sor.u32 s1, s0  }
0xbe: {  	s0 =	sadd.s32 $0x8F2B, s0  }
0xbf: {  	[sflag:s0] =	ssyncadd.remote.s32 $0x1  }
0xc0: {  	_ =	sfence.sel $0xFFFF  }
0xc1: {  	[dreg:$0x0] =	wrdreg $0xFFFFFFFF;
	(pc) =	sbr.abs _section_cstart, $3  }
0xc2: {  	[dreg:$0x1] =	wrdreg $0xFFFFFFFF  }
0xc3: {  	_ =	task.clear_ibuf [dreg:s7], $0x2FFFF;
	_ =	strace $0x9FFFFFFF  }
0xc4: {  	(tm) =	ssettm $0x7FFFFFFF  }
0xc5: {  	_ =	shalt  }
tec
execute0_lowered:
.L_overlay_start_1:
0x0: {  	(tag) =	ssettag $0x1  }
0x1: {  	s5 =	rddreg [dreg:$0x0]  }
0x2: {  	s7 =	rddreg [dreg:$0x1]  }
0x3: {  	s2 =	rddreg [dreg:$0x2]  }
0x4: {  	s3 =	rddreg [dreg:$0x3]  }
0x5: {  	s0 =	rddreg [dreg:$0x4]  }
0x6: {  	s4 =	srdreg.scid;
	s1 =	stileid.u32  }
0x7: {  	s12 =	simm.s32 $0x2710;
	s13 =	simm.s32 $0x4E70;
	s14 =	simm.s32 $0x2  }
0x8: {  	s15 =	simm.s32 $0x1;
	s16 =	simm.s32 $0x50;
	s17 =	simm.s32 $0x4E20  }
0x9: {  	s21 =	simm.s32 $0x0;
	s6 =	sand.u32 $0x1, s4;
	s8 =	sshll.u32 s1, $0x1  }
0xa: {  	s9 =	smul.u32 $0x280, s1;
	s4 =	simm.s32 $0x0;
	s18 =	sshll.u32 s1, $0x6  }
0xb: {  	s8 =	sor.u32 s6, s8;
	s10 =	smul.u32 $0x5000, s6;
	[smem:$0x7FF] =	sst s4  }
0xc: {  	s6 =	ssub.s32 $0x2, s6;
	s18 =	sor.u32 $0x1C02, s18;
	s8 =	smul.u32 $0x4E2, s8  }
0xd: {  	_ =	strace $0x80000047;
	s11 =	sshrl.u32 s6, $0x1;
	s10 =	sadd.s32 s9, s10  }
0xe: {  	s11 =	ssub.s32 s6, s11;
	s8 =	sadd.s32 s8, s5;
	s10 =	sshrl.u32 s10, $0x3  }
0xf: {  	s11 =	smax.u32 s11, $0x1;
	s5 =	sadd.s32 $0xB600, s8;
	s6 =	sadd.s32 $0x1800, s8  }
0x10: {  	s7 =	sadd.s32 s7, s10;
	s8 =	sadd.s32 s9, s2;
	s9 =	sadd.s32 s9, s3  }
0x11: {  	v0 =	vimm.f32 $1.000000000e+00;
	v1 =	vimm.f32 $0.0e+00;
	s10 =	sadd.s32 $0x500, s7;
	s19 =	sshrl.u32 s8, $0x3;
	s20 =	sshrl.u32 s9, $0x3  }
.LBB2_1:
0x12: {  	[tilespmem:s4], [sflag:$0x1] =	stream.linear.gather [hbm4b:s5+s4], $0x2710, $0x38;
	[tilespmem:$0x55F0] =	vst v63  }
0x13: {  	_ = 	snop  }
0x14: {  	[tilespmem:s12], [sflag:$0x1] =	stream.linear.gather [hbm4b:s6+s4], $0x2710, $0x38;
	[tilespmem:$0x55F0] =	vst v63  }
0x15: {  	[tilespmem:$0x4E20] =	vst v0  }
0x16: {  	[tilespmem:$0x4E30] =	vst v0  }
0x17: {  	[tilespmem:$0x4E40] =	vst v0  }
0x18: {  	[tilespmem:$0x4E50] =	vst v0  }
0x19: {  	[tilespmem:$0x4E60] =	vst v0  }
0x1a: {  	[tilespmem:$0x4E70] =	vst v1  }
0x1b: {  	[tilespmem:$0x4E80] =	vst v1  }
0x1c: {  	[tilespmem:$0x4E90] =	vst v1  }
0x1d: {  	[tilespmem:$0x4EA0] =	vst v1  }
0x1e: {  	[tilespmem:$0x4EB0] =	vst v1  }
0x1f: {  	[tilespmem:$0x4EC0] =	vst v1  }
0x20: {  	[tilespmem:$0x4ED0] =	vst v1  }
0x21: {  	[tilespmem:$0x4EE0] =	vst v1  }
0x22: {  	[tilespmem:$0x4EF0] =	vst v1  }
0x23: {  	[tilespmem:$0x4F00] =	vst v1  }
0x24: {  	[tilespmem:$0x4F10] =	vst v1  }
0x25: {  	[tilespmem:$0x4F20] =	vst v1  }
0x26: {  	[tilespmem:$0x4F30] =	vst v1  }
0x27: {  	[tilespmem:$0x4F40] =	vst v1  }
0x28: {  	[tilespmem:$0x4F50] =	vst v1  }
0x29: {  	[tilespmem:$0x4F60] =	vst v1  }
0x2a: {  	[tilespmem:$0x4F70] =	vst v1  }
0x2b: {  	[tilespmem:$0x4F80] =	vst v1  }
0x2c: {  	[tilespmem:$0x4F90] =	vst v1  }
0x2d: {  	[tilespmem:$0x4FA0] =	vst v1  }
0x2e: {  	[tilespmem:$0x4FB0] =	vst v1  }
0x2f: {  	[tilespmem:$0x4FC0] =	vst v1  }
0x30: {  	[tilespmem:$0x4FD0] =	vst v1  }
0x31: {  	[tilespmem:$0x4FE0] =	vst v1  }
0x32: {  	[tilespmem:$0x4FF0] =	vst v1  }
0x33: {  	[tilespmem:$0x5000] =	vst v1  }
0x34: {  	[tilespmem:$0x5010] =	vst v1  }
0x35: {  	[tilespmem:$0x5020] =	vst v1  }
0x36: {  	[tilespmem:$0x5030] =	vst v1  }
0x37: {  	[tilespmem:$0x5040] =	vst v1  }
0x38: {  	[tilespmem:$0x5050] =	vst v1  }
0x39: {  	[tilespmem:$0x5060] =	vst v1  }
0x3a: {  	[tilespmem:$0x5070] =	vst v1  }
0x3b: {  	[tilespmem:$0x5080] =	vst v1  }
0x3c: {  	[tilespmem:$0x5090] =	vst v1  }
0x3d: {  	[tilespmem:$0x50A0] =	vst v1  }
0x3e: {  	[tilespmem:$0x50B0] =	vst v1  }
0x3f: {  	[tilespmem:$0x50C0] =	vst v1  }
0x40: {  	[tilespmem:$0x50D0] =	vst v1  }
0x41: {  	[tilespmem:$0x50E0] =	vst v1  }
0x42: {  	[spmem:s8] =	stream.linear.scatter [tilespmem:s13], [sflag:$0x2], $0x280, $0x38;
	[tilespmem:$0x55F0] =	vst v63  }
0x43: {  	_ =	swait.ge [sflag:s14], $0x280  }
0x44: {  	[sflag:s14] =	ssyncset.done $0x0  }
0x45: {  	[sflag:s14] =	ssyncadd.s32 $0xFFFFFD80  }
0x46: {  	[spmem:s9] =	stream.linear.scatter [tilespmem:s13], [sflag:$0x2], $0x280, $0x38;
	[tilespmem:$0x55F0] =	vst v63  }
0x47: {  	_ =	swait.ge [sflag:s14], $0x280  }
0x48: {  	[sflag:s14] =	ssyncset.done $0x0  }
0x49: {  	[sflag:s14] =	ssyncadd.s32 $0xFFFFFD80  }
0x4a: {  	_ =	swait.ge [sflag:s15], $0x2710  }
0x4b: {  	[sflag:s15] =	ssyncset.done $0x0  }
0x4c: {  	[sflag:s15] =	ssyncadd.s32 $0xFFFFD8F0  }
0x4d: {  	_ =	swait.ge [sflag:s15], $0x2710  }
0x4e: {  	[sflag:s15] =	ssyncset.done $0x0  }
0x4f: {  	[sflag:s15] =	ssyncadd.s32 $0xFFFFD8F0  }
0x50: {  	s22 =	simm.s32 $0x0;
	[bflag:$0x0] =	sbarrier.arrive $0xFFFF  }
0x51: {  	[spmem:s2] =	stream.indirect.scatter.add.f32 [tilespmem:s17], [sflag:$0x1], $0x1, s22, s16, $0xb8;
	[tilespmem:$0x55F0] =	vst v63  }
0x52: {  	s31 =	simm.s32 $0x2710  }
0x53: {  	[spmem:s3] =	stream.indirect.scatter.add.f32 [tilespmem:s17], [sflag:$0x1], $0x1, s31, s16, $0xb8;
	[tilespmem:$0x55F0] =	vst v63  }
0x54: {  	s23 =	simm.s32 $0x50  }
0x55: {  	[spmem:s2] =	stream.indirect.scatter.add.f32 [tilespmem:s17], [sflag:$0x1], $0x1, s23, s16, $0xb8;
	[tilespmem:$0x55F0] =	vst v63  }
0x56: {  	s24 =	simm.s32 $0x2760  }
0x57: {  	[spmem:s3] =	stream.indirect.scatter.add.f32 [tilespmem:s17], [sflag:$0x1], $0x1, s24, s16, $0xb8;
	[tilespmem:$0x55F0] =	vst v63  }
0x58: {  	s25 =	simm.s32 $0xA0  }
0x59: {  	[spmem:s2] =	stream.indirect.scatter.add.f32 [tilespmem:s17], [sflag:$0x1], $0x1, s25, s16, $0xb8;
	[tilespmem:$0x55F0] =	vst v63  }
0x5a: {  	s26 =	simm.s32 $0x27B0  }
0x5b: {  	[spmem:s3] =	stream.indirect.scatter.add.f32 [tilespmem:s17], [sflag:$0x1], $0x1, s26, s16, $0xb8;
	[tilespmem:$0x55F0] =	vst v63  }
0x5c: {  	s28 =	simm.s32 $0xF0  }
0x5d: {  	[spmem:s2] =	stream.indirect.scatter.add.f32 [tilespmem:s17], [sflag:$0x1], $0x1, s28, s16, $0xb8;
	[tilespmem:$0x55F0] =	vst v63  }
0x5e: {  	s29 =	simm.s32 $0x2800  }
0x5f: {  	[spmem:s3] =	stream.indirect.scatter.add.f32 [tilespmem:s17], [sflag:$0x1], $0x1, s29, s16, $0xb8;
	[tilespmem:$0x55F0] =	vst v63  }
0x60: {  	s30 =	simm.s32 $0x140  }
0x61: {  	[spmem:s2] =	stream.indirect.scatter.add.f32 [tilespmem:s17], [sflag:$0x1], $0x1, s30, s16, $0xb8;
	[tilespmem:$0x55F0] =	vst v63  }
0x62: {  	s31 =	simm.s32 $0x2850  }
0x63: {  	[spmem:s3] =	stream.indirect.scatter.add.f32 [tilespmem:s17], [sflag:$0x1], $0x1, s31, s16, $0xb8;
	[tilespmem:$0x55F0] =	vst v63  }
0x64: {  	_ =	swait.ge [sflag:s15], $0x50  }
0x65: {  	[sflag:s15] =	ssyncset.done $0x0  }
0x66: {  	[sflag:s15] =	ssyncadd.s32 $0xFFFFFFB0  }
0x67: {  	_ =	swait.ge [sflag:s15], $0x50  }
0x68: {  	[sflag:s15] =	ssyncset.done $0x0  }
0x69: {  	[sflag:s15] =	ssyncadd.s32 $0xFFFFFFB0  }
0x6a: {  	_ =	swait.ge [sflag:s15], $0x50  }
0x6b: {  	[sflag:s15] =	ssyncset.done $0x0  }
0x6c: {  	[sflag:s15] =	ssyncadd.s32 $0xFFFFFFB0  }
0x6d: {  	_ =	swait.ge [sflag:s15], $0x50  }
0x6e: {  	[sflag:s15] =	ssyncset.done $0x0  }
0x6f: {  	[sflag:s15] =	ssyncadd.s32 $0xFFFFFFB0  }
0x70: {  	_ =	swait.ge [sflag:s15], $0x50  }
0x71: {  	[sflag:s15] =	ssyncset.done $0x0  }
0x72: {  	[sflag:s15] =	ssyncadd.s32 $0xFFFFFFB0  }
0x73: {  	_ =	swait.ge [sflag:s15], $0x50  }
0x74: {  	[sflag:s15] =	ssyncset.done $0x0  }
0x75: {  	[sflag:s15] =	ssyncadd.s32 $0xFFFFFFB0  }
0x76: {  	_ =	swait.ge [sflag:s15], $0x50  }
0x77: {  	[sflag:s15] =	ssyncset.done $0x0  }
0x78: {  	[sflag:s15] =	ssyncadd.s32 $0xFFFFFFB0  }
0x79: {  	_ =	swait.ge [sflag:s15], $0x50  }
0x7a: {  	[sflag:s15] =	ssyncset.done $0x0  }
0x7b: {  	[sflag:s15] =	ssyncadd.s32 $0xFFFFFFB0  }
0x7c: {  	_ =	swait.ge [sflag:s15], $0x50  }
0x7d: {  	[sflag:s15] =	ssyncset.done $0x0  }
0x7e: {  	[sflag:s15] =	ssyncadd.s32 $0xFFFFFFB0  }
0x7f: {  	_ =	swait.ge [sflag:s15], $0x50  }
0x80: {  	s22 =	simm.s32 $0x640;
	s24 =	simm.s32 $0xC80;
	[sflag:s15] =	ssyncset.done $0x0  }
.LBB2_2:
0x81: {  	s25 =	sshra.s32 s22, $0x2  }
0x82: {  	[sflag:s15] =	ssyncadd.s32 $0xFFFFFFB0;
	s22 =	smov.u32 s24;
	s23 =	sadd.s32 $0x640, s24  }
0x83: {  	[spmem:s2] =	stream.indirect.scatter.add.f32 [tilespmem:s17], [sflag:$0x1], $0x1, s25, s16, $0xb8;
	[tilespmem:$0x55F0] =	vst v63  }
0x84: {  	p0 =	sne.s32 s24, $0x9600;
	s24 =	sadd.s32 $0x2710, s25  }
0x85: {  	[spmem:s3] =	stream.indirect.scatter.add.f32 [tilespmem:s17], [sflag:$0x1], $0x1, s24, s16, $0xb8;
	[tilespmem:$0x55F0] =	vst v63  }
0x86: {  	s24 =	sadd.s32 $0x50, s25  }
0x87: {  	[spmem:s2] =	stream.indirect.scatter.add.f32 [tilespmem:s17], [sflag:$0x1], $0x1, s24, s16, $0xb8;
	[tilespmem:$0x55F0] =	vst v63  }
0x88: {  	s24 =	sadd.s32 $0x2760, s25  }
0x89: {  	[spmem:s3] =	stream.indirect.scatter.add.f32 [tilespmem:s17], [sflag:$0x1], $0x1, s24, s16, $0xb8;
	[tilespmem:$0x55F0] =	vst v63  }
0x8a: {  	s24 =	sadd.s32 $0xA0, s25  }
0x8b: {  	[spmem:s2] =	stream.indirect.scatter.add.f32 [tilespmem:s17], [sflag:$0x1], $0x1, s24, s16, $0xb8;
	[tilespmem:$0x55F0] =	vst v63  }
0x8c: {  	s24 =	sadd.s32 $0x27B0, s25  }
0x8d: {  	[spmem:s3] =	stream.indirect.scatter.add.f32 [tilespmem:s17], [sflag:$0x1], $0x1, s24, s16, $0xb8;
	[tilespmem:$0x55F0] =	vst v63  }
0x8e: {  	s24 =	sadd.s32 $0xF0, s25  }
0x8f: {  	[spmem:s2] =	stream.indirect.scatter.add.f32 [tilespmem:s17], [sflag:$0x1], $0x1, s24, s16, $0xb8;
	[tilespmem:$0x55F0] =	vst v63  }
0x90: {  	s24 =	sadd.s32 $0x2800, s25  }
0x91: {  	[spmem:s3] =	stream.indirect.scatter.add.f32 [tilespmem:s17], [sflag:$0x1], $0x1, s24, s16, $0xb8;
	[tilespmem:$0x55F0] =	vst v63  }
0x92: {  	s24 =	sadd.s32 $0x140, s25  }
0x93: {  	[spmem:s2] =	stream.indirect.scatter.add.f32 [tilespmem:s17], [sflag:$0x1], $0x1, s24, s16, $0xb8;
	[tilespmem:$0x55F0] =	vst v63  }
0x94: {  	s24 =	sadd.s32 $0x2850, s25  }
0x95: {  	[spmem:s3] =	stream.indirect.scatter.add.f32 [tilespmem:s17], [sflag:$0x1], $0x1, s24, s16, $0xb8;
	[tilespmem:$0x55F0] =	vst v63  }
0x96: {  	_ =	swait.ge [sflag:s15], $0x50  }
0x97: {  	[sflag:s15] =	ssyncset.done $0x0  }
0x98: {  	[sflag:s15] =	ssyncadd.s32 $0xFFFFFFB0  }
0x99: {  	_ =	swait.ge [sflag:s15], $0x50  }
0x9a: {  	[sflag:s15] =	ssyncset.done $0x0  }
0x9b: {  	[sflag:s15] =	ssyncadd.s32 $0xFFFFFFB0  }
0x9c: {  	_ =	swait.ge [sflag:s15], $0x50  }
0x9d: {  	[sflag:s15] =	ssyncset.done $0x0  }
0x9e: {  	[sflag:s15] =	ssyncadd.s32 $0xFFFFFFB0  }
0x9f: {  	_ =	swait.ge [sflag:s15], $0x50  }
0xa0: {  	[sflag:s15] =	ssyncset.done $0x0  }
0xa1: {  	[sflag:s15] =	ssyncadd.s32 $0xFFFFFFB0  }
0xa2: {  	_ =	swait.ge [sflag:s15], $0x50  }
0xa3: {  	[sflag:s15] =	ssyncset.done $0x0  }
0xa4: {  	[sflag:s15] =	ssyncadd.s32 $0xFFFFFFB0  }
0xa5: {  	_ =	swait.ge [sflag:s15], $0x50  }
0xa6: {  	[sflag:s15] =	ssyncset.done $0x0  }
0xa7: {  	[sflag:s15] =	ssyncadd.s32 $0xFFFFFFB0  }
0xa8: {  	_ =	swait.ge [sflag:s15], $0x50  }
0xa9: {  	[sflag:s15] =	ssyncset.done $0x0  }
0xaa: {  	[sflag:s15] =	ssyncadd.s32 $0xFFFFFFB0  }
0xab: {  	_ =	swait.ge [sflag:s15], $0x50  }
0xac: {  	[sflag:s15] =	ssyncset.done $0x0  }
0xad: {  	[sflag:s15] =	ssyncadd.s32 $0xFFFFFFB0  }
.Ltmp0:
0xae: {  	_ =	swait.ge [sflag:s15], $0x50;
	(pc) =	sbr.rel @p0 .LBB2_2-.Ltmp0, $4  }
0xaf: {  	[sflag:s15] =	ssyncset.done $0x0  }
0xb0: {  	[sflag:s15] =	ssyncadd.s32 $0xFFFFFFB0  }
0xb1: {  	_ =	swait.ge [sflag:s15], $0x50  }
0xb2: {  	s24 =	smov.u32 s23;
	[sflag:s15] =	ssyncset.done $0x0  }
0xb3: {  	s22 =	sshra.s32 s22, $0x2;
	[sflag:s15] =	ssyncadd.s32 $0xFFFFFFB0  }
0xb4: {  	[spmem:s2] =	stream.indirect.scatter.add.f32 [tilespmem:s17], [sflag:$0x1], $0x1, s22, s16, $0xb8;
	[tilespmem:$0x55F0] =	vst v63  }
0xb5: {  	s23 =	sadd.s32 $0x2710, s22  }
0xb6: {  	[spmem:s3] =	stream.indirect.scatter.add.f32 [tilespmem:s17], [sflag:$0x1], $0x1, s23, s16, $0xb8;
	[tilespmem:$0x55F0] =	vst v63  }
0xb7: {  	s24 =	sadd.s32 $0x50, s22  }
0xb8: {  	[spmem:s2] =	stream.indirect.scatter.add.f32 [tilespmem:s17], [sflag:$0x1], $0x1, s24, s16, $0xb8;
	[tilespmem:$0x55F0] =	vst v63  }
0xb9: {  	s25 =	sadd.s32 $0x2760, s22  }
0xba: {  	[spmem:s3] =	stream.indirect.scatter.add.f32 [tilespmem:s17], [sflag:$0x1], $0x1, s25, s16, $0xb8;
	[tilespmem:$0x55F0] =	vst v63  }
0xbb: {  	s26 =	sadd.s32 $0xA0, s22  }
0xbc: {  	[spmem:s2] =	stream.indirect.scatter.add.f32 [tilespmem:s17], [sflag:$0x1], $0x1, s26, s16, $0xb8;
	[tilespmem:$0x55F0] =	vst v63  }
0xbd: {  	s28 =	sadd.s32 $0x27B0, s22  }
0xbe: {  	[spmem:s3] =	stream.indirect.scatter.add.f32 [tilespmem:s17], [sflag:$0x1], $0x1, s28, s16, $0xb8;
	[tilespmem:$0x55F0] =	vst v63  }
0xbf: {  	s29 =	sadd.s32 $0xF0, s22  }
0xc0: {  	[spmem:s2] =	stream.indirect.scatter.add.f32 [tilespmem:s17], [sflag:$0x1], $0x1, s29, s16, $0xb8;
	[tilespmem:$0x55F0] =	vst v63  }
0xc1: {  	s30 =	sadd.s32 $0x2800, s22  }
0xc2: {  	[spmem:s3] =	stream.indirect.scatter.add.f32 [tilespmem:s17], [sflag:$0x1], $0x1, s30, s16, $0xb8;
	[tilespmem:$0x55F0] =	vst v63  }
0xc3: {  	s31 =	sadd.s32 $0x140, s22  }
0xc4: {  	[spmem:s2] =	stream.indirect.scatter.add.f32 [tilespmem:s17], [sflag:$0x1], $0x1, s31, s16, $0xb8;
	[tilespmem:$0x55F0] =	vst v63  }
0xc5: {  	s22 =	sadd.s32 $0x2850, s22  }
0xc6: {  	[spmem:s3] =	stream.indirect.scatter.add.f32 [tilespmem:s17], [sflag:$0x1], $0x1, s22, s16, $0xb8;
	[tilespmem:$0x55F0] =	vst v63  }
0xc7: {  	_ =	swait.ge [sflag:s15], $0x50  }
0xc8: {  	[sflag:s15] =	ssyncset.done $0x0  }
0xc9: {  	[sflag:s15] =	ssyncadd.s32 $0xFFFFFFB0  }
0xca: {  	_ =	swait.ge [sflag:s15], $0x50  }
0xcb: {  	[sflag:s15] =	ssyncset.done $0x0  }
0xcc: {  	[sflag:s15] =	ssyncadd.s32 $0xFFFFFFB0  }
0xcd: {  	_ =	swait.ge [sflag:s15], $0x50  }
0xce: {  	[sflag:s15] =	ssyncset.done $0x0  }
0xcf: {  	[sflag:s15] =	ssyncadd.s32 $0xFFFFFFB0  }
0xd0: {  	_ =	swait.ge [sflag:s15], $0x50  }
0xd1: {  	[sflag:s15] =	ssyncset.done $0x0  }
0xd2: {  	[sflag:s15] =	ssyncadd.s32 $0xFFFFFFB0  }
0xd3: {  	_ =	swait.ge [sflag:s15], $0x50  }
0xd4: {  	[sflag:s15] =	ssyncset.done $0x0  }
0xd5: {  	[sflag:s15] =	ssyncadd.s32 $0xFFFFFFB0  }
0xd6: {  	_ =	swait.ge [sflag:s15], $0x50  }
0xd7: {  	[sflag:s15] =	ssyncset.done $0x0  }
0xd8: {  	[sflag:s15] =	ssyncadd.s32 $0xFFFFFFB0  }
0xd9: {  	_ =	swait.ge [sflag:s15], $0x50  }
0xda: {  	[sflag:s15] =	ssyncset.done $0x0  }
0xdb: {  	[sflag:s15] =	ssyncadd.s32 $0xFFFFFFB0  }
0xdc: {  	_ =	swait.ge [sflag:s15], $0x50  }
0xdd: {  	[sflag:s15] =	ssyncset.done $0x0  }
0xde: {  	[sflag:s15] =	ssyncadd.s32 $0xFFFFFFB0  }
0xdf: {  	_ =	swait.ge [sflag:s15], $0x50  }
0xe0: {  	[sflag:s15] =	ssyncset.done $0x0  }
0xe1: {  	[sflag:s15] =	ssyncadd.s32 $0xFFFFFFB0  }
0xe2: {  	_ =	swait.ge [sflag:s15], $0x50  }
0xe3: {  	[sflag:s15] =	ssyncset.done $0x0  }
0xe4: {  	[sflag:s15] =	ssyncadd.s32 $0xFFFFFFB0  }
0xe5: {  	[bflag:$0x0] =	sbarrier.arrive $0xFFFF  }
0xe6: {  	[hbm:s7], [sflag:s18] =	dma.local [spmem:s19], $0x50  }
0xe7: {  	s21 =	sadd.s32 $0x1, s21;
	_ =	swait.ge [sflag:s14], $0x50  }
0xe8: {  	p0 =	sne.s32 s21, s11;
	[sflag:s14] =	ssyncset.done $0x0  }
.Ltmp1:
0xe9: {  	[sflag:s14] =	ssyncadd.s32 $0xFFFFFFB0;
	(pc) =	sbr.rel @p0 .LBB2_1-.Ltmp1, $4  }
0xea: {  	[hbm:s10], [sflag:s18] =	dma.local [spmem:s20], $0x50  }
0xeb: {  	_ =	swait.ge [sflag:s14], $0x50  }
0xec: {  	[sflag:s14] =	ssyncset.done $0x0  }
0xed: {  	[sflag:s14] =	ssyncadd.s32 $0xFFFFFFB0  }
0xee: {  	_ =	sfence.sel $0x180000  }
0xef: {  	[bflag:$0x0] =	sbarrier.arrive $0xFFFF  }
0xf0: {  	p0 =	sne.s32 s1, $0x0;
	_ =	strace $0x90000047  }
0xf1: {  	s0 =	sadd.s32 @!p0 $0x100000, s0;
	[bflag:$0x2] =	sbarrier.arrive $0xFFFF  }
0xf2: {  	[sflag:s0] =	ssyncadd.tile.s32 @!p0 $0x1;
	_ =	shalt  }
.Lfunc_end2:
_tile_overlayer_lowered:
.L_overlay_start_2:
0xf3: {  	(tag) =	ssettag $0x2  }
0xf4: {  	s0 =	rddreg [dreg:$0x0];
	s2 =	stileid.u32  }
0xf5: {  	s1 =	rddreg [dreg:$0x1];
	p0 =	sne.s32 s2, $0x0  }
0xf6: {  	s3 =	rddreg [dreg:$0x2];
	[bflag:$0x3] =	sbarrier.arrive $0xFFFF;
	s2 =	simm.s32 @!p0 $0x1C02  }
0xf7: {  	[timem:s3], [sflag:s2] =	dma.local @!p0 [hbm:s0], s1  }
0xf8: {  	s0 =	simm.s32 @!p0 $0x2  }
0xf9: {  	_ =	swait.ge @!p0 [sflag:s0], s1  }
0xfa: {  	s1 =	ssub.s32 @!p0 $0x0, s1;
	[sflag:s0] =	ssyncset.done @!p0 $0x0  }
0xfb: {  	[sflag:s0] =	ssyncadd.s32 @!p0 s1  }
0xfc: {  	[bflag:$0x3] =	sbarrier.arrive $0xFFFF  }
0xfd: {  	_ =	shalt  }

</sc_bundles>
